<compile_context>
chip_gen: v7x
topology: tpu7x:2x2x1
jax: 0.10.2.dev20260603
libtpu: 0.0.44.dev20260713+nightly
codegen_flags: <defaults>
</compile_context>

<pallas_src>
import functools

import jax
import jax.numpy as jnp
from jax import lax
from jax.experimental import pallas as pl
from jax.experimental.pallas import tpu as pltpu
from jax.experimental.pallas import tpu_sc as plsc

NN = 10000
EE = 320000
DD = 128
HH = 64
BB = 64

NC, NS = 2, 16
NW = NC * NS
EPW = EE // NW

_SC_MESH = dict(core_axis_name="c", subcore_axis_name="s",
                num_cores=NC, num_subcores=NS)


def _worker_id():
    return lax.axis_index("s") * NC + lax.axis_index("c")



def _uv_body(x_ref, wd_ref, wb_ref, b_ref, u_ref, v_ref):
    xb = x_ref[...]
    u_ref[...] = jnp.dot(xb, wd_ref[...],
                         preferred_element_type=jnp.float32) + b_ref[...]
    v_ref[...] = jnp.dot(xb, wb_ref[...], preferred_element_type=jnp.float32)


def _uv_matmul(x, wd, wb, b):
    n, d = x.shape
    f = wd.shape[1]
    br = 1000
    grid = n // br
    return pl.pallas_call(
        _uv_body,
        grid=(grid,),
        in_specs=[
            pl.BlockSpec((br, d), lambda i: (i, 0)),
            pl.BlockSpec((d, f), lambda i: (0, 0)),
            pl.BlockSpec((d, f), lambda i: (0, 0)),
            pl.BlockSpec((1, f), lambda i: (0, 0)),
        ],
        out_specs=[
            pl.BlockSpec((br, f), lambda i: (i, 0)),
            pl.BlockSpec((br, f), lambda i: (i, 0)),
        ],
        out_shape=[
            jax.ShapeDtypeStruct((n, f), jnp.float32),
            jax.ShapeDtypeStruct((n, f), jnp.float32),
        ],
    )(x, wd, wb, b)


def _l2_body(a_ref, w_ref, b_ref, r_ref, sp_ref):
    rb = jnp.maximum(
        jnp.dot(a_ref[...], w_ref[...], preferred_element_type=jnp.float32)
        + b_ref[...], 0.0)
    r_ref[...] = jnp.concatenate([rb, jnp.zeros_like(rb)], axis=1)
    sp_ref[...] = jnp.stack([jnp.sum(rb, axis=0),
                             jnp.sum(rb * rb, axis=0)])[None]


def _layer2(a, w, b):
    br = 1600
    grid = EE // br
    return pl.pallas_call(
        _l2_body,
        grid=(grid,),
        in_specs=[
            pl.BlockSpec((br, DD), lambda i: (i, 0)),
            pl.BlockSpec((DD, HH), lambda i: (0, 0)),
            pl.BlockSpec((1, HH), lambda i: (0, 0)),
        ],
        out_specs=[
            pl.BlockSpec((br, 2 * HH), lambda i: (i, 0)),
            pl.BlockSpec((1, 2, HH), lambda i: (i, 0, 0)),
        ],
        out_shape=[
            jax.ShapeDtypeStruct((EE, 2 * HH), jnp.float32),
            jax.ShapeDtypeStruct((grid, 2, HH), jnp.float32),
        ],
    )(a, w, b)


def _mid_body(m_ref, s_ref, t_ref, wd_ref, wb_ref, b_ref,
              x1_ref, t2_ref):
    m = m_ref[...]
    x1 = jnp.where(m < 0.0, 0.0,
                   jnp.maximum(m * s_ref[...] + t_ref[...], 0.0))
    x1_ref[...] = x1
    u = jnp.dot(x1, wd_ref[...],
                preferred_element_type=jnp.float32) + b_ref[...]
    v = jnp.dot(x1, wb_ref[...], preferred_element_type=jnp.float32)
    t2_ref[...] = jnp.concatenate([u, v], axis=1)


def _mid(m1, s2, t2, wd, wb, b):
    br = 1000
    grid = NN // br
    return pl.pallas_call(
        _mid_body,
        grid=(grid,),
        in_specs=[
            pl.BlockSpec((br, HH), lambda i: (i, 0)),
            pl.BlockSpec((1, HH), lambda i: (0, 0)),
            pl.BlockSpec((1, HH), lambda i: (0, 0)),
            pl.BlockSpec((HH, HH), lambda i: (0, 0)),
            pl.BlockSpec((HH, HH), lambda i: (0, 0)),
            pl.BlockSpec((1, HH), lambda i: (0, 0)),
        ],
        out_specs=[
            pl.BlockSpec((br, HH), lambda i: (i, 0)),
            pl.BlockSpec((br, 2 * HH), lambda i: (i, 0)),
        ],
        out_shape=[
            jax.ShapeDtypeStruct((NN, HH), jnp.float32),
            jax.ShapeDtypeStruct((NN, 2 * HH), jnp.float32),
        ],
    )(m1, s2, t2, wd, wb, b)


def _final_body(x1_ref, m2_ref, s_ref, t_ref, bid_ref, out_ref):
    m = m2_ref[...]
    x2 = jnp.where(m < 0.0, 0.0,
                   jnp.maximum(m * s_ref[...] + t_ref[...], 0.0))
    xf = x1_ref[...] + x2
    bid = bid_ref[...]
    rows = []
    for j in range(8):
        b = (pl.program_id(0) * 8 + j).astype(jnp.float32)
        mask = bid == b
        gmax = jnp.max(jnp.where(mask, xf, -3.0e38), axis=0)
        gsum = jnp.sum(jnp.where(mask, xf, 0.0), axis=0)
        cnt = jnp.sum(mask.astype(jnp.float32))
        gmax = jnp.where(cnt > 0.0, gmax, 0.0)
        gavg = gsum / jnp.maximum(cnt, 1.0)
        rows.append(jnp.concatenate([gmax, gavg]))
    out_ref[...] = jnp.stack(rows)


def _final(x1, m2, s3, t3, bidf):
    return pl.pallas_call(
        _final_body,
        grid=(BB // 8,),
        in_specs=[
            pl.BlockSpec((NN, HH), lambda i: (0, 0)),
            pl.BlockSpec((NN, HH), lambda i: (0, 0)),
            pl.BlockSpec((1, HH), lambda i: (0, 0)),
            pl.BlockSpec((1, HH), lambda i: (0, 0)),
            pl.BlockSpec((NN, 1), lambda i: (0, 0)),
        ],
        out_specs=pl.BlockSpec((8, 2 * HH), lambda i: (i, 0)),
        out_shape=jax.ShapeDtypeStruct((BB, 2 * HH), jnp.float32),
    )(x1, m2, s3, t3, bidf)



def _make_edge_gather1():
    chunk = 80
    nch = EPW // chunk
    mesh = plsc.VectorSubcoreMesh(**_SC_MESH)

    @functools.partial(
        pl.kernel,
        out_type=[
            jax.ShapeDtypeStruct((EE, DD), jnp.float32),
            jax.ShapeDtypeStruct((NW, 2, DD), jnp.float32),
        ],
        mesh=mesh,
        scratch_types=[
            pltpu.VMEM((chunk,), jnp.int32),
            pltpu.VMEM((chunk,), jnp.int32),
            pltpu.VMEM((chunk, DD), jnp.float32),
            pltpu.VMEM((chunk, DD), jnp.float32),
            pltpu.VMEM((2, DD), jnp.float32),
            pltpu.SemaphoreType.DMA,
            pltpu.SemaphoreType.DMA,
        ],
    )
    def k(u_hbm, v_hbm, dst_hbm, src_hbm, aout_hbm, stats_hbm,
          di_v, si_v, ub, vb, stb, sem1, sem2):
        ebase = _worker_id() * EPW
        zero = jnp.zeros((16,), jnp.float32)

        def chunk_body(c, acc):
            base = ebase + c * chunk
            pltpu.sync_copy(dst_hbm.at[pl.ds(base, chunk)], di_v)
            pltpu.sync_copy(src_hbm.at[pl.ds(base, chunk)], si_v)
            cp1 = pltpu.async_copy(u_hbm.at[di_v], ub, sem1)
            cp2 = pltpu.async_copy(v_hbm.at[si_v], vb, sem2)
            cp1.wait()
            cp2.wait()

            def edge_body(i, a2):
                new = []
                for f in range(8):
                    u = ub[i, pl.ds(f * 16, 16)]
                    v = vb[i, pl.ds(f * 16, 16)]
                    a = jnp.maximum(u + v, 0.0)
                    ub[i, pl.ds(f * 16, 16)] = a
                    new.append(a2[2 * f] + a)
                    new.append(a2[2 * f + 1] + a * a)
                return tuple(new)

            acc = lax.fori_loop(0, chunk, edge_body, acc)
            pltpu.sync_copy(ub, aout_hbm.at[pl.ds(base, chunk)])
            return acc

        acc = lax.fori_loop(0, nch, chunk_body,
                            tuple(zero for _ in range(16)))
        for f in range(8):
            stb[0, pl.ds(f * 16, 16)] = acc[2 * f]
            stb[1, pl.ds(f * 16, 16)] = acc[2 * f + 1]
        pltpu.sync_copy(stb, stats_hbm.at[_worker_id()])

    return k


def _make_edge_gather2():
    chunk = 80
    nch = EPW // chunk
    mesh = plsc.VectorSubcoreMesh(**_SC_MESH)

    @functools.partial(
        pl.kernel,
        out_type=[
            jax.ShapeDtypeStruct((EE, DD), jnp.float32),
            jax.ShapeDtypeStruct((NW, 2, HH), jnp.float32),
        ],
        mesh=mesh,
        scratch_types=[
            pltpu.VMEM((chunk,), jnp.int32),
            pltpu.VMEM((chunk,), jnp.int32),
            pltpu.VMEM((chunk, DD), jnp.float32),
            pltpu.VMEM((chunk, DD), jnp.float32),
            pltpu.VMEM((chunk, DD), jnp.float32),
            pltpu.VMEM((2, HH), jnp.float32),
            pltpu.SemaphoreType.DMA,
            pltpu.SemaphoreType.DMA,
        ],
    )
    def k(t_hbm, dst_hbm, src_hbm, rout_hbm, stats_hbm,
          di_v, si_v, tb_d, tb_s, ab, stb, sem1, sem2):
        ebase = _worker_id() * EPW
        zero = jnp.zeros((16,), jnp.float32)

        def chunk_body(c, acc):
            base = ebase + c * chunk
            pltpu.sync_copy(dst_hbm.at[pl.ds(base, chunk)], di_v)
            pltpu.sync_copy(src_hbm.at[pl.ds(base, chunk)], si_v)
            cp1 = pltpu.async_copy(t_hbm.at[di_v], tb_d, sem1)
            cp2 = pltpu.async_copy(t_hbm.at[si_v], tb_s, sem2)
            cp1.wait()
            cp2.wait()

            def edge_body(i, a2):
                new = list(a2)
                for f in range(4):
                    u = tb_d[i, pl.ds(f * 16, 16)]
                    v = tb_s[i, pl.ds(64 + f * 16, 16)]
                    a = jnp.maximum(u + v, 0.0)
                    ab[i, pl.ds(f * 16, 16)] = a
                    new[2 * f] = new[2 * f] + a
                    new[2 * f + 1] = new[2 * f + 1] + a * a
                return tuple(new)

            acc = lax.fori_loop(0, chunk, edge_body, acc)
            pltpu.sync_copy(ab, rout_hbm.at[pl.ds(base, chunk)])
            return acc

        acc = lax.fori_loop(0, nch, chunk_body,
                            tuple(zero for _ in range(8)))
        for f in range(4):
            stb[0, pl.ds(f * 16, 16)] = acc[2 * f]
            stb[1, pl.ds(f * 16, 16)] = acc[2 * f + 1]
        pltpu.sync_copy(stb, stats_hbm.at[_worker_id()])

    return k


_NPART = 320
_MOUT = NW * _NPART
_SCH = 2000
_LROWS = _SCH // 16 + 2


def _make_scatter_max():
    mesh = plsc.VectorSubcoreMesh(**_SC_MESH)

    nch = EE // _SCH

    @functools.partial(
        pl.kernel,
        out_type=[
            jax.ShapeDtypeStruct((_MOUT, HH), jnp.float32),
            jax.ShapeDtypeStruct((NW * nch, _LROWS, 16), jnp.int32),
            jax.ShapeDtypeStruct((NW * nch * _LROWS * 16,), jnp.int32),
            jax.ShapeDtypeStruct((NW * nch * 16,), jnp.int32),
        ],
        mesh=mesh,
        scratch_types=[
            pltpu.VMEM((_SCH,), jnp.int32),
            pltpu.VMEM((_LROWS, 16), jnp.int32),
            pltpu.VMEM((_LROWS * 16,), jnp.int32),
            pltpu.VMEM((96,), jnp.int32),
            pltpu.VMEM((16,), jnp.int32),
            pltpu.VMEM((16, DD), jnp.float32),
            pltpu.VMEM((16, DD), jnp.float32),
            pltpu.VMEM((_NPART, HH), jnp.float32),
            pltpu.SemaphoreType.DMA,
            pltpu.SemaphoreType.DMA,
        ],
    )
    def k(r_hbm, dst_hbm, lotab_hbm, m_hbm, le_hbm, ld_hbm, ct_hbm,
          dv, eids, dloc, tmp, lot, rb0, rb1, mt, sem0, sem1):
        wid = _worker_id()
        lo = wid * _NPART
        neg = jnp.full((16,), -1.0, jnp.float32)
        izero = jnp.zeros((16,), jnp.int32)
        iot = lax.iota(jnp.int32, 16)

        pltpu.sync_copy(lotab_hbm.at[pl.ds(wid * 16, 16)], lot)
        lo_v = lot[pl.ds(0, 16)]
        hi_v = lo_v + _NPART

        def initm(j, _):
            for f in range(4):
                mt[j, pl.ds(f * 16, 16)] = neg
            return 0

        lax.fori_loop(0, _NPART, initm, 0)

        def inite(j, _):
            eids[j, pl.ds(0, 16)] = izero
            return 0

        lax.fori_loop(0, _LROWS, inite, 0)
        tmp[pl.ds(0, 16)] = izero

        def chunk_body(c, ev0):
            pltpu.sync_copy(dst_hbm.at[pl.ds(c * _SCH, _SCH)], dv)

            def scan(kk, carry):
                cnt, ev, ctv = carry
                d = dv[pl.ds(kk * 16, 16)]
                m = (d >= lo_v) & (d < hi_v)
                s = jnp.where(m, 1, 0)
                tmp[pl.ds(16, 16)] = s
                s = s + tmp[pl.ds(15, 16)]
                tmp[pl.ds(16, 16)] = s
                s = s + tmp[pl.ds(14, 16)]
                tmp[pl.ds(16, 16)] = s
                s = s + tmp[pl.ds(12, 16)]
                tmp[pl.ds(16, 16)] = s
                s = s + tmp[pl.ds(8, 16)]
                total = s[15]

                @pl.when(total > 0)
                def _():
                    dl = d - lo_v
                    tmp[pl.ds(32, 16)] = ev
                    tmp[pl.ds(48, 16)] = ev
                    tmp[pl.ds(64, 16)] = dl
                    tmp[pl.ds(80, 16)] = dl
                    s_prev = jnp.int32(0)
                    for l in range(16):
                        s_l = s[l]
                        sel = s_l > (s_prev if l else jnp.int32(0))
                        pos = cnt + s_l - 1
                        fill = pos & 15
                        row = lax.shift_right_logical(pos, 4)

                        @pl.when(sel)
                        def _():
                            sh = (l - fill) & 15
                            rot_e = tmp[pl.ds(32 + sh, 16)]
                            rot_d = tmp[pl.ds(64 + sh, 16)]
                            ins = iot == fill
                            cur_e = eids[row, pl.ds(0, 16)]
                            cur_d = dloc[pl.ds(pos - fill, 16)]
                            eids[row, pl.ds(0, 16)] = \
                                jnp.where(ins, rot_e, cur_e)
                            dloc[pl.ds(pos - fill, 16)] = \
                                jnp.where(ins, rot_d, cur_d)

                        s_prev = s_l

                return (cnt + total, ev + 16, ctv + s)

            cnt, ev0, ctv = lax.fori_loop(
                0, _SCH // 16, scan, (jnp.int32(0), ev0, izero))
            widc = wid * (EE // _SCH) + c
            tmp[pl.ds(0, 16)] = ctv
            pltpu.sync_copy(tmp.at[pl.ds(0, 16)],
                            ct_hbm.at[pl.ds(widc * 16, 16)])
            tmp[pl.ds(0, 16)] = izero
            pltpu.sync_copy(eids, le_hbm.at[widc])
            pltpu.sync_copy(
                dloc, ld_hbm.at[pl.ds(widc * (_LROWS * 16), _LROWS * 16)])

            ng = (cnt + 15) >> 4

            @pl.when(ng > 0)
            def _():
                pltpu.async_copy(r_hbm.at[eids.at[0]], rb0, sem0)

            def gather_g(g, _):
                base = g * 16
                n_i = jnp.minimum(cnt - base, 16)

                def run(rb, sem, rbn, semn):
                    @pl.when(g + 1 < ng)
                    def _():
                        pltpu.async_copy(r_hbm.at[eids.at[g + 1]], rbn, semn)

                    pltpu.make_async_copy(r_hbm.at[eids.at[g]], rb, sem).wait()

                    def upd(i, _):
                        dl2 = dloc[pl.ds(base + i, 16)][0]
                        for f in range(4):
                            cur = mt[dl2, pl.ds(f * 16, 16)]
                            val = rb[i, pl.ds(f * 16, 16)]
                            mt[dl2, pl.ds(f * 16, 16)] = \
                                jnp.maximum(cur, val)
                        return 0

                    lax.fori_loop(0, n_i, upd, 0)

                @pl.when((g & 1) == 0)
                def _():
                    run(rb0, sem0, rb1, sem1)

                @pl.when((g & 1) == 1)
                def _():
                    run(rb1, sem1, rb0, sem0)
                return 0

            lax.fori_loop(0, ng, gather_g, 0)
            return ev0

        lax.fori_loop(0, EE // _SCH, chunk_body, iot)
        pltpu.sync_copy(mt, m_hbm.at[pl.ds(lo, _NPART)])

    return k


def _make_scatter_apply():
    mesh = plsc.VectorSubcoreMesh(**_SC_MESH)
    nch = EE // _SCH

    @functools.partial(
        pl.kernel,
        out_type=jax.ShapeDtypeStruct((_MOUT, HH), jnp.float32),
        mesh=mesh,
        scratch_types=[
            pltpu.VMEM((_LROWS, 16), jnp.int32),
            pltpu.VMEM((_LROWS * 16,), jnp.int32),
            pltpu.VMEM((16,), jnp.int32),
            pltpu.VMEM((16, DD), jnp.float32),
            pltpu.VMEM((16, DD), jnp.float32),
            pltpu.VMEM((_NPART, HH), jnp.float32),
            pltpu.SemaphoreType.DMA,
            pltpu.SemaphoreType.DMA,
        ],
    )
    def k(r_hbm, le_hbm, ld_hbm, ct_hbm, m_hbm,
          eids, dloc, ctb, rb0, rb1, mt, sem0, sem1):
        wid = _worker_id()
        lo = wid * _NPART
        neg = jnp.full((16,), -1.0, jnp.float32)

        def initm(j, _):
            for f in range(4):
                mt[j, pl.ds(f * 16, 16)] = neg
            return 0

        lax.fori_loop(0, _NPART, initm, 0)

        def chunk_body(c, _):
            widc = wid * nch + c
            pltpu.sync_copy(le_hbm.at[widc], eids)
            pltpu.sync_copy(
                ld_hbm.at[pl.ds(widc * (_LROWS * 16), _LROWS * 16)], dloc)
            pltpu.sync_copy(ct_hbm.at[pl.ds(widc * 16, 16)], ctb)
            cnt = ctb[pl.ds(0, 16)][15]

            ng = (cnt + 15) >> 4

            @pl.when(ng > 0)
            def _():
                pltpu.async_copy(r_hbm.at[eids.at[0]], rb0, sem0)

            def gather_g(g, _):
                base = g * 16
                n_i = jnp.minimum(cnt - base, 16)

                def run(rb, sem, rbn, semn):
                    @pl.when(g + 1 < ng)
                    def _():
                        pltpu.async_copy(r_hbm.at[eids.at[g + 1]], rbn, semn)

                    pltpu.make_async_copy(r_hbm.at[eids.at[g]], rb, sem).wait()

                    def upd(i, _):
                        dl2 = dloc[pl.ds(base + i, 16)][0]
                        for f in range(4):
                            cur = mt[dl2, pl.ds(f * 16, 16)]
                            val = rb[i, pl.ds(f * 16, 16)]
                            mt[dl2, pl.ds(f * 16, 16)] = \
                                jnp.maximum(cur, val)
                        return 0

                    lax.fori_loop(0, n_i, upd, 0)

                @pl.when((g & 1) == 0)
                def _():
                    run(rb0, sem0, rb1, sem1)

                @pl.when((g & 1) == 1)
                def _():
                    run(rb1, sem1, rb0, sem0)
                return 0

            lax.fori_loop(0, ng, gather_g, 0)
            return 0

        lax.fori_loop(0, nch, chunk_body, 0)
        pltpu.sync_copy(mt, m_hbm.at[pl.ds(lo, _NPART)])

    return k


@functools.lru_cache(maxsize=None)
def _scatter_apply_kernel():
    return _make_scatter_apply()


@functools.lru_cache(maxsize=None)
def _edge_gather1():
    return _make_edge_gather1()


@functools.lru_cache(maxsize=None)
def _edge_gather2():
    return _make_edge_gather2()


@functools.lru_cache(maxsize=None)
def _scatter_max_kernel():
    return _make_scatter_max()



def _bn_affine(stats, g, be, n):
    m = stats[0] / n
    v = stats[1] / n - m * m
    s = g / jnp.sqrt(v + 1e-5)
    t = be - m * s
    return s, t


def kernel(x, edge_index, batch,
           W1, b1, g1, be1, W2, b2, g2, be2, W3, b3, g3, be3):
    dst = edge_index[1]
    src = edge_index[0]
    ne = jnp.float32(EE)
    lotab = jnp.repeat(
        jnp.arange(NW, dtype=jnp.int32) * _NPART, 16)

    w1d = W1[:DD] - W1[DD:]
    w1b = W1[DD:]
    u1, v1 = _uv_matmul(x, w1d, w1b, b1[None])
    a_e, st1p = _edge_gather1()(u1, v1, dst, src)
    s1, t1 = _bn_affine(jnp.sum(st1p, axis=0), g1, be1, ne)

    w2p = s1[:, None] * W2
    b2p = t1 @ W2 + b2
    r1, st2p = _layer2(a_e, w2p, b2p[None])
    s2, t2 = _bn_affine(jnp.sum(st2p, axis=0), g2, be2, ne)

    m1, le, ld, ct = _scatter_max_kernel()(r1, dst, lotab)
    m1 = m1[:NN]

    w3d = W3[:HH] - W3[HH:]
    w3b = W3[HH:]
    x1, t2tab = _mid(m1, s2[None], t2[None], w3d, w3b, b3[None])

    r2, st3p = _edge_gather2()(t2tab, dst, src)
    s3, t3 = _bn_affine(jnp.sum(st3p, axis=0), g3, be3, ne)
    m2 = _scatter_apply_kernel()(r2, le, ld, ct)[:NN]

    bidf = batch.astype(jnp.float32)[:, None]
    return _final(x1, m2, s3[None], t3[None], bidf)

# --- scband reference (transcript-rebuilt; emitter-appended) ---
"""Pipeline reference for scband-graph-net-1-38826504355978 (READ-ONLY COPY).

The authoritative reference and input builder live on the scoring server;
editing this copy changes nothing except your own understanding.
"""

import jax, jax.numpy as jnp
import numpy as np

N = 10000
E = 320000
D = 128
H = 64
B = 64


def setup_inputs(seed: int = 0) -> dict:
    key = jax.random.key(seed)
    ks = jax.random.split(key, 16)
    x = jax.random.normal(ks[0], (N, D), dtype=jnp.float32)
    edge_index = jax.random.randint(ks[1], (2, E), 0, N)
    batch = jnp.sort(jax.random.randint(ks[2], (N,), 0, B))
    s = 0.05
    # conv1 MLP: [2*D, 2*H, H] = [256, 128, 64], each layer Lin->ReLU->BN
    W1 = jax.random.normal(ks[3], (2 * D, 2 * H), dtype=jnp.float32) * s
    b1 = jnp.zeros((2 * H,), jnp.float32)
    g1 = jnp.ones((2 * H,), jnp.float32)
    be1 = jnp.zeros((2 * H,), jnp.float32)
    W2 = jax.random.normal(ks[4], (2 * H, H), dtype=jnp.float32) * s
    b2 = jnp.zeros((H,), jnp.float32)
    g2 = jnp.ones((H,), jnp.float32)
    be2 = jnp.zeros((H,), jnp.float32)
    # conv2 MLP: [2*H, H] = [128, 64]
    W3 = jax.random.normal(ks[5], (2 * H, H), dtype=jnp.float32) * s
    b3 = jnp.zeros((H,), jnp.float32)
    g3 = jnp.ones((H,), jnp.float32)
    be3 = jnp.zeros((H,), jnp.float32)
    return {"x": x, "edge_index": edge_index, "batch": batch,
            "W1": W1, "b1": b1, "g1": g1, "be1": be1,
            "W2": W2, "b2": b2, "g2": g2, "be2": be2,
            "W3": W3, "b3": b3, "g3": g3, "be3": be3}


def _bn(h, g, b):
    m = h.mean(axis=0)
    v = h.var(axis=0)
    return g * (h - m) / jnp.sqrt(v + 1e-5) + b


def reference(x, edge_index, batch, W1, b1, g1, be1, W2, b2, g2, be2, W3, b3, g3, be3):
    src = edge_index[0]
    dst = edge_index[1]

    def agg_max(m):
        out = jax.ops.segment_max(m, dst, num_segments=N)
        return jnp.where(jnp.isfinite(out), out, 0.0)

    # EdgeConv 1: message = MLP([x_i, x_j - x_i]), aggr max over dst
    xi = x[dst]
    xj = x[src]
    e = jnp.concatenate([xi, xj - xi], axis=1)
    h = _bn(jax.nn.relu(e @ W1 + b1), g1, be1)
    h = _bn(jax.nn.relu(h @ W2 + b2), g2, be2)
    x1 = jax.nn.relu(agg_max(h))  # act_fn['relu'] applied after conv

    # EdgeConv 2
    xi = x1[dst]
    xj = x1[src]
    e = jnp.concatenate([xi, xj - xi], axis=1)
    h = _bn(jax.nn.relu(e @ W3 + b3), g3, be3)
    x2 = jax.nn.relu(agg_max(h))

    x_fuse = x1 + x2

    gm = jax.ops.segment_max(x_fuse, batch, num_segments=B)
    gm = jnp.where(jnp.isfinite(gm), gm, 0.0)
    s = jax.ops.segment_sum(x_fuse, batch, num_segments=B)
    cnt = jax.ops.segment_sum(jnp.ones((x_fuse.shape[0], 1), x_fuse.dtype), batch, num_segments=B)
    ga = s / jnp.maximum(cnt, 1.0)
    return jnp.concatenate([gm, ga], axis=1)

if __name__ == "__main__":
    import jax
    _d = setup_inputs()
    print(jax.jit(kernel)(*tuple(_d.values())))

</pallas_src>

<mosaic_0001>
#map = affine_map<(d0, d1) -> (0, 0)>
#map1 = affine_map<(d0, d1) -> (0)>
#map2 = affine_map<(d0, d1) -> (0, 0, 0)>
module attributes {stable_mosaic.version = 14 : i64} {
  func.func @k(%arg0: i32, %arg1: i32, %arg2: memref<10000x128xf32, #tpu.memory_space<hbm>>, %arg3: memref<320000xi32, #tpu.memory_space<hbm>>, %arg4: memref<320000xi32, #tpu.memory_space<hbm>>, %arg5: memref<320000x128xf32, #tpu.memory_space<hbm>>, %arg6: memref<32x2x64xf32, #tpu.memory_space<hbm>>, %arg7: memref<80xi32, #tpu.memory_space<vmem>>, %arg8: memref<80xi32, #tpu.memory_space<vmem>>, %arg9: memref<80x128xf32, #tpu.memory_space<vmem>>, %arg10: memref<80x128xf32, #tpu.memory_space<vmem>>, %arg11: memref<80x128xf32, #tpu.memory_space<vmem>>, %arg12: memref<2x64xf32, #tpu.memory_space<vmem>>, %arg13: memref<!tpu.dma_semaphore, #tpu.memory_space<semaphore_mem>>, %arg14: memref<!tpu.dma_semaphore, #tpu.memory_space<semaphore_mem>>) attributes {dimension_semantics = [#tpu.dimension_semantics<core_parallel>, #tpu.dimension_semantics<subcore_parallel>], iteration_bounds = array<i64: 2, 16>, scalar_prefetch = 0 : i64, scratch_operands = 8 : i64, tpu.core_type = #tpu.core_type<sc_vector_subcore>, window_params = [{transform_indices = #map}, {transform_indices = #map1}, {transform_indices = #map1}, {transform_indices = #map}, {transform_indices = #map2}]} {
    %mul3A = arith.constant 2 : i32
    %mul3A_0 = arith.muli %arg1, %mul3A : i32
    %add3A = arith.addi %mul3A_0, %arg0 : i32
    %mul3A_1 = arith.constant 10000 : i32
    %mul3A_2 = arith.muli %add3A, %mul3A_1 : i32
    %broadcast_in_dim3A = arith.constant 0.000000e+00 : f32
    %broadcast_in_dim3A_3 = vector.broadcast %broadcast_in_dim3A : f32 to vector<16xf32>
    %scan3A = arith.constant 0 : i32
    %scan3A_4 = arith.constant 125 : i32
    %scan3A_5 = arith.addi %scan3A, %scan3A_4 : i32
    %scan3A_6 = arith.constant 1 : i32
    %scan3A_7:8 = scf.for %scan3A_59 = %scan3A to %scan3A_5 step %scan3A_6 iter_args(%scan3A_60 = %broadcast_in_dim3A_3, %scan3A_61 = %broadcast_in_dim3A_3, %scan3A_62 = %broadcast_in_dim3A_3, %scan3A_63 = %broadcast_in_dim3A_3, %scan3A_64 = %broadcast_in_dim3A_3, %scan3A_65 = %broadcast_in_dim3A_3, %scan3A_66 = %broadcast_in_dim3A_3, %scan3A_67 = %broadcast_in_dim3A_3) -> (vector<16xf32>, vector<16xf32>, vector<16xf32>, vector<16xf32>, vector<16xf32>, vector<16xf32>, vector<16xf32>, vector<16xf32>)  : i32 {
      %mul3A_68 = arith.constant 80 : i32
      %mul3A_69 = arith.muli %scan3A_59, %mul3A_68 : i32
      %add3A_70 = arith.addi %mul3A_2, %mul3A_69 : i32
      "tpu.region"() ({
        %run_scoped3A = tpu.sem_alloc : memref<!tpu.dma_semaphore, #tpu.memory_space<semaphore_mem>>
        %dma_start3A_87 = tpu.memref_slice %arg3[%add3A_70] : memref<320000xi32, #tpu.memory_space<hbm>> -> memref<80xi32, #tpu.memory_space<hbm>>
        %dma_start3A_88 = tpu.memref_slice %arg3[%add3A_70] : memref<320000xi32, #tpu.memory_space<hbm>> -> memref<80xi32, #tpu.memory_space<hbm>>
        tpu.enqueue_dma source(%dma_start3A_88 : memref<80xi32, #tpu.memory_space<hbm>>) target(%arg7 : memref<80xi32, #tpu.memory_space<vmem>>) target_semaphore(%run_scoped3A : memref<!tpu.dma_semaphore, #tpu.memory_space<semaphore_mem>>)
        %dma_wait3A_89 = tpu.memref_slice %arg3[%add3A_70] : memref<320000xi32, #tpu.memory_space<hbm>> -> memref<80xi32, #tpu.memory_space<hbm>>
        %dma_wait3A_90 = tpu.memref_slice %arg3[%add3A_70] : memref<320000xi32, #tpu.memory_space<hbm>> -> memref<80xi32, #tpu.memory_space<hbm>>
        tpu.wait_dma2 semaphore(%run_scoped3A : memref<!tpu.dma_semaphore, #tpu.memory_space<semaphore_mem>>) src(%dma_wait3A_90 : memref<80xi32, #tpu.memory_space<hbm>>) dst(%arg7 : memref<80xi32, #tpu.memory_space<vmem>>)
        tpu.yield
      }) : () -> ()
      "tpu.region"() ({
        %run_scoped3A = tpu.sem_alloc : memref<!tpu.dma_semaphore, #tpu.memory_space<semaphore_mem>>
        %dma_start3A_87 = tpu.memref_slice %arg4[%add3A_70] : memref<320000xi32, #tpu.memory_space<hbm>> -> memref<80xi32, #tpu.memory_space<hbm>>
        %dma_start3A_88 = tpu.memref_slice %arg4[%add3A_70] : memref<320000xi32, #tpu.memory_space<hbm>> -> memref<80xi32, #tpu.memory_space<hbm>>
        tpu.enqueue_dma source(%dma_start3A_88 : memref<80xi32, #tpu.memory_space<hbm>>) target(%arg8 : memref<80xi32, #tpu.memory_space<vmem>>) target_semaphore(%run_scoped3A : memref<!tpu.dma_semaphore, #tpu.memory_space<semaphore_mem>>)
        %dma_wait3A_89 = tpu.memref_slice %arg4[%add3A_70] : memref<320000xi32, #tpu.memory_space<hbm>> -> memref<80xi32, #tpu.memory_space<hbm>>
        %dma_wait3A_90 = tpu.memref_slice %arg4[%add3A_70] : memref<320000xi32, #tpu.memory_space<hbm>> -> memref<80xi32, #tpu.memory_space<hbm>>
        tpu.wait_dma2 semaphore(%run_scoped3A : memref<!tpu.dma_semaphore, #tpu.memory_space<semaphore_mem>>) src(%dma_wait3A_90 : memref<80xi32, #tpu.memory_space<hbm>>) dst(%arg8 : memref<80xi32, #tpu.memory_space<vmem>>)
        tpu.yield
      }) : () -> ()
      %dma_start3A = arith.constant 0 : i32
      %dma_start3A_71 = arith.constant 0 : i32
      %dma_start3A_72 = tpu.memref_slice %arg2[%dma_start3A, %dma_start3A_71] : memref<10000x128xf32, #tpu.memory_space<hbm>> -> memref<10000x128xf32, #tpu.memory_space<hbm>>
      tpu.enqueue_indirect_dma source(%dma_start3A_72 : memref<10000x128xf32, #tpu.memory_space<hbm>>) target(%arg9 : memref<80x128xf32, #tpu.memory_space<vmem>>) offsets(%arg7 : memref<80xi32, #tpu.memory_space<vmem>>) semaphore(%arg13 : memref<!tpu.dma_semaphore, #tpu.memory_space<semaphore_mem>>)
      %dma_start3A_73 = arith.constant 0 : i32
      %dma_start3A_74 = arith.constant 0 : i32
      %dma_start3A_75 = tpu.memref_slice %arg2[%dma_start3A_73, %dma_start3A_74] : memref<10000x128xf32, #tpu.memory_space<hbm>> -> memref<10000x128xf32, #tpu.memory_space<hbm>>
      tpu.enqueue_indirect_dma source(%dma_start3A_75 : memref<10000x128xf32, #tpu.memory_space<hbm>>) target(%arg10 : memref<80x128xf32, #tpu.memory_space<vmem>>) offsets(%arg8 : memref<80xi32, #tpu.memory_space<vmem>>) semaphore(%arg14 : memref<!tpu.dma_semaphore, #tpu.memory_space<semaphore_mem>>)
      %dma_wait3A = arith.constant 0 : i32
      %dma_wait3A_76 = arith.constant 0 : i32
      %dma_wait3A_77 = tpu.memref_slice %arg2[%dma_wait3A, %dma_wait3A_76] : memref<10000x128xf32, #tpu.memory_space<hbm>> -> memref<10000x128xf32, #tpu.memory_space<hbm>>
      tpu.wait_indirect_dma semaphore(%arg13 : memref<!tpu.dma_semaphore, #tpu.memory_space<semaphore_mem>>) src(%dma_wait3A_77 : memref<10000x128xf32, #tpu.memory_space<hbm>>) dst(%arg9 : memref<80x128xf32, #tpu.memory_space<vmem>>)
      %dma_wait3A_78 = arith.constant 0 : i32
      %dma_wait3A_79 = arith.constant 0 : i32
      %dma_wait3A_80 = tpu.memref_slice %arg2[%dma_wait3A_78, %dma_wait3A_79] : memref<10000x128xf32, #tpu.memory_space<hbm>> -> memref<10000x128xf32, #tpu.memory_space<hbm>>
      tpu.wait_indirect_dma semaphore(%arg14 : memref<!tpu.dma_semaphore, #tpu.memory_space<semaphore_mem>>) src(%dma_wait3A_80 : memref<10000x128xf32, #tpu.memory_space<hbm>>) dst(%arg10 : memref<80x128xf32, #tpu.memory_space<vmem>>)
      %scan3A_81 = arith.constant 0 : i32
      %scan3A_82 = arith.constant 80 : i32
      %scan3A_83 = arith.addi %scan3A_81, %scan3A_82 : i32
      %scan3A_84 = arith.constant 1 : i32
      %scan3A_85:8 = scf.for %scan3A_87 = %scan3A_81 to %scan3A_83 step %scan3A_84 iter_args(%scan3A_88 = %scan3A_60, %scan3A_89 = %scan3A_61, %scan3A_90 = %scan3A_62, %scan3A_91 = %scan3A_63, %scan3A_92 = %scan3A_64, %scan3A_93 = %scan3A_65, %scan3A_94 = %scan3A_66, %scan3A_95 = %scan3A_67) -> (vector<16xf32>, vector<16xf32>, vector<16xf32>, vector<16xf32>, vector<16xf32>, vector<16xf32>, vector<16xf32>, vector<16xf32>)  : i32 {
        %get3A = arith.index_cast %scan3A_87 : i32 to index
        %get3A_96 = arith.constant 0 : index
        %get3A_97 = tpu.vector_load %arg9[%get3A, %get3A_96] {strides = array<i32>} : memref<80x128xf32, #tpu.memory_space<vmem>>, vector<1x16xf32>,
        %get3A_98 = vector.shape_cast %get3A_97 : vector<1x16xf32> to vector<16xf32>
        %get3A_99 = arith.index_cast %scan3A_87 : i32 to index
        %get3A_100 = arith.constant 64 : index
        %get3A_101 = tpu.vector_load %arg10[%get3A_99, %get3A_100] {strides = array<i32>} : memref<80x128xf32, #tpu.memory_space<vmem>>, vector<1x16xf32>,
        %get3A_102 = vector.shape_cast %get3A_101 : vector<1x16xf32> to vector<16xf32>
        %add3A_103 = arith.addf %get3A_98, %get3A_102 : vector<16xf32>
        %max3A = arith.constant 0.000000e+00 : f32
        %max3A_104 = vector.broadcast %max3A : f32 to vector<16xf32>
        %max3A_105 = arith.maximumf %add3A_103, %max3A_104 : vector<16xf32>
        %swap3A_106 = arith.index_cast %scan3A_87 : i32 to index
        %swap3A_107 = arith.constant 0 : index
        %swap3A_108 = tpu.vector_load %arg11[%swap3A_106, %swap3A_107] {strides = array<i32>} : memref<80x128xf32, #tpu.memory_space<vmem>>, vector<1x16xf32>,
        %swap3A_109 = vector.shape_cast %swap3A_108 : vector<1x16xf32> to vector<16xf32>
        %swap3A_110 = vector.shape_cast %max3A_105 : vector<16xf32> to vector<1x16xf32>
        tpu.vector_store %arg11[%swap3A_106, %swap3A_107], %swap3A_110 {strides = array<i32>} : memref<80x128xf32, #tpu.memory_space<vmem>>, vector<1x16xf32>,
        %add3A_111 = arith.addf %scan3A_88, %max3A_105 : vector<16xf32>
        %mul3A_112 = arith.mulf %max3A_105, %max3A_105 : vector<16xf32>
        %add3A_113 = arith.addf %scan3A_89, %mul3A_112 : vector<16xf32>
        %get3A_114 = arith.index_cast %scan3A_87 : i32 to index
        %get3A_115 = arith.constant 16 : index
        %get3A_116 = tpu.vector_load %arg9[%get3A_114, %get3A_115] {strides = array<i32>} : memref<80x128xf32, #tpu.memory_space<vmem>>, vector<1x16xf32>,
        %get3A_117 = vector.shape_cast %get3A_116 : vector<1x16xf32> to vector<16xf32>
        %get3A_118 = arith.index_cast %scan3A_87 : i32 to index
        %get3A_119 = arith.constant 80 : index
        %get3A_120 = tpu.vector_load %arg10[%get3A_118, %get3A_119] {strides = array<i32>} : memref<80x128xf32, #tpu.memory_space<vmem>>, vector<1x16xf32>,
        %get3A_121 = vector.shape_cast %get3A_120 : vector<1x16xf32> to vector<16xf32>
        %add3A_122 = arith.addf %get3A_117, %get3A_121 : vector<16xf32>
        %max3A_123 = arith.constant 0.000000e+00 : f32
        %max3A_124 = vector.broadcast %max3A_123 : f32 to vector<16xf32>
        %max3A_125 = arith.maximumf %add3A_122, %max3A_124 : vector<16xf32>
        %swap3A_126 = arith.index_cast %scan3A_87 : i32 to index
        %swap3A_127 = arith.constant 16 : index
        %swap3A_128 = tpu.vector_load %arg11[%swap3A_126, %swap3A_127] {strides = array<i32>} : memref<80x128xf32, #tpu.memory_space<vmem>>, vector<1x16xf32>,
        %swap3A_129 = vector.shape_cast %swap3A_128 : vector<1x16xf32> to vector<16xf32>
        %swap3A_130 = vector.shape_cast %max3A_125 : vector<16xf32> to vector<1x16xf32>
        tpu.vector_store %arg11[%swap3A_126, %swap3A_127], %swap3A_130 {strides = array<i32>} : memref<80x128xf32, #tpu.memory_space<vmem>>, vector<1x16xf32>,
        %add3A_131 = arith.addf %scan3A_90, %max3A_125 : vector<16xf32>
        %mul3A_132 = arith.mulf %max3A_125, %max3A_125 : vector<16xf32>
        %add3A_133 = arith.addf %scan3A_91, %mul3A_132 : vector<16xf32>
        %get3A_134 = arith.index_cast %scan3A_87 : i32 to index
        %get3A_135 = arith.constant 32 : index
        %get3A_136 = tpu.vector_load %arg9[%get3A_134, %get3A_135] {strides = array<i32>} : memref<80x128xf32, #tpu.memory_space<vmem>>, vector<1x16xf32>,
        %get3A_137 = vector.shape_cast %get3A_136 : vector<1x16xf32> to vector<16xf32>
        %get3A_138 = arith.index_cast %scan3A_87 : i32 to index
        %get3A_139 = arith.constant 96 : index
        %get3A_140 = tpu.vector_load %arg10[%get3A_138, %get3A_139] {strides = array<i32>} : memref<80x128xf32, #tpu.memory_space<vmem>>, vector<1x16xf32>,
        %get3A_141 = vector.shape_cast %get3A_140 : vector<1x16xf32> to vector<16xf32>
        %add3A_142 = arith.addf %get3A_137, %get3A_141 : vector<16xf32>
        %max3A_143 = arith.constant 0.000000e+00 : f32
        %max3A_144 = vector.broadcast %max3A_143 : f32 to vector<16xf32>
        %max3A_145 = arith.maximumf %add3A_142, %max3A_144 : vector<16xf32>
        %swap3A_146 = arith.index_cast %scan3A_87 : i32 to index
        %swap3A_147 = arith.constant 32 : index
        %swap3A_148 = tpu.vector_load %arg11[%swap3A_146, %swap3A_147] {strides = array<i32>} : memref<80x128xf32, #tpu.memory_space<vmem>>, vector<1x16xf32>,
        %swap3A_149 = vector.shape_cast %swap3A_148 : vector<1x16xf32> to vector<16xf32>
        %swap3A_150 = vector.shape_cast %max3A_145 : vector<16xf32> to vector<1x16xf32>
        tpu.vector_store %arg11[%swap3A_146, %swap3A_147], %swap3A_150 {strides = array<i32>} : memref<80x128xf32, #tpu.memory_space<vmem>>, vector<1x16xf32>,
        %add3A_151 = arith.addf %scan3A_92, %max3A_145 : vector<16xf32>
        %mul3A_152 = arith.mulf %max3A_145, %max3A_145 : vector<16xf32>
        %add3A_153 = arith.addf %scan3A_93, %mul3A_152 : vector<16xf32>
        %get3A_154 = arith.index_cast %scan3A_87 : i32 to index
        %get3A_155 = arith.constant 48 : index
        %get3A_156 = tpu.vector_load %arg9[%get3A_154, %get3A_155] {strides = array<i32>} : memref<80x128xf32, #tpu.memory_space<vmem>>, vector<1x16xf32>,
        %get3A_157 = vector.shape_cast %get3A_156 : vector<1x16xf32> to vector<16xf32>
        %get3A_158 = arith.index_cast %scan3A_87 : i32 to index
        %get3A_159 = arith.constant 112 : index
        %get3A_160 = tpu.vector_load %arg10[%get3A_158, %get3A_159] {strides = array<i32>} : memref<80x128xf32, #tpu.memory_space<vmem>>, vector<1x16xf32>,
        %get3A_161 = vector.shape_cast %get3A_160 : vector<1x16xf32> to vector<16xf32>
        %add3A_162 = arith.addf %get3A_157, %get3A_161 : vector<16xf32>
        %max3A_163 = arith.constant 0.000000e+00 : f32
        %max3A_164 = vector.broadcast %max3A_163 : f32 to vector<16xf32>
        %max3A_165 = arith.maximumf %add3A_162, %max3A_164 : vector<16xf32>
        %swap3A_166 = arith.index_cast %scan3A_87 : i32 to index
        %swap3A_167 = arith.constant 48 : index
        %swap3A_168 = tpu.vector_load %arg11[%swap3A_166, %swap3A_167] {strides = array<i32>} : memref<80x128xf32, #tpu.memory_space<vmem>>, vector<1x16xf32>,
        %swap3A_169 = vector.shape_cast %swap3A_168 : vector<1x16xf32> to vector<16xf32>
        %swap3A_170 = vector.shape_cast %max3A_165 : vector<16xf32> to vector<1x16xf32>
        tpu.vector_store %arg11[%swap3A_166, %swap3A_167], %swap3A_170 {strides = array<i32>} : memref<80x128xf32, #tpu.memory_space<vmem>>, vector<1x16xf32>,
        %add3A_171 = arith.addf %scan3A_94, %max3A_165 : vector<16xf32>
        %mul3A_172 = arith.mulf %max3A_165, %max3A_165 : vector<16xf32>
        %add3A_173 = arith.addf %scan3A_95, %mul3A_172 : vector<16xf32>
        scf.yield %add3A_111, %add3A_113, %add3A_131, %add3A_133, %add3A_151, %add3A_153, %add3A_171, %add3A_173 : vector<16xf32>, vector<16xf32>, vector<16xf32>, vector<16xf32>, vector<16xf32>, vector<16xf32>, vector<16xf32>, vector<16xf32>
      }
      %scan3A_86 = arith.constant 80 : i32
      "tpu.region"() ({
        %run_scoped3A = tpu.sem_alloc : memref<!tpu.dma_semaphore, #tpu.memory_space<semaphore_mem>>
        %dma_start3A_87 = arith.constant 0 : i32
        %dma_start3A_88 = tpu.memref_slice %arg5[%add3A_70, %dma_start3A_87] : memref<320000x128xf32, #tpu.memory_space<hbm>> -> memref<80x128xf32, #tpu.memory_space<hbm>>
        %dma_start3A_89 = arith.constant 0 : i32
        %dma_start3A_90 = tpu.memref_slice %arg5[%add3A_70, %dma_start3A_89] : memref<320000x128xf32, #tpu.memory_space<hbm>> -> memref<80x128xf32, #tpu.memory_space<hbm>>
        tpu.enqueue_dma source(%arg11 : memref<80x128xf32, #tpu.memory_space<vmem>>) target(%dma_start3A_90 : memref<80x128xf32, #tpu.memory_space<hbm>>) target_semaphore(%run_scoped3A : memref<!tpu.dma_semaphore, #tpu.memory_space<semaphore_mem>>)
        %dma_wait3A_91 = arith.constant 0 : i32
        %dma_wait3A_92 = tpu.memref_slice %arg5[%add3A_70, %dma_wait3A_91] : memref<320000x128xf32, #tpu.memory_space<hbm>> -> memref<80x128xf32, #tpu.memory_space<hbm>>
        %dma_wait3A_93 = arith.constant 0 : i32
        %dma_wait3A_94 = tpu.memref_slice %arg5[%add3A_70, %dma_wait3A_93] : memref<320000x128xf32, #tpu.memory_space<hbm>> -> memref<80x128xf32, #tpu.memory_space<hbm>>
        tpu.wait_dma2 semaphore(%run_scoped3A : memref<!tpu.dma_semaphore, #tpu.memory_space<semaphore_mem>>) src(%arg11 : memref<80x128xf32, #tpu.memory_space<vmem>>) dst(%dma_wait3A_94 : memref<80x128xf32, #tpu.memory_space<hbm>>)
        tpu.yield
      }) : () -> ()
      scf.yield %scan3A_85#0, %scan3A_85#1, %scan3A_85#2, %scan3A_85#3, %scan3A_85#4, %scan3A_85#5, %scan3A_85#6, %scan3A_85#7 : vector<16xf32>, vector<16xf32>, vector<16xf32>, vector<16xf32>, vector<16xf32>, vector<16xf32>, vector<16xf32>, vector<16xf32>
    }
    %scan3A_8 = arith.constant 125 : i32
    %swap3A = arith.constant 0 : i32
    %swap3A_9 = arith.index_cast %swap3A : i32 to index
    %swap3A_10 = arith.constant 0 : index
    %swap3A_11 = tpu.vector_load %arg12[%swap3A_9, %swap3A_10] {strides = array<i32>} : memref<2x64xf32, #tpu.memory_space<vmem>>, vector<1x16xf32>,
    %swap3A_12 = vector.shape_cast %swap3A_11 : vector<1x16xf32> to vector<16xf32>
    %swap3A_13 = vector.shape_cast %scan3A_7#0 : vector<16xf32> to vector<1x16xf32>
    tpu.vector_store %arg12[%swap3A_9, %swap3A_10], %swap3A_13 {strides = array<i32>} : memref<2x64xf32, #tpu.memory_space<vmem>>, vector<1x16xf32>,
    %swap3A_14 = arith.constant 1 : i32
    %swap3A_15 = arith.index_cast %swap3A_14 : i32 to index
    %swap3A_16 = arith.constant 0 : index
    %swap3A_17 = tpu.vector_load %arg12[%swap3A_15, %swap3A_16] {strides = array<i32>} : memref<2x64xf32, #tpu.memory_space<vmem>>, vector<1x16xf32>,
    %swap3A_18 = vector.shape_cast %swap3A_17 : vector<1x16xf32> to vector<16xf32>
    %swap3A_19 = vector.shape_cast %scan3A_7#1 : vector<16xf32> to vector<1x16xf32>
    tpu.vector_store %arg12[%swap3A_15, %swap3A_16], %swap3A_19 {strides = array<i32>} : memref<2x64xf32, #tpu.memory_space<vmem>>, vector<1x16xf32>,
    %swap3A_20 = arith.constant 0 : i32
    %swap3A_21 = arith.index_cast %swap3A_20 : i32 to index
    %swap3A_22 = arith.constant 16 : index
    %swap3A_23 = tpu.vector_load %arg12[%swap3A_21, %swap3A_22] {strides = array<i32>} : memref<2x64xf32, #tpu.memory_space<vmem>>, vector<1x16xf32>,
    %swap3A_24 = vector.shape_cast %swap3A_23 : vector<1x16xf32> to vector<16xf32>
    %swap3A_25 = vector.shape_cast %scan3A_7#2 : vector<16xf32> to vector<1x16xf32>
    tpu.vector_store %arg12[%swap3A_21, %swap3A_22], %swap3A_25 {strides = array<i32>} : memref<2x64xf32, #tpu.memory_space<vmem>>, vector<1x16xf32>,
    %swap3A_26 = arith.constant 1 : i32
    %swap3A_27 = arith.index_cast %swap3A_26 : i32 to index
    %swap3A_28 = arith.constant 16 : index
    %swap3A_29 = tpu.vector_load %arg12[%swap3A_27, %swap3A_28] {strides = array<i32>} : memref<2x64xf32, #tpu.memory_space<vmem>>, vector<1x16xf32>,
    %swap3A_30 = vector.shape_cast %swap3A_29 : vector<1x16xf32> to vector<16xf32>
    %swap3A_31 = vector.shape_cast %scan3A_7#3 : vector<16xf32> to vector<1x16xf32>
    tpu.vector_store %arg12[%swap3A_27, %swap3A_28], %swap3A_31 {strides = array<i32>} : memref<2x64xf32, #tpu.memory_space<vmem>>, vector<1x16xf32>,
    %swap3A_32 = arith.constant 0 : i32
    %swap3A_33 = arith.index_cast %swap3A_32 : i32 to index
    %swap3A_34 = arith.constant 32 : index
    %swap3A_35 = tpu.vector_load %arg12[%swap3A_33, %swap3A_34] {strides = array<i32>} : memref<2x64xf32, #tpu.memory_space<vmem>>, vector<1x16xf32>,
    %swap3A_36 = vector.shape_cast %swap3A_35 : vector<1x16xf32> to vector<16xf32>
    %swap3A_37 = vector.shape_cast %scan3A_7#4 : vector<16xf32> to vector<1x16xf32>
    tpu.vector_store %arg12[%swap3A_33, %swap3A_34], %swap3A_37 {strides = array<i32>} : memref<2x64xf32, #tpu.memory_space<vmem>>, vector<1x16xf32>,
    %swap3A_38 = arith.constant 1 : i32
    %swap3A_39 = arith.index_cast %swap3A_38 : i32 to index
    %swap3A_40 = arith.constant 32 : index
    %swap3A_41 = tpu.vector_load %arg12[%swap3A_39, %swap3A_40] {strides = array<i32>} : memref<2x64xf32, #tpu.memory_space<vmem>>, vector<1x16xf32>,
    %swap3A_42 = vector.shape_cast %swap3A_41 : vector<1x16xf32> to vector<16xf32>
    %swap3A_43 = vector.shape_cast %scan3A_7#5 : vector<16xf32> to vector<1x16xf32>
    tpu.vector_store %arg12[%swap3A_39, %swap3A_40], %swap3A_43 {strides = array<i32>} : memref<2x64xf32, #tpu.memory_space<vmem>>, vector<1x16xf32>,
    %swap3A_44 = arith.constant 0 : i32
    %swap3A_45 = arith.index_cast %swap3A_44 : i32 to index
    %swap3A_46 = arith.constant 48 : index
    %swap3A_47 = tpu.vector_load %arg12[%swap3A_45, %swap3A_46] {strides = array<i32>} : memref<2x64xf32, #tpu.memory_space<vmem>>, vector<1x16xf32>,
    %swap3A_48 = vector.shape_cast %swap3A_47 : vector<1x16xf32> to vector<16xf32>
    %swap3A_49 = vector.shape_cast %scan3A_7#6 : vector<16xf32> to vector<1x16xf32>
    tpu.vector_store %arg12[%swap3A_45, %swap3A_46], %swap3A_49 {strides = array<i32>} : memref<2x64xf32, #tpu.memory_space<vmem>>, vector<1x16xf32>,
    %swap3A_50 = arith.constant 1 : i32
    %swap3A_51 = arith.index_cast %swap3A_50 : i32 to index
    %swap3A_52 = arith.constant 48 : index
    %swap3A_53 = tpu.vector_load %arg12[%swap3A_51, %swap3A_52] {strides = array<i32>} : memref<2x64xf32, #tpu.memory_space<vmem>>, vector<1x16xf32>,
    %swap3A_54 = vector.shape_cast %swap3A_53 : vector<1x16xf32> to vector<16xf32>
    %swap3A_55 = vector.shape_cast %scan3A_7#7 : vector<16xf32> to vector<1x16xf32>
    tpu.vector_store %arg12[%swap3A_51, %swap3A_52], %swap3A_55 {strides = array<i32>} : memref<2x64xf32, #tpu.memory_space<vmem>>, vector<1x16xf32>,
    %mul3A_56 = arith.constant 2 : i32
    %mul3A_57 = arith.muli %arg1, %mul3A_56 : i32
    %add3A_58 = arith.addi %mul3A_57, %arg0 : i32
    "tpu.region"() ({
      %run_scoped3A = tpu.sem_alloc : memref<!tpu.dma_semaphore, #tpu.memory_space<semaphore_mem>>
      %dma_start3A = arith.constant 0 : i32
      %dma_start3A_59 = arith.constant 0 : i32
      %dma_start3A_60 = tpu.memref_slice %arg6[%add3A_58, %dma_start3A, %dma_start3A_59] : memref<32x2x64xf32, #tpu.memory_space<hbm>> -> memref<1x2x64xf32, #tpu.memory_space<hbm>>
      %dma_start3A_61 = tpu.memref_squeeze %dma_start3A_60 : memref<1x2x64xf32, #tpu.memory_space<hbm>> -> memref<2x64xf32, #tpu.memory_space<hbm>>
      %dma_start3A_62 = arith.constant 0 : i32
      %dma_start3A_63 = arith.constant 0 : i32
      %dma_start3A_64 = tpu.memref_slice %arg6[%add3A_58, %dma_start3A_62, %dma_start3A_63] : memref<32x2x64xf32, #tpu.memory_space<hbm>> -> memref<1x2x64xf32, #tpu.memory_space<hbm>>
      %dma_start3A_65 = tpu.memref_squeeze %dma_start3A_64 : memref<1x2x64xf32, #tpu.memory_space<hbm>> -> memref<2x64xf32, #tpu.memory_space<hbm>>
      tpu.enqueue_dma source(%arg12 : memref<2x64xf32, #tpu.memory_space<vmem>>) target(%dma_start3A_65 : memref<2x64xf32, #tpu.memory_space<hbm>>) target_semaphore(%run_scoped3A : memref<!tpu.dma_semaphore, #tpu.memory_space<semaphore_mem>>)
      %dma_wait3A = arith.constant 0 : i32
      %dma_wait3A_66 = arith.constant 0 : i32
      %dma_wait3A_67 = tpu.memref_slice %arg6[%add3A_58, %dma_wait3A, %dma_wait3A_66] : memref<32x2x64xf32, #tpu.memory_space<hbm>> -> memref<1x2x64xf32, #tpu.memory_space<hbm>>
      %dma_wait3A_68 = tpu.memref_squeeze %dma_wait3A_67 : memref<1x2x64xf32, #tpu.memory_space<hbm>> -> memref<2x64xf32, #tpu.memory_space<hbm>>
      %dma_wait3A_69 = arith.constant 0 : i32
      %dma_wait3A_70 = arith.constant 0 : i32
      %dma_wait3A_71 = tpu.memref_slice %arg6[%add3A_58, %dma_wait3A_69, %dma_wait3A_70] : memref<32x2x64xf32, #tpu.memory_space<hbm>> -> memref<1x2x64xf32, #tpu.memory_space<hbm>>
      %dma_wait3A_72 = tpu.memref_squeeze %dma_wait3A_71 : memref<1x2x64xf32, #tpu.memory_space<hbm>> -> memref<2x64xf32, #tpu.memory_space<hbm>>
      tpu.wait_dma2 semaphore(%run_scoped3A : memref<!tpu.dma_semaphore, #tpu.memory_space<semaphore_mem>>) src(%arg12 : memref<2x64xf32, #tpu.memory_space<vmem>>) dst(%dma_wait3A_72 : memref<2x64xf32, #tpu.memory_space<hbm>>)
      tpu.yield
    }) : () -> ()
    return
  }
}

#map = affine_map<(d0, d1) -> (0, 0)>
#map1 = affine_map<(d0, d1) -> (0, 0, 0)>
#map2 = affine_map<(d0, d1) -> (0)>
module attributes {stable_mosaic.version = 14 : i64} {
  func.func @k(%arg0: i32, %arg1: i32, %arg2: memref<320000x128xf32, #tpu.memory_space<hbm>>, %arg3: memref<5120x127x16xi32, #tpu.memory_space<hbm>>, %arg4: memref<10403840xi32, #tpu.memory_space<hbm>>, %arg5: memref<81920xi32, #tpu.memory_space<hbm>>, %arg6: memref<10240x64xf32, #tpu.memory_space<hbm>>, %arg7: memref<127x16xi32, #tpu.memory_space<vmem>>, %arg8: memref<2032xi32, #tpu.memory_space<vmem>>, %arg9: memref<16xi32, #tpu.memory_space<vmem>>, %arg10: memref<16x128xf32, #tpu.memory_space<vmem>>, %arg11: memref<16x128xf32, #tpu.memory_space<vmem>>, %arg12: memref<320x64xf32, #tpu.memory_space<vmem>>, %arg13: memref<!tpu.dma_semaphore, #tpu.memory_space<semaphore_mem>>, %arg14: memref<!tpu.dma_semaphore, #tpu.memory_space<semaphore_mem>>) attributes {dimension_semantics = [#tpu.dimension_semantics<core_parallel>, #tpu.dimension_semantics<subcore_parallel>], iteration_bounds = array<i64: 2, 16>, scalar_prefetch = 0 : i64, scratch_operands = 8 : i64, tpu.core_type = #tpu.core_type<sc_vector_subcore>, window_params = [{transform_indices = #map}, {transform_indices = #map1}, {transform_indices = #map2}, {transform_indices = #map2}, {transform_indices = #map}]} {
    %mul3A = arith.constant 2 : i32
    %mul3A_0 = arith.muli %arg1, %mul3A : i32
    %add3A = arith.addi %mul3A_0, %arg0 : i32
    %mul3A_1 = arith.constant 320 : i32
    %mul3A_2 = arith.muli %add3A, %mul3A_1 : i32
    %broadcast_in_dim3A = arith.constant -1.000000e+00 : f32
    %broadcast_in_dim3A_3 = vector.broadcast %broadcast_in_dim3A : f32 to vector<16xf32>
    %scan3A = arith.constant 0 : i32
    %scan3A_4 = arith.constant 0 : i32
    %scan3A_5 = arith.constant 320 : i32
    %scan3A_6 = arith.addi %scan3A_4, %scan3A_5 : i32
    %scan3A_7 = arith.constant 1 : i32
    %scan3A_8 = scf.for %scan3A_17 = %scan3A_4 to %scan3A_6 step %scan3A_7 iter_args(%scan3A_18 = %scan3A) -> (i32)  : i32 {
      %swap3A = arith.index_cast %scan3A_17 : i32 to index
      %swap3A_19 = arith.constant 0 : index
      %swap3A_20 = tpu.vector_load %arg12[%swap3A, %swap3A_19] {strides = array<i32>} : memref<320x64xf32, #tpu.memory_space<vmem>>, vector<1x16xf32>,
      %swap3A_21 = vector.shape_cast %swap3A_20 : vector<1x16xf32> to vector<16xf32>
      %swap3A_22 = vector.shape_cast %broadcast_in_dim3A_3 : vector<16xf32> to vector<1x16xf32>
      tpu.vector_store %arg12[%swap3A, %swap3A_19], %swap3A_22 {strides = array<i32>} : memref<320x64xf32, #tpu.memory_space<vmem>>, vector<1x16xf32>,
      %swap3A_23 = arith.index_cast %scan3A_17 : i32 to index
      %swap3A_24 = arith.constant 16 : index
      %swap3A_25 = tpu.vector_load %arg12[%swap3A_23, %swap3A_24] {strides = array<i32>} : memref<320x64xf32, #tpu.memory_space<vmem>>, vector<1x16xf32>,
      %swap3A_26 = vector.shape_cast %swap3A_25 : vector<1x16xf32> to vector<16xf32>
      %swap3A_27 = vector.shape_cast %broadcast_in_dim3A_3 : vector<16xf32> to vector<1x16xf32>
      tpu.vector_store %arg12[%swap3A_23, %swap3A_24], %swap3A_27 {strides = array<i32>} : memref<320x64xf32, #tpu.memory_space<vmem>>, vector<1x16xf32>,
      %swap3A_28 = arith.index_cast %scan3A_17 : i32 to index
      %swap3A_29 = arith.constant 32 : index
      %swap3A_30 = tpu.vector_load %arg12[%swap3A_28, %swap3A_29] {strides = array<i32>} : memref<320x64xf32, #tpu.memory_space<vmem>>, vector<1x16xf32>,
      %swap3A_31 = vector.shape_cast %swap3A_30 : vector<1x16xf32> to vector<16xf32>
      %swap3A_32 = vector.shape_cast %broadcast_in_dim3A_3 : vector<16xf32> to vector<1x16xf32>
      tpu.vector_store %arg12[%swap3A_28, %swap3A_29], %swap3A_32 {strides = array<i32>} : memref<320x64xf32, #tpu.memory_space<vmem>>, vector<1x16xf32>,
      %swap3A_33 = arith.index_cast %scan3A_17 : i32 to index
      %swap3A_34 = arith.constant 48 : index
      %swap3A_35 = tpu.vector_load %arg12[%swap3A_33, %swap3A_34] {strides = array<i32>} : memref<320x64xf32, #tpu.memory_space<vmem>>, vector<1x16xf32>,
      %swap3A_36 = vector.shape_cast %swap3A_35 : vector<1x16xf32> to vector<16xf32>
      %swap3A_37 = vector.shape_cast %broadcast_in_dim3A_3 : vector<16xf32> to vector<1x16xf32>
      tpu.vector_store %arg12[%swap3A_33, %swap3A_34], %swap3A_37 {strides = array<i32>} : memref<320x64xf32, #tpu.memory_space<vmem>>, vector<1x16xf32>,
      %scan3A_38 = arith.constant 0 : i32
      scf.yield %scan3A_38 : i32
    }
    %scan3A_9 = arith.constant 320 : i32
    %scan3A_10 = arith.constant 0 : i32
    %scan3A_11 = arith.constant 0 : i32
    %scan3A_12 = arith.constant 160 : i32
    %scan3A_13 = arith.addi %scan3A_11, %scan3A_12 : i32
    %scan3A_14 = arith.constant 1 : i32
    %scan3A_15 = scf.for %scan3A_17 = %scan3A_11 to %scan3A_13 step %scan3A_14 iter_args(%scan3A_18 = %scan3A_10) -> (i32)  : i32 {
      %mul3A_19 = arith.constant 160 : i32
      %mul3A_20 = arith.muli %add3A, %mul3A_19 : i32
      %add3A_21 = arith.addi %mul3A_20, %scan3A_17 : i32
      "tpu.region"() ({
        %run_scoped3A = tpu.sem_alloc : memref<!tpu.dma_semaphore, #tpu.memory_space<semaphore_mem>>
        %dma_start3A = arith.constant 0 : i32
        %dma_start3A_45 = arith.constant 0 : i32
        %dma_start3A_46 = tpu.memref_slice %arg3[%add3A_21, %dma_start3A, %dma_start3A_45] : memref<5120x127x16xi32, #tpu.memory_space<hbm>> -> memref<1x127x16xi32, #tpu.memory_space<hbm>>
        %dma_start3A_47 = tpu.memref_squeeze %dma_start3A_46 : memref<1x127x16xi32, #tpu.memory_space<hbm>> -> memref<127x16xi32, #tpu.memory_space<hbm>>
        %dma_start3A_48 = arith.constant 0 : i32
        %dma_start3A_49 = arith.constant 0 : i32
        %dma_start3A_50 = tpu.memref_slice %arg3[%add3A_21, %dma_start3A_48, %dma_start3A_49] : memref<5120x127x16xi32, #tpu.memory_space<hbm>> -> memref<1x127x16xi32, #tpu.memory_space<hbm>>
        %dma_start3A_51 = tpu.memref_squeeze %dma_start3A_50 : memref<1x127x16xi32, #tpu.memory_space<hbm>> -> memref<127x16xi32, #tpu.memory_space<hbm>>
        tpu.enqueue_dma source(%dma_start3A_51 : memref<127x16xi32, #tpu.memory_space<hbm>>) target(%arg7 : memref<127x16xi32, #tpu.memory_space<vmem>>) target_semaphore(%run_scoped3A : memref<!tpu.dma_semaphore, #tpu.memory_space<semaphore_mem>>)
        %dma_wait3A = arith.constant 0 : i32
        %dma_wait3A_52 = arith.constant 0 : i32
        %dma_wait3A_53 = tpu.memref_slice %arg3[%add3A_21, %dma_wait3A, %dma_wait3A_52] : memref<5120x127x16xi32, #tpu.memory_space<hbm>> -> memref<1x127x16xi32, #tpu.memory_space<hbm>>
        %dma_wait3A_54 = tpu.memref_squeeze %dma_wait3A_53 : memref<1x127x16xi32, #tpu.memory_space<hbm>> -> memref<127x16xi32, #tpu.memory_space<hbm>>
        %dma_wait3A_55 = arith.constant 0 : i32
        %dma_wait3A_56 = arith.constant 0 : i32
        %dma_wait3A_57 = tpu.memref_slice %arg3[%add3A_21, %dma_wait3A_55, %dma_wait3A_56] : memref<5120x127x16xi32, #tpu.memory_space<hbm>> -> memref<1x127x16xi32, #tpu.memory_space<hbm>>
        %dma_wait3A_58 = tpu.memref_squeeze %dma_wait3A_57 : memref<1x127x16xi32, #tpu.memory_space<hbm>> -> memref<127x16xi32, #tpu.memory_space<hbm>>
        tpu.wait_dma2 semaphore(%run_scoped3A : memref<!tpu.dma_semaphore, #tpu.memory_space<semaphore_mem>>) src(%dma_wait3A_58 : memref<127x16xi32, #tpu.memory_space<hbm>>) dst(%arg7 : memref<127x16xi32, #tpu.memory_space<vmem>>)
        tpu.yield
      }) : () -> ()
      %mul3A_22 = arith.constant 2032 : i32
      %mul3A_23 = arith.muli %add3A_21, %mul3A_22 : i32
      "tpu.region"() ({
        %run_scoped3A = tpu.sem_alloc : memref<!tpu.dma_semaphore, #tpu.memory_space<semaphore_mem>>
        %dma_start3A = tpu.memref_slice %arg4[%mul3A_23] : memref<10403840xi32, #tpu.memory_space<hbm>> -> memref<2032xi32, #tpu.memory_space<hbm>>
        %dma_start3A_45 = tpu.memref_slice %arg4[%mul3A_23] : memref<10403840xi32, #tpu.memory_space<hbm>> -> memref<2032xi32, #tpu.memory_space<hbm>>
        tpu.enqueue_dma source(%dma_start3A_45 : memref<2032xi32, #tpu.memory_space<hbm>>) target(%arg8 : memref<2032xi32, #tpu.memory_space<vmem>>) target_semaphore(%run_scoped3A : memref<!tpu.dma_semaphore, #tpu.memory_space<semaphore_mem>>)
        %dma_wait3A = tpu.memref_slice %arg4[%mul3A_23] : memref<10403840xi32, #tpu.memory_space<hbm>> -> memref<2032xi32, #tpu.memory_space<hbm>>
        %dma_wait3A_46 = tpu.memref_slice %arg4[%mul3A_23] : memref<10403840xi32, #tpu.memory_space<hbm>> -> memref<2032xi32, #tpu.memory_space<hbm>>
        tpu.wait_dma2 semaphore(%run_scoped3A : memref<!tpu.dma_semaphore, #tpu.memory_space<semaphore_mem>>) src(%dma_wait3A_46 : memref<2032xi32, #tpu.memory_space<hbm>>) dst(%arg8 : memref<2032xi32, #tpu.memory_space<vmem>>)
        tpu.yield
      }) : () -> ()
      %mul3A_24 = arith.constant 16 : i32
      %mul3A_25 = arith.muli %add3A_21, %mul3A_24 : i32
      "tpu.region"() ({
        %run_scoped3A = tpu.sem_alloc : memref<!tpu.dma_semaphore, #tpu.memory_space<semaphore_mem>>
        %dma_start3A = tpu.memref_slice %arg5[%mul3A_25] : memref<81920xi32, #tpu.memory_space<hbm>> -> memref<16xi32, #tpu.memory_space<hbm>>
        %dma_start3A_45 = tpu.memref_slice %arg5[%mul3A_25] : memref<81920xi32, #tpu.memory_space<hbm>> -> memref<16xi32, #tpu.memory_space<hbm>>
        tpu.enqueue_dma source(%dma_start3A_45 : memref<16xi32, #tpu.memory_space<hbm>>) target(%arg9 : memref<16xi32, #tpu.memory_space<vmem>>) target_semaphore(%run_scoped3A : memref<!tpu.dma_semaphore, #tpu.memory_space<semaphore_mem>>)
        %dma_wait3A = tpu.memref_slice %arg5[%mul3A_25] : memref<81920xi32, #tpu.memory_space<hbm>> -> memref<16xi32, #tpu.memory_space<hbm>>
        %dma_wait3A_46 = tpu.memref_slice %arg5[%mul3A_25] : memref<81920xi32, #tpu.memory_space<hbm>> -> memref<16xi32, #tpu.memory_space<hbm>>
        tpu.wait_dma2 semaphore(%run_scoped3A : memref<!tpu.dma_semaphore, #tpu.memory_space<semaphore_mem>>) src(%dma_wait3A_46 : memref<16xi32, #tpu.memory_space<hbm>>) dst(%arg9 : memref<16xi32, #tpu.memory_space<vmem>>)
        tpu.yield
      }) : () -> ()
      %get3A = arith.constant 0 : index
      %get3A_26 = tpu.vector_load %arg9[%get3A] {strides = array<i32>} : memref<16xi32, #tpu.memory_space<vmem>>, vector<16xi32>,
      %get3A_27 = vector.shape_cast %get3A_26 : vector<16xi32> to vector<16xi32>
      %slice3A = vector.extract_strided_slice %get3A_27 {offsets = [15], sizes = [1], strides = [1]} : vector<16xi32> to vector<1xi32>
      %squeeze3A = vector.extract %slice3A[0] : i32 from vector<1xi32>
      %add3A_28 = arith.constant 15 : i32
      %add3A_29 = arith.addi %squeeze3A, %add3A_28 : i32
      %shift_right_arithmetic3A = arith.constant 4 : i32
      %shift_right_arithmetic3A_30 = arith.shrsi %add3A_29, %shift_right_arithmetic3A : i32
      %gt3A = arith.constant 0 : i32
      %gt3A_31 = arith.cmpi sgt, %shift_right_arithmetic3A_30, %gt3A : i32
      %convert_element_type3A = arith.extui %gt3A_31 : i1 to i32
      %cond3A = arith.constant 0 : i32
      %cond3A_32 = arith.cmpi ne, %convert_element_type3A, %cond3A : i32
      scf.if %cond3A_32 {
        %dma_start3A = arith.constant 0 : i32
        %dma_start3A_45 = arith.constant 0 : i32
        %dma_start3A_46 = tpu.memref_slice %arg7[%dma_start3A, %dma_start3A_45] : memref<127x16xi32, #tpu.memory_space<vmem>> -> memref<1x16xi32, #tpu.memory_space<vmem>>
        %dma_start3A_47 = tpu.memref_squeeze %dma_start3A_46 : memref<1x16xi32, #tpu.memory_space<vmem>> -> memref<16xi32, #tpu.memory_space<vmem>>
        %dma_start3A_48 = arith.constant 0 : i32
        %dma_start3A_49 = arith.constant 0 : i32
        %dma_start3A_50 = tpu.memref_slice %arg2[%dma_start3A_48, %dma_start3A_49] : memref<320000x128xf32, #tpu.memory_space<hbm>> -> memref<320000x128xf32, #tpu.memory_space<hbm>>
        tpu.enqueue_indirect_dma source(%dma_start3A_50 : memref<320000x128xf32, #tpu.memory_space<hbm>>) target(%arg10 : memref<16x128xf32, #tpu.memory_space<vmem>>) offsets(%dma_start3A_47 : memref<16xi32, #tpu.memory_space<vmem>>) semaphore(%arg13 : memref<!tpu.dma_semaphore, #tpu.memory_space<semaphore_mem>>)
      } else {
      }
      %while3A = arith.constant 0 : i32
      %while3A_33 = arith.constant 0 : i32
      %while3A_34 = arith.subi %shift_right_arithmetic3A_30, %while3A : i32
      %while3A_35 = arith.addi %while3A, %while3A_34 : i32
      %while3A_36 = arith.constant 1 : i32
      %while3A_37 = arith.divsi %while3A_34, %while3A_36 : i32
      %while3A_38 = arith.muli %while3A_37, %while3A_36 : i32
      %while3A_39 = arith.addi %while3A, %while3A_38 : i32
      %while3A_40 = arith.constant 1 : i32
      %while3A_41 = scf.for %while3A_45 = %while3A to %while3A_39 step %while3A_40 iter_args(%while3A_46 = %while3A_33) -> (i32)  : i32 {
        %mul3A_47 = arith.constant 16 : i32
        %mul3A_48 = arith.muli %while3A_45, %mul3A_47 : i32
        %sub3A = arith.subi %squeeze3A, %mul3A_48 : i32
        %min3A = arith.constant 16 : i32
        %min3A_49 = arith.minsi %sub3A, %min3A : i32
        %and3A = arith.constant 1 : i32
        %and3A_50 = arith.andi %while3A_45, %and3A : i32
        %eq3A = arith.constant 0 : i32
        %eq3A_51 = arith.cmpi eq, %and3A_50, %eq3A : i32
        %convert_element_type3A_52 = arith.extui %eq3A_51 : i1 to i32
        %cond3A_53 = arith.constant 0 : i32
        %cond3A_54 = arith.cmpi ne, %convert_element_type3A_52, %cond3A_53 : i32
        scf.if %cond3A_54 {
          %add3A_63 = arith.constant 1 : i32
          %add3A_64 = arith.addi %while3A_45, %add3A_63 : i32
          %lt3A = arith.cmpi slt, %add3A_64, %shift_right_arithmetic3A_30 : i32
          %convert_element_type3A_65 = arith.extui %lt3A : i1 to i32
          %cond3A_66 = arith.constant 0 : i32
          %cond3A_67 = arith.cmpi ne, %convert_element_type3A_65, %cond3A_66 : i32
          scf.if %cond3A_67 {
            %add3A_85 = arith.constant 1 : i32
            %add3A_86 = arith.addi %while3A_45, %add3A_85 : i32
            %dma_start3A = arith.constant 0 : i32
            %dma_start3A_87 = tpu.memref_slice %arg7[%add3A_86, %dma_start3A] : memref<127x16xi32, #tpu.memory_space<vmem>> -> memref<1x16xi32, #tpu.memory_space<vmem>>
            %dma_start3A_88 = tpu.memref_squeeze %dma_start3A_87 : memref<1x16xi32, #tpu.memory_space<vmem>> -> memref<16xi32, #tpu.memory_space<vmem>>
            %dma_start3A_89 = arith.constant 0 : i32
            %dma_start3A_90 = arith.constant 0 : i32
            %dma_start3A_91 = tpu.memref_slice %arg2[%dma_start3A_89, %dma_start3A_90] : memref<320000x128xf32, #tpu.memory_space<hbm>> -> memref<320000x128xf32, #tpu.memory_space<hbm>>
            tpu.enqueue_indirect_dma source(%dma_start3A_91 : memref<320000x128xf32, #tpu.memory_space<hbm>>) target(%arg11 : memref<16x128xf32, #tpu.memory_space<vmem>>) offsets(%dma_start3A_88 : memref<16xi32, #tpu.memory_space<vmem>>) semaphore(%arg14 : memref<!tpu.dma_semaphore, #tpu.memory_space<semaphore_mem>>)
          } else {
          }
          %dma_wait3A = arith.constant 0 : i32
          %dma_wait3A_68 = tpu.memref_slice %arg7[%while3A_45, %dma_wait3A] : memref<127x16xi32, #tpu.memory_space<vmem>> -> memref<1x16xi32, #tpu.memory_space<vmem>>
          %dma_wait3A_69 = tpu.memref_squeeze %dma_wait3A_68 : memref<1x16xi32, #tpu.memory_space<vmem>> -> memref<16xi32, #tpu.memory_space<vmem>>
          %dma_wait3A_70 = arith.constant 0 : i32
          %dma_wait3A_71 = arith.constant 0 : i32
          %dma_wait3A_72 = tpu.memref_slice %arg2[%dma_wait3A_70, %dma_wait3A_71] : memref<320000x128xf32, #tpu.memory_space<hbm>> -> memref<320000x128xf32, #tpu.memory_space<hbm>>
          tpu.wait_indirect_dma semaphore(%arg13 : memref<!tpu.dma_semaphore, #tpu.memory_space<semaphore_mem>>) src(%dma_wait3A_72 : memref<320000x128xf32, #tpu.memory_space<hbm>>) dst(%arg10 : memref<16x128xf32, #tpu.memory_space<vmem>>)
          %while3A_73 = arith.constant 0 : i32
          %while3A_74 = arith.constant 0 : i32
          %while3A_75 = arith.subi %min3A_49, %while3A_73 : i32
          %while3A_76 = arith.addi %while3A_73, %while3A_75 : i32
          %while3A_77 = arith.constant 1 : i32
          %while3A_78 = arith.divsi %while3A_75, %while3A_77 : i32
          %while3A_79 = arith.muli %while3A_78, %while3A_77 : i32
          %while3A_80 = arith.addi %while3A_73, %while3A_79 : i32
          %while3A_81 = arith.constant 1 : i32
          %while3A_82 = scf.for %while3A_85 = %while3A_73 to %while3A_80 step %while3A_81 iter_args(%while3A_86 = %while3A_74) -> (i32)  : i32 {
            %add3A_87 = arith.addi %mul3A_48, %while3A_85 : i32
            %get3A_88 = arith.index_cast %add3A_87 : i32 to index
            %get3A_89 = tpu.vector_load %arg8[%get3A_88] {strides = array<i32>} : memref<2032xi32, #tpu.memory_space<vmem>>, vector<16xi32>,
            %get3A_90 = vector.shape_cast %get3A_89 : vector<16xi32> to vector<16xi32>
            %slice3A_91 = vector.extract_strided_slice %get3A_90 {offsets = [0], sizes = [1], strides = [1]} : vector<16xi32> to vector<1xi32>
            %squeeze3A_92 = vector.extract %slice3A_91[0] : i32 from vector<1xi32>
            %get3A_93 = arith.index_cast %squeeze3A_92 : i32 to index
            %get3A_94 = arith.constant 0 : index
            %get3A_95 = tpu.vector_load %arg12[%get3A_93, %get3A_94] {strides = array<i32>} : memref<320x64xf32, #tpu.memory_space<vmem>>, vector<1x16xf32>,
            %get3A_96 = vector.shape_cast %get3A_95 : vector<1x16xf32> to vector<16xf32>
            %get3A_97 = arith.index_cast %while3A_85 : i32 to index
            %get3A_98 = arith.constant 0 : index
            %get3A_99 = tpu.vector_load %arg10[%get3A_97, %get3A_98] {strides = array<i32>} : memref<16x128xf32, #tpu.memory_space<vmem>>, vector<1x16xf32>,
            %get3A_100 = vector.shape_cast %get3A_99 : vector<1x16xf32> to vector<16xf32>
            %max3A = arith.maximumf %get3A_96, %get3A_100 : vector<16xf32>
            %swap3A = arith.index_cast %squeeze3A_92 : i32 to index
            %swap3A_101 = arith.constant 0 : index
            %swap3A_102 = tpu.vector_load %arg12[%swap3A, %swap3A_101] {strides = array<i32>} : memref<320x64xf32, #tpu.memory_space<vmem>>, vector<1x16xf32>,
            %swap3A_103 = vector.shape_cast %swap3A_102 : vector<1x16xf32> to vector<16xf32>
            %swap3A_104 = vector.shape_cast %max3A : vector<16xf32> to vector<1x16xf32>
            tpu.vector_store %arg12[%swap3A, %swap3A_101], %swap3A_104 {strides = array<i32>} : memref<320x64xf32, #tpu.memory_space<vmem>>, vector<1x16xf32>,
            %get3A_105 = arith.index_cast %squeeze3A_92 : i32 to index
            %get3A_106 = arith.constant 16 : index
            %get3A_107 = tpu.vector_load %arg12[%get3A_105, %get3A_106] {strides = array<i32>} : memref<320x64xf32, #tpu.memory_space<vmem>>, vector<1x16xf32>,
            %get3A_108 = vector.shape_cast %get3A_107 : vector<1x16xf32> to vector<16xf32>
            %get3A_109 = arith.index_cast %while3A_85 : i32 to index
            %get3A_110 = arith.constant 16 : index
            %get3A_111 = tpu.vector_load %arg10[%get3A_109, %get3A_110] {strides = array<i32>} : memref<16x128xf32, #tpu.memory_space<vmem>>, vector<1x16xf32>,
            %get3A_112 = vector.shape_cast %get3A_111 : vector<1x16xf32> to vector<16xf32>
            %max3A_113 = arith.maximumf %get3A_108, %get3A_112 : vector<16xf32>
            %swap3A_114 = arith.index_cast %squeeze3A_92 : i32 to index
            %swap3A_115 = arith.constant 16 : index
            %swap3A_116 = tpu.vector_load %arg12[%swap3A_114, %swap3A_115] {strides = array<i32>} : memref<320x64xf32, #tpu.memory_space<vmem>>, vector<1x16xf32>,
            %swap3A_117 = vector.shape_cast %swap3A_116 : vector<1x16xf32> to vector<16xf32>
            %swap3A_118 = vector.shape_cast %max3A_113 : vector<16xf32> to vector<1x16xf32>
            tpu.vector_store %arg12[%swap3A_114, %swap3A_115], %swap3A_118 {strides = array<i32>} : memref<320x64xf32, #tpu.memory_space<vmem>>, vector<1x16xf32>,
            %get3A_119 = arith.index_cast %squeeze3A_92 : i32 to index
            %get3A_120 = arith.constant 32 : index
            %get3A_121 = tpu.vector_load %arg12[%get3A_119, %get3A_120] {strides = array<i32>} : memref<320x64xf32, #tpu.memory_space<vmem>>, vector<1x16xf32>,
            %get3A_122 = vector.shape_cast %get3A_121 : vector<1x16xf32> to vector<16xf32>
            %get3A_123 = arith.index_cast %while3A_85 : i32 to index
            %get3A_124 = arith.constant 32 : index
            %get3A_125 = tpu.vector_load %arg10[%get3A_123, %get3A_124] {strides = array<i32>} : memref<16x128xf32, #tpu.memory_space<vmem>>, vector<1x16xf32>,
            %get3A_126 = vector.shape_cast %get3A_125 : vector<1x16xf32> to vector<16xf32>
            %max3A_127 = arith.maximumf %get3A_122, %get3A_126 : vector<16xf32>
            %swap3A_128 = arith.index_cast %squeeze3A_92 : i32 to index
            %swap3A_129 = arith.constant 32 : index
            %swap3A_130 = tpu.vector_load %arg12[%swap3A_128, %swap3A_129] {strides = array<i32>} : memref<320x64xf32, #tpu.memory_space<vmem>>, vector<1x16xf32>,
            %swap3A_131 = vector.shape_cast %swap3A_130 : vector<1x16xf32> to vector<16xf32>
            %swap3A_132 = vector.shape_cast %max3A_127 : vector<16xf32> to vector<1x16xf32>
            tpu.vector_store %arg12[%swap3A_128, %swap3A_129], %swap3A_132 {strides = array<i32>} : memref<320x64xf32, #tpu.memory_space<vmem>>, vector<1x16xf32>,
            %get3A_133 = arith.index_cast %squeeze3A_92 : i32 to index
            %get3A_134 = arith.constant 48 : index
            %get3A_135 = tpu.vector_load %arg12[%get3A_133, %get3A_134] {strides = array<i32>} : memref<320x64xf32, #tpu.memory_space<vmem>>, vector<1x16xf32>,
            %get3A_136 = vector.shape_cast %get3A_135 : vector<1x16xf32> to vector<16xf32>
            %get3A_137 = arith.index_cast %while3A_85 : i32 to index
            %get3A_138 = arith.constant 48 : index
            %get3A_139 = tpu.vector_load %arg10[%get3A_137, %get3A_138] {strides = array<i32>} : memref<16x128xf32, #tpu.memory_space<vmem>>, vector<1x16xf32>,
            %get3A_140 = vector.shape_cast %get3A_139 : vector<1x16xf32> to vector<16xf32>
            %max3A_141 = arith.maximumf %get3A_136, %get3A_140 : vector<16xf32>
            %swap3A_142 = arith.index_cast %squeeze3A_92 : i32 to index
            %swap3A_143 = arith.constant 48 : index
            %swap3A_144 = tpu.vector_load %arg12[%swap3A_142, %swap3A_143] {strides = array<i32>} : memref<320x64xf32, #tpu.memory_space<vmem>>, vector<1x16xf32>,
            %swap3A_145 = vector.shape_cast %swap3A_144 : vector<1x16xf32> to vector<16xf32>
            %swap3A_146 = vector.shape_cast %max3A_141 : vector<16xf32> to vector<1x16xf32>
            tpu.vector_store %arg12[%swap3A_142, %swap3A_143], %swap3A_146 {strides = array<i32>} : memref<320x64xf32, #tpu.memory_space<vmem>>, vector<1x16xf32>,
            %while3A_147 = arith.constant 0 : i32
            scf.yield %while3A_147 : i32
          }
          %while3A_83 = arith.constant 1 : i32
          %while3A_84 = scf.for %while3A_85 = %while3A_80 to %while3A_76 step %while3A_83 iter_args(%while3A_86 = %while3A_82) -> (i32)  : i32 {
            %add3A_87 = arith.addi %mul3A_48, %while3A_85 : i32
            %get3A_88 = arith.index_cast %add3A_87 : i32 to index
            %get3A_89 = tpu.vector_load %arg8[%get3A_88] {strides = array<i32>} : memref<2032xi32, #tpu.memory_space<vmem>>, vector<16xi32>,
            %get3A_90 = vector.shape_cast %get3A_89 : vector<16xi32> to vector<16xi32>
            %slice3A_91 = vector.extract_strided_slice %get3A_90 {offsets = [0], sizes = [1], strides = [1]} : vector<16xi32> to vector<1xi32>
            %squeeze3A_92 = vector.extract %slice3A_91[0] : i32 from vector<1xi32>
            %get3A_93 = arith.index_cast %squeeze3A_92 : i32 to index
            %get3A_94 = arith.constant 0 : index
            %get3A_95 = tpu.vector_load %arg12[%get3A_93, %get3A_94] {strides = array<i32>} : memref<320x64xf32, #tpu.memory_space<vmem>>, vector<1x16xf32>,
            %get3A_96 = vector.shape_cast %get3A_95 : vector<1x16xf32> to vector<16xf32>
            %get3A_97 = arith.index_cast %while3A_85 : i32 to index
            %get3A_98 = arith.constant 0 : index
            %get3A_99 = tpu.vector_load %arg10[%get3A_97, %get3A_98] {strides = array<i32>} : memref<16x128xf32, #tpu.memory_space<vmem>>, vector<1x16xf32>,
            %get3A_100 = vector.shape_cast %get3A_99 : vector<1x16xf32> to vector<16xf32>
            %max3A = arith.maximumf %get3A_96, %get3A_100 : vector<16xf32>
            %swap3A = arith.index_cast %squeeze3A_92 : i32 to index
            %swap3A_101 = arith.constant 0 : index
            %swap3A_102 = tpu.vector_load %arg12[%swap3A, %swap3A_101] {strides = array<i32>} : memref<320x64xf32, #tpu.memory_space<vmem>>, vector<1x16xf32>,
            %swap3A_103 = vector.shape_cast %swap3A_102 : vector<1x16xf32> to vector<16xf32>
            %swap3A_104 = vector.shape_cast %max3A : vector<16xf32> to vector<1x16xf32>
            tpu.vector_store %arg12[%swap3A, %swap3A_101], %swap3A_104 {strides = array<i32>} : memref<320x64xf32, #tpu.memory_space<vmem>>, vector<1x16xf32>,
            %get3A_105 = arith.index_cast %squeeze3A_92 : i32 to index
            %get3A_106 = arith.constant 16 : index
            %get3A_107 = tpu.vector_load %arg12[%get3A_105, %get3A_106] {strides = array<i32>} : memref<320x64xf32, #tpu.memory_space<vmem>>, vector<1x16xf32>,
            %get3A_108 = vector.shape_cast %get3A_107 : vector<1x16xf32> to vector<16xf32>
            %get3A_109 = arith.index_cast %while3A_85 : i32 to index
            %get3A_110 = arith.constant 16 : index
            %get3A_111 = tpu.vector_load %arg10[%get3A_109, %get3A_110] {strides = array<i32>} : memref<16x128xf32, #tpu.memory_space<vmem>>, vector<1x16xf32>,
            %get3A_112 = vector.shape_cast %get3A_111 : vector<1x16xf32> to vector<16xf32>
            %max3A_113 = arith.maximumf %get3A_108, %get3A_112 : vector<16xf32>
            %swap3A_114 = arith.index_cast %squeeze3A_92 : i32 to index
            %swap3A_115 = arith.constant 16 : index
            %swap3A_116 = tpu.vector_load %arg12[%swap3A_114, %swap3A_115] {strides = array<i32>} : memref<320x64xf32, #tpu.memory_space<vmem>>, vector<1x16xf32>,
            %swap3A_117 = vector.shape_cast %swap3A_116 : vector<1x16xf32> to vector<16xf32>
            %swap3A_118 = vector.shape_cast %max3A_113 : vector<16xf32> to vector<1x16xf32>
            tpu.vector_store %arg12[%swap3A_114, %swap3A_115], %swap3A_118 {strides = array<i32>} : memref<320x64xf32, #tpu.memory_space<vmem>>, vector<1x16xf32>,
            %get3A_119 = arith.index_cast %squeeze3A_92 : i32 to index
            %get3A_120 = arith.constant 32 : index
            %get3A_121 = tpu.vector_load %arg12[%get3A_119, %get3A_120] {strides = array<i32>} : memref<320x64xf32, #tpu.memory_space<vmem>>, vector<1x16xf32>,
            %get3A_122 = vector.shape_cast %get3A_121 : vector<1x16xf32> to vector<16xf32>
            %get3A_123 = arith.index_cast %while3A_85 : i32 to index
            %get3A_124 = arith.constant 32 : index
            %get3A_125 = tpu.vector_load %arg10[%get3A_123, %get3A_124] {strides = array<i32>} : memref<16x128xf32, #tpu.memory_space<vmem>>, vector<1x16xf32>,
            %get3A_126 = vector.shape_cast %get3A_125 : vector<1x16xf32> to vector<16xf32>
            %max3A_127 = arith.maximumf %get3A_122, %get3A_126 : vector<16xf32>
            %swap3A_128 = arith.index_cast %squeeze3A_92 : i32 to index
            %swap3A_129 = arith.constant 32 : index
            %swap3A_130 = tpu.vector_load %arg12[%swap3A_128, %swap3A_129] {strides = array<i32>} : memref<320x64xf32, #tpu.memory_space<vmem>>, vector<1x16xf32>,
            %swap3A_131 = vector.shape_cast %swap3A_130 : vector<1x16xf32> to vector<16xf32>
            %swap3A_132 = vector.shape_cast %max3A_127 : vector<16xf32> to vector<1x16xf32>
            tpu.vector_store %arg12[%swap3A_128, %swap3A_129], %swap3A_132 {strides = array<i32>} : memref<320x64xf32, #tpu.memory_space<vmem>>, vector<1x16xf32>,
            %get3A_133 = arith.index_cast %squeeze3A_92 : i32 to index
            %get3A_134 = arith.constant 48 : index
            %get3A_135 = tpu.vector_load %arg12[%get3A_133, %get3A_134] {strides = array<i32>} : memref<320x64xf32, #tpu.memory_space<vmem>>, vector<1x16xf32>,
            %get3A_136 = vector.shape_cast %get3A_135 : vector<1x16xf32> to vector<16xf32>
            %get3A_137 = arith.index_cast %while3A_85 : i32 to index
            %get3A_138 = arith.constant 48 : index
            %get3A_139 = tpu.vector_load %arg10[%get3A_137, %get3A_138] {strides = array<i32>} : memref<16x128xf32, #tpu.memory_space<vmem>>, vector<1x16xf32>,
            %get3A_140 = vector.shape_cast %get3A_139 : vector<1x16xf32> to vector<16xf32>
            %max3A_141 = arith.maximumf %get3A_136, %get3A_140 : vector<16xf32>
            %swap3A_142 = arith.index_cast %squeeze3A_92 : i32 to index
            %swap3A_143 = arith.constant 48 : index
            %swap3A_144 = tpu.vector_load %arg12[%swap3A_142, %swap3A_143] {strides = array<i32>} : memref<320x64xf32, #tpu.memory_space<vmem>>, vector<1x16xf32>,
            %swap3A_145 = vector.shape_cast %swap3A_144 : vector<1x16xf32> to vector<16xf32>
            %swap3A_146 = vector.shape_cast %max3A_141 : vector<16xf32> to vector<1x16xf32>
            tpu.vector_store %arg12[%swap3A_142, %swap3A_143], %swap3A_146 {strides = array<i32>} : memref<320x64xf32, #tpu.memory_space<vmem>>, vector<1x16xf32>,
            %while3A_147 = arith.constant 0 : i32
            scf.yield %while3A_147 : i32
          }
        } else {
        }
        %and3A_55 = arith.constant 1 : i32
        %and3A_56 = arith.andi %while3A_45, %and3A_55 : i32
        %eq3A_57 = arith.constant 1 : i32
        %eq3A_58 = arith.cmpi eq, %and3A_56, %eq3A_57 : i32
        %convert_element_type3A_59 = arith.extui %eq3A_58 : i1 to i32
        %cond3A_60 = arith.constant 0 : i32
        %cond3A_61 = arith.cmpi ne, %convert_element_type3A_59, %cond3A_60 : i32
        scf.if %cond3A_61 {
          %add3A_63 = arith.constant 1 : i32
          %add3A_64 = arith.addi %while3A_45, %add3A_63 : i32
          %lt3A = arith.cmpi slt, %add3A_64, %shift_right_arithmetic3A_30 : i32
          %convert_element_type3A_65 = arith.extui %lt3A : i1 to i32
          %cond3A_66 = arith.constant 0 : i32
          %cond3A_67 = arith.cmpi ne, %convert_element_type3A_65, %cond3A_66 : i32
          scf.if %cond3A_67 {
            %add3A_85 = arith.constant 1 : i32
            %add3A_86 = arith.addi %while3A_45, %add3A_85 : i32
            %dma_start3A = arith.constant 0 : i32
            %dma_start3A_87 = tpu.memref_slice %arg7[%add3A_86, %dma_start3A] : memref<127x16xi32, #tpu.memory_space<vmem>> -> memref<1x16xi32, #tpu.memory_space<vmem>>
            %dma_start3A_88 = tpu.memref_squeeze %dma_start3A_87 : memref<1x16xi32, #tpu.memory_space<vmem>> -> memref<16xi32, #tpu.memory_space<vmem>>
            %dma_start3A_89 = arith.constant 0 : i32
            %dma_start3A_90 = arith.constant 0 : i32
            %dma_start3A_91 = tpu.memref_slice %arg2[%dma_start3A_89, %dma_start3A_90] : memref<320000x128xf32, #tpu.memory_space<hbm>> -> memref<320000x128xf32, #tpu.memory_space<hbm>>
            tpu.enqueue_indirect_dma source(%dma_start3A_91 : memref<320000x128xf32, #tpu.memory_space<hbm>>) target(%arg10 : memref<16x128xf32, #tpu.memory_space<vmem>>) offsets(%dma_start3A_88 : memref<16xi32, #tpu.memory_space<vmem>>) semaphore(%arg13 : memref<!tpu.dma_semaphore, #tpu.memory_space<semaphore_mem>>)
          } else {
          }
          %dma_wait3A = arith.constant 0 : i32
          %dma_wait3A_68 = tpu.memref_slice %arg7[%while3A_45, %dma_wait3A] : memref<127x16xi32, #tpu.memory_space<vmem>> -> memref<1x16xi32, #tpu.memory_space<vmem>>
          %dma_wait3A_69 = tpu.memref_squeeze %dma_wait3A_68 : memref<1x16xi32, #tpu.memory_space<vmem>> -> memref<16xi32, #tpu.memory_space<vmem>>
          %dma_wait3A_70 = arith.constant 0 : i32
          %dma_wait3A_71 = arith.constant 0 : i32
          %dma_wait3A_72 = tpu.memref_slice %arg2[%dma_wait3A_70, %dma_wait3A_71] : memref<320000x128xf32, #tpu.memory_space<hbm>> -> memref<320000x128xf32, #tpu.memory_space<hbm>>
          tpu.wait_indirect_dma semaphore(%arg14 : memref<!tpu.dma_semaphore, #tpu.memory_space<semaphore_mem>>) src(%dma_wait3A_72 : memref<320000x128xf32, #tpu.memory_space<hbm>>) dst(%arg11 : memref<16x128xf32, #tpu.memory_space<vmem>>)
          %while3A_73 = arith.constant 0 : i32
          %while3A_74 = arith.constant 0 : i32
          %while3A_75 = arith.subi %min3A_49, %while3A_73 : i32
          %while3A_76 = arith.addi %while3A_73, %while3A_75 : i32
          %while3A_77 = arith.constant 1 : i32
          %while3A_78 = arith.divsi %while3A_75, %while3A_77 : i32
          %while3A_79 = arith.muli %while3A_78, %while3A_77 : i32
          %while3A_80 = arith.addi %while3A_73, %while3A_79 : i32
          %while3A_81 = arith.constant 1 : i32
          %while3A_82 = scf.for %while3A_85 = %while3A_73 to %while3A_80 step %while3A_81 iter_args(%while3A_86 = %while3A_74) -> (i32)  : i32 {
            %add3A_87 = arith.addi %mul3A_48, %while3A_85 : i32
            %get3A_88 = arith.index_cast %add3A_87 : i32 to index
            %get3A_89 = tpu.vector_load %arg8[%get3A_88] {strides = array<i32>} : memref<2032xi32, #tpu.memory_space<vmem>>, vector<16xi32>,
            %get3A_90 = vector.shape_cast %get3A_89 : vector<16xi32> to vector<16xi32>
            %slice3A_91 = vector.extract_strided_slice %get3A_90 {offsets = [0], sizes = [1], strides = [1]} : vector<16xi32> to vector<1xi32>
            %squeeze3A_92 = vector.extract %slice3A_91[0] : i32 from vector<1xi32>
            %get3A_93 = arith.index_cast %squeeze3A_92 : i32 to index
            %get3A_94 = arith.constant 0 : index
            %get3A_95 = tpu.vector_load %arg12[%get3A_93, %get3A_94] {strides = array<i32>} : memref<320x64xf32, #tpu.memory_space<vmem>>, vector<1x16xf32>,
            %get3A_96 = vector.shape_cast %get3A_95 : vector<1x16xf32> to vector<16xf32>
            %get3A_97 = arith.index_cast %while3A_85 : i32 to index
            %get3A_98 = arith.constant 0 : index
            %get3A_99 = tpu.vector_load %arg11[%get3A_97, %get3A_98] {strides = array<i32>} : memref<16x128xf32, #tpu.memory_space<vmem>>, vector<1x16xf32>,
            %get3A_100 = vector.shape_cast %get3A_99 : vector<1x16xf32> to vector<16xf32>
            %max3A = arith.maximumf %get3A_96, %get3A_100 : vector<16xf32>
            %swap3A = arith.index_cast %squeeze3A_92 : i32 to index
            %swap3A_101 = arith.constant 0 : index
            %swap3A_102 = tpu.vector_load %arg12[%swap3A, %swap3A_101] {strides = array<i32>} : memref<320x64xf32, #tpu.memory_space<vmem>>, vector<1x16xf32>,
            %swap3A_103 = vector.shape_cast %swap3A_102 : vector<1x16xf32> to vector<16xf32>
            %swap3A_104 = vector.shape_cast %max3A : vector<16xf32> to vector<1x16xf32>
            tpu.vector_store %arg12[%swap3A, %swap3A_101], %swap3A_104 {strides = array<i32>} : memref<320x64xf32, #tpu.memory_space<vmem>>, vector<1x16xf32>,
            %get3A_105 = arith.index_cast %squeeze3A_92 : i32 to index
            %get3A_106 = arith.constant 16 : index
            %get3A_107 = tpu.vector_load %arg12[%get3A_105, %get3A_106] {strides = array<i32>} : memref<320x64xf32, #tpu.memory_space<vmem>>, vector<1x16xf32>,
            %get3A_108 = vector.shape_cast %get3A_107 : vector<1x16xf32> to vector<16xf32>
            %get3A_109 = arith.index_cast %while3A_85 : i32 to index
            %get3A_110 = arith.constant 16 : index
            %get3A_111 = tpu.vector_load %arg11[%get3A_109, %get3A_110] {strides = array<i32>} : memref<16x128xf32, #tpu.memory_space<vmem>>, vector<1x16xf32>,
            %get3A_112 = vector.shape_cast %get3A_111 : vector<1x16xf32> to vector<16xf32>
            %max3A_113 = arith.maximumf %get3A_108, %get3A_112 : vector<16xf32>
            %swap3A_114 = arith.index_cast %squeeze3A_92 : i32 to index
            %swap3A_115 = arith.constant 16 : index
            %swap3A_116 = tpu.vector_load %arg12[%swap3A_114, %swap3A_115] {strides = array<i32>} : memref<320x64xf32, #tpu.memory_space<vmem>>, vector<1x16xf32>,
            %swap3A_117 = vector.shape_cast %swap3A_116 : vector<1x16xf32> to vector<16xf32>
            %swap3A_118 = vector.shape_cast %max3A_113 : vector<16xf32> to vector<1x16xf32>
            tpu.vector_store %arg12[%swap3A_114, %swap3A_115], %swap3A_118 {strides = array<i32>} : memref<320x64xf32, #tpu.memory_space<vmem>>, vector<1x16xf32>,
            %get3A_119 = arith.index_cast %squeeze3A_92 : i32 to index
            %get3A_120 = arith.constant 32 : index
            %get3A_121 = tpu.vector_load %arg12[%get3A_119, %get3A_120] {strides = array<i32>} : memref<320x64xf32, #tpu.memory_space<vmem>>, vector<1x16xf32>,
            %get3A_122 = vector.shape_cast %get3A_121 : vector<1x16xf32> to vector<16xf32>
            %get3A_123 = arith.index_cast %while3A_85 : i32 to index
            %get3A_124 = arith.constant 32 : index
            %get3A_125 = tpu.vector_load %arg11[%get3A_123, %get3A_124] {strides = array<i32>} : memref<16x128xf32, #tpu.memory_space<vmem>>, vector<1x16xf32>,
            %get3A_126 = vector.shape_cast %get3A_125 : vector<1x16xf32> to vector<16xf32>
            %max3A_127 = arith.maximumf %get3A_122, %get3A_126 : vector<16xf32>
            %swap3A_128 = arith.index_cast %squeeze3A_92 : i32 to index
            %swap3A_129 = arith.constant 32 : index
            %swap3A_130 = tpu.vector_load %arg12[%swap3A_128, %swap3A_129] {strides = array<i32>} : memref<320x64xf32, #tpu.memory_space<vmem>>, vector<1x16xf32>,
            %swap3A_131 = vector.shape_cast %swap3A_130 : vector<1x16xf32> to vector<16xf32>
            %swap3A_132 = vector.shape_cast %max3A_127 : vector<16xf32> to vector<1x16xf32>
            tpu.vector_store %arg12[%swap3A_128, %swap3A_129], %swap3A_132 {strides = array<i32>} : memref<320x64xf32, #tpu.memory_space<vmem>>, vector<1x16xf32>,
            %get3A_133 = arith.index_cast %squeeze3A_92 : i32 to index
            %get3A_134 = arith.constant 48 : index
            %get3A_135 = tpu.vector_load %arg12[%get3A_133, %get3A_134] {strides = array<i32>} : memref<320x64xf32, #tpu.memory_space<vmem>>, vector<1x16xf32>,
            %get3A_136 = vector.shape_cast %get3A_135 : vector<1x16xf32> to vector<16xf32>
            %get3A_137 = arith.index_cast %while3A_85 : i32 to index
            %get3A_138 = arith.constant 48 : index
            %get3A_139 = tpu.vector_load %arg11[%get3A_137, %get3A_138] {strides = array<i32>} : memref<16x128xf32, #tpu.memory_space<vmem>>, vector<1x16xf32>,
            %get3A_140 = vector.shape_cast %get3A_139 : vector<1x16xf32> to vector<16xf32>
            %max3A_141 = arith.maximumf %get3A_136, %get3A_140 : vector<16xf32>
            %swap3A_142 = arith.index_cast %squeeze3A_92 : i32 to index
            %swap3A_143 = arith.constant 48 : index
            %swap3A_144 = tpu.vector_load %arg12[%swap3A_142, %swap3A_143] {strides = array<i32>} : memref<320x64xf32, #tpu.memory_space<vmem>>, vector<1x16xf32>,
            %swap3A_145 = vector.shape_cast %swap3A_144 : vector<1x16xf32> to vector<16xf32>
            %swap3A_146 = vector.shape_cast %max3A_141 : vector<16xf32> to vector<1x16xf32>
            tpu.vector_store %arg12[%swap3A_142, %swap3A_143], %swap3A_146 {strides = array<i32>} : memref<320x64xf32, #tpu.memory_space<vmem>>, vector<1x16xf32>,
            %while3A_147 = arith.constant 0 : i32
            scf.yield %while3A_147 : i32
          }
          %while3A_83 = arith.constant 1 : i32
          %while3A_84 = scf.for %while3A_85 = %while3A_80 to %while3A_76 step %while3A_83 iter_args(%while3A_86 = %while3A_82) -> (i32)  : i32 {
            %add3A_87 = arith.addi %mul3A_48, %while3A_85 : i32
            %get3A_88 = arith.index_cast %add3A_87 : i32 to index
            %get3A_89 = tpu.vector_load %arg8[%get3A_88] {strides = array<i32>} : memref<2032xi32, #tpu.memory_space<vmem>>, vector<16xi32>,
            %get3A_90 = vector.shape_cast %get3A_89 : vector<16xi32> to vector<16xi32>
            %slice3A_91 = vector.extract_strided_slice %get3A_90 {offsets = [0], sizes = [1], strides = [1]} : vector<16xi32> to vector<1xi32>
            %squeeze3A_92 = vector.extract %slice3A_91[0] : i32 from vector<1xi32>
            %get3A_93 = arith.index_cast %squeeze3A_92 : i32 to index
            %get3A_94 = arith.constant 0 : index
            %get3A_95 = tpu.vector_load %arg12[%get3A_93, %get3A_94] {strides = array<i32>} : memref<320x64xf32, #tpu.memory_space<vmem>>, vector<1x16xf32>,
            %get3A_96 = vector.shape_cast %get3A_95 : vector<1x16xf32> to vector<16xf32>
            %get3A_97 = arith.index_cast %while3A_85 : i32 to index
            %get3A_98 = arith.constant 0 : index
            %get3A_99 = tpu.vector_load %arg11[%get3A_97, %get3A_98] {strides = array<i32>} : memref<16x128xf32, #tpu.memory_space<vmem>>, vector<1x16xf32>,
            %get3A_100 = vector.shape_cast %get3A_99 : vector<1x16xf32> to vector<16xf32>
            %max3A = arith.maximumf %get3A_96, %get3A_100 : vector<16xf32>
            %swap3A = arith.index_cast %squeeze3A_92 : i32 to index
            %swap3A_101 = arith.constant 0 : index
            %swap3A_102 = tpu.vector_load %arg12[%swap3A, %swap3A_101] {strides = array<i32>} : memref<320x64xf32, #tpu.memory_space<vmem>>, vector<1x16xf32>,
            %swap3A_103 = vector.shape_cast %swap3A_102 : vector<1x16xf32> to vector<16xf32>
            %swap3A_104 = vector.shape_cast %max3A : vector<16xf32> to vector<1x16xf32>
            tpu.vector_store %arg12[%swap3A, %swap3A_101], %swap3A_104 {strides = array<i32>} : memref<320x64xf32, #tpu.memory_space<vmem>>, vector<1x16xf32>,
            %get3A_105 = arith.index_cast %squeeze3A_92 : i32 to index
            %get3A_106 = arith.constant 16 : index
            %get3A_107 = tpu.vector_load %arg12[%get3A_105, %get3A_106] {strides = array<i32>} : memref<320x64xf32, #tpu.memory_space<vmem>>, vector<1x16xf32>,
            %get3A_108 = vector.shape_cast %get3A_107 : vector<1x16xf32> to vector<16xf32>
            %get3A_109 = arith.index_cast %while3A_85 : i32 to index
            %get3A_110 = arith.constant 16 : index
            %get3A_111 = tpu.vector_load %arg11[%get3A_109, %get3A_110] {strides = array<i32>} : memref<16x128xf32, #tpu.memory_space<vmem>>, vector<1x16xf32>,
            %get3A_112 = vector.shape_cast %get3A_111 : vector<1x16xf32> to vector<16xf32>
            %max3A_113 = arith.maximumf %get3A_108, %get3A_112 : vector<16xf32>
            %swap3A_114 = arith.index_cast %squeeze3A_92 : i32 to index
            %swap3A_115 = arith.constant 16 : index
            %swap3A_116 = tpu.vector_load %arg12[%swap3A_114, %swap3A_115] {strides = array<i32>} : memref<320x64xf32, #tpu.memory_space<vmem>>, vector<1x16xf32>,
            %swap3A_117 = vector.shape_cast %swap3A_116 : vector<1x16xf32> to vector<16xf32>
            %swap3A_118 = vector.shape_cast %max3A_113 : vector<16xf32> to vector<1x16xf32>
            tpu.vector_store %arg12[%swap3A_114, %swap3A_115], %swap3A_118 {strides = array<i32>} : memref<320x64xf32, #tpu.memory_space<vmem>>, vector<1x16xf32>,
            %get3A_119 = arith.index_cast %squeeze3A_92 : i32 to index
            %get3A_120 = arith.constant 32 : index
            %get3A_121 = tpu.vector_load %arg12[%get3A_119, %get3A_120] {strides = array<i32>} : memref<320x64xf32, #tpu.memory_space<vmem>>, vector<1x16xf32>,
            %get3A_122 = vector.shape_cast %get3A_121 : vector<1x16xf32> to vector<16xf32>
            %get3A_123 = arith.index_cast %while3A_85 : i32 to index
            %get3A_124 = arith.constant 32 : index
            %get3A_125 = tpu.vector_load %arg11[%get3A_123, %get3A_124] {strides = array<i32>} : memref<16x128xf32, #tpu.memory_space<vmem>>, vector<1x16xf32>,
            %get3A_126 = vector.shape_cast %get3A_125 : vector<1x16xf32> to vector<16xf32>
            %max3A_127 = arith.maximumf %get3A_122, %get3A_126 : vector<16xf32>
            %swap3A_128 = arith.index_cast %squeeze3A_92 : i32 to index
            %swap3A_129 = arith.constant 32 : index
            %swap3A_130 = tpu.vector_load %arg12[%swap3A_128, %swap3A_129] {strides = array<i32>} : memref<320x64xf32, #tpu.memory_space<vmem>>, vector<1x16xf32>,
            %swap3A_131 = vector.shape_cast %swap3A_130 : vector<1x16xf32> to vector<16xf32>
            %swap3A_132 = vector.shape_cast %max3A_127 : vector<16xf32> to vector<1x16xf32>
            tpu.vector_store %arg12[%swap3A_128, %swap3A_129], %swap3A_132 {strides = array<i32>} : memref<320x64xf32, #tpu.memory_space<vmem>>, vector<1x16xf32>,
            %get3A_133 = arith.index_cast %squeeze3A_92 : i32 to index
            %get3A_134 = arith.constant 48 : index
            %get3A_135 = tpu.vector_load %arg12[%get3A_133, %get3A_134] {strides = array<i32>} : memref<320x64xf32, #tpu.memory_space<vmem>>, vector<1x16xf32>,
            %get3A_136 = vector.shape_cast %get3A_135 : vector<1x16xf32> to vector<16xf32>
            %get3A_137 = arith.index_cast %while3A_85 : i32 to index
            %get3A_138 = arith.constant 48 : index
            %get3A_139 = tpu.vector_load %arg11[%get3A_137, %get3A_138] {strides = array<i32>} : memref<16x128xf32, #tpu.memory_space<vmem>>, vector<1x16xf32>,
            %get3A_140 = vector.shape_cast %get3A_139 : vector<1x16xf32> to vector<16xf32>
            %max3A_141 = arith.maximumf %get3A_136, %get3A_140 : vector<16xf32>
            %swap3A_142 = arith.index_cast %squeeze3A_92 : i32 to index
            %swap3A_143 = arith.constant 48 : index
            %swap3A_144 = tpu.vector_load %arg12[%swap3A_142, %swap3A_143] {strides = array<i32>} : memref<320x64xf32, #tpu.memory_space<vmem>>, vector<1x16xf32>,
            %swap3A_145 = vector.shape_cast %swap3A_144 : vector<1x16xf32> to vector<16xf32>
            %swap3A_146 = vector.shape_cast %max3A_141 : vector<16xf32> to vector<1x16xf32>
            tpu.vector_store %arg12[%swap3A_142, %swap3A_143], %swap3A_146 {strides = array<i32>} : memref<320x64xf32, #tpu.memory_space<vmem>>, vector<1x16xf32>,
            %while3A_147 = arith.constant 0 : i32
            scf.yield %while3A_147 : i32
          }
        } else {
        }
        %while3A_62 = arith.constant 0 : i32
        scf.yield %while3A_62 : i32
      }
      %while3A_42 = arith.constant 1 : i32
      %while3A_43 = scf.for %while3A_45 = %while3A_39 to %while3A_35 step %while3A_42 iter_args(%while3A_46 = %while3A_41) -> (i32)  : i32 {
        %mul3A_47 = arith.constant 16 : i32
        %mul3A_48 = arith.muli %while3A_45, %mul3A_47 : i32
        %sub3A = arith.subi %squeeze3A, %mul3A_48 : i32
        %min3A = arith.constant 16 : i32
        %min3A_49 = arith.minsi %sub3A, %min3A : i32
        %and3A = arith.constant 1 : i32
        %and3A_50 = arith.andi %while3A_45, %and3A : i32
        %eq3A = arith.constant 0 : i32
        %eq3A_51 = arith.cmpi eq, %and3A_50, %eq3A : i32
        %convert_element_type3A_52 = arith.extui %eq3A_51 : i1 to i32
        %cond3A_53 = arith.constant 0 : i32
        %cond3A_54 = arith.cmpi ne, %convert_element_type3A_52, %cond3A_53 : i32
        scf.if %cond3A_54 {
          %add3A_63 = arith.constant 1 : i32
          %add3A_64 = arith.addi %while3A_45, %add3A_63 : i32
          %lt3A = arith.cmpi slt, %add3A_64, %shift_right_arithmetic3A_30 : i32
          %convert_element_type3A_65 = arith.extui %lt3A : i1 to i32
          %cond3A_66 = arith.constant 0 : i32
          %cond3A_67 = arith.cmpi ne, %convert_element_type3A_65, %cond3A_66 : i32
          scf.if %cond3A_67 {
            %add3A_85 = arith.constant 1 : i32
            %add3A_86 = arith.addi %while3A_45, %add3A_85 : i32
            %dma_start3A = arith.constant 0 : i32
            %dma_start3A_87 = tpu.memref_slice %arg7[%add3A_86, %dma_start3A] : memref<127x16xi32, #tpu.memory_space<vmem>> -> memref<1x16xi32, #tpu.memory_space<vmem>>
            %dma_start3A_88 = tpu.memref_squeeze %dma_start3A_87 : memref<1x16xi32, #tpu.memory_space<vmem>> -> memref<16xi32, #tpu.memory_space<vmem>>
            %dma_start3A_89 = arith.constant 0 : i32
            %dma_start3A_90 = arith.constant 0 : i32
            %dma_start3A_91 = tpu.memref_slice %arg2[%dma_start3A_89, %dma_start3A_90] : memref<320000x128xf32, #tpu.memory_space<hbm>> -> memref<320000x128xf32, #tpu.memory_space<hbm>>
            tpu.enqueue_indirect_dma source(%dma_start3A_91 : memref<320000x128xf32, #tpu.memory_space<hbm>>) target(%arg11 : memref<16x128xf32, #tpu.memory_space<vmem>>) offsets(%dma_start3A_88 : memref<16xi32, #tpu.memory_space<vmem>>) semaphore(%arg14 : memref<!tpu.dma_semaphore, #tpu.memory_space<semaphore_mem>>)
          } else {
          }
          %dma_wait3A = arith.constant 0 : i32
          %dma_wait3A_68 = tpu.memref_slice %arg7[%while3A_45, %dma_wait3A] : memref<127x16xi32, #tpu.memory_space<vmem>> -> memref<1x16xi32, #tpu.memory_space<vmem>>
          %dma_wait3A_69 = tpu.memref_squeeze %dma_wait3A_68 : memref<1x16xi32, #tpu.memory_space<vmem>> -> memref<16xi32, #tpu.memory_space<vmem>>
          %dma_wait3A_70 = arith.constant 0 : i32
          %dma_wait3A_71 = arith.constant 0 : i32
          %dma_wait3A_72 = tpu.memref_slice %arg2[%dma_wait3A_70, %dma_wait3A_71] : memref<320000x128xf32, #tpu.memory_space<hbm>> -> memref<320000x128xf32, #tpu.memory_space<hbm>>
          tpu.wait_indirect_dma semaphore(%arg13 : memref<!tpu.dma_semaphore, #tpu.memory_space<semaphore_mem>>) src(%dma_wait3A_72 : memref<320000x128xf32, #tpu.memory_space<hbm>>) dst(%arg10 : memref<16x128xf32, #tpu.memory_space<vmem>>)
          %while3A_73 = arith.constant 0 : i32
          %while3A_74 = arith.constant 0 : i32
          %while3A_75 = arith.subi %min3A_49, %while3A_73 : i32
          %while3A_76 = arith.addi %while3A_73, %while3A_75 : i32
          %while3A_77 = arith.constant 1 : i32
          %while3A_78 = arith.divsi %while3A_75, %while3A_77 : i32
          %while3A_79 = arith.muli %while3A_78, %while3A_77 : i32
          %while3A_80 = arith.addi %while3A_73, %while3A_79 : i32
          %while3A_81 = arith.constant 1 : i32
          %while3A_82 = scf.for %while3A_85 = %while3A_73 to %while3A_80 step %while3A_81 iter_args(%while3A_86 = %while3A_74) -> (i32)  : i32 {
            %add3A_87 = arith.addi %mul3A_48, %while3A_85 : i32
            %get3A_88 = arith.index_cast %add3A_87 : i32 to index
            %get3A_89 = tpu.vector_load %arg8[%get3A_88] {strides = array<i32>} : memref<2032xi32, #tpu.memory_space<vmem>>, vector<16xi32>,
            %get3A_90 = vector.shape_cast %get3A_89 : vector<16xi32> to vector<16xi32>
            %slice3A_91 = vector.extract_strided_slice %get3A_90 {offsets = [0], sizes = [1], strides = [1]} : vector<16xi32> to vector<1xi32>
            %squeeze3A_92 = vector.extract %slice3A_91[0] : i32 from vector<1xi32>
            %get3A_93 = arith.index_cast %squeeze3A_92 : i32 to index
            %get3A_94 = arith.constant 0 : index
            %get3A_95 = tpu.vector_load %arg12[%get3A_93, %get3A_94] {strides = array<i32>} : memref<320x64xf32, #tpu.memory_space<vmem>>, vector<1x16xf32>,
            %get3A_96 = vector.shape_cast %get3A_95 : vector<1x16xf32> to vector<16xf32>
            %get3A_97 = arith.index_cast %while3A_85 : i32 to index
            %get3A_98 = arith.constant 0 : index
            %get3A_99 = tpu.vector_load %arg10[%get3A_97, %get3A_98] {strides = array<i32>} : memref<16x128xf32, #tpu.memory_space<vmem>>, vector<1x16xf32>,
            %get3A_100 = vector.shape_cast %get3A_99 : vector<1x16xf32> to vector<16xf32>
            %max3A = arith.maximumf %get3A_96, %get3A_100 : vector<16xf32>
            %swap3A = arith.index_cast %squeeze3A_92 : i32 to index
            %swap3A_101 = arith.constant 0 : index
            %swap3A_102 = tpu.vector_load %arg12[%swap3A, %swap3A_101] {strides = array<i32>} : memref<320x64xf32, #tpu.memory_space<vmem>>, vector<1x16xf32>,
            %swap3A_103 = vector.shape_cast %swap3A_102 : vector<1x16xf32> to vector<16xf32>
            %swap3A_104 = vector.shape_cast %max3A : vector<16xf32> to vector<1x16xf32>
            tpu.vector_store %arg12[%swap3A, %swap3A_101], %swap3A_104 {strides = array<i32>} : memref<320x64xf32, #tpu.memory_space<vmem>>, vector<1x16xf32>,
            %get3A_105 = arith.index_cast %squeeze3A_92 : i32 to index
            %get3A_106 = arith.constant 16 : index
            %get3A_107 = tpu.vector_load %arg12[%get3A_105, %get3A_106] {strides = array<i32>} : memref<320x64xf32, #tpu.memory_space<vmem>>, vector<1x16xf32>,
            %get3A_108 = vector.shape_cast %get3A_107 : vector<1x16xf32> to vector<16xf32>
            %get3A_109 = arith.index_cast %while3A_85 : i32 to index
            %get3A_110 = arith.constant 16 : index
            %get3A_111 = tpu.vector_load %arg10[%get3A_109, %get3A_110] {strides = array<i32>} : memref<16x128xf32, #tpu.memory_space<vmem>>, vector<1x16xf32>,
            %get3A_112 = vector.shape_cast %get3A_111 : vector<1x16xf32> to vector<16xf32>
            %max3A_113 = arith.maximumf %get3A_108, %get3A_112 : vector<16xf32>
            %swap3A_114 = arith.index_cast %squeeze3A_92 : i32 to index
            %swap3A_115 = arith.constant 16 : index
            %swap3A_116 = tpu.vector_load %arg12[%swap3A_114, %swap3A_115] {strides = array<i32>} : memref<320x64xf32, #tpu.memory_space<vmem>>, vector<1x16xf32>,
            %swap3A_117 = vector.shape_cast %swap3A_116 : vector<1x16xf32> to vector<16xf32>
            %swap3A_118 = vector.shape_cast %max3A_113 : vector<16xf32> to vector<1x16xf32>
            tpu.vector_store %arg12[%swap3A_114, %swap3A_115], %swap3A_118 {strides = array<i32>} : memref<320x64xf32, #tpu.memory_space<vmem>>, vector<1x16xf32>,
            %get3A_119 = arith.index_cast %squeeze3A_92 : i32 to index
            %get3A_120 = arith.constant 32 : index
            %get3A_121 = tpu.vector_load %arg12[%get3A_119, %get3A_120] {strides = array<i32>} : memref<320x64xf32, #tpu.memory_space<vmem>>, vector<1x16xf32>,
            %get3A_122 = vector.shape_cast %get3A_121 : vector<1x16xf32> to vector<16xf32>
            %get3A_123 = arith.index_cast %while3A_85 : i32 to index
            %get3A_124 = arith.constant 32 : index
            %get3A_125 = tpu.vector_load %arg10[%get3A_123, %get3A_124] {strides = array<i32>} : memref<16x128xf32, #tpu.memory_space<vmem>>, vector<1x16xf32>,
            %get3A_126 = vector.shape_cast %get3A_125 : vector<1x16xf32> to vector<16xf32>
            %max3A_127 = arith.maximumf %get3A_122, %get3A_126 : vector<16xf32>
            %swap3A_128 = arith.index_cast %squeeze3A_92 : i32 to index
            %swap3A_129 = arith.constant 32 : index
            %swap3A_130 = tpu.vector_load %arg12[%swap3A_128, %swap3A_129] {strides = array<i32>} : memref<320x64xf32, #tpu.memory_space<vmem>>, vector<1x16xf32>,
            %swap3A_131 = vector.shape_cast %swap3A_130 : vector<1x16xf32> to vector<16xf32>
            %swap3A_132 = vector.shape_cast %max3A_127 : vector<16xf32> to vector<1x16xf32>
            tpu.vector_store %arg12[%swap3A_128, %swap3A_129], %swap3A_132 {strides = array<i32>} : memref<320x64xf32, #tpu.memory_space<vmem>>, vector<1x16xf32>,
            %get3A_133 = arith.index_cast %squeeze3A_92 : i32 to index
            %get3A_134 = arith.constant 48 : index
            %get3A_135 = tpu.vector_load %arg12[%get3A_133, %get3A_134] {strides = array<i32>} : memref<320x64xf32, #tpu.memory_space<vmem>>, vector<1x16xf32>,
            %get3A_136 = vector.shape_cast %get3A_135 : vector<1x16xf32> to vector<16xf32>
            %get3A_137 = arith.index_cast %while3A_85 : i32 to index
            %get3A_138 = arith.constant 48 : index
            %get3A_139 = tpu.vector_load %arg10[%get3A_137, %get3A_138] {strides = array<i32>} : memref<16x128xf32, #tpu.memory_space<vmem>>, vector<1x16xf32>,
            %get3A_140 = vector.shape_cast %get3A_139 : vector<1x16xf32> to vector<16xf32>
            %max3A_141 = arith.maximumf %get3A_136, %get3A_140 : vector<16xf32>
            %swap3A_142 = arith.index_cast %squeeze3A_92 : i32 to index
            %swap3A_143 = arith.constant 48 : index
            %swap3A_144 = tpu.vector_load %arg12[%swap3A_142, %swap3A_143] {strides = array<i32>} : memref<320x64xf32, #tpu.memory_space<vmem>>, vector<1x16xf32>,
            %swap3A_145 = vector.shape_cast %swap3A_144 : vector<1x16xf32> to vector<16xf32>
            %swap3A_146 = vector.shape_cast %max3A_141 : vector<16xf32> to vector<1x16xf32>
            tpu.vector_store %arg12[%swap3A_142, %swap3A_143], %swap3A_146 {strides = array<i32>} : memref<320x64xf32, #tpu.memory_space<vmem>>, vector<1x16xf32>,
            %while3A_147 = arith.constant 0 : i32
            scf.yield %while3A_147 : i32
          }
          %while3A_83 = arith.constant 1 : i32
          %while3A_84 = scf.for %while3A_85 = %while3A_80 to %while3A_76 step %while3A_83 iter_args(%while3A_86 = %while3A_82) -> (i32)  : i32 {
            %add3A_87 = arith.addi %mul3A_48, %while3A_85 : i32
            %get3A_88 = arith.index_cast %add3A_87 : i32 to index
            %get3A_89 = tpu.vector_load %arg8[%get3A_88] {strides = array<i32>} : memref<2032xi32, #tpu.memory_space<vmem>>, vector<16xi32>,
            %get3A_90 = vector.shape_cast %get3A_89 : vector<16xi32> to vector<16xi32>
            %slice3A_91 = vector.extract_strided_slice %get3A_90 {offsets = [0], sizes = [1], strides = [1]} : vector<16xi32> to vector<1xi32>
            %squeeze3A_92 = vector.extract %slice3A_91[0] : i32 from vector<1xi32>
            %get3A_93 = arith.index_cast %squeeze3A_92 : i32 to index
            %get3A_94 = arith.constant 0 : index
            %get3A_95 = tpu.vector_load %arg12[%get3A_93, %get3A_94] {strides = array<i32>} : memref<320x64xf32, #tpu.memory_space<vmem>>, vector<1x16xf32>,
            %get3A_96 = vector.shape_cast %get3A_95 : vector<1x16xf32> to vector<16xf32>
            %get3A_97 = arith.index_cast %while3A_85 : i32 to index
            %get3A_98 = arith.constant 0 : index
            %get3A_99 = tpu.vector_load %arg10[%get3A_97, %get3A_98] {strides = array<i32>} : memref<16x128xf32, #tpu.memory_space<vmem>>, vector<1x16xf32>,
            %get3A_100 = vector.shape_cast %get3A_99 : vector<1x16xf32> to vector<16xf32>
            %max3A = arith.maximumf %get3A_96, %get3A_100 : vector<16xf32>
            %swap3A = arith.index_cast %squeeze3A_92 : i32 to index
            %swap3A_101 = arith.constant 0 : index
            %swap3A_102 = tpu.vector_load %arg12[%swap3A, %swap3A_101] {strides = array<i32>} : memref<320x64xf32, #tpu.memory_space<vmem>>, vector<1x16xf32>,
            %swap3A_103 = vector.shape_cast %swap3A_102 : vector<1x16xf32> to vector<16xf32>
            %swap3A_104 = vector.shape_cast %max3A : vector<16xf32> to vector<1x16xf32>
            tpu.vector_store %arg12[%swap3A, %swap3A_101], %swap3A_104 {strides = array<i32>} : memref<320x64xf32, #tpu.memory_space<vmem>>, vector<1x16xf32>,
            %get3A_105 = arith.index_cast %squeeze3A_92 : i32 to index
            %get3A_106 = arith.constant 16 : index
            %get3A_107 = tpu.vector_load %arg12[%get3A_105, %get3A_106] {strides = array<i32>} : memref<320x64xf32, #tpu.memory_space<vmem>>, vector<1x16xf32>,
            %get3A_108 = vector.shape_cast %get3A_107 : vector<1x16xf32> to vector<16xf32>
            %get3A_109 = arith.index_cast %while3A_85 : i32 to index
            %get3A_110 = arith.constant 16 : index
            %get3A_111 = tpu.vector_load %arg10[%get3A_109, %get3A_110] {strides = array<i32>} : memref<16x128xf32, #tpu.memory_space<vmem>>, vector<1x16xf32>,
            %get3A_112 = vector.shape_cast %get3A_111 : vector<1x16xf32> to vector<16xf32>
            %max3A_113 = arith.maximumf %get3A_108, %get3A_112 : vector<16xf32>
            %swap3A_114 = arith.index_cast %squeeze3A_92 : i32 to index
            %swap3A_115 = arith.constant 16 : index
            %swap3A_116 = tpu.vector_load %arg12[%swap3A_114, %swap3A_115] {strides = array<i32>} : memref<320x64xf32, #tpu.memory_space<vmem>>, vector<1x16xf32>,
            %swap3A_117 = vector.shape_cast %swap3A_116 : vector<1x16xf32> to vector<16xf32>
            %swap3A_118 = vector.shape_cast %max3A_113 : vector<16xf32> to vector<1x16xf32>
            tpu.vector_store %arg12[%swap3A_114, %swap3A_115], %swap3A_118 {strides = array<i32>} : memref<320x64xf32, #tpu.memory_space<vmem>>, vector<1x16xf32>,
            %get3A_119 = arith.index_cast %squeeze3A_92 : i32 to index
            %get3A_120 = arith.constant 32 : index
            %get3A_121 = tpu.vector_load %arg12[%get3A_119, %get3A_120] {strides = array<i32>} : memref<320x64xf32, #tpu.memory_space<vmem>>, vector<1x16xf32>,
            %get3A_122 = vector.shape_cast %get3A_121 : vector<1x16xf32> to vector<16xf32>
            %get3A_123 = arith.index_cast %while3A_85 : i32 to index
            %get3A_124 = arith.constant 32 : index
            %get3A_125 = tpu.vector_load %arg10[%get3A_123, %get3A_124] {strides = array<i32>} : memref<16x128xf32, #tpu.memory_space<vmem>>, vector<1x16xf32>,
            %get3A_126 = vector.shape_cast %get3A_125 : vector<1x16xf32> to vector<16xf32>
            %max3A_127 = arith.maximumf %get3A_122, %get3A_126 : vector<16xf32>
            %swap3A_128 = arith.index_cast %squeeze3A_92 : i32 to index
            %swap3A_129 = arith.constant 32 : index
            %swap3A_130 = tpu.vector_load %arg12[%swap3A_128, %swap3A_129] {strides = array<i32>} : memref<320x64xf32, #tpu.memory_space<vmem>>, vector<1x16xf32>,
            %swap3A_131 = vector.shape_cast %swap3A_130 : vector<1x16xf32> to vector<16xf32>
            %swap3A_132 = vector.shape_cast %max3A_127 : vector<16xf32> to vector<1x16xf32>
            tpu.vector_store %arg12[%swap3A_128, %swap3A_129], %swap3A_132 {strides = array<i32>} : memref<320x64xf32, #tpu.memory_space<vmem>>, vector<1x16xf32>,
            %get3A_133 = arith.index_cast %squeeze3A_92 : i32 to index
            %get3A_134 = arith.constant 48 : index
            %get3A_135 = tpu.vector_load %arg12[%get3A_133, %get3A_134] {strides = array<i32>} : memref<320x64xf32, #tpu.memory_space<vmem>>, vector<1x16xf32>,
            %get3A_136 = vector.shape_cast %get3A_135 : vector<1x16xf32> to vector<16xf32>
            %get3A_137 = arith.index_cast %while3A_85 : i32 to index
            %get3A_138 = arith.constant 48 : index
            %get3A_139 = tpu.vector_load %arg10[%get3A_137, %get3A_138] {strides = array<i32>} : memref<16x128xf32, #tpu.memory_space<vmem>>, vector<1x16xf32>,
            %get3A_140 = vector.shape_cast %get3A_139 : vector<1x16xf32> to vector<16xf32>
            %max3A_141 = arith.maximumf %get3A_136, %get3A_140 : vector<16xf32>
            %swap3A_142 = arith.index_cast %squeeze3A_92 : i32 to index
            %swap3A_143 = arith.constant 48 : index
            %swap3A_144 = tpu.vector_load %arg12[%swap3A_142, %swap3A_143] {strides = array<i32>} : memref<320x64xf32, #tpu.memory_space<vmem>>, vector<1x16xf32>,
            %swap3A_145 = vector.shape_cast %swap3A_144 : vector<1x16xf32> to vector<16xf32>
            %swap3A_146 = vector.shape_cast %max3A_141 : vector<16xf32> to vector<1x16xf32>
            tpu.vector_store %arg12[%swap3A_142, %swap3A_143], %swap3A_146 {strides = array<i32>} : memref<320x64xf32, #tpu.memory_space<vmem>>, vector<1x16xf32>,
            %while3A_147 = arith.constant 0 : i32
            scf.yield %while3A_147 : i32
          }
        } else {
        }
        %and3A_55 = arith.constant 1 : i32
        %and3A_56 = arith.andi %while3A_45, %and3A_55 : i32
        %eq3A_57 = arith.constant 1 : i32
        %eq3A_58 = arith.cmpi eq, %and3A_56, %eq3A_57 : i32
        %convert_element_type3A_59 = arith.extui %eq3A_58 : i1 to i32
        %cond3A_60 = arith.constant 0 : i32
        %cond3A_61 = arith.cmpi ne, %convert_element_type3A_59, %cond3A_60 : i32
        scf.if %cond3A_61 {
          %add3A_63 = arith.constant 1 : i32
          %add3A_64 = arith.addi %while3A_45, %add3A_63 : i32
          %lt3A = arith.cmpi slt, %add3A_64, %shift_right_arithmetic3A_30 : i32
          %convert_element_type3A_65 = arith.extui %lt3A : i1 to i32
          %cond3A_66 = arith.constant 0 : i32
          %cond3A_67 = arith.cmpi ne, %convert_element_type3A_65, %cond3A_66 : i32
          scf.if %cond3A_67 {
            %add3A_85 = arith.constant 1 : i32
            %add3A_86 = arith.addi %while3A_45, %add3A_85 : i32
            %dma_start3A = arith.constant 0 : i32
            %dma_start3A_87 = tpu.memref_slice %arg7[%add3A_86, %dma_start3A] : memref<127x16xi32, #tpu.memory_space<vmem>> -> memref<1x16xi32, #tpu.memory_space<vmem>>
            %dma_start3A_88 = tpu.memref_squeeze %dma_start3A_87 : memref<1x16xi32, #tpu.memory_space<vmem>> -> memref<16xi32, #tpu.memory_space<vmem>>
            %dma_start3A_89 = arith.constant 0 : i32
            %dma_start3A_90 = arith.constant 0 : i32
            %dma_start3A_91 = tpu.memref_slice %arg2[%dma_start3A_89, %dma_start3A_90] : memref<320000x128xf32, #tpu.memory_space<hbm>> -> memref<320000x128xf32, #tpu.memory_space<hbm>>
            tpu.enqueue_indirect_dma source(%dma_start3A_91 : memref<320000x128xf32, #tpu.memory_space<hbm>>) target(%arg10 : memref<16x128xf32, #tpu.memory_space<vmem>>) offsets(%dma_start3A_88 : memref<16xi32, #tpu.memory_space<vmem>>) semaphore(%arg13 : memref<!tpu.dma_semaphore, #tpu.memory_space<semaphore_mem>>)
          } else {
          }
          %dma_wait3A = arith.constant 0 : i32
          %dma_wait3A_68 = tpu.memref_slice %arg7[%while3A_45, %dma_wait3A] : memref<127x16xi32, #tpu.memory_space<vmem>> -> memref<1x16xi32, #tpu.memory_space<vmem>>
          %dma_wait3A_69 = tpu.memref_squeeze %dma_wait3A_68 : memref<1x16xi32, #tpu.memory_space<vmem>> -> memref<16xi32, #tpu.memory_space<vmem>>
          %dma_wait3A_70 = arith.constant 0 : i32
          %dma_wait3A_71 = arith.constant 0 : i32
          %dma_wait3A_72 = tpu.memref_slice %arg2[%dma_wait3A_70, %dma_wait3A_71] : memref<320000x128xf32, #tpu.memory_space<hbm>> -> memref<320000x128xf32, #tpu.memory_space<hbm>>
          tpu.wait_indirect_dma semaphore(%arg14 : memref<!tpu.dma_semaphore, #tpu.memory_space<semaphore_mem>>) src(%dma_wait3A_72 : memref<320000x128xf32, #tpu.memory_space<hbm>>) dst(%arg11 : memref<16x128xf32, #tpu.memory_space<vmem>>)
          %while3A_73 = arith.constant 0 : i32
          %while3A_74 = arith.constant 0 : i32
          %while3A_75 = arith.subi %min3A_49, %while3A_73 : i32
          %while3A_76 = arith.addi %while3A_73, %while3A_75 : i32
          %while3A_77 = arith.constant 1 : i32
          %while3A_78 = arith.divsi %while3A_75, %while3A_77 : i32
          %while3A_79 = arith.muli %while3A_78, %while3A_77 : i32
          %while3A_80 = arith.addi %while3A_73, %while3A_79 : i32
          %while3A_81 = arith.constant 1 : i32
          %while3A_82 = scf.for %while3A_85 = %while3A_73 to %while3A_80 step %while3A_81 iter_args(%while3A_86 = %while3A_74) -> (i32)  : i32 {
            %add3A_87 = arith.addi %mul3A_48, %while3A_85 : i32
            %get3A_88 = arith.index_cast %add3A_87 : i32 to index
            %get3A_89 = tpu.vector_load %arg8[%get3A_88] {strides = array<i32>} : memref<2032xi32, #tpu.memory_space<vmem>>, vector<16xi32>,
            %get3A_90 = vector.shape_cast %get3A_89 : vector<16xi32> to vector<16xi32>
            %slice3A_91 = vector.extract_strided_slice %get3A_90 {offsets = [0], sizes = [1], strides = [1]} : vector<16xi32> to vector<1xi32>
            %squeeze3A_92 = vector.extract %slice3A_91[0] : i32 from vector<1xi32>
            %get3A_93 = arith.index_cast %squeeze3A_92 : i32 to index
            %get3A_94 = arith.constant 0 : index
            %get3A_95 = tpu.vector_load %arg12[%get3A_93, %get3A_94] {strides = array<i32>} : memref<320x64xf32, #tpu.memory_space<vmem>>, vector<1x16xf32>,
            %get3A_96 = vector.shape_cast %get3A_95 : vector<1x16xf32> to vector<16xf32>
            %get3A_97 = arith.index_cast %while3A_85 : i32 to index
            %get3A_98 = arith.constant 0 : index
            %get3A_99 = tpu.vector_load %arg11[%get3A_97, %get3A_98] {strides = array<i32>} : memref<16x128xf32, #tpu.memory_space<vmem>>, vector<1x16xf32>,
            %get3A_100 = vector.shape_cast %get3A_99 : vector<1x16xf32> to vector<16xf32>
            %max3A = arith.maximumf %get3A_96, %get3A_100 : vector<16xf32>
            %swap3A = arith.index_cast %squeeze3A_92 : i32 to index
            %swap3A_101 = arith.constant 0 : index
            %swap3A_102 = tpu.vector_load %arg12[%swap3A, %swap3A_101] {strides = array<i32>} : memref<320x64xf32, #tpu.memory_space<vmem>>, vector<1x16xf32>,
            %swap3A_103 = vector.shape_cast %swap3A_102 : vector<1x16xf32> to vector<16xf32>
            %swap3A_104 = vector.shape_cast %max3A : vector<16xf32> to vector<1x16xf32>
            tpu.vector_store %arg12[%swap3A, %swap3A_101], %swap3A_104 {strides = array<i32>} : memref<320x64xf32, #tpu.memory_space<vmem>>, vector<1x16xf32>,
            %get3A_105 = arith.index_cast %squeeze3A_92 : i32 to index
            %get3A_106 = arith.constant 16 : index
            %get3A_107 = tpu.vector_load %arg12[%get3A_105, %get3A_106] {strides = array<i32>} : memref<320x64xf32, #tpu.memory_space<vmem>>, vector<1x16xf32>,
            %get3A_108 = vector.shape_cast %get3A_107 : vector<1x16xf32> to vector<16xf32>
            %get3A_109 = arith.index_cast %while3A_85 : i32 to index
            %get3A_110 = arith.constant 16 : index
            %get3A_111 = tpu.vector_load %arg11[%get3A_109, %get3A_110] {strides = array<i32>} : memref<16x128xf32, #tpu.memory_space<vmem>>, vector<1x16xf32>,
            %get3A_112 = vector.shape_cast %get3A_111 : vector<1x16xf32> to vector<16xf32>
            %max3A_113 = arith.maximumf %get3A_108, %get3A_112 : vector<16xf32>
            %swap3A_114 = arith.index_cast %squeeze3A_92 : i32 to index
            %swap3A_115 = arith.constant 16 : index
            %swap3A_116 = tpu.vector_load %arg12[%swap3A_114, %swap3A_115] {strides = array<i32>} : memref<320x64xf32, #tpu.memory_space<vmem>>, vector<1x16xf32>,
            %swap3A_117 = vector.shape_cast %swap3A_116 : vector<1x16xf32> to vector<16xf32>
            %swap3A_118 = vector.shape_cast %max3A_113 : vector<16xf32> to vector<1x16xf32>
            tpu.vector_store %arg12[%swap3A_114, %swap3A_115], %swap3A_118 {strides = array<i32>} : memref<320x64xf32, #tpu.memory_space<vmem>>, vector<1x16xf32>,
            %get3A_119 = arith.index_cast %squeeze3A_92 : i32 to index
            %get3A_120 = arith.constant 32 : index
            %get3A_121 = tpu.vector_load %arg12[%get3A_119, %get3A_120] {strides = array<i32>} : memref<320x64xf32, #tpu.memory_space<vmem>>, vector<1x16xf32>,
            %get3A_122 = vector.shape_cast %get3A_121 : vector<1x16xf32> to vector<16xf32>
            %get3A_123 = arith.index_cast %while3A_85 : i32 to index
            %get3A_124 = arith.constant 32 : index
            %get3A_125 = tpu.vector_load %arg11[%get3A_123, %get3A_124] {strides = array<i32>} : memref<16x128xf32, #tpu.memory_space<vmem>>, vector<1x16xf32>,
            %get3A_126 = vector.shape_cast %get3A_125 : vector<1x16xf32> to vector<16xf32>
            %max3A_127 = arith.maximumf %get3A_122, %get3A_126 : vector<16xf32>
            %swap3A_128 = arith.index_cast %squeeze3A_92 : i32 to index
            %swap3A_129 = arith.constant 32 : index
            %swap3A_130 = tpu.vector_load %arg12[%swap3A_128, %swap3A_129] {strides = array<i32>} : memref<320x64xf32, #tpu.memory_space<vmem>>, vector<1x16xf32>,
            %swap3A_131 = vector.shape_cast %swap3A_130 : vector<1x16xf32> to vector<16xf32>
            %swap3A_132 = vector.shape_cast %max3A_127 : vector<16xf32> to vector<1x16xf32>
            tpu.vector_store %arg12[%swap3A_128, %swap3A_129], %swap3A_132 {strides = array<i32>} : memref<320x64xf32, #tpu.memory_space<vmem>>, vector<1x16xf32>,
            %get3A_133 = arith.index_cast %squeeze3A_92 : i32 to index
            %get3A_134 = arith.constant 48 : index
            %get3A_135 = tpu.vector_load %arg12[%get3A_133, %get3A_134] {strides = array<i32>} : memref<320x64xf32, #tpu.memory_space<vmem>>, vector<1x16xf32>,
            %get3A_136 = vector.shape_cast %get3A_135 : vector<1x16xf32> to vector<16xf32>
            %get3A_137 = arith.index_cast %while3A_85 : i32 to index
            %get3A_138 = arith.constant 48 : index
            %get3A_139 = tpu.vector_load %arg11[%get3A_137, %get3A_138] {strides = array<i32>} : memref<16x128xf32, #tpu.memory_space<vmem>>, vector<1x16xf32>,
            %get3A_140 = vector.shape_cast %get3A_139 : vector<1x16xf32> to vector<16xf32>
            %max3A_141 = arith.maximumf %get3A_136, %get3A_140 : vector<16xf32>
            %swap3A_142 = arith.index_cast %squeeze3A_92 : i32 to index
            %swap3A_143 = arith.constant 48 : index
            %swap3A_144 = tpu.vector_load %arg12[%swap3A_142, %swap3A_143] {strides = array<i32>} : memref<320x64xf32, #tpu.memory_space<vmem>>, vector<1x16xf32>,
            %swap3A_145 = vector.shape_cast %swap3A_144 : vector<1x16xf32> to vector<16xf32>
            %swap3A_146 = vector.shape_cast %max3A_141 : vector<16xf32> to vector<1x16xf32>
            tpu.vector_store %arg12[%swap3A_142, %swap3A_143], %swap3A_146 {strides = array<i32>} : memref<320x64xf32, #tpu.memory_space<vmem>>, vector<1x16xf32>,
            %while3A_147 = arith.constant 0 : i32
            scf.yield %while3A_147 : i32
          }
          %while3A_83 = arith.constant 1 : i32
          %while3A_84 = scf.for %while3A_85 = %while3A_80 to %while3A_76 step %while3A_83 iter_args(%while3A_86 = %while3A_82) -> (i32)  : i32 {
            %add3A_87 = arith.addi %mul3A_48, %while3A_85 : i32
            %get3A_88 = arith.index_cast %add3A_87 : i32 to index
            %get3A_89 = tpu.vector_load %arg8[%get3A_88] {strides = array<i32>} : memref<2032xi32, #tpu.memory_space<vmem>>, vector<16xi32>,
            %get3A_90 = vector.shape_cast %get3A_89 : vector<16xi32> to vector<16xi32>
            %slice3A_91 = vector.extract_strided_slice %get3A_90 {offsets = [0], sizes = [1], strides = [1]} : vector<16xi32> to vector<1xi32>
            %squeeze3A_92 = vector.extract %slice3A_91[0] : i32 from vector<1xi32>
            %get3A_93 = arith.index_cast %squeeze3A_92 : i32 to index
            %get3A_94 = arith.constant 0 : index
            %get3A_95 = tpu.vector_load %arg12[%get3A_93, %get3A_94] {strides = array<i32>} : memref<320x64xf32, #tpu.memory_space<vmem>>, vector<1x16xf32>,
            %get3A_96 = vector.shape_cast %get3A_95 : vector<1x16xf32> to vector<16xf32>
            %get3A_97 = arith.index_cast %while3A_85 : i32 to index
            %get3A_98 = arith.constant 0 : index
            %get3A_99 = tpu.vector_load %arg11[%get3A_97, %get3A_98] {strides = array<i32>} : memref<16x128xf32, #tpu.memory_space<vmem>>, vector<1x16xf32>,
            %get3A_100 = vector.shape_cast %get3A_99 : vector<1x16xf32> to vector<16xf32>
            %max3A = arith.maximumf %get3A_96, %get3A_100 : vector<16xf32>
            %swap3A = arith.index_cast %squeeze3A_92 : i32 to index
            %swap3A_101 = arith.constant 0 : index
            %swap3A_102 = tpu.vector_load %arg12[%swap3A, %swap3A_101] {strides = array<i32>} : memref<320x64xf32, #tpu.memory_space<vmem>>, vector<1x16xf32>,
            %swap3A_103 = vector.shape_cast %swap3A_102 : vector<1x16xf32> to vector<16xf32>
            %swap3A_104 = vector.shape_cast %max3A : vector<16xf32> to vector<1x16xf32>
            tpu.vector_store %arg12[%swap3A, %swap3A_101], %swap3A_104 {strides = array<i32>} : memref<320x64xf32, #tpu.memory_space<vmem>>, vector<1x16xf32>,
            %get3A_105 = arith.index_cast %squeeze3A_92 : i32 to index
            %get3A_106 = arith.constant 16 : index
            %get3A_107 = tpu.vector_load %arg12[%get3A_105, %get3A_106] {strides = array<i32>} : memref<320x64xf32, #tpu.memory_space<vmem>>, vector<1x16xf32>,
            %get3A_108 = vector.shape_cast %get3A_107 : vector<1x16xf32> to vector<16xf32>
            %get3A_109 = arith.index_cast %while3A_85 : i32 to index
            %get3A_110 = arith.constant 16 : index
            %get3A_111 = tpu.vector_load %arg11[%get3A_109, %get3A_110] {strides = array<i32>} : memref<16x128xf32, #tpu.memory_space<vmem>>, vector<1x16xf32>,
            %get3A_112 = vector.shape_cast %get3A_111 : vector<1x16xf32> to vector<16xf32>
            %max3A_113 = arith.maximumf %get3A_108, %get3A_112 : vector<16xf32>
            %swap3A_114 = arith.index_cast %squeeze3A_92 : i32 to index
            %swap3A_115 = arith.constant 16 : index
            %swap3A_116 = tpu.vector_load %arg12[%swap3A_114, %swap3A_115] {strides = array<i32>} : memref<320x64xf32, #tpu.memory_space<vmem>>, vector<1x16xf32>,
            %swap3A_117 = vector.shape_cast %swap3A_116 : vector<1x16xf32> to vector<16xf32>
            %swap3A_118 = vector.shape_cast %max3A_113 : vector<16xf32> to vector<1x16xf32>
            tpu.vector_store %arg12[%swap3A_114, %swap3A_115], %swap3A_118 {strides = array<i32>} : memref<320x64xf32, #tpu.memory_space<vmem>>, vector<1x16xf32>,
            %get3A_119 = arith.index_cast %squeeze3A_92 : i32 to index
            %get3A_120 = arith.constant 32 : index
            %get3A_121 = tpu.vector_load %arg12[%get3A_119, %get3A_120] {strides = array<i32>} : memref<320x64xf32, #tpu.memory_space<vmem>>, vector<1x16xf32>,
            %get3A_122 = vector.shape_cast %get3A_121 : vector<1x16xf32> to vector<16xf32>
            %get3A_123 = arith.index_cast %while3A_85 : i32 to index
            %get3A_124 = arith.constant 32 : index
            %get3A_125 = tpu.vector_load %arg11[%get3A_123, %get3A_124] {strides = array<i32>} : memref<16x128xf32, #tpu.memory_space<vmem>>, vector<1x16xf32>,
            %get3A_126 = vector.shape_cast %get3A_125 : vector<1x16xf32> to vector<16xf32>
            %max3A_127 = arith.maximumf %get3A_122, %get3A_126 : vector<16xf32>
            %swap3A_128 = arith.index_cast %squeeze3A_92 : i32 to index
            %swap3A_129 = arith.constant 32 : index
            %swap3A_130 = tpu.vector_load %arg12[%swap3A_128, %swap3A_129] {strides = array<i32>} : memref<320x64xf32, #tpu.memory_space<vmem>>, vector<1x16xf32>,
            %swap3A_131 = vector.shape_cast %swap3A_130 : vector<1x16xf32> to vector<16xf32>
            %swap3A_132 = vector.shape_cast %max3A_127 : vector<16xf32> to vector<1x16xf32>
            tpu.vector_store %arg12[%swap3A_128, %swap3A_129], %swap3A_132 {strides = array<i32>} : memref<320x64xf32, #tpu.memory_space<vmem>>, vector<1x16xf32>,
            %get3A_133 = arith.index_cast %squeeze3A_92 : i32 to index
            %get3A_134 = arith.constant 48 : index
            %get3A_135 = tpu.vector_load %arg12[%get3A_133, %get3A_134] {strides = array<i32>} : memref<320x64xf32, #tpu.memory_space<vmem>>, vector<1x16xf32>,
            %get3A_136 = vector.shape_cast %get3A_135 : vector<1x16xf32> to vector<16xf32>
            %get3A_137 = arith.index_cast %while3A_85 : i32 to index
            %get3A_138 = arith.constant 48 : index
            %get3A_139 = tpu.vector_load %arg11[%get3A_137, %get3A_138] {strides = array<i32>} : memref<16x128xf32, #tpu.memory_space<vmem>>, vector<1x16xf32>,
            %get3A_140 = vector.shape_cast %get3A_139 : vector<1x16xf32> to vector<16xf32>
            %max3A_141 = arith.maximumf %get3A_136, %get3A_140 : vector<16xf32>
            %swap3A_142 = arith.index_cast %squeeze3A_92 : i32 to index
            %swap3A_143 = arith.constant 48 : index
            %swap3A_144 = tpu.vector_load %arg12[%swap3A_142, %swap3A_143] {strides = array<i32>} : memref<320x64xf32, #tpu.memory_space<vmem>>, vector<1x16xf32>,
            %swap3A_145 = vector.shape_cast %swap3A_144 : vector<1x16xf32> to vector<16xf32>
            %swap3A_146 = vector.shape_cast %max3A_141 : vector<16xf32> to vector<1x16xf32>
            tpu.vector_store %arg12[%swap3A_142, %swap3A_143], %swap3A_146 {strides = array<i32>} : memref<320x64xf32, #tpu.memory_space<vmem>>, vector<1x16xf32>,
            %while3A_147 = arith.constant 0 : i32
            scf.yield %while3A_147 : i32
          }
        } else {
        }
        %while3A_62 = arith.constant 0 : i32
        scf.yield %while3A_62 : i32
      }
      %scan3A_44 = arith.constant 0 : i32
      scf.yield %scan3A_44 : i32
    }
    %scan3A_16 = arith.constant 160 : i32
    "tpu.region"() ({
      %run_scoped3A = tpu.sem_alloc : memref<!tpu.dma_semaphore, #tpu.memory_space<semaphore_mem>>
      %dma_start3A = arith.constant 0 : i32
      %dma_start3A_17 = tpu.memref_slice %arg6[%mul3A_2, %dma_start3A] : memref<10240x64xf32, #tpu.memory_space<hbm>> -> memref<320x64xf32, #tpu.memory_space<hbm>>
      %dma_start3A_18 = arith.constant 0 : i32
      %dma_start3A_19 = tpu.memref_slice %arg6[%mul3A_2, %dma_start3A_18] : memref<10240x64xf32, #tpu.memory_space<hbm>> -> memref<320x64xf32, #tpu.memory_space<hbm>>
      tpu.enqueue_dma source(%arg12 : memref<320x64xf32, #tpu.memory_space<vmem>>) target(%dma_start3A_19 : memref<320x64xf32, #tpu.memory_space<hbm>>) target_semaphore(%run_scoped3A : memref<!tpu.dma_semaphore, #tpu.memory_space<semaphore_mem>>)
      %dma_wait3A = arith.constant 0 : i32
      %dma_wait3A_20 = tpu.memref_slice %arg6[%mul3A_2, %dma_wait3A] : memref<10240x64xf32, #tpu.memory_space<hbm>> -> memref<320x64xf32, #tpu.memory_space<hbm>>
      %dma_wait3A_21 = arith.constant 0 : i32
      %dma_wait3A_22 = tpu.memref_slice %arg6[%mul3A_2, %dma_wait3A_21] : memref<10240x64xf32, #tpu.memory_space<hbm>> -> memref<320x64xf32, #tpu.memory_space<hbm>>
      tpu.wait_dma2 semaphore(%run_scoped3A : memref<!tpu.dma_semaphore, #tpu.memory_space<semaphore_mem>>) src(%arg12 : memref<320x64xf32, #tpu.memory_space<vmem>>) dst(%dma_wait3A_22 : memref<320x64xf32, #tpu.memory_space<hbm>>)
      tpu.yield
    }) : () -> ()
    return
  }
}

#map = affine_map<(d0, d1) -> (0, 0)>
#map1 = affine_map<(d0, d1) -> (0)>
#map2 = affine_map<(d0, d1) -> (0, 0, 0)>
module attributes {stable_mosaic.version = 14 : i64} {
  func.func @k(%arg0: i32, %arg1: i32, %arg2: memref<320000x128xf32, #tpu.memory_space<hbm>>, %arg3: memref<320000xi32, #tpu.memory_space<hbm>>, %arg4: memref<512xi32, #tpu.memory_space<hbm>>, %arg5: memref<10240x64xf32, #tpu.memory_space<hbm>>, %arg6: memref<5120x127x16xi32, #tpu.memory_space<hbm>>, %arg7: memref<10403840xi32, #tpu.memory_space<hbm>>, %arg8: memref<81920xi32, #tpu.memory_space<hbm>>, %arg9: memref<2000xi32, #tpu.memory_space<vmem>>, %arg10: memref<127x16xi32, #tpu.memory_space<vmem>>, %arg11: memref<2032xi32, #tpu.memory_space<vmem>>, %arg12: memref<96xi32, #tpu.memory_space<vmem>>, %arg13: memref<16xi32, #tpu.memory_space<vmem>>, %arg14: memref<16x128xf32, #tpu.memory_space<vmem>>, %arg15: memref<16x128xf32, #tpu.memory_space<vmem>>, %arg16: memref<320x64xf32, #tpu.memory_space<vmem>>, %arg17: memref<!tpu.dma_semaphore, #tpu.memory_space<semaphore_mem>>, %arg18: memref<!tpu.dma_semaphore, #tpu.memory_space<semaphore_mem>>) attributes {dimension_semantics = [#tpu.dimension_semantics<core_parallel>, #tpu.dimension_semantics<subcore_parallel>], iteration_bounds = array<i64: 2, 16>, scalar_prefetch = 0 : i64, scratch_operands = 10 : i64, tpu.core_type = #tpu.core_type<sc_vector_subcore>, window_params = [{transform_indices = #map}, {transform_indices = #map1}, {transform_indices = #map1}, {transform_indices = #map}, {transform_indices = #map2}, {transform_indices = #map1}, {transform_indices = #map1}]} {
    %mul3A = arith.constant 2 : i32
    %mul3A_0 = arith.muli %arg1, %mul3A : i32
    %add3A = arith.addi %mul3A_0, %arg0 : i32
    %mul3A_1 = arith.constant 320 : i32
    %mul3A_2 = arith.muli %add3A, %mul3A_1 : i32
    %broadcast_in_dim3A = arith.constant -1.000000e+00 : f32
    %broadcast_in_dim3A_3 = vector.broadcast %broadcast_in_dim3A : f32 to vector<16xf32>
    %broadcast_in_dim3A_4 = arith.constant 0 : i32
    %broadcast_in_dim3A_5 = vector.broadcast %broadcast_in_dim3A_4 : i32 to vector<16xi32>
    %iota3A = tpu.iota {dimensions = array<i32: 0>} : vector<16xi32>
    %mul3A_6 = arith.constant 16 : i32
    %mul3A_7 = arith.muli %add3A, %mul3A_6 : i32
    "tpu.region"() ({
      %run_scoped3A = tpu.sem_alloc : memref<!tpu.dma_semaphore, #tpu.memory_space<semaphore_mem>>
      %dma_start3A = tpu.memref_slice %arg4[%mul3A_7] : memref<512xi32, #tpu.memory_space<hbm>> -> memref<16xi32, #tpu.memory_space<hbm>>
      %dma_start3A_35 = tpu.memref_slice %arg4[%mul3A_7] : memref<512xi32, #tpu.memory_space<hbm>> -> memref<16xi32, #tpu.memory_space<hbm>>
      tpu.enqueue_dma source(%dma_start3A_35 : memref<16xi32, #tpu.memory_space<hbm>>) target(%arg13 : memref<16xi32, #tpu.memory_space<vmem>>) target_semaphore(%run_scoped3A : memref<!tpu.dma_semaphore, #tpu.memory_space<semaphore_mem>>)
      %dma_wait3A = tpu.memref_slice %arg4[%mul3A_7] : memref<512xi32, #tpu.memory_space<hbm>> -> memref<16xi32, #tpu.memory_space<hbm>>
      %dma_wait3A_36 = tpu.memref_slice %arg4[%mul3A_7] : memref<512xi32, #tpu.memory_space<hbm>> -> memref<16xi32, #tpu.memory_space<hbm>>
      tpu.wait_dma2 semaphore(%run_scoped3A : memref<!tpu.dma_semaphore, #tpu.memory_space<semaphore_mem>>) src(%dma_wait3A_36 : memref<16xi32, #tpu.memory_space<hbm>>) dst(%arg13 : memref<16xi32, #tpu.memory_space<vmem>>)
      tpu.yield
    }) : () -> ()
    %get3A = arith.constant 0 : index
    %get3A_8 = tpu.vector_load %arg13[%get3A] {strides = array<i32>} : memref<16xi32, #tpu.memory_space<vmem>>, vector<16xi32>,
    %get3A_9 = vector.shape_cast %get3A_8 : vector<16xi32> to vector<16xi32>
    %add3A_10 = arith.constant 320 : i32
    %add3A_11 = vector.broadcast %add3A_10 : i32 to vector<16xi32>
    %add3A_12 = arith.addi %get3A_9, %add3A_11 : vector<16xi32>
    %scan3A = arith.constant 0 : i32
    %scan3A_13 = arith.constant 0 : i32
    %scan3A_14 = arith.constant 320 : i32
    %scan3A_15 = arith.addi %scan3A_13, %scan3A_14 : i32
    %scan3A_16 = arith.constant 1 : i32
    %scan3A_17 = scf.for %scan3A_35 = %scan3A_13 to %scan3A_15 step %scan3A_16 iter_args(%scan3A_36 = %scan3A) -> (i32)  : i32 {
      %swap3A_37 = arith.index_cast %scan3A_35 : i32 to index
      %swap3A_38 = arith.constant 0 : index
      %swap3A_39 = tpu.vector_load %arg16[%swap3A_37, %swap3A_38] {strides = array<i32>} : memref<320x64xf32, #tpu.memory_space<vmem>>, vector<1x16xf32>,
      %swap3A_40 = vector.shape_cast %swap3A_39 : vector<1x16xf32> to vector<16xf32>
      %swap3A_41 = vector.shape_cast %broadcast_in_dim3A_3 : vector<16xf32> to vector<1x16xf32>
      tpu.vector_store %arg16[%swap3A_37, %swap3A_38], %swap3A_41 {strides = array<i32>} : memref<320x64xf32, #tpu.memory_space<vmem>>, vector<1x16xf32>,
      %swap3A_42 = arith.index_cast %scan3A_35 : i32 to index
      %swap3A_43 = arith.constant 16 : index
      %swap3A_44 = tpu.vector_load %arg16[%swap3A_42, %swap3A_43] {strides = array<i32>} : memref<320x64xf32, #tpu.memory_space<vmem>>, vector<1x16xf32>,
      %swap3A_45 = vector.shape_cast %swap3A_44 : vector<1x16xf32> to vector<16xf32>
      %swap3A_46 = vector.shape_cast %broadcast_in_dim3A_3 : vector<16xf32> to vector<1x16xf32>
      tpu.vector_store %arg16[%swap3A_42, %swap3A_43], %swap3A_46 {strides = array<i32>} : memref<320x64xf32, #tpu.memory_space<vmem>>, vector<1x16xf32>,
      %swap3A_47 = arith.index_cast %scan3A_35 : i32 to index
      %swap3A_48 = arith.constant 32 : index
      %swap3A_49 = tpu.vector_load %arg16[%swap3A_47, %swap3A_48] {strides = array<i32>} : memref<320x64xf32, #tpu.memory_space<vmem>>, vector<1x16xf32>,
      %swap3A_50 = vector.shape_cast %swap3A_49 : vector<1x16xf32> to vector<16xf32>
      %swap3A_51 = vector.shape_cast %broadcast_in_dim3A_3 : vector<16xf32> to vector<1x16xf32>
      tpu.vector_store %arg16[%swap3A_47, %swap3A_48], %swap3A_51 {strides = array<i32>} : memref<320x64xf32, #tpu.memory_space<vmem>>, vector<1x16xf32>,
      %swap3A_52 = arith.index_cast %scan3A_35 : i32 to index
      %swap3A_53 = arith.constant 48 : index
      %swap3A_54 = tpu.vector_load %arg16[%swap3A_52, %swap3A_53] {strides = array<i32>} : memref<320x64xf32, #tpu.memory_space<vmem>>, vector<1x16xf32>,
      %swap3A_55 = vector.shape_cast %swap3A_54 : vector<1x16xf32> to vector<16xf32>
      %swap3A_56 = vector.shape_cast %broadcast_in_dim3A_3 : vector<16xf32> to vector<1x16xf32>
      tpu.vector_store %arg16[%swap3A_52, %swap3A_53], %swap3A_56 {strides = array<i32>} : memref<320x64xf32, #tpu.memory_space<vmem>>, vector<1x16xf32>,
      %scan3A_57 = arith.constant 0 : i32
      scf.yield %scan3A_57 : i32
    }
    %scan3A_18 = arith.constant 320 : i32
    %scan3A_19 = arith.constant 0 : i32
    %scan3A_20 = arith.constant 0 : i32
    %scan3A_21 = arith.constant 127 : i32
    %scan3A_22 = arith.addi %scan3A_20, %scan3A_21 : i32
    %scan3A_23 = arith.constant 1 : i32
    %scan3A_24 = scf.for %scan3A_35 = %scan3A_20 to %scan3A_22 step %scan3A_23 iter_args(%scan3A_36 = %scan3A_19) -> (i32)  : i32 {
      %swap3A_37 = arith.index_cast %scan3A_35 : i32 to index
      %swap3A_38 = arith.constant 0 : index
      %swap3A_39 = tpu.vector_load %arg10[%swap3A_37, %swap3A_38] {strides = array<i32>} : memref<127x16xi32, #tpu.memory_space<vmem>>, vector<1x16xi32>,
      %swap3A_40 = vector.shape_cast %swap3A_39 : vector<1x16xi32> to vector<16xi32>
      %swap3A_41 = vector.shape_cast %broadcast_in_dim3A_5 : vector<16xi32> to vector<1x16xi32>
      tpu.vector_store %arg10[%swap3A_37, %swap3A_38], %swap3A_41 {strides = array<i32>} : memref<127x16xi32, #tpu.memory_space<vmem>>, vector<1x16xi32>,
      %scan3A_42 = arith.constant 0 : i32
      scf.yield %scan3A_42 : i32
    }
    %scan3A_25 = arith.constant 127 : i32
    %swap3A = arith.constant 0 : index
    %swap3A_26 = tpu.vector_load %arg12[%swap3A] {strides = array<i32>} : memref<96xi32, #tpu.memory_space<vmem>>, vector<16xi32>,
    %swap3A_27 = vector.shape_cast %swap3A_26 : vector<16xi32> to vector<16xi32>
    %swap3A_28 = vector.shape_cast %broadcast_in_dim3A_5 : vector<16xi32> to vector<16xi32>
    tpu.vector_store %arg12[%swap3A], %swap3A_28 {strides = array<i32>} : memref<96xi32, #tpu.memory_space<vmem>>, vector<16xi32>,
    %scan3A_29 = arith.constant 0 : i32
    %scan3A_30 = arith.constant 160 : i32
    %scan3A_31 = arith.addi %scan3A_29, %scan3A_30 : i32
    %scan3A_32 = arith.constant 1 : i32
    %scan3A_33 = scf.for %scan3A_35 = %scan3A_29 to %scan3A_31 step %scan3A_32 iter_args(%scan3A_36 = %iota3A) -> (vector<16xi32>)  : i32 {
      %mul3A_37 = arith.constant 2000 : i32
      %mul3A_38 = arith.muli %scan3A_35, %mul3A_37 : i32
      "tpu.region"() ({
        %run_scoped3A = tpu.sem_alloc : memref<!tpu.dma_semaphore, #tpu.memory_space<semaphore_mem>>
        %dma_start3A = tpu.memref_slice %arg3[%mul3A_38] : memref<320000xi32, #tpu.memory_space<hbm>> -> memref<2000xi32, #tpu.memory_space<hbm>>
        %dma_start3A_77 = tpu.memref_slice %arg3[%mul3A_38] : memref<320000xi32, #tpu.memory_space<hbm>> -> memref<2000xi32, #tpu.memory_space<hbm>>
        tpu.enqueue_dma source(%dma_start3A_77 : memref<2000xi32, #tpu.memory_space<hbm>>) target(%arg9 : memref<2000xi32, #tpu.memory_space<vmem>>) target_semaphore(%run_scoped3A : memref<!tpu.dma_semaphore, #tpu.memory_space<semaphore_mem>>)
        %dma_wait3A = tpu.memref_slice %arg3[%mul3A_38] : memref<320000xi32, #tpu.memory_space<hbm>> -> memref<2000xi32, #tpu.memory_space<hbm>>
        %dma_wait3A_78 = tpu.memref_slice %arg3[%mul3A_38] : memref<320000xi32, #tpu.memory_space<hbm>> -> memref<2000xi32, #tpu.memory_space<hbm>>
        tpu.wait_dma2 semaphore(%run_scoped3A : memref<!tpu.dma_semaphore, #tpu.memory_space<semaphore_mem>>) src(%dma_wait3A_78 : memref<2000xi32, #tpu.memory_space<hbm>>) dst(%arg9 : memref<2000xi32, #tpu.memory_space<vmem>>)
        tpu.yield
      }) : () -> ()
      %scan3A_39 = arith.constant 0 : i32
      %scan3A_40 = arith.constant 0 : i32
      %scan3A_41 = arith.constant 125 : i32
      %scan3A_42 = arith.addi %scan3A_40, %scan3A_41 : i32
      %scan3A_43 = arith.constant 1 : i32
      %scan3A_44:3 = scf.for %scan3A_77 = %scan3A_40 to %scan3A_42 step %scan3A_43 iter_args(%scan3A_78 = %scan3A_39, %scan3A_79 = %scan3A_36, %scan3A_80 = %broadcast_in_dim3A_5) -> (i32, vector<16xi32>, vector<16xi32>)  : i32 {
        %mul3A_81 = arith.constant 16 : i32
        %mul3A_82 = arith.muli %scan3A_77, %mul3A_81 : i32
        %get3A_83 = arith.index_cast %mul3A_82 : i32 to index
        %get3A_84 = tpu.vector_load %arg9[%get3A_83] {strides = array<i32>} : memref<2000xi32, #tpu.memory_space<vmem>>, vector<16xi32>,
        %get3A_85 = vector.shape_cast %get3A_84 : vector<16xi32> to vector<16xi32>
        %ge3A = arith.cmpi sge, %get3A_85, %get3A_9 : vector<16xi32>
        %lt3A = arith.cmpi slt, %get3A_85, %add3A_12 : vector<16xi32>
        %and3A = arith.andi %ge3A, %lt3A : vector<16xi1>
        %jit3A = arith.constant 1 : i32
        %jit3A_86 = arith.constant 0 : i32
        %broadcast_in_dim3A_87 = vector.broadcast %jit3A : i32 to vector<16xi32>
        %broadcast_in_dim3A_88 = vector.broadcast %jit3A_86 : i32 to vector<16xi32>
        %select_n3A = arith.select %and3A, %broadcast_in_dim3A_87, %broadcast_in_dim3A_88 : vector<16xi1>, vector<16xi32>
        %swap3A_89 = arith.constant 16 : index
        %swap3A_90 = tpu.vector_load %arg12[%swap3A_89] {strides = array<i32>} : memref<96xi32, #tpu.memory_space<vmem>>, vector<16xi32>,
        %swap3A_91 = vector.shape_cast %swap3A_90 : vector<16xi32> to vector<16xi32>
        %swap3A_92 = vector.shape_cast %select_n3A : vector<16xi32> to vector<16xi32>
        tpu.vector_store %arg12[%swap3A_89], %swap3A_92 {strides = array<i32>} : memref<96xi32, #tpu.memory_space<vmem>>, vector<16xi32>,
        %get3A_93 = arith.constant 15 : index
        %get3A_94 = tpu.vector_load %arg12[%get3A_93] {strides = array<i32>} : memref<96xi32, #tpu.memory_space<vmem>>, vector<16xi32>,
        %get3A_95 = vector.shape_cast %get3A_94 : vector<16xi32> to vector<16xi32>
        %add3A_96 = arith.addi %select_n3A, %get3A_95 : vector<16xi32>
        %swap3A_97 = arith.constant 16 : index
        %swap3A_98 = tpu.vector_load %arg12[%swap3A_97] {strides = array<i32>} : memref<96xi32, #tpu.memory_space<vmem>>, vector<16xi32>,
        %swap3A_99 = vector.shape_cast %swap3A_98 : vector<16xi32> to vector<16xi32>
        %swap3A_100 = vector.shape_cast %add3A_96 : vector<16xi32> to vector<16xi32>
        tpu.vector_store %arg12[%swap3A_97], %swap3A_100 {strides = array<i32>} : memref<96xi32, #tpu.memory_space<vmem>>, vector<16xi32>,
        %get3A_101 = arith.constant 14 : index
        %get3A_102 = tpu.vector_load %arg12[%get3A_101] {strides = array<i32>} : memref<96xi32, #tpu.memory_space<vmem>>, vector<16xi32>,
        %get3A_103 = vector.shape_cast %get3A_102 : vector<16xi32> to vector<16xi32>
        %add3A_104 = arith.addi %add3A_96, %get3A_103 : vector<16xi32>
        %swap3A_105 = arith.constant 16 : index
        %swap3A_106 = tpu.vector_load %arg12[%swap3A_105] {strides = array<i32>} : memref<96xi32, #tpu.memory_space<vmem>>, vector<16xi32>,
        %swap3A_107 = vector.shape_cast %swap3A_106 : vector<16xi32> to vector<16xi32>
        %swap3A_108 = vector.shape_cast %add3A_104 : vector<16xi32> to vector<16xi32>
        tpu.vector_store %arg12[%swap3A_105], %swap3A_108 {strides = array<i32>} : memref<96xi32, #tpu.memory_space<vmem>>, vector<16xi32>,
        %get3A_109 = arith.constant 12 : index
        %get3A_110 = tpu.vector_load %arg12[%get3A_109] {strides = array<i32>} : memref<96xi32, #tpu.memory_space<vmem>>, vector<16xi32>,
        %get3A_111 = vector.shape_cast %get3A_110 : vector<16xi32> to vector<16xi32>
        %add3A_112 = arith.addi %add3A_104, %get3A_111 : vector<16xi32>
        %swap3A_113 = arith.constant 16 : index
        %swap3A_114 = tpu.vector_load %arg12[%swap3A_113] {strides = array<i32>} : memref<96xi32, #tpu.memory_space<vmem>>, vector<16xi32>,
        %swap3A_115 = vector.shape_cast %swap3A_114 : vector<16xi32> to vector<16xi32>
        %swap3A_116 = vector.shape_cast %add3A_112 : vector<16xi32> to vector<16xi32>
        tpu.vector_store %arg12[%swap3A_113], %swap3A_116 {strides = array<i32>} : memref<96xi32, #tpu.memory_space<vmem>>, vector<16xi32>,
        %get3A_117 = arith.constant 8 : index
        %get3A_118 = tpu.vector_load %arg12[%get3A_117] {strides = array<i32>} : memref<96xi32, #tpu.memory_space<vmem>>, vector<16xi32>,
        %get3A_119 = vector.shape_cast %get3A_118 : vector<16xi32> to vector<16xi32>
        %add3A_120 = arith.addi %add3A_112, %get3A_119 : vector<16xi32>
        %slice3A = vector.extract_strided_slice %add3A_120 {offsets = [15], sizes = [1], strides = [1]} : vector<16xi32> to vector<1xi32>
        %squeeze3A = vector.extract %slice3A[0] : i32 from vector<1xi32>
        %gt3A_121 = arith.constant 0 : i32
        %gt3A_122 = arith.cmpi sgt, %squeeze3A, %gt3A_121 : i32
        %convert_element_type3A_123 = arith.extui %gt3A_122 : i1 to i32
        %cond3A_124 = arith.constant 0 : i32
        %cond3A_125 = arith.cmpi ne, %convert_element_type3A_123, %cond3A_124 : i32
        scf.if %cond3A_125 {
          %sub3A = arith.subi %get3A_85, %get3A_9 : vector<16xi32>
          %swap3A_131 = arith.constant 32 : index
          %swap3A_132 = tpu.vector_load %arg12[%swap3A_131] {strides = array<i32>} : memref<96xi32, #tpu.memory_space<vmem>>, vector<16xi32>,
          %swap3A_133 = vector.shape_cast %swap3A_132 : vector<16xi32> to vector<16xi32>
          %swap3A_134 = vector.shape_cast %scan3A_79 : vector<16xi32> to vector<16xi32>
          tpu.vector_store %arg12[%swap3A_131], %swap3A_134 {strides = array<i32>} : memref<96xi32, #tpu.memory_space<vmem>>, vector<16xi32>,
          %swap3A_135 = arith.constant 48 : index
          %swap3A_136 = tpu.vector_load %arg12[%swap3A_135] {strides = array<i32>} : memref<96xi32, #tpu.memory_space<vmem>>, vector<16xi32>,
          %swap3A_137 = vector.shape_cast %swap3A_136 : vector<16xi32> to vector<16xi32>
          %swap3A_138 = vector.shape_cast %scan3A_79 : vector<16xi32> to vector<16xi32>
          tpu.vector_store %arg12[%swap3A_135], %swap3A_138 {strides = array<i32>} : memref<96xi32, #tpu.memory_space<vmem>>, vector<16xi32>,
          %swap3A_139 = arith.constant 64 : index
          %swap3A_140 = tpu.vector_load %arg12[%swap3A_139] {strides = array<i32>} : memref<96xi32, #tpu.memory_space<vmem>>, vector<16xi32>,
          %swap3A_141 = vector.shape_cast %swap3A_140 : vector<16xi32> to vector<16xi32>
          %swap3A_142 = vector.shape_cast %sub3A : vector<16xi32> to vector<16xi32>
          tpu.vector_store %arg12[%swap3A_139], %swap3A_142 {strides = array<i32>} : memref<96xi32, #tpu.memory_space<vmem>>, vector<16xi32>,
          %swap3A_143 = arith.constant 80 : index
          %swap3A_144 = tpu.vector_load %arg12[%swap3A_143] {strides = array<i32>} : memref<96xi32, #tpu.memory_space<vmem>>, vector<16xi32>,
          %swap3A_145 = vector.shape_cast %swap3A_144 : vector<16xi32> to vector<16xi32>
          %swap3A_146 = vector.shape_cast %sub3A : vector<16xi32> to vector<16xi32>
          tpu.vector_store %arg12[%swap3A_143], %swap3A_146 {strides = array<i32>} : memref<96xi32, #tpu.memory_space<vmem>>, vector<16xi32>,
          %slice3A_147 = vector.extract_strided_slice %add3A_120 {offsets = [0], sizes = [1], strides = [1]} : vector<16xi32> to vector<1xi32>
          %squeeze3A_148 = vector.extract %slice3A_147[0] : i32 from vector<1xi32>
          %gt3A_149 = arith.constant 0 : i32
          %gt3A_150 = arith.cmpi sgt, %squeeze3A_148, %gt3A_149 : i32
          %add3A_151 = arith.addi %scan3A_78, %squeeze3A_148 : i32
          %sub3A_152 = arith.constant 1 : i32
          %sub3A_153 = arith.subi %add3A_151, %sub3A_152 : i32
          %and3A_154 = arith.constant 15 : i32
          %and3A_155 = arith.andi %sub3A_153, %and3A_154 : i32
          %shift_right_logical3A = arith.constant 4 : i32
          %shift_right_logical3A_156 = arith.shrui %sub3A_153, %shift_right_logical3A : i32
          %convert_element_type3A_157 = arith.extui %gt3A_150 : i1 to i32
          %cond3A_158 = arith.constant 0 : i32
          %cond3A_159 = arith.cmpi ne, %convert_element_type3A_157, %cond3A_158 : i32
          scf.if %cond3A_159 {
            %sub3A_355 = arith.constant 0 : i32
            %sub3A_356 = arith.subi %sub3A_355, %and3A_155 : i32
            %and3A_357 = arith.constant 15 : i32
            %and3A_358 = arith.andi %sub3A_356, %and3A_357 : i32
            %add3A_359 = arith.constant 32 : i32
            %add3A_360 = arith.addi %add3A_359, %and3A_358 : i32
            %get3A_361 = arith.index_cast %add3A_360 : i32 to index
            %get3A_362 = tpu.vector_load %arg12[%get3A_361] {strides = array<i32>} : memref<96xi32, #tpu.memory_space<vmem>>, vector<16xi32>,
            %get3A_363 = vector.shape_cast %get3A_362 : vector<16xi32> to vector<16xi32>
            %add3A_364 = arith.constant 64 : i32
            %add3A_365 = arith.addi %add3A_364, %and3A_358 : i32
            %get3A_366 = arith.index_cast %add3A_365 : i32 to index
            %get3A_367 = tpu.vector_load %arg12[%get3A_366] {strides = array<i32>} : memref<96xi32, #tpu.memory_space<vmem>>, vector<16xi32>,
            %get3A_368 = vector.shape_cast %get3A_367 : vector<16xi32> to vector<16xi32>
            %eq3A = vector.broadcast %and3A_155 : i32 to vector<16xi32>
            %eq3A_369 = arith.cmpi eq, %iota3A, %eq3A : vector<16xi32>
            %get3A_370 = arith.index_cast %shift_right_logical3A_156 : i32 to index
            %get3A_371 = arith.constant 0 : index
            %get3A_372 = tpu.vector_load %arg10[%get3A_370, %get3A_371] {strides = array<i32>} : memref<127x16xi32, #tpu.memory_space<vmem>>, vector<1x16xi32>,
            %get3A_373 = vector.shape_cast %get3A_372 : vector<1x16xi32> to vector<16xi32>
            %sub3A_374 = arith.subi %sub3A_153, %and3A_155 : i32
            %get3A_375 = arith.index_cast %sub3A_374 : i32 to index
            %get3A_376 = tpu.vector_load %arg11[%get3A_375] {strides = array<i32>} : memref<2032xi32, #tpu.memory_space<vmem>>, vector<16xi32>,
            %get3A_377 = vector.shape_cast %get3A_376 : vector<16xi32> to vector<16xi32>
            %select_n3A_378 = arith.select %eq3A_369, %get3A_363, %get3A_373 : vector<16xi1>, vector<16xi32>
            %swap3A_379 = arith.index_cast %shift_right_logical3A_156 : i32 to index
            %swap3A_380 = arith.constant 0 : index
            %swap3A_381 = tpu.vector_load %arg10[%swap3A_379, %swap3A_380] {strides = array<i32>} : memref<127x16xi32, #tpu.memory_space<vmem>>, vector<1x16xi32>,
            %swap3A_382 = vector.shape_cast %swap3A_381 : vector<1x16xi32> to vector<16xi32>
            %swap3A_383 = vector.shape_cast %select_n3A_378 : vector<16xi32> to vector<1x16xi32>
            tpu.vector_store %arg10[%swap3A_379, %swap3A_380], %swap3A_383 {strides = array<i32>} : memref<127x16xi32, #tpu.memory_space<vmem>>, vector<1x16xi32>,
            %select_n3A_384 = arith.select %eq3A_369, %get3A_368, %get3A_377 : vector<16xi1>, vector<16xi32>
            %sub3A_385 = arith.subi %sub3A_153, %and3A_155 : i32
            %swap3A_386 = arith.index_cast %sub3A_385 : i32 to index
            %swap3A_387 = tpu.vector_load %arg11[%swap3A_386] {strides = array<i32>} : memref<2032xi32, #tpu.memory_space<vmem>>, vector<16xi32>,
            %swap3A_388 = vector.shape_cast %swap3A_387 : vector<16xi32> to vector<16xi32>
            %swap3A_389 = vector.shape_cast %select_n3A_384 : vector<16xi32> to vector<16xi32>
            tpu.vector_store %arg11[%swap3A_386], %swap3A_389 {strides = array<i32>} : memref<2032xi32, #tpu.memory_space<vmem>>, vector<16xi32>,
          } else {
          }
          %slice3A_160 = vector.extract_strided_slice %add3A_120 {offsets = [1], sizes = [1], strides = [1]} : vector<16xi32> to vector<1xi32>
          %squeeze3A_161 = vector.extract %slice3A_160[0] : i32 from vector<1xi32>
          %gt3A_162 = arith.cmpi sgt, %squeeze3A_161, %squeeze3A_148 : i32
          %add3A_163 = arith.addi %scan3A_78, %squeeze3A_161 : i32
          %sub3A_164 = arith.constant 1 : i32
          %sub3A_165 = arith.subi %add3A_163, %sub3A_164 : i32
          %and3A_166 = arith.constant 15 : i32
          %and3A_167 = arith.andi %sub3A_165, %and3A_166 : i32
          %shift_right_logical3A_168 = arith.constant 4 : i32
          %shift_right_logical3A_169 = arith.shrui %sub3A_165, %shift_right_logical3A_168 : i32
          %convert_element_type3A_170 = arith.extui %gt3A_162 : i1 to i32
          %cond3A_171 = arith.constant 0 : i32
          %cond3A_172 = arith.cmpi ne, %convert_element_type3A_170, %cond3A_171 : i32
          scf.if %cond3A_172 {
            %sub3A_355 = arith.constant 1 : i32
            %sub3A_356 = arith.subi %sub3A_355, %and3A_167 : i32
            %and3A_357 = arith.constant 15 : i32
            %and3A_358 = arith.andi %sub3A_356, %and3A_357 : i32
            %add3A_359 = arith.constant 32 : i32
            %add3A_360 = arith.addi %add3A_359, %and3A_358 : i32
            %get3A_361 = arith.index_cast %add3A_360 : i32 to index
            %get3A_362 = tpu.vector_load %arg12[%get3A_361] {strides = array<i32>} : memref<96xi32, #tpu.memory_space<vmem>>, vector<16xi32>,
            %get3A_363 = vector.shape_cast %get3A_362 : vector<16xi32> to vector<16xi32>
            %add3A_364 = arith.constant 64 : i32
            %add3A_365 = arith.addi %add3A_364, %and3A_358 : i32
            %get3A_366 = arith.index_cast %add3A_365 : i32 to index
            %get3A_367 = tpu.vector_load %arg12[%get3A_366] {strides = array<i32>} : memref<96xi32, #tpu.memory_space<vmem>>, vector<16xi32>,
            %get3A_368 = vector.shape_cast %get3A_367 : vector<16xi32> to vector<16xi32>
            %eq3A = vector.broadcast %and3A_167 : i32 to vector<16xi32>
            %eq3A_369 = arith.cmpi eq, %iota3A, %eq3A : vector<16xi32>
            %get3A_370 = arith.index_cast %shift_right_logical3A_169 : i32 to index
            %get3A_371 = arith.constant 0 : index
            %get3A_372 = tpu.vector_load %arg10[%get3A_370, %get3A_371] {strides = array<i32>} : memref<127x16xi32, #tpu.memory_space<vmem>>, vector<1x16xi32>,
            %get3A_373 = vector.shape_cast %get3A_372 : vector<1x16xi32> to vector<16xi32>
            %sub3A_374 = arith.subi %sub3A_165, %and3A_167 : i32
            %get3A_375 = arith.index_cast %sub3A_374 : i32 to index
            %get3A_376 = tpu.vector_load %arg11[%get3A_375] {strides = array<i32>} : memref<2032xi32, #tpu.memory_space<vmem>>, vector<16xi32>,
            %get3A_377 = vector.shape_cast %get3A_376 : vector<16xi32> to vector<16xi32>
            %select_n3A_378 = arith.select %eq3A_369, %get3A_363, %get3A_373 : vector<16xi1>, vector<16xi32>
            %swap3A_379 = arith.index_cast %shift_right_logical3A_169 : i32 to index
            %swap3A_380 = arith.constant 0 : index
            %swap3A_381 = tpu.vector_load %arg10[%swap3A_379, %swap3A_380] {strides = array<i32>} : memref<127x16xi32, #tpu.memory_space<vmem>>, vector<1x16xi32>,
            %swap3A_382 = vector.shape_cast %swap3A_381 : vector<1x16xi32> to vector<16xi32>
            %swap3A_383 = vector.shape_cast %select_n3A_378 : vector<16xi32> to vector<1x16xi32>
            tpu.vector_store %arg10[%swap3A_379, %swap3A_380], %swap3A_383 {strides = array<i32>} : memref<127x16xi32, #tpu.memory_space<vmem>>, vector<1x16xi32>,
            %select_n3A_384 = arith.select %eq3A_369, %get3A_368, %get3A_377 : vector<16xi1>, vector<16xi32>
            %sub3A_385 = arith.subi %sub3A_165, %and3A_167 : i32
            %swap3A_386 = arith.index_cast %sub3A_385 : i32 to index
            %swap3A_387 = tpu.vector_load %arg11[%swap3A_386] {strides = array<i32>} : memref<2032xi32, #tpu.memory_space<vmem>>, vector<16xi32>,
            %swap3A_388 = vector.shape_cast %swap3A_387 : vector<16xi32> to vector<16xi32>
            %swap3A_389 = vector.shape_cast %select_n3A_384 : vector<16xi32> to vector<16xi32>
            tpu.vector_store %arg11[%swap3A_386], %swap3A_389 {strides = array<i32>} : memref<2032xi32, #tpu.memory_space<vmem>>, vector<16xi32>,
          } else {
          }
          %slice3A_173 = vector.extract_strided_slice %add3A_120 {offsets = [2], sizes = [1], strides = [1]} : vector<16xi32> to vector<1xi32>
          %squeeze3A_174 = vector.extract %slice3A_173[0] : i32 from vector<1xi32>
          %gt3A_175 = arith.cmpi sgt, %squeeze3A_174, %squeeze3A_161 : i32
          %add3A_176 = arith.addi %scan3A_78, %squeeze3A_174 : i32
          %sub3A_177 = arith.constant 1 : i32
          %sub3A_178 = arith.subi %add3A_176, %sub3A_177 : i32
          %and3A_179 = arith.constant 15 : i32
          %and3A_180 = arith.andi %sub3A_178, %and3A_179 : i32
          %shift_right_logical3A_181 = arith.constant 4 : i32
          %shift_right_logical3A_182 = arith.shrui %sub3A_178, %shift_right_logical3A_181 : i32
          %convert_element_type3A_183 = arith.extui %gt3A_175 : i1 to i32
          %cond3A_184 = arith.constant 0 : i32
          %cond3A_185 = arith.cmpi ne, %convert_element_type3A_183, %cond3A_184 : i32
          scf.if %cond3A_185 {
            %sub3A_355 = arith.constant 2 : i32
            %sub3A_356 = arith.subi %sub3A_355, %and3A_180 : i32
            %and3A_357 = arith.constant 15 : i32
            %and3A_358 = arith.andi %sub3A_356, %and3A_357 : i32
            %add3A_359 = arith.constant 32 : i32
            %add3A_360 = arith.addi %add3A_359, %and3A_358 : i32
            %get3A_361 = arith.index_cast %add3A_360 : i32 to index
            %get3A_362 = tpu.vector_load %arg12[%get3A_361] {strides = array<i32>} : memref<96xi32, #tpu.memory_space<vmem>>, vector<16xi32>,
            %get3A_363 = vector.shape_cast %get3A_362 : vector<16xi32> to vector<16xi32>
            %add3A_364 = arith.constant 64 : i32
            %add3A_365 = arith.addi %add3A_364, %and3A_358 : i32
            %get3A_366 = arith.index_cast %add3A_365 : i32 to index
            %get3A_367 = tpu.vector_load %arg12[%get3A_366] {strides = array<i32>} : memref<96xi32, #tpu.memory_space<vmem>>, vector<16xi32>,
            %get3A_368 = vector.shape_cast %get3A_367 : vector<16xi32> to vector<16xi32>
            %eq3A = vector.broadcast %and3A_180 : i32 to vector<16xi32>
            %eq3A_369 = arith.cmpi eq, %iota3A, %eq3A : vector<16xi32>
            %get3A_370 = arith.index_cast %shift_right_logical3A_182 : i32 to index
            %get3A_371 = arith.constant 0 : index
            %get3A_372 = tpu.vector_load %arg10[%get3A_370, %get3A_371] {strides = array<i32>} : memref<127x16xi32, #tpu.memory_space<vmem>>, vector<1x16xi32>,
            %get3A_373 = vector.shape_cast %get3A_372 : vector<1x16xi32> to vector<16xi32>
            %sub3A_374 = arith.subi %sub3A_178, %and3A_180 : i32
            %get3A_375 = arith.index_cast %sub3A_374 : i32 to index
            %get3A_376 = tpu.vector_load %arg11[%get3A_375] {strides = array<i32>} : memref<2032xi32, #tpu.memory_space<vmem>>, vector<16xi32>,
            %get3A_377 = vector.shape_cast %get3A_376 : vector<16xi32> to vector<16xi32>
            %select_n3A_378 = arith.select %eq3A_369, %get3A_363, %get3A_373 : vector<16xi1>, vector<16xi32>
            %swap3A_379 = arith.index_cast %shift_right_logical3A_182 : i32 to index
            %swap3A_380 = arith.constant 0 : index
            %swap3A_381 = tpu.vector_load %arg10[%swap3A_379, %swap3A_380] {strides = array<i32>} : memref<127x16xi32, #tpu.memory_space<vmem>>, vector<1x16xi32>,
            %swap3A_382 = vector.shape_cast %swap3A_381 : vector<1x16xi32> to vector<16xi32>
            %swap3A_383 = vector.shape_cast %select_n3A_378 : vector<16xi32> to vector<1x16xi32>
            tpu.vector_store %arg10[%swap3A_379, %swap3A_380], %swap3A_383 {strides = array<i32>} : memref<127x16xi32, #tpu.memory_space<vmem>>, vector<1x16xi32>,
            %select_n3A_384 = arith.select %eq3A_369, %get3A_368, %get3A_377 : vector<16xi1>, vector<16xi32>
            %sub3A_385 = arith.subi %sub3A_178, %and3A_180 : i32
            %swap3A_386 = arith.index_cast %sub3A_385 : i32 to index
            %swap3A_387 = tpu.vector_load %arg11[%swap3A_386] {strides = array<i32>} : memref<2032xi32, #tpu.memory_space<vmem>>, vector<16xi32>,
            %swap3A_388 = vector.shape_cast %swap3A_387 : vector<16xi32> to vector<16xi32>
            %swap3A_389 = vector.shape_cast %select_n3A_384 : vector<16xi32> to vector<16xi32>
            tpu.vector_store %arg11[%swap3A_386], %swap3A_389 {strides = array<i32>} : memref<2032xi32, #tpu.memory_space<vmem>>, vector<16xi32>,
          } else {
          }
          %slice3A_186 = vector.extract_strided_slice %add3A_120 {offsets = [3], sizes = [1], strides = [1]} : vector<16xi32> to vector<1xi32>
          %squeeze3A_187 = vector.extract %slice3A_186[0] : i32 from vector<1xi32>
          %gt3A_188 = arith.cmpi sgt, %squeeze3A_187, %squeeze3A_174 : i32
          %add3A_189 = arith.addi %scan3A_78, %squeeze3A_187 : i32
          %sub3A_190 = arith.constant 1 : i32
          %sub3A_191 = arith.subi %add3A_189, %sub3A_190 : i32
          %and3A_192 = arith.constant 15 : i32
          %and3A_193 = arith.andi %sub3A_191, %and3A_192 : i32
          %shift_right_logical3A_194 = arith.constant 4 : i32
          %shift_right_logical3A_195 = arith.shrui %sub3A_191, %shift_right_logical3A_194 : i32
          %convert_element_type3A_196 = arith.extui %gt3A_188 : i1 to i32
          %cond3A_197 = arith.constant 0 : i32
          %cond3A_198 = arith.cmpi ne, %convert_element_type3A_196, %cond3A_197 : i32
          scf.if %cond3A_198 {
            %sub3A_355 = arith.constant 3 : i32
            %sub3A_356 = arith.subi %sub3A_355, %and3A_193 : i32
            %and3A_357 = arith.constant 15 : i32
            %and3A_358 = arith.andi %sub3A_356, %and3A_357 : i32
            %add3A_359 = arith.constant 32 : i32
            %add3A_360 = arith.addi %add3A_359, %and3A_358 : i32
            %get3A_361 = arith.index_cast %add3A_360 : i32 to index
            %get3A_362 = tpu.vector_load %arg12[%get3A_361] {strides = array<i32>} : memref<96xi32, #tpu.memory_space<vmem>>, vector<16xi32>,
            %get3A_363 = vector.shape_cast %get3A_362 : vector<16xi32> to vector<16xi32>
            %add3A_364 = arith.constant 64 : i32
            %add3A_365 = arith.addi %add3A_364, %and3A_358 : i32
            %get3A_366 = arith.index_cast %add3A_365 : i32 to index
            %get3A_367 = tpu.vector_load %arg12[%get3A_366] {strides = array<i32>} : memref<96xi32, #tpu.memory_space<vmem>>, vector<16xi32>,
            %get3A_368 = vector.shape_cast %get3A_367 : vector<16xi32> to vector<16xi32>
            %eq3A = vector.broadcast %and3A_193 : i32 to vector<16xi32>
            %eq3A_369 = arith.cmpi eq, %iota3A, %eq3A : vector<16xi32>
            %get3A_370 = arith.index_cast %shift_right_logical3A_195 : i32 to index
            %get3A_371 = arith.constant 0 : index
            %get3A_372 = tpu.vector_load %arg10[%get3A_370, %get3A_371] {strides = array<i32>} : memref<127x16xi32, #tpu.memory_space<vmem>>, vector<1x16xi32>,
            %get3A_373 = vector.shape_cast %get3A_372 : vector<1x16xi32> to vector<16xi32>
            %sub3A_374 = arith.subi %sub3A_191, %and3A_193 : i32
            %get3A_375 = arith.index_cast %sub3A_374 : i32 to index
            %get3A_376 = tpu.vector_load %arg11[%get3A_375] {strides = array<i32>} : memref<2032xi32, #tpu.memory_space<vmem>>, vector<16xi32>,
            %get3A_377 = vector.shape_cast %get3A_376 : vector<16xi32> to vector<16xi32>
            %select_n3A_378 = arith.select %eq3A_369, %get3A_363, %get3A_373 : vector<16xi1>, vector<16xi32>
            %swap3A_379 = arith.index_cast %shift_right_logical3A_195 : i32 to index
            %swap3A_380 = arith.constant 0 : index
            %swap3A_381 = tpu.vector_load %arg10[%swap3A_379, %swap3A_380] {strides = array<i32>} : memref<127x16xi32, #tpu.memory_space<vmem>>, vector<1x16xi32>,
            %swap3A_382 = vector.shape_cast %swap3A_381 : vector<1x16xi32> to vector<16xi32>
            %swap3A_383 = vector.shape_cast %select_n3A_378 : vector<16xi32> to vector<1x16xi32>
            tpu.vector_store %arg10[%swap3A_379, %swap3A_380], %swap3A_383 {strides = array<i32>} : memref<127x16xi32, #tpu.memory_space<vmem>>, vector<1x16xi32>,
            %select_n3A_384 = arith.select %eq3A_369, %get3A_368, %get3A_377 : vector<16xi1>, vector<16xi32>
            %sub3A_385 = arith.subi %sub3A_191, %and3A_193 : i32
            %swap3A_386 = arith.index_cast %sub3A_385 : i32 to index
            %swap3A_387 = tpu.vector_load %arg11[%swap3A_386] {strides = array<i32>} : memref<2032xi32, #tpu.memory_space<vmem>>, vector<16xi32>,
            %swap3A_388 = vector.shape_cast %swap3A_387 : vector<16xi32> to vector<16xi32>
            %swap3A_389 = vector.shape_cast %select_n3A_384 : vector<16xi32> to vector<16xi32>
            tpu.vector_store %arg11[%swap3A_386], %swap3A_389 {strides = array<i32>} : memref<2032xi32, #tpu.memory_space<vmem>>, vector<16xi32>,
          } else {
          }
          %slice3A_199 = vector.extract_strided_slice %add3A_120 {offsets = [4], sizes = [1], strides = [1]} : vector<16xi32> to vector<1xi32>
          %squeeze3A_200 = vector.extract %slice3A_199[0] : i32 from vector<1xi32>
          %gt3A_201 = arith.cmpi sgt, %squeeze3A_200, %squeeze3A_187 : i32
          %add3A_202 = arith.addi %scan3A_78, %squeeze3A_200 : i32
          %sub3A_203 = arith.constant 1 : i32
          %sub3A_204 = arith.subi %add3A_202, %sub3A_203 : i32
          %and3A_205 = arith.constant 15 : i32
          %and3A_206 = arith.andi %sub3A_204, %and3A_205 : i32
          %shift_right_logical3A_207 = arith.constant 4 : i32
          %shift_right_logical3A_208 = arith.shrui %sub3A_204, %shift_right_logical3A_207 : i32
          %convert_element_type3A_209 = arith.extui %gt3A_201 : i1 to i32
          %cond3A_210 = arith.constant 0 : i32
          %cond3A_211 = arith.cmpi ne, %convert_element_type3A_209, %cond3A_210 : i32
          scf.if %cond3A_211 {
            %sub3A_355 = arith.constant 4 : i32
            %sub3A_356 = arith.subi %sub3A_355, %and3A_206 : i32
            %and3A_357 = arith.constant 15 : i32
            %and3A_358 = arith.andi %sub3A_356, %and3A_357 : i32
            %add3A_359 = arith.constant 32 : i32
            %add3A_360 = arith.addi %add3A_359, %and3A_358 : i32
            %get3A_361 = arith.index_cast %add3A_360 : i32 to index
            %get3A_362 = tpu.vector_load %arg12[%get3A_361] {strides = array<i32>} : memref<96xi32, #tpu.memory_space<vmem>>, vector<16xi32>,
            %get3A_363 = vector.shape_cast %get3A_362 : vector<16xi32> to vector<16xi32>
            %add3A_364 = arith.constant 64 : i32
            %add3A_365 = arith.addi %add3A_364, %and3A_358 : i32
            %get3A_366 = arith.index_cast %add3A_365 : i32 to index
            %get3A_367 = tpu.vector_load %arg12[%get3A_366] {strides = array<i32>} : memref<96xi32, #tpu.memory_space<vmem>>, vector<16xi32>,
            %get3A_368 = vector.shape_cast %get3A_367 : vector<16xi32> to vector<16xi32>
            %eq3A = vector.broadcast %and3A_206 : i32 to vector<16xi32>
            %eq3A_369 = arith.cmpi eq, %iota3A, %eq3A : vector<16xi32>
            %get3A_370 = arith.index_cast %shift_right_logical3A_208 : i32 to index
            %get3A_371 = arith.constant 0 : index
            %get3A_372 = tpu.vector_load %arg10[%get3A_370, %get3A_371] {strides = array<i32>} : memref<127x16xi32, #tpu.memory_space<vmem>>, vector<1x16xi32>,
            %get3A_373 = vector.shape_cast %get3A_372 : vector<1x16xi32> to vector<16xi32>
            %sub3A_374 = arith.subi %sub3A_204, %and3A_206 : i32
            %get3A_375 = arith.index_cast %sub3A_374 : i32 to index
            %get3A_376 = tpu.vector_load %arg11[%get3A_375] {strides = array<i32>} : memref<2032xi32, #tpu.memory_space<vmem>>, vector<16xi32>,
            %get3A_377 = vector.shape_cast %get3A_376 : vector<16xi32> to vector<16xi32>
            %select_n3A_378 = arith.select %eq3A_369, %get3A_363, %get3A_373 : vector<16xi1>, vector<16xi32>
            %swap3A_379 = arith.index_cast %shift_right_logical3A_208 : i32 to index
            %swap3A_380 = arith.constant 0 : index
            %swap3A_381 = tpu.vector_load %arg10[%swap3A_379, %swap3A_380] {strides = array<i32>} : memref<127x16xi32, #tpu.memory_space<vmem>>, vector<1x16xi32>,
            %swap3A_382 = vector.shape_cast %swap3A_381 : vector<1x16xi32> to vector<16xi32>
            %swap3A_383 = vector.shape_cast %select_n3A_378 : vector<16xi32> to vector<1x16xi32>
            tpu.vector_store %arg10[%swap3A_379, %swap3A_380], %swap3A_383 {strides = array<i32>} : memref<127x16xi32, #tpu.memory_space<vmem>>, vector<1x16xi32>,
            %select_n3A_384 = arith.select %eq3A_369, %get3A_368, %get3A_377 : vector<16xi1>, vector<16xi32>
            %sub3A_385 = arith.subi %sub3A_204, %and3A_206 : i32
            %swap3A_386 = arith.index_cast %sub3A_385 : i32 to index
            %swap3A_387 = tpu.vector_load %arg11[%swap3A_386] {strides = array<i32>} : memref<2032xi32, #tpu.memory_space<vmem>>, vector<16xi32>,
            %swap3A_388 = vector.shape_cast %swap3A_387 : vector<16xi32> to vector<16xi32>
            %swap3A_389 = vector.shape_cast %select_n3A_384 : vector<16xi32> to vector<16xi32>
            tpu.vector_store %arg11[%swap3A_386], %swap3A_389 {strides = array<i32>} : memref<2032xi32, #tpu.memory_space<vmem>>, vector<16xi32>,
          } else {
          }
          %slice3A_212 = vector.extract_strided_slice %add3A_120 {offsets = [5], sizes = [1], strides = [1]} : vector<16xi32> to vector<1xi32>
          %squeeze3A_213 = vector.extract %slice3A_212[0] : i32 from vector<1xi32>
          %gt3A_214 = arith.cmpi sgt, %squeeze3A_213, %squeeze3A_200 : i32
          %add3A_215 = arith.addi %scan3A_78, %squeeze3A_213 : i32
          %sub3A_216 = arith.constant 1 : i32
          %sub3A_217 = arith.subi %add3A_215, %sub3A_216 : i32
          %and3A_218 = arith.constant 15 : i32
          %and3A_219 = arith.andi %sub3A_217, %and3A_218 : i32
          %shift_right_logical3A_220 = arith.constant 4 : i32
          %shift_right_logical3A_221 = arith.shrui %sub3A_217, %shift_right_logical3A_220 : i32
          %convert_element_type3A_222 = arith.extui %gt3A_214 : i1 to i32
          %cond3A_223 = arith.constant 0 : i32
          %cond3A_224 = arith.cmpi ne, %convert_element_type3A_222, %cond3A_223 : i32
          scf.if %cond3A_224 {
            %sub3A_355 = arith.constant 5 : i32
            %sub3A_356 = arith.subi %sub3A_355, %and3A_219 : i32
            %and3A_357 = arith.constant 15 : i32
            %and3A_358 = arith.andi %sub3A_356, %and3A_357 : i32
            %add3A_359 = arith.constant 32 : i32
            %add3A_360 = arith.addi %add3A_359, %and3A_358 : i32
            %get3A_361 = arith.index_cast %add3A_360 : i32 to index
            %get3A_362 = tpu.vector_load %arg12[%get3A_361] {strides = array<i32>} : memref<96xi32, #tpu.memory_space<vmem>>, vector<16xi32>,
            %get3A_363 = vector.shape_cast %get3A_362 : vector<16xi32> to vector<16xi32>
            %add3A_364 = arith.constant 64 : i32
            %add3A_365 = arith.addi %add3A_364, %and3A_358 : i32
            %get3A_366 = arith.index_cast %add3A_365 : i32 to index
            %get3A_367 = tpu.vector_load %arg12[%get3A_366] {strides = array<i32>} : memref<96xi32, #tpu.memory_space<vmem>>, vector<16xi32>,
            %get3A_368 = vector.shape_cast %get3A_367 : vector<16xi32> to vector<16xi32>
            %eq3A = vector.broadcast %and3A_219 : i32 to vector<16xi32>
            %eq3A_369 = arith.cmpi eq, %iota3A, %eq3A : vector<16xi32>
            %get3A_370 = arith.index_cast %shift_right_logical3A_221 : i32 to index
            %get3A_371 = arith.constant 0 : index
            %get3A_372 = tpu.vector_load %arg10[%get3A_370, %get3A_371] {strides = array<i32>} : memref<127x16xi32, #tpu.memory_space<vmem>>, vector<1x16xi32>,
            %get3A_373 = vector.shape_cast %get3A_372 : vector<1x16xi32> to vector<16xi32>
            %sub3A_374 = arith.subi %sub3A_217, %and3A_219 : i32
            %get3A_375 = arith.index_cast %sub3A_374 : i32 to index
            %get3A_376 = tpu.vector_load %arg11[%get3A_375] {strides = array<i32>} : memref<2032xi32, #tpu.memory_space<vmem>>, vector<16xi32>,
            %get3A_377 = vector.shape_cast %get3A_376 : vector<16xi32> to vector<16xi32>
            %select_n3A_378 = arith.select %eq3A_369, %get3A_363, %get3A_373 : vector<16xi1>, vector<16xi32>
            %swap3A_379 = arith.index_cast %shift_right_logical3A_221 : i32 to index
            %swap3A_380 = arith.constant 0 : index
            %swap3A_381 = tpu.vector_load %arg10[%swap3A_379, %swap3A_380] {strides = array<i32>} : memref<127x16xi32, #tpu.memory_space<vmem>>, vector<1x16xi32>,
            %swap3A_382 = vector.shape_cast %swap3A_381 : vector<1x16xi32> to vector<16xi32>
            %swap3A_383 = vector.shape_cast %select_n3A_378 : vector<16xi32> to vector<1x16xi32>
            tpu.vector_store %arg10[%swap3A_379, %swap3A_380], %swap3A_383 {strides = array<i32>} : memref<127x16xi32, #tpu.memory_space<vmem>>, vector<1x16xi32>,
            %select_n3A_384 = arith.select %eq3A_369, %get3A_368, %get3A_377 : vector<16xi1>, vector<16xi32>
            %sub3A_385 = arith.subi %sub3A_217, %and3A_219 : i32
            %swap3A_386 = arith.index_cast %sub3A_385 : i32 to index
            %swap3A_387 = tpu.vector_load %arg11[%swap3A_386] {strides = array<i32>} : memref<2032xi32, #tpu.memory_space<vmem>>, vector<16xi32>,
            %swap3A_388 = vector.shape_cast %swap3A_387 : vector<16xi32> to vector<16xi32>
            %swap3A_389 = vector.shape_cast %select_n3A_384 : vector<16xi32> to vector<16xi32>
            tpu.vector_store %arg11[%swap3A_386], %swap3A_389 {strides = array<i32>} : memref<2032xi32, #tpu.memory_space<vmem>>, vector<16xi32>,
          } else {
          }
          %slice3A_225 = vector.extract_strided_slice %add3A_120 {offsets = [6], sizes = [1], strides = [1]} : vector<16xi32> to vector<1xi32>
          %squeeze3A_226 = vector.extract %slice3A_225[0] : i32 from vector<1xi32>
          %gt3A_227 = arith.cmpi sgt, %squeeze3A_226, %squeeze3A_213 : i32
          %add3A_228 = arith.addi %scan3A_78, %squeeze3A_226 : i32
          %sub3A_229 = arith.constant 1 : i32
          %sub3A_230 = arith.subi %add3A_228, %sub3A_229 : i32
          %and3A_231 = arith.constant 15 : i32
          %and3A_232 = arith.andi %sub3A_230, %and3A_231 : i32
          %shift_right_logical3A_233 = arith.constant 4 : i32
          %shift_right_logical3A_234 = arith.shrui %sub3A_230, %shift_right_logical3A_233 : i32
          %convert_element_type3A_235 = arith.extui %gt3A_227 : i1 to i32
          %cond3A_236 = arith.constant 0 : i32
          %cond3A_237 = arith.cmpi ne, %convert_element_type3A_235, %cond3A_236 : i32
          scf.if %cond3A_237 {
            %sub3A_355 = arith.constant 6 : i32
            %sub3A_356 = arith.subi %sub3A_355, %and3A_232 : i32
            %and3A_357 = arith.constant 15 : i32
            %and3A_358 = arith.andi %sub3A_356, %and3A_357 : i32
            %add3A_359 = arith.constant 32 : i32
            %add3A_360 = arith.addi %add3A_359, %and3A_358 : i32
            %get3A_361 = arith.index_cast %add3A_360 : i32 to index
            %get3A_362 = tpu.vector_load %arg12[%get3A_361] {strides = array<i32>} : memref<96xi32, #tpu.memory_space<vmem>>, vector<16xi32>,
            %get3A_363 = vector.shape_cast %get3A_362 : vector<16xi32> to vector<16xi32>
            %add3A_364 = arith.constant 64 : i32
            %add3A_365 = arith.addi %add3A_364, %and3A_358 : i32
            %get3A_366 = arith.index_cast %add3A_365 : i32 to index
            %get3A_367 = tpu.vector_load %arg12[%get3A_366] {strides = array<i32>} : memref<96xi32, #tpu.memory_space<vmem>>, vector<16xi32>,
            %get3A_368 = vector.shape_cast %get3A_367 : vector<16xi32> to vector<16xi32>
            %eq3A = vector.broadcast %and3A_232 : i32 to vector<16xi32>
            %eq3A_369 = arith.cmpi eq, %iota3A, %eq3A : vector<16xi32>
            %get3A_370 = arith.index_cast %shift_right_logical3A_234 : i32 to index
            %get3A_371 = arith.constant 0 : index
            %get3A_372 = tpu.vector_load %arg10[%get3A_370, %get3A_371] {strides = array<i32>} : memref<127x16xi32, #tpu.memory_space<vmem>>, vector<1x16xi32>,
            %get3A_373 = vector.shape_cast %get3A_372 : vector<1x16xi32> to vector<16xi32>
            %sub3A_374 = arith.subi %sub3A_230, %and3A_232 : i32
            %get3A_375 = arith.index_cast %sub3A_374 : i32 to index
            %get3A_376 = tpu.vector_load %arg11[%get3A_375] {strides = array<i32>} : memref<2032xi32, #tpu.memory_space<vmem>>, vector<16xi32>,
            %get3A_377 = vector.shape_cast %get3A_376 : vector<16xi32> to vector<16xi32>
            %select_n3A_378 = arith.select %eq3A_369, %get3A_363, %get3A_373 : vector<16xi1>, vector<16xi32>
            %swap3A_379 = arith.index_cast %shift_right_logical3A_234 : i32 to index
            %swap3A_380 = arith.constant 0 : index
            %swap3A_381 = tpu.vector_load %arg10[%swap3A_379, %swap3A_380] {strides = array<i32>} : memref<127x16xi32, #tpu.memory_space<vmem>>, vector<1x16xi32>,
            %swap3A_382 = vector.shape_cast %swap3A_381 : vector<1x16xi32> to vector<16xi32>
            %swap3A_383 = vector.shape_cast %select_n3A_378 : vector<16xi32> to vector<1x16xi32>
            tpu.vector_store %arg10[%swap3A_379, %swap3A_380], %swap3A_383 {strides = array<i32>} : memref<127x16xi32, #tpu.memory_space<vmem>>, vector<1x16xi32>,
            %select_n3A_384 = arith.select %eq3A_369, %get3A_368, %get3A_377 : vector<16xi1>, vector<16xi32>
            %sub3A_385 = arith.subi %sub3A_230, %and3A_232 : i32
            %swap3A_386 = arith.index_cast %sub3A_385 : i32 to index
            %swap3A_387 = tpu.vector_load %arg11[%swap3A_386] {strides = array<i32>} : memref<2032xi32, #tpu.memory_space<vmem>>, vector<16xi32>,
            %swap3A_388 = vector.shape_cast %swap3A_387 : vector<16xi32> to vector<16xi32>
            %swap3A_389 = vector.shape_cast %select_n3A_384 : vector<16xi32> to vector<16xi32>
            tpu.vector_store %arg11[%swap3A_386], %swap3A_389 {strides = array<i32>} : memref<2032xi32, #tpu.memory_space<vmem>>, vector<16xi32>,
          } else {
          }
          %slice3A_238 = vector.extract_strided_slice %add3A_120 {offsets = [7], sizes = [1], strides = [1]} : vector<16xi32> to vector<1xi32>
          %squeeze3A_239 = vector.extract %slice3A_238[0] : i32 from vector<1xi32>
          %gt3A_240 = arith.cmpi sgt, %squeeze3A_239, %squeeze3A_226 : i32
          %add3A_241 = arith.addi %scan3A_78, %squeeze3A_239 : i32
          %sub3A_242 = arith.constant 1 : i32
          %sub3A_243 = arith.subi %add3A_241, %sub3A_242 : i32
          %and3A_244 = arith.constant 15 : i32
          %and3A_245 = arith.andi %sub3A_243, %and3A_244 : i32
          %shift_right_logical3A_246 = arith.constant 4 : i32
          %shift_right_logical3A_247 = arith.shrui %sub3A_243, %shift_right_logical3A_246 : i32
          %convert_element_type3A_248 = arith.extui %gt3A_240 : i1 to i32
          %cond3A_249 = arith.constant 0 : i32
          %cond3A_250 = arith.cmpi ne, %convert_element_type3A_248, %cond3A_249 : i32
          scf.if %cond3A_250 {
            %sub3A_355 = arith.constant 7 : i32
            %sub3A_356 = arith.subi %sub3A_355, %and3A_245 : i32
            %and3A_357 = arith.constant 15 : i32
            %and3A_358 = arith.andi %sub3A_356, %and3A_357 : i32
            %add3A_359 = arith.constant 32 : i32
            %add3A_360 = arith.addi %add3A_359, %and3A_358 : i32
            %get3A_361 = arith.index_cast %add3A_360 : i32 to index
            %get3A_362 = tpu.vector_load %arg12[%get3A_361] {strides = array<i32>} : memref<96xi32, #tpu.memory_space<vmem>>, vector<16xi32>,
            %get3A_363 = vector.shape_cast %get3A_362 : vector<16xi32> to vector<16xi32>
            %add3A_364 = arith.constant 64 : i32
            %add3A_365 = arith.addi %add3A_364, %and3A_358 : i32
            %get3A_366 = arith.index_cast %add3A_365 : i32 to index
            %get3A_367 = tpu.vector_load %arg12[%get3A_366] {strides = array<i32>} : memref<96xi32, #tpu.memory_space<vmem>>, vector<16xi32>,
            %get3A_368 = vector.shape_cast %get3A_367 : vector<16xi32> to vector<16xi32>
            %eq3A = vector.broadcast %and3A_245 : i32 to vector<16xi32>
            %eq3A_369 = arith.cmpi eq, %iota3A, %eq3A : vector<16xi32>
            %get3A_370 = arith.index_cast %shift_right_logical3A_247 : i32 to index
            %get3A_371 = arith.constant 0 : index
            %get3A_372 = tpu.vector_load %arg10[%get3A_370, %get3A_371] {strides = array<i32>} : memref<127x16xi32, #tpu.memory_space<vmem>>, vector<1x16xi32>,
            %get3A_373 = vector.shape_cast %get3A_372 : vector<1x16xi32> to vector<16xi32>
            %sub3A_374 = arith.subi %sub3A_243, %and3A_245 : i32
            %get3A_375 = arith.index_cast %sub3A_374 : i32 to index
            %get3A_376 = tpu.vector_load %arg11[%get3A_375] {strides = array<i32>} : memref<2032xi32, #tpu.memory_space<vmem>>, vector<16xi32>,
            %get3A_377 = vector.shape_cast %get3A_376 : vector<16xi32> to vector<16xi32>
            %select_n3A_378 = arith.select %eq3A_369, %get3A_363, %get3A_373 : vector<16xi1>, vector<16xi32>
            %swap3A_379 = arith.index_cast %shift_right_logical3A_247 : i32 to index
            %swap3A_380 = arith.constant 0 : index
            %swap3A_381 = tpu.vector_load %arg10[%swap3A_379, %swap3A_380] {strides = array<i32>} : memref<127x16xi32, #tpu.memory_space<vmem>>, vector<1x16xi32>,
            %swap3A_382 = vector.shape_cast %swap3A_381 : vector<1x16xi32> to vector<16xi32>
            %swap3A_383 = vector.shape_cast %select_n3A_378 : vector<16xi32> to vector<1x16xi32>
            tpu.vector_store %arg10[%swap3A_379, %swap3A_380], %swap3A_383 {strides = array<i32>} : memref<127x16xi32, #tpu.memory_space<vmem>>, vector<1x16xi32>,
            %select_n3A_384 = arith.select %eq3A_369, %get3A_368, %get3A_377 : vector<16xi1>, vector<16xi32>
            %sub3A_385 = arith.subi %sub3A_243, %and3A_245 : i32
            %swap3A_386 = arith.index_cast %sub3A_385 : i32 to index
            %swap3A_387 = tpu.vector_load %arg11[%swap3A_386] {strides = array<i32>} : memref<2032xi32, #tpu.memory_space<vmem>>, vector<16xi32>,
            %swap3A_388 = vector.shape_cast %swap3A_387 : vector<16xi32> to vector<16xi32>
            %swap3A_389 = vector.shape_cast %select_n3A_384 : vector<16xi32> to vector<16xi32>
            tpu.vector_store %arg11[%swap3A_386], %swap3A_389 {strides = array<i32>} : memref<2032xi32, #tpu.memory_space<vmem>>, vector<16xi32>,
          } else {
          }
          %slice3A_251 = vector.extract_strided_slice %add3A_120 {offsets = [8], sizes = [1], strides = [1]} : vector<16xi32> to vector<1xi32>
          %squeeze3A_252 = vector.extract %slice3A_251[0] : i32 from vector<1xi32>
          %gt3A_253 = arith.cmpi sgt, %squeeze3A_252, %squeeze3A_239 : i32
          %add3A_254 = arith.addi %scan3A_78, %squeeze3A_252 : i32
          %sub3A_255 = arith.constant 1 : i32
          %sub3A_256 = arith.subi %add3A_254, %sub3A_255 : i32
          %and3A_257 = arith.constant 15 : i32
          %and3A_258 = arith.andi %sub3A_256, %and3A_257 : i32
          %shift_right_logical3A_259 = arith.constant 4 : i32
          %shift_right_logical3A_260 = arith.shrui %sub3A_256, %shift_right_logical3A_259 : i32
          %convert_element_type3A_261 = arith.extui %gt3A_253 : i1 to i32
          %cond3A_262 = arith.constant 0 : i32
          %cond3A_263 = arith.cmpi ne, %convert_element_type3A_261, %cond3A_262 : i32
          scf.if %cond3A_263 {
            %sub3A_355 = arith.constant 8 : i32
            %sub3A_356 = arith.subi %sub3A_355, %and3A_258 : i32
            %and3A_357 = arith.constant 15 : i32
            %and3A_358 = arith.andi %sub3A_356, %and3A_357 : i32
            %add3A_359 = arith.constant 32 : i32
            %add3A_360 = arith.addi %add3A_359, %and3A_358 : i32
            %get3A_361 = arith.index_cast %add3A_360 : i32 to index
            %get3A_362 = tpu.vector_load %arg12[%get3A_361] {strides = array<i32>} : memref<96xi32, #tpu.memory_space<vmem>>, vector<16xi32>,
            %get3A_363 = vector.shape_cast %get3A_362 : vector<16xi32> to vector<16xi32>
            %add3A_364 = arith.constant 64 : i32
            %add3A_365 = arith.addi %add3A_364, %and3A_358 : i32
            %get3A_366 = arith.index_cast %add3A_365 : i32 to index
            %get3A_367 = tpu.vector_load %arg12[%get3A_366] {strides = array<i32>} : memref<96xi32, #tpu.memory_space<vmem>>, vector<16xi32>,
            %get3A_368 = vector.shape_cast %get3A_367 : vector<16xi32> to vector<16xi32>
            %eq3A = vector.broadcast %and3A_258 : i32 to vector<16xi32>
            %eq3A_369 = arith.cmpi eq, %iota3A, %eq3A : vector<16xi32>
            %get3A_370 = arith.index_cast %shift_right_logical3A_260 : i32 to index
            %get3A_371 = arith.constant 0 : index
            %get3A_372 = tpu.vector_load %arg10[%get3A_370, %get3A_371] {strides = array<i32>} : memref<127x16xi32, #tpu.memory_space<vmem>>, vector<1x16xi32>,
            %get3A_373 = vector.shape_cast %get3A_372 : vector<1x16xi32> to vector<16xi32>
            %sub3A_374 = arith.subi %sub3A_256, %and3A_258 : i32
            %get3A_375 = arith.index_cast %sub3A_374 : i32 to index
            %get3A_376 = tpu.vector_load %arg11[%get3A_375] {strides = array<i32>} : memref<2032xi32, #tpu.memory_space<vmem>>, vector<16xi32>,
            %get3A_377 = vector.shape_cast %get3A_376 : vector<16xi32> to vector<16xi32>
            %select_n3A_378 = arith.select %eq3A_369, %get3A_363, %get3A_373 : vector<16xi1>, vector<16xi32>
            %swap3A_379 = arith.index_cast %shift_right_logical3A_260 : i32 to index
            %swap3A_380 = arith.constant 0 : index
            %swap3A_381 = tpu.vector_load %arg10[%swap3A_379, %swap3A_380] {strides = array<i32>} : memref<127x16xi32, #tpu.memory_space<vmem>>, vector<1x16xi32>,
            %swap3A_382 = vector.shape_cast %swap3A_381 : vector<1x16xi32> to vector<16xi32>
            %swap3A_383 = vector.shape_cast %select_n3A_378 : vector<16xi32> to vector<1x16xi32>
            tpu.vector_store %arg10[%swap3A_379, %swap3A_380], %swap3A_383 {strides = array<i32>} : memref<127x16xi32, #tpu.memory_space<vmem>>, vector<1x16xi32>,
            %select_n3A_384 = arith.select %eq3A_369, %get3A_368, %get3A_377 : vector<16xi1>, vector<16xi32>
            %sub3A_385 = arith.subi %sub3A_256, %and3A_258 : i32
            %swap3A_386 = arith.index_cast %sub3A_385 : i32 to index
            %swap3A_387 = tpu.vector_load %arg11[%swap3A_386] {strides = array<i32>} : memref<2032xi32, #tpu.memory_space<vmem>>, vector<16xi32>,
            %swap3A_388 = vector.shape_cast %swap3A_387 : vector<16xi32> to vector<16xi32>
            %swap3A_389 = vector.shape_cast %select_n3A_384 : vector<16xi32> to vector<16xi32>
            tpu.vector_store %arg11[%swap3A_386], %swap3A_389 {strides = array<i32>} : memref<2032xi32, #tpu.memory_space<vmem>>, vector<16xi32>,
          } else {
          }
          %slice3A_264 = vector.extract_strided_slice %add3A_120 {offsets = [9], sizes = [1], strides = [1]} : vector<16xi32> to vector<1xi32>
          %squeeze3A_265 = vector.extract %slice3A_264[0] : i32 from vector<1xi32>
          %gt3A_266 = arith.cmpi sgt, %squeeze3A_265, %squeeze3A_252 : i32
          %add3A_267 = arith.addi %scan3A_78, %squeeze3A_265 : i32
          %sub3A_268 = arith.constant 1 : i32
          %sub3A_269 = arith.subi %add3A_267, %sub3A_268 : i32
          %and3A_270 = arith.constant 15 : i32
          %and3A_271 = arith.andi %sub3A_269, %and3A_270 : i32
          %shift_right_logical3A_272 = arith.constant 4 : i32
          %shift_right_logical3A_273 = arith.shrui %sub3A_269, %shift_right_logical3A_272 : i32
          %convert_element_type3A_274 = arith.extui %gt3A_266 : i1 to i32
          %cond3A_275 = arith.constant 0 : i32
          %cond3A_276 = arith.cmpi ne, %convert_element_type3A_274, %cond3A_275 : i32
          scf.if %cond3A_276 {
            %sub3A_355 = arith.constant 9 : i32
            %sub3A_356 = arith.subi %sub3A_355, %and3A_271 : i32
            %and3A_357 = arith.constant 15 : i32
            %and3A_358 = arith.andi %sub3A_356, %and3A_357 : i32
            %add3A_359 = arith.constant 32 : i32
            %add3A_360 = arith.addi %add3A_359, %and3A_358 : i32
            %get3A_361 = arith.index_cast %add3A_360 : i32 to index
            %get3A_362 = tpu.vector_load %arg12[%get3A_361] {strides = array<i32>} : memref<96xi32, #tpu.memory_space<vmem>>, vector<16xi32>,
            %get3A_363 = vector.shape_cast %get3A_362 : vector<16xi32> to vector<16xi32>
            %add3A_364 = arith.constant 64 : i32
            %add3A_365 = arith.addi %add3A_364, %and3A_358 : i32
            %get3A_366 = arith.index_cast %add3A_365 : i32 to index
            %get3A_367 = tpu.vector_load %arg12[%get3A_366] {strides = array<i32>} : memref<96xi32, #tpu.memory_space<vmem>>, vector<16xi32>,
            %get3A_368 = vector.shape_cast %get3A_367 : vector<16xi32> to vector<16xi32>
            %eq3A = vector.broadcast %and3A_271 : i32 to vector<16xi32>
            %eq3A_369 = arith.cmpi eq, %iota3A, %eq3A : vector<16xi32>
            %get3A_370 = arith.index_cast %shift_right_logical3A_273 : i32 to index
            %get3A_371 = arith.constant 0 : index
            %get3A_372 = tpu.vector_load %arg10[%get3A_370, %get3A_371] {strides = array<i32>} : memref<127x16xi32, #tpu.memory_space<vmem>>, vector<1x16xi32>,
            %get3A_373 = vector.shape_cast %get3A_372 : vector<1x16xi32> to vector<16xi32>
            %sub3A_374 = arith.subi %sub3A_269, %and3A_271 : i32
            %get3A_375 = arith.index_cast %sub3A_374 : i32 to index
            %get3A_376 = tpu.vector_load %arg11[%get3A_375] {strides = array<i32>} : memref<2032xi32, #tpu.memory_space<vmem>>, vector<16xi32>,
            %get3A_377 = vector.shape_cast %get3A_376 : vector<16xi32> to vector<16xi32>
            %select_n3A_378 = arith.select %eq3A_369, %get3A_363, %get3A_373 : vector<16xi1>, vector<16xi32>
            %swap3A_379 = arith.index_cast %shift_right_logical3A_273 : i32 to index
            %swap3A_380 = arith.constant 0 : index
            %swap3A_381 = tpu.vector_load %arg10[%swap3A_379, %swap3A_380] {strides = array<i32>} : memref<127x16xi32, #tpu.memory_space<vmem>>, vector<1x16xi32>,
            %swap3A_382 = vector.shape_cast %swap3A_381 : vector<1x16xi32> to vector<16xi32>
            %swap3A_383 = vector.shape_cast %select_n3A_378 : vector<16xi32> to vector<1x16xi32>
            tpu.vector_store %arg10[%swap3A_379, %swap3A_380], %swap3A_383 {strides = array<i32>} : memref<127x16xi32, #tpu.memory_space<vmem>>, vector<1x16xi32>,
            %select_n3A_384 = arith.select %eq3A_369, %get3A_368, %get3A_377 : vector<16xi1>, vector<16xi32>
            %sub3A_385 = arith.subi %sub3A_269, %and3A_271 : i32
            %swap3A_386 = arith.index_cast %sub3A_385 : i32 to index
            %swap3A_387 = tpu.vector_load %arg11[%swap3A_386] {strides = array<i32>} : memref<2032xi32, #tpu.memory_space<vmem>>, vector<16xi32>,
            %swap3A_388 = vector.shape_cast %swap3A_387 : vector<16xi32> to vector<16xi32>
            %swap3A_389 = vector.shape_cast %select_n3A_384 : vector<16xi32> to vector<16xi32>
            tpu.vector_store %arg11[%swap3A_386], %swap3A_389 {strides = array<i32>} : memref<2032xi32, #tpu.memory_space<vmem>>, vector<16xi32>,
          } else {
          }
          %slice3A_277 = vector.extract_strided_slice %add3A_120 {offsets = [10], sizes = [1], strides = [1]} : vector<16xi32> to vector<1xi32>
          %squeeze3A_278 = vector.extract %slice3A_277[0] : i32 from vector<1xi32>
          %gt3A_279 = arith.cmpi sgt, %squeeze3A_278, %squeeze3A_265 : i32
          %add3A_280 = arith.addi %scan3A_78, %squeeze3A_278 : i32
          %sub3A_281 = arith.constant 1 : i32
          %sub3A_282 = arith.subi %add3A_280, %sub3A_281 : i32
          %and3A_283 = arith.constant 15 : i32
          %and3A_284 = arith.andi %sub3A_282, %and3A_283 : i32
          %shift_right_logical3A_285 = arith.constant 4 : i32
          %shift_right_logical3A_286 = arith.shrui %sub3A_282, %shift_right_logical3A_285 : i32
          %convert_element_type3A_287 = arith.extui %gt3A_279 : i1 to i32
          %cond3A_288 = arith.constant 0 : i32
          %cond3A_289 = arith.cmpi ne, %convert_element_type3A_287, %cond3A_288 : i32
          scf.if %cond3A_289 {
            %sub3A_355 = arith.constant 10 : i32
            %sub3A_356 = arith.subi %sub3A_355, %and3A_284 : i32
            %and3A_357 = arith.constant 15 : i32
            %and3A_358 = arith.andi %sub3A_356, %and3A_357 : i32
            %add3A_359 = arith.constant 32 : i32
            %add3A_360 = arith.addi %add3A_359, %and3A_358 : i32
            %get3A_361 = arith.index_cast %add3A_360 : i32 to index
            %get3A_362 = tpu.vector_load %arg12[%get3A_361] {strides = array<i32>} : memref<96xi32, #tpu.memory_space<vmem>>, vector<16xi32>,
            %get3A_363 = vector.shape_cast %get3A_362 : vector<16xi32> to vector<16xi32>
            %add3A_364 = arith.constant 64 : i32
            %add3A_365 = arith.addi %add3A_364, %and3A_358 : i32
            %get3A_366 = arith.index_cast %add3A_365 : i32 to index
            %get3A_367 = tpu.vector_load %arg12[%get3A_366] {strides = array<i32>} : memref<96xi32, #tpu.memory_space<vmem>>, vector<16xi32>,
            %get3A_368 = vector.shape_cast %get3A_367 : vector<16xi32> to vector<16xi32>
            %eq3A = vector.broadcast %and3A_284 : i32 to vector<16xi32>
            %eq3A_369 = arith.cmpi eq, %iota3A, %eq3A : vector<16xi32>
            %get3A_370 = arith.index_cast %shift_right_logical3A_286 : i32 to index
            %get3A_371 = arith.constant 0 : index
            %get3A_372 = tpu.vector_load %arg10[%get3A_370, %get3A_371] {strides = array<i32>} : memref<127x16xi32, #tpu.memory_space<vmem>>, vector<1x16xi32>,
            %get3A_373 = vector.shape_cast %get3A_372 : vector<1x16xi32> to vector<16xi32>
            %sub3A_374 = arith.subi %sub3A_282, %and3A_284 : i32
            %get3A_375 = arith.index_cast %sub3A_374 : i32 to index
            %get3A_376 = tpu.vector_load %arg11[%get3A_375] {strides = array<i32>} : memref<2032xi32, #tpu.memory_space<vmem>>, vector<16xi32>,
            %get3A_377 = vector.shape_cast %get3A_376 : vector<16xi32> to vector<16xi32>
            %select_n3A_378 = arith.select %eq3A_369, %get3A_363, %get3A_373 : vector<16xi1>, vector<16xi32>
            %swap3A_379 = arith.index_cast %shift_right_logical3A_286 : i32 to index
            %swap3A_380 = arith.constant 0 : index
            %swap3A_381 = tpu.vector_load %arg10[%swap3A_379, %swap3A_380] {strides = array<i32>} : memref<127x16xi32, #tpu.memory_space<vmem>>, vector<1x16xi32>,
            %swap3A_382 = vector.shape_cast %swap3A_381 : vector<1x16xi32> to vector<16xi32>
            %swap3A_383 = vector.shape_cast %select_n3A_378 : vector<16xi32> to vector<1x16xi32>
            tpu.vector_store %arg10[%swap3A_379, %swap3A_380], %swap3A_383 {strides = array<i32>} : memref<127x16xi32, #tpu.memory_space<vmem>>, vector<1x16xi32>,
            %select_n3A_384 = arith.select %eq3A_369, %get3A_368, %get3A_377 : vector<16xi1>, vector<16xi32>
            %sub3A_385 = arith.subi %sub3A_282, %and3A_284 : i32
            %swap3A_386 = arith.index_cast %sub3A_385 : i32 to index
            %swap3A_387 = tpu.vector_load %arg11[%swap3A_386] {strides = array<i32>} : memref<2032xi32, #tpu.memory_space<vmem>>, vector<16xi32>,
            %swap3A_388 = vector.shape_cast %swap3A_387 : vector<16xi32> to vector<16xi32>
            %swap3A_389 = vector.shape_cast %select_n3A_384 : vector<16xi32> to vector<16xi32>
            tpu.vector_store %arg11[%swap3A_386], %swap3A_389 {strides = array<i32>} : memref<2032xi32, #tpu.memory_space<vmem>>, vector<16xi32>,
          } else {
          }
          %slice3A_290 = vector.extract_strided_slice %add3A_120 {offsets = [11], sizes = [1], strides = [1]} : vector<16xi32> to vector<1xi32>
          %squeeze3A_291 = vector.extract %slice3A_290[0] : i32 from vector<1xi32>
          %gt3A_292 = arith.cmpi sgt, %squeeze3A_291, %squeeze3A_278 : i32
          %add3A_293 = arith.addi %scan3A_78, %squeeze3A_291 : i32
          %sub3A_294 = arith.constant 1 : i32
          %sub3A_295 = arith.subi %add3A_293, %sub3A_294 : i32
          %and3A_296 = arith.constant 15 : i32
          %and3A_297 = arith.andi %sub3A_295, %and3A_296 : i32
          %shift_right_logical3A_298 = arith.constant 4 : i32
          %shift_right_logical3A_299 = arith.shrui %sub3A_295, %shift_right_logical3A_298 : i32
          %convert_element_type3A_300 = arith.extui %gt3A_292 : i1 to i32
          %cond3A_301 = arith.constant 0 : i32
          %cond3A_302 = arith.cmpi ne, %convert_element_type3A_300, %cond3A_301 : i32
          scf.if %cond3A_302 {
            %sub3A_355 = arith.constant 11 : i32
            %sub3A_356 = arith.subi %sub3A_355, %and3A_297 : i32
            %and3A_357 = arith.constant 15 : i32
            %and3A_358 = arith.andi %sub3A_356, %and3A_357 : i32
            %add3A_359 = arith.constant 32 : i32
            %add3A_360 = arith.addi %add3A_359, %and3A_358 : i32
            %get3A_361 = arith.index_cast %add3A_360 : i32 to index
            %get3A_362 = tpu.vector_load %arg12[%get3A_361] {strides = array<i32>} : memref<96xi32, #tpu.memory_space<vmem>>, vector<16xi32>,
            %get3A_363 = vector.shape_cast %get3A_362 : vector<16xi32> to vector<16xi32>
            %add3A_364 = arith.constant 64 : i32
            %add3A_365 = arith.addi %add3A_364, %and3A_358 : i32
            %get3A_366 = arith.index_cast %add3A_365 : i32 to index
            %get3A_367 = tpu.vector_load %arg12[%get3A_366] {strides = array<i32>} : memref<96xi32, #tpu.memory_space<vmem>>, vector<16xi32>,
            %get3A_368 = vector.shape_cast %get3A_367 : vector<16xi32> to vector<16xi32>
            %eq3A = vector.broadcast %and3A_297 : i32 to vector<16xi32>
            %eq3A_369 = arith.cmpi eq, %iota3A, %eq3A : vector<16xi32>
            %get3A_370 = arith.index_cast %shift_right_logical3A_299 : i32 to index
            %get3A_371 = arith.constant 0 : index
            %get3A_372 = tpu.vector_load %arg10[%get3A_370, %get3A_371] {strides = array<i32>} : memref<127x16xi32, #tpu.memory_space<vmem>>, vector<1x16xi32>,
            %get3A_373 = vector.shape_cast %get3A_372 : vector<1x16xi32> to vector<16xi32>
            %sub3A_374 = arith.subi %sub3A_295, %and3A_297 : i32
            %get3A_375 = arith.index_cast %sub3A_374 : i32 to index
            %get3A_376 = tpu.vector_load %arg11[%get3A_375] {strides = array<i32>} : memref<2032xi32, #tpu.memory_space<vmem>>, vector<16xi32>,
            %get3A_377 = vector.shape_cast %get3A_376 : vector<16xi32> to vector<16xi32>
            %select_n3A_378 = arith.select %eq3A_369, %get3A_363, %get3A_373 : vector<16xi1>, vector<16xi32>
            %swap3A_379 = arith.index_cast %shift_right_logical3A_299 : i32 to index
            %swap3A_380 = arith.constant 0 : index
            %swap3A_381 = tpu.vector_load %arg10[%swap3A_379, %swap3A_380] {strides = array<i32>} : memref<127x16xi32, #tpu.memory_space<vmem>>, vector<1x16xi32>,
            %swap3A_382 = vector.shape_cast %swap3A_381 : vector<1x16xi32> to vector<16xi32>
            %swap3A_383 = vector.shape_cast %select_n3A_378 : vector<16xi32> to vector<1x16xi32>
            tpu.vector_store %arg10[%swap3A_379, %swap3A_380], %swap3A_383 {strides = array<i32>} : memref<127x16xi32, #tpu.memory_space<vmem>>, vector<1x16xi32>,
            %select_n3A_384 = arith.select %eq3A_369, %get3A_368, %get3A_377 : vector<16xi1>, vector<16xi32>
            %sub3A_385 = arith.subi %sub3A_295, %and3A_297 : i32
            %swap3A_386 = arith.index_cast %sub3A_385 : i32 to index
            %swap3A_387 = tpu.vector_load %arg11[%swap3A_386] {strides = array<i32>} : memref<2032xi32, #tpu.memory_space<vmem>>, vector<16xi32>,
            %swap3A_388 = vector.shape_cast %swap3A_387 : vector<16xi32> to vector<16xi32>
            %swap3A_389 = vector.shape_cast %select_n3A_384 : vector<16xi32> to vector<16xi32>
            tpu.vector_store %arg11[%swap3A_386], %swap3A_389 {strides = array<i32>} : memref<2032xi32, #tpu.memory_space<vmem>>, vector<16xi32>,
          } else {
          }
          %slice3A_303 = vector.extract_strided_slice %add3A_120 {offsets = [12], sizes = [1], strides = [1]} : vector<16xi32> to vector<1xi32>
          %squeeze3A_304 = vector.extract %slice3A_303[0] : i32 from vector<1xi32>
          %gt3A_305 = arith.cmpi sgt, %squeeze3A_304, %squeeze3A_291 : i32
          %add3A_306 = arith.addi %scan3A_78, %squeeze3A_304 : i32
          %sub3A_307 = arith.constant 1 : i32
          %sub3A_308 = arith.subi %add3A_306, %sub3A_307 : i32
          %and3A_309 = arith.constant 15 : i32
          %and3A_310 = arith.andi %sub3A_308, %and3A_309 : i32
          %shift_right_logical3A_311 = arith.constant 4 : i32
          %shift_right_logical3A_312 = arith.shrui %sub3A_308, %shift_right_logical3A_311 : i32
          %convert_element_type3A_313 = arith.extui %gt3A_305 : i1 to i32
          %cond3A_314 = arith.constant 0 : i32
          %cond3A_315 = arith.cmpi ne, %convert_element_type3A_313, %cond3A_314 : i32
          scf.if %cond3A_315 {
            %sub3A_355 = arith.constant 12 : i32
            %sub3A_356 = arith.subi %sub3A_355, %and3A_310 : i32
            %and3A_357 = arith.constant 15 : i32
            %and3A_358 = arith.andi %sub3A_356, %and3A_357 : i32
            %add3A_359 = arith.constant 32 : i32
            %add3A_360 = arith.addi %add3A_359, %and3A_358 : i32
            %get3A_361 = arith.index_cast %add3A_360 : i32 to index
            %get3A_362 = tpu.vector_load %arg12[%get3A_361] {strides = array<i32>} : memref<96xi32, #tpu.memory_space<vmem>>, vector<16xi32>,
            %get3A_363 = vector.shape_cast %get3A_362 : vector<16xi32> to vector<16xi32>
            %add3A_364 = arith.constant 64 : i32
            %add3A_365 = arith.addi %add3A_364, %and3A_358 : i32
            %get3A_366 = arith.index_cast %add3A_365 : i32 to index
            %get3A_367 = tpu.vector_load %arg12[%get3A_366] {strides = array<i32>} : memref<96xi32, #tpu.memory_space<vmem>>, vector<16xi32>,
            %get3A_368 = vector.shape_cast %get3A_367 : vector<16xi32> to vector<16xi32>
            %eq3A = vector.broadcast %and3A_310 : i32 to vector<16xi32>
            %eq3A_369 = arith.cmpi eq, %iota3A, %eq3A : vector<16xi32>
            %get3A_370 = arith.index_cast %shift_right_logical3A_312 : i32 to index
            %get3A_371 = arith.constant 0 : index
            %get3A_372 = tpu.vector_load %arg10[%get3A_370, %get3A_371] {strides = array<i32>} : memref<127x16xi32, #tpu.memory_space<vmem>>, vector<1x16xi32>,
            %get3A_373 = vector.shape_cast %get3A_372 : vector<1x16xi32> to vector<16xi32>
            %sub3A_374 = arith.subi %sub3A_308, %and3A_310 : i32
            %get3A_375 = arith.index_cast %sub3A_374 : i32 to index
            %get3A_376 = tpu.vector_load %arg11[%get3A_375] {strides = array<i32>} : memref<2032xi32, #tpu.memory_space<vmem>>, vector<16xi32>,
            %get3A_377 = vector.shape_cast %get3A_376 : vector<16xi32> to vector<16xi32>
            %select_n3A_378 = arith.select %eq3A_369, %get3A_363, %get3A_373 : vector<16xi1>, vector<16xi32>
            %swap3A_379 = arith.index_cast %shift_right_logical3A_312 : i32 to index
            %swap3A_380 = arith.constant 0 : index
            %swap3A_381 = tpu.vector_load %arg10[%swap3A_379, %swap3A_380] {strides = array<i32>} : memref<127x16xi32, #tpu.memory_space<vmem>>, vector<1x16xi32>,
            %swap3A_382 = vector.shape_cast %swap3A_381 : vector<1x16xi32> to vector<16xi32>
            %swap3A_383 = vector.shape_cast %select_n3A_378 : vector<16xi32> to vector<1x16xi32>
            tpu.vector_store %arg10[%swap3A_379, %swap3A_380], %swap3A_383 {strides = array<i32>} : memref<127x16xi32, #tpu.memory_space<vmem>>, vector<1x16xi32>,
            %select_n3A_384 = arith.select %eq3A_369, %get3A_368, %get3A_377 : vector<16xi1>, vector<16xi32>
            %sub3A_385 = arith.subi %sub3A_308, %and3A_310 : i32
            %swap3A_386 = arith.index_cast %sub3A_385 : i32 to index
            %swap3A_387 = tpu.vector_load %arg11[%swap3A_386] {strides = array<i32>} : memref<2032xi32, #tpu.memory_space<vmem>>, vector<16xi32>,
            %swap3A_388 = vector.shape_cast %swap3A_387 : vector<16xi32> to vector<16xi32>
            %swap3A_389 = vector.shape_cast %select_n3A_384 : vector<16xi32> to vector<16xi32>
            tpu.vector_store %arg11[%swap3A_386], %swap3A_389 {strides = array<i32>} : memref<2032xi32, #tpu.memory_space<vmem>>, vector<16xi32>,
          } else {
          }
          %slice3A_316 = vector.extract_strided_slice %add3A_120 {offsets = [13], sizes = [1], strides = [1]} : vector<16xi32> to vector<1xi32>
          %squeeze3A_317 = vector.extract %slice3A_316[0] : i32 from vector<1xi32>
          %gt3A_318 = arith.cmpi sgt, %squeeze3A_317, %squeeze3A_304 : i32
          %add3A_319 = arith.addi %scan3A_78, %squeeze3A_317 : i32
          %sub3A_320 = arith.constant 1 : i32
          %sub3A_321 = arith.subi %add3A_319, %sub3A_320 : i32
          %and3A_322 = arith.constant 15 : i32
          %and3A_323 = arith.andi %sub3A_321, %and3A_322 : i32
          %shift_right_logical3A_324 = arith.constant 4 : i32
          %shift_right_logical3A_325 = arith.shrui %sub3A_321, %shift_right_logical3A_324 : i32
          %convert_element_type3A_326 = arith.extui %gt3A_318 : i1 to i32
          %cond3A_327 = arith.constant 0 : i32
          %cond3A_328 = arith.cmpi ne, %convert_element_type3A_326, %cond3A_327 : i32
          scf.if %cond3A_328 {
            %sub3A_355 = arith.constant 13 : i32
            %sub3A_356 = arith.subi %sub3A_355, %and3A_323 : i32
            %and3A_357 = arith.constant 15 : i32
            %and3A_358 = arith.andi %sub3A_356, %and3A_357 : i32
            %add3A_359 = arith.constant 32 : i32
            %add3A_360 = arith.addi %add3A_359, %and3A_358 : i32
            %get3A_361 = arith.index_cast %add3A_360 : i32 to index
            %get3A_362 = tpu.vector_load %arg12[%get3A_361] {strides = array<i32>} : memref<96xi32, #tpu.memory_space<vmem>>, vector<16xi32>,
            %get3A_363 = vector.shape_cast %get3A_362 : vector<16xi32> to vector<16xi32>
            %add3A_364 = arith.constant 64 : i32
            %add3A_365 = arith.addi %add3A_364, %and3A_358 : i32
            %get3A_366 = arith.index_cast %add3A_365 : i32 to index
            %get3A_367 = tpu.vector_load %arg12[%get3A_366] {strides = array<i32>} : memref<96xi32, #tpu.memory_space<vmem>>, vector<16xi32>,
            %get3A_368 = vector.shape_cast %get3A_367 : vector<16xi32> to vector<16xi32>
            %eq3A = vector.broadcast %and3A_323 : i32 to vector<16xi32>
            %eq3A_369 = arith.cmpi eq, %iota3A, %eq3A : vector<16xi32>
            %get3A_370 = arith.index_cast %shift_right_logical3A_325 : i32 to index
            %get3A_371 = arith.constant 0 : index
            %get3A_372 = tpu.vector_load %arg10[%get3A_370, %get3A_371] {strides = array<i32>} : memref<127x16xi32, #tpu.memory_space<vmem>>, vector<1x16xi32>,
            %get3A_373 = vector.shape_cast %get3A_372 : vector<1x16xi32> to vector<16xi32>
            %sub3A_374 = arith.subi %sub3A_321, %and3A_323 : i32
            %get3A_375 = arith.index_cast %sub3A_374 : i32 to index
            %get3A_376 = tpu.vector_load %arg11[%get3A_375] {strides = array<i32>} : memref<2032xi32, #tpu.memory_space<vmem>>, vector<16xi32>,
            %get3A_377 = vector.shape_cast %get3A_376 : vector<16xi32> to vector<16xi32>
            %select_n3A_378 = arith.select %eq3A_369, %get3A_363, %get3A_373 : vector<16xi1>, vector<16xi32>
            %swap3A_379 = arith.index_cast %shift_right_logical3A_325 : i32 to index
            %swap3A_380 = arith.constant 0 : index
            %swap3A_381 = tpu.vector_load %arg10[%swap3A_379, %swap3A_380] {strides = array<i32>} : memref<127x16xi32, #tpu.memory_space<vmem>>, vector<1x16xi32>,
            %swap3A_382 = vector.shape_cast %swap3A_381 : vector<1x16xi32> to vector<16xi32>
            %swap3A_383 = vector.shape_cast %select_n3A_378 : vector<16xi32> to vector<1x16xi32>
            tpu.vector_store %arg10[%swap3A_379, %swap3A_380], %swap3A_383 {strides = array<i32>} : memref<127x16xi32, #tpu.memory_space<vmem>>, vector<1x16xi32>,
            %select_n3A_384 = arith.select %eq3A_369, %get3A_368, %get3A_377 : vector<16xi1>, vector<16xi32>
            %sub3A_385 = arith.subi %sub3A_321, %and3A_323 : i32
            %swap3A_386 = arith.index_cast %sub3A_385 : i32 to index
            %swap3A_387 = tpu.vector_load %arg11[%swap3A_386] {strides = array<i32>} : memref<2032xi32, #tpu.memory_space<vmem>>, vector<16xi32>,
            %swap3A_388 = vector.shape_cast %swap3A_387 : vector<16xi32> to vector<16xi32>
            %swap3A_389 = vector.shape_cast %select_n3A_384 : vector<16xi32> to vector<16xi32>
            tpu.vector_store %arg11[%swap3A_386], %swap3A_389 {strides = array<i32>} : memref<2032xi32, #tpu.memory_space<vmem>>, vector<16xi32>,
          } else {
          }
          %slice3A_329 = vector.extract_strided_slice %add3A_120 {offsets = [14], sizes = [1], strides = [1]} : vector<16xi32> to vector<1xi32>
          %squeeze3A_330 = vector.extract %slice3A_329[0] : i32 from vector<1xi32>
          %gt3A_331 = arith.cmpi sgt, %squeeze3A_330, %squeeze3A_317 : i32
          %add3A_332 = arith.addi %scan3A_78, %squeeze3A_330 : i32
          %sub3A_333 = arith.constant 1 : i32
          %sub3A_334 = arith.subi %add3A_332, %sub3A_333 : i32
          %and3A_335 = arith.constant 15 : i32
          %and3A_336 = arith.andi %sub3A_334, %and3A_335 : i32
          %shift_right_logical3A_337 = arith.constant 4 : i32
          %shift_right_logical3A_338 = arith.shrui %sub3A_334, %shift_right_logical3A_337 : i32
          %convert_element_type3A_339 = arith.extui %gt3A_331 : i1 to i32
          %cond3A_340 = arith.constant 0 : i32
          %cond3A_341 = arith.cmpi ne, %convert_element_type3A_339, %cond3A_340 : i32
          scf.if %cond3A_341 {
            %sub3A_355 = arith.constant 14 : i32
            %sub3A_356 = arith.subi %sub3A_355, %and3A_336 : i32
            %and3A_357 = arith.constant 15 : i32
            %and3A_358 = arith.andi %sub3A_356, %and3A_357 : i32
            %add3A_359 = arith.constant 32 : i32
            %add3A_360 = arith.addi %add3A_359, %and3A_358 : i32
            %get3A_361 = arith.index_cast %add3A_360 : i32 to index
            %get3A_362 = tpu.vector_load %arg12[%get3A_361] {strides = array<i32>} : memref<96xi32, #tpu.memory_space<vmem>>, vector<16xi32>,
            %get3A_363 = vector.shape_cast %get3A_362 : vector<16xi32> to vector<16xi32>
            %add3A_364 = arith.constant 64 : i32
            %add3A_365 = arith.addi %add3A_364, %and3A_358 : i32
            %get3A_366 = arith.index_cast %add3A_365 : i32 to index
            %get3A_367 = tpu.vector_load %arg12[%get3A_366] {strides = array<i32>} : memref<96xi32, #tpu.memory_space<vmem>>, vector<16xi32>,
            %get3A_368 = vector.shape_cast %get3A_367 : vector<16xi32> to vector<16xi32>
            %eq3A = vector.broadcast %and3A_336 : i32 to vector<16xi32>
            %eq3A_369 = arith.cmpi eq, %iota3A, %eq3A : vector<16xi32>
            %get3A_370 = arith.index_cast %shift_right_logical3A_338 : i32 to index
            %get3A_371 = arith.constant 0 : index
            %get3A_372 = tpu.vector_load %arg10[%get3A_370, %get3A_371] {strides = array<i32>} : memref<127x16xi32, #tpu.memory_space<vmem>>, vector<1x16xi32>,
            %get3A_373 = vector.shape_cast %get3A_372 : vector<1x16xi32> to vector<16xi32>
            %sub3A_374 = arith.subi %sub3A_334, %and3A_336 : i32
            %get3A_375 = arith.index_cast %sub3A_374 : i32 to index
            %get3A_376 = tpu.vector_load %arg11[%get3A_375] {strides = array<i32>} : memref<2032xi32, #tpu.memory_space<vmem>>, vector<16xi32>,
            %get3A_377 = vector.shape_cast %get3A_376 : vector<16xi32> to vector<16xi32>
            %select_n3A_378 = arith.select %eq3A_369, %get3A_363, %get3A_373 : vector<16xi1>, vector<16xi32>
            %swap3A_379 = arith.index_cast %shift_right_logical3A_338 : i32 to index
            %swap3A_380 = arith.constant 0 : index
            %swap3A_381 = tpu.vector_load %arg10[%swap3A_379, %swap3A_380] {strides = array<i32>} : memref<127x16xi32, #tpu.memory_space<vmem>>, vector<1x16xi32>,
            %swap3A_382 = vector.shape_cast %swap3A_381 : vector<1x16xi32> to vector<16xi32>
            %swap3A_383 = vector.shape_cast %select_n3A_378 : vector<16xi32> to vector<1x16xi32>
            tpu.vector_store %arg10[%swap3A_379, %swap3A_380], %swap3A_383 {strides = array<i32>} : memref<127x16xi32, #tpu.memory_space<vmem>>, vector<1x16xi32>,
            %select_n3A_384 = arith.select %eq3A_369, %get3A_368, %get3A_377 : vector<16xi1>, vector<16xi32>
            %sub3A_385 = arith.subi %sub3A_334, %and3A_336 : i32
            %swap3A_386 = arith.index_cast %sub3A_385 : i32 to index
            %swap3A_387 = tpu.vector_load %arg11[%swap3A_386] {strides = array<i32>} : memref<2032xi32, #tpu.memory_space<vmem>>, vector<16xi32>,
            %swap3A_388 = vector.shape_cast %swap3A_387 : vector<16xi32> to vector<16xi32>
            %swap3A_389 = vector.shape_cast %select_n3A_384 : vector<16xi32> to vector<16xi32>
            tpu.vector_store %arg11[%swap3A_386], %swap3A_389 {strides = array<i32>} : memref<2032xi32, #tpu.memory_space<vmem>>, vector<16xi32>,
          } else {
          }
          %slice3A_342 = vector.extract_strided_slice %add3A_120 {offsets = [15], sizes = [1], strides = [1]} : vector<16xi32> to vector<1xi32>
          %squeeze3A_343 = vector.extract %slice3A_342[0] : i32 from vector<1xi32>
          %gt3A_344 = arith.cmpi sgt, %squeeze3A_343, %squeeze3A_330 : i32
          %add3A_345 = arith.addi %scan3A_78, %squeeze3A_343 : i32
          %sub3A_346 = arith.constant 1 : i32
          %sub3A_347 = arith.subi %add3A_345, %sub3A_346 : i32
          %and3A_348 = arith.constant 15 : i32
          %and3A_349 = arith.andi %sub3A_347, %and3A_348 : i32
          %shift_right_logical3A_350 = arith.constant 4 : i32
          %shift_right_logical3A_351 = arith.shrui %sub3A_347, %shift_right_logical3A_350 : i32
          %convert_element_type3A_352 = arith.extui %gt3A_344 : i1 to i32
          %cond3A_353 = arith.constant 0 : i32
          %cond3A_354 = arith.cmpi ne, %convert_element_type3A_352, %cond3A_353 : i32
          scf.if %cond3A_354 {
            %sub3A_355 = arith.constant 15 : i32
            %sub3A_356 = arith.subi %sub3A_355, %and3A_349 : i32
            %and3A_357 = arith.constant 15 : i32
            %and3A_358 = arith.andi %sub3A_356, %and3A_357 : i32
            %add3A_359 = arith.constant 32 : i32
            %add3A_360 = arith.addi %add3A_359, %and3A_358 : i32
            %get3A_361 = arith.index_cast %add3A_360 : i32 to index
            %get3A_362 = tpu.vector_load %arg12[%get3A_361] {strides = array<i32>} : memref<96xi32, #tpu.memory_space<vmem>>, vector<16xi32>,
            %get3A_363 = vector.shape_cast %get3A_362 : vector<16xi32> to vector<16xi32>
            %add3A_364 = arith.constant 64 : i32
            %add3A_365 = arith.addi %add3A_364, %and3A_358 : i32
            %get3A_366 = arith.index_cast %add3A_365 : i32 to index
            %get3A_367 = tpu.vector_load %arg12[%get3A_366] {strides = array<i32>} : memref<96xi32, #tpu.memory_space<vmem>>, vector<16xi32>,
            %get3A_368 = vector.shape_cast %get3A_367 : vector<16xi32> to vector<16xi32>
            %eq3A = vector.broadcast %and3A_349 : i32 to vector<16xi32>
            %eq3A_369 = arith.cmpi eq, %iota3A, %eq3A : vector<16xi32>
            %get3A_370 = arith.index_cast %shift_right_logical3A_351 : i32 to index
            %get3A_371 = arith.constant 0 : index
            %get3A_372 = tpu.vector_load %arg10[%get3A_370, %get3A_371] {strides = array<i32>} : memref<127x16xi32, #tpu.memory_space<vmem>>, vector<1x16xi32>,
            %get3A_373 = vector.shape_cast %get3A_372 : vector<1x16xi32> to vector<16xi32>
            %sub3A_374 = arith.subi %sub3A_347, %and3A_349 : i32
            %get3A_375 = arith.index_cast %sub3A_374 : i32 to index
            %get3A_376 = tpu.vector_load %arg11[%get3A_375] {strides = array<i32>} : memref<2032xi32, #tpu.memory_space<vmem>>, vector<16xi32>,
            %get3A_377 = vector.shape_cast %get3A_376 : vector<16xi32> to vector<16xi32>
            %select_n3A_378 = arith.select %eq3A_369, %get3A_363, %get3A_373 : vector<16xi1>, vector<16xi32>
            %swap3A_379 = arith.index_cast %shift_right_logical3A_351 : i32 to index
            %swap3A_380 = arith.constant 0 : index
            %swap3A_381 = tpu.vector_load %arg10[%swap3A_379, %swap3A_380] {strides = array<i32>} : memref<127x16xi32, #tpu.memory_space<vmem>>, vector<1x16xi32>,
            %swap3A_382 = vector.shape_cast %swap3A_381 : vector<1x16xi32> to vector<16xi32>
            %swap3A_383 = vector.shape_cast %select_n3A_378 : vector<16xi32> to vector<1x16xi32>
            tpu.vector_store %arg10[%swap3A_379, %swap3A_380], %swap3A_383 {strides = array<i32>} : memref<127x16xi32, #tpu.memory_space<vmem>>, vector<1x16xi32>,
            %select_n3A_384 = arith.select %eq3A_369, %get3A_368, %get3A_377 : vector<16xi1>, vector<16xi32>
            %sub3A_385 = arith.subi %sub3A_347, %and3A_349 : i32
            %swap3A_386 = arith.index_cast %sub3A_385 : i32 to index
            %swap3A_387 = tpu.vector_load %arg11[%swap3A_386] {strides = array<i32>} : memref<2032xi32, #tpu.memory_space<vmem>>, vector<16xi32>,
            %swap3A_388 = vector.shape_cast %swap3A_387 : vector<16xi32> to vector<16xi32>
            %swap3A_389 = vector.shape_cast %select_n3A_384 : vector<16xi32> to vector<16xi32>
            tpu.vector_store %arg11[%swap3A_386], %swap3A_389 {strides = array<i32>} : memref<2032xi32, #tpu.memory_space<vmem>>, vector<16xi32>,
          } else {
          }
        } else {
        }
        %add3A_126 = arith.addi %scan3A_78, %squeeze3A : i32
        %add3A_127 = arith.constant 16 : i32
        %add3A_128 = vector.broadcast %add3A_127 : i32 to vector<16xi32>
        %add3A_129 = arith.addi %scan3A_79, %add3A_128 : vector<16xi32>
        %add3A_130 = arith.addi %scan3A_80, %add3A_120 : vector<16xi32>
        scf.yield %add3A_126, %add3A_129, %add3A_130 : i32, vector<16xi32>, vector<16xi32>
      }
      %scan3A_45 = arith.constant 125 : i32
      %mul3A_46 = arith.constant 160 : i32
      %mul3A_47 = arith.muli %add3A, %mul3A_46 : i32
      %add3A_48 = arith.addi %mul3A_47, %scan3A_35 : i32
      %swap3A_49 = arith.constant 0 : index
      %swap3A_50 = tpu.vector_load %arg12[%swap3A_49] {strides = array<i32>} : memref<96xi32, #tpu.memory_space<vmem>>, vector<16xi32>,
      %swap3A_51 = vector.shape_cast %swap3A_50 : vector<16xi32> to vector<16xi32>
      %swap3A_52 = vector.shape_cast %scan3A_44#2 : vector<16xi32> to vector<16xi32>
      tpu.vector_store %arg12[%swap3A_49], %swap3A_52 {strides = array<i32>} : memref<96xi32, #tpu.memory_space<vmem>>, vector<16xi32>,
      %mul3A_53 = arith.constant 16 : i32
      %mul3A_54 = arith.muli %add3A_48, %mul3A_53 : i32
      "tpu.region"() ({
        %run_scoped3A = tpu.sem_alloc : memref<!tpu.dma_semaphore, #tpu.memory_space<semaphore_mem>>
        %dma_start3A = arith.constant 0 : i32
        %dma_start3A_77 = tpu.memref_slice %arg12[%dma_start3A] : memref<96xi32, #tpu.memory_space<vmem>> -> memref<16xi32, #tpu.memory_space<vmem>>
        %dma_start3A_78 = tpu.memref_slice %arg8[%mul3A_54] : memref<81920xi32, #tpu.memory_space<hbm>> -> memref<16xi32, #tpu.memory_space<hbm>>
        %dma_start3A_79 = tpu.memref_slice %arg8[%mul3A_54] : memref<81920xi32, #tpu.memory_space<hbm>> -> memref<16xi32, #tpu.memory_space<hbm>>
        %dma_start3A_80 = arith.constant 0 : i32
        %dma_start3A_81 = tpu.memref_slice %arg12[%dma_start3A_80] : memref<96xi32, #tpu.memory_space<vmem>> -> memref<16xi32, #tpu.memory_space<vmem>>
        tpu.enqueue_dma source(%dma_start3A_81 : memref<16xi32, #tpu.memory_space<vmem>>) target(%dma_start3A_79 : memref<16xi32, #tpu.memory_space<hbm>>) target_semaphore(%run_scoped3A : memref<!tpu.dma_semaphore, #tpu.memory_space<semaphore_mem>>)
        %dma_wait3A = arith.constant 0 : i32
        %dma_wait3A_82 = tpu.memref_slice %arg12[%dma_wait3A] : memref<96xi32, #tpu.memory_space<vmem>> -> memref<16xi32, #tpu.memory_space<vmem>>
        %dma_wait3A_83 = tpu.memref_slice %arg8[%mul3A_54] : memref<81920xi32, #tpu.memory_space<hbm>> -> memref<16xi32, #tpu.memory_space<hbm>>
        %dma_wait3A_84 = tpu.memref_slice %arg8[%mul3A_54] : memref<81920xi32, #tpu.memory_space<hbm>> -> memref<16xi32, #tpu.memory_space<hbm>>
        %dma_wait3A_85 = arith.constant 0 : i32
        %dma_wait3A_86 = tpu.memref_slice %arg12[%dma_wait3A_85] : memref<96xi32, #tpu.memory_space<vmem>> -> memref<16xi32, #tpu.memory_space<vmem>>
        tpu.wait_dma2 semaphore(%run_scoped3A : memref<!tpu.dma_semaphore, #tpu.memory_space<semaphore_mem>>) src(%dma_wait3A_86 : memref<16xi32, #tpu.memory_space<vmem>>) dst(%dma_wait3A_84 : memref<16xi32, #tpu.memory_space<hbm>>)
        tpu.yield
      }) : () -> ()
      %swap3A_55 = arith.constant 0 : index
      %swap3A_56 = tpu.vector_load %arg12[%swap3A_55] {strides = array<i32>} : memref<96xi32, #tpu.memory_space<vmem>>, vector<16xi32>,
      %swap3A_57 = vector.shape_cast %swap3A_56 : vector<16xi32> to vector<16xi32>
      %swap3A_58 = vector.shape_cast %broadcast_in_dim3A_5 : vector<16xi32> to vector<16xi32>
      tpu.vector_store %arg12[%swap3A_55], %swap3A_58 {strides = array<i32>} : memref<96xi32, #tpu.memory_space<vmem>>, vector<16xi32>,
      "tpu.region"() ({
        %run_scoped3A = tpu.sem_alloc : memref<!tpu.dma_semaphore, #tpu.memory_space<semaphore_mem>>
        %dma_start3A = arith.constant 0 : i32
        %dma_start3A_77 = arith.constant 0 : i32
        %dma_start3A_78 = tpu.memref_slice %arg6[%add3A_48, %dma_start3A, %dma_start3A_77] : memref<5120x127x16xi32, #tpu.memory_space<hbm>> -> memref<1x127x16xi32, #tpu.memory_space<hbm>>
        %dma_start3A_79 = tpu.memref_squeeze %dma_start3A_78 : memref<1x127x16xi32, #tpu.memory_space<hbm>> -> memref<127x16xi32, #tpu.memory_space<hbm>>
        %dma_start3A_80 = arith.constant 0 : i32
        %dma_start3A_81 = arith.constant 0 : i32
        %dma_start3A_82 = tpu.memref_slice %arg6[%add3A_48, %dma_start3A_80, %dma_start3A_81] : memref<5120x127x16xi32, #tpu.memory_space<hbm>> -> memref<1x127x16xi32, #tpu.memory_space<hbm>>
        %dma_start3A_83 = tpu.memref_squeeze %dma_start3A_82 : memref<1x127x16xi32, #tpu.memory_space<hbm>> -> memref<127x16xi32, #tpu.memory_space<hbm>>
        tpu.enqueue_dma source(%arg10 : memref<127x16xi32, #tpu.memory_space<vmem>>) target(%dma_start3A_83 : memref<127x16xi32, #tpu.memory_space<hbm>>) target_semaphore(%run_scoped3A : memref<!tpu.dma_semaphore, #tpu.memory_space<semaphore_mem>>)
        %dma_wait3A = arith.constant 0 : i32
        %dma_wait3A_84 = arith.constant 0 : i32
        %dma_wait3A_85 = tpu.memref_slice %arg6[%add3A_48, %dma_wait3A, %dma_wait3A_84] : memref<5120x127x16xi32, #tpu.memory_space<hbm>> -> memref<1x127x16xi32, #tpu.memory_space<hbm>>
        %dma_wait3A_86 = tpu.memref_squeeze %dma_wait3A_85 : memref<1x127x16xi32, #tpu.memory_space<hbm>> -> memref<127x16xi32, #tpu.memory_space<hbm>>
        %dma_wait3A_87 = arith.constant 0 : i32
        %dma_wait3A_88 = arith.constant 0 : i32
        %dma_wait3A_89 = tpu.memref_slice %arg6[%add3A_48, %dma_wait3A_87, %dma_wait3A_88] : memref<5120x127x16xi32, #tpu.memory_space<hbm>> -> memref<1x127x16xi32, #tpu.memory_space<hbm>>
        %dma_wait3A_90 = tpu.memref_squeeze %dma_wait3A_89 : memref<1x127x16xi32, #tpu.memory_space<hbm>> -> memref<127x16xi32, #tpu.memory_space<hbm>>
        tpu.wait_dma2 semaphore(%run_scoped3A : memref<!tpu.dma_semaphore, #tpu.memory_space<semaphore_mem>>) src(%arg10 : memref<127x16xi32, #tpu.memory_space<vmem>>) dst(%dma_wait3A_90 : memref<127x16xi32, #tpu.memory_space<hbm>>)
        tpu.yield
      }) : () -> ()
      %mul3A_59 = arith.constant 2032 : i32
      %mul3A_60 = arith.muli %add3A_48, %mul3A_59 : i32
      "tpu.region"() ({
        %run_scoped3A = tpu.sem_alloc : memref<!tpu.dma_semaphore, #tpu.memory_space<semaphore_mem>>
        %dma_start3A = tpu.memref_slice %arg7[%mul3A_60] : memref<10403840xi32, #tpu.memory_space<hbm>> -> memref<2032xi32, #tpu.memory_space<hbm>>
        %dma_start3A_77 = tpu.memref_slice %arg7[%mul3A_60] : memref<10403840xi32, #tpu.memory_space<hbm>> -> memref<2032xi32, #tpu.memory_space<hbm>>
        tpu.enqueue_dma source(%arg11 : memref<2032xi32, #tpu.memory_space<vmem>>) target(%dma_start3A_77 : memref<2032xi32, #tpu.memory_space<hbm>>) target_semaphore(%run_scoped3A : memref<!tpu.dma_semaphore, #tpu.memory_space<semaphore_mem>>)
        %dma_wait3A = tpu.memref_slice %arg7[%mul3A_60] : memref<10403840xi32, #tpu.memory_space<hbm>> -> memref<2032xi32, #tpu.memory_space<hbm>>
        %dma_wait3A_78 = tpu.memref_slice %arg7[%mul3A_60] : memref<10403840xi32, #tpu.memory_space<hbm>> -> memref<2032xi32, #tpu.memory_space<hbm>>
        tpu.wait_dma2 semaphore(%run_scoped3A : memref<!tpu.dma_semaphore, #tpu.memory_space<semaphore_mem>>) src(%arg11 : memref<2032xi32, #tpu.memory_space<vmem>>) dst(%dma_wait3A_78 : memref<2032xi32, #tpu.memory_space<hbm>>)
        tpu.yield
      }) : () -> ()
      %add3A_61 = arith.constant 15 : i32
      %add3A_62 = arith.addi %scan3A_44#0, %add3A_61 : i32
      %shift_right_arithmetic3A = arith.constant 4 : i32
      %shift_right_arithmetic3A_63 = arith.shrsi %add3A_62, %shift_right_arithmetic3A : i32
      %gt3A = arith.constant 0 : i32
      %gt3A_64 = arith.cmpi sgt, %shift_right_arithmetic3A_63, %gt3A : i32
      %convert_element_type3A = arith.extui %gt3A_64 : i1 to i32
      %cond3A = arith.constant 0 : i32
      %cond3A_65 = arith.cmpi ne, %convert_element_type3A, %cond3A : i32
      scf.if %cond3A_65 {
        %dma_start3A = arith.constant 0 : i32
        %dma_start3A_77 = arith.constant 0 : i32
        %dma_start3A_78 = tpu.memref_slice %arg10[%dma_start3A, %dma_start3A_77] : memref<127x16xi32, #tpu.memory_space<vmem>> -> memref<1x16xi32, #tpu.memory_space<vmem>>
        %dma_start3A_79 = tpu.memref_squeeze %dma_start3A_78 : memref<1x16xi32, #tpu.memory_space<vmem>> -> memref<16xi32, #tpu.memory_space<vmem>>
        %dma_start3A_80 = arith.constant 0 : i32
        %dma_start3A_81 = arith.constant 0 : i32
        %dma_start3A_82 = tpu.memref_slice %arg2[%dma_start3A_80, %dma_start3A_81] : memref<320000x128xf32, #tpu.memory_space<hbm>> -> memref<320000x128xf32, #tpu.memory_space<hbm>>
        tpu.enqueue_indirect_dma source(%dma_start3A_82 : memref<320000x128xf32, #tpu.memory_space<hbm>>) target(%arg14 : memref<16x128xf32, #tpu.memory_space<vmem>>) offsets(%dma_start3A_79 : memref<16xi32, #tpu.memory_space<vmem>>) semaphore(%arg17 : memref<!tpu.dma_semaphore, #tpu.memory_space<semaphore_mem>>)
      } else {
      }
      %while3A = arith.constant 0 : i32
      %while3A_66 = arith.constant 0 : i32
      %while3A_67 = arith.subi %shift_right_arithmetic3A_63, %while3A : i32
      %while3A_68 = arith.addi %while3A, %while3A_67 : i32
      %while3A_69 = arith.constant 1 : i32
      %while3A_70 = arith.divsi %while3A_67, %while3A_69 : i32
      %while3A_71 = arith.muli %while3A_70, %while3A_69 : i32
      %while3A_72 = arith.addi %while3A, %while3A_71 : i32
      %while3A_73 = arith.constant 1 : i32
      %while3A_74 = scf.for %while3A_77 = %while3A to %while3A_72 step %while3A_73 iter_args(%while3A_78 = %while3A_66) -> (i32)  : i32 {
        %mul3A_79 = arith.constant 16 : i32
        %mul3A_80 = arith.muli %while3A_77, %mul3A_79 : i32
        %sub3A = arith.subi %scan3A_44#0, %mul3A_80 : i32
        %min3A = arith.constant 16 : i32
        %min3A_81 = arith.minsi %sub3A, %min3A : i32
        %and3A = arith.constant 1 : i32
        %and3A_82 = arith.andi %while3A_77, %and3A : i32
        %eq3A = arith.constant 0 : i32
        %eq3A_83 = arith.cmpi eq, %and3A_82, %eq3A : i32
        %convert_element_type3A_84 = arith.extui %eq3A_83 : i1 to i32
        %cond3A_85 = arith.constant 0 : i32
        %cond3A_86 = arith.cmpi ne, %convert_element_type3A_84, %cond3A_85 : i32
        scf.if %cond3A_86 {
          %add3A_95 = arith.constant 1 : i32
          %add3A_96 = arith.addi %while3A_77, %add3A_95 : i32
          %lt3A = arith.cmpi slt, %add3A_96, %shift_right_arithmetic3A_63 : i32
          %convert_element_type3A_97 = arith.extui %lt3A : i1 to i32
          %cond3A_98 = arith.constant 0 : i32
          %cond3A_99 = arith.cmpi ne, %convert_element_type3A_97, %cond3A_98 : i32
          scf.if %cond3A_99 {
            %add3A_117 = arith.constant 1 : i32
            %add3A_118 = arith.addi %while3A_77, %add3A_117 : i32
            %dma_start3A = arith.constant 0 : i32
            %dma_start3A_119 = tpu.memref_slice %arg10[%add3A_118, %dma_start3A] : memref<127x16xi32, #tpu.memory_space<vmem>> -> memref<1x16xi32, #tpu.memory_space<vmem>>
            %dma_start3A_120 = tpu.memref_squeeze %dma_start3A_119 : memref<1x16xi32, #tpu.memory_space<vmem>> -> memref<16xi32, #tpu.memory_space<vmem>>
            %dma_start3A_121 = arith.constant 0 : i32
            %dma_start3A_122 = arith.constant 0 : i32
            %dma_start3A_123 = tpu.memref_slice %arg2[%dma_start3A_121, %dma_start3A_122] : memref<320000x128xf32, #tpu.memory_space<hbm>> -> memref<320000x128xf32, #tpu.memory_space<hbm>>
            tpu.enqueue_indirect_dma source(%dma_start3A_123 : memref<320000x128xf32, #tpu.memory_space<hbm>>) target(%arg15 : memref<16x128xf32, #tpu.memory_space<vmem>>) offsets(%dma_start3A_120 : memref<16xi32, #tpu.memory_space<vmem>>) semaphore(%arg18 : memref<!tpu.dma_semaphore, #tpu.memory_space<semaphore_mem>>)
          } else {
          }
          %dma_wait3A = arith.constant 0 : i32
          %dma_wait3A_100 = tpu.memref_slice %arg10[%while3A_77, %dma_wait3A] : memref<127x16xi32, #tpu.memory_space<vmem>> -> memref<1x16xi32, #tpu.memory_space<vmem>>
          %dma_wait3A_101 = tpu.memref_squeeze %dma_wait3A_100 : memref<1x16xi32, #tpu.memory_space<vmem>> -> memref<16xi32, #tpu.memory_space<vmem>>
          %dma_wait3A_102 = arith.constant 0 : i32
          %dma_wait3A_103 = arith.constant 0 : i32
          %dma_wait3A_104 = tpu.memref_slice %arg2[%dma_wait3A_102, %dma_wait3A_103] : memref<320000x128xf32, #tpu.memory_space<hbm>> -> memref<320000x128xf32, #tpu.memory_space<hbm>>
          tpu.wait_indirect_dma semaphore(%arg17 : memref<!tpu.dma_semaphore, #tpu.memory_space<semaphore_mem>>) src(%dma_wait3A_104 : memref<320000x128xf32, #tpu.memory_space<hbm>>) dst(%arg14 : memref<16x128xf32, #tpu.memory_space<vmem>>)
          %while3A_105 = arith.constant 0 : i32
          %while3A_106 = arith.constant 0 : i32
          %while3A_107 = arith.subi %min3A_81, %while3A_105 : i32
          %while3A_108 = arith.addi %while3A_105, %while3A_107 : i32
          %while3A_109 = arith.constant 1 : i32
          %while3A_110 = arith.divsi %while3A_107, %while3A_109 : i32
          %while3A_111 = arith.muli %while3A_110, %while3A_109 : i32
          %while3A_112 = arith.addi %while3A_105, %while3A_111 : i32
          %while3A_113 = arith.constant 1 : i32
          %while3A_114 = scf.for %while3A_117 = %while3A_105 to %while3A_112 step %while3A_113 iter_args(%while3A_118 = %while3A_106) -> (i32)  : i32 {
            %add3A_119 = arith.addi %mul3A_80, %while3A_117 : i32
            %get3A_120 = arith.index_cast %add3A_119 : i32 to index
            %get3A_121 = tpu.vector_load %arg11[%get3A_120] {strides = array<i32>} : memref<2032xi32, #tpu.memory_space<vmem>>, vector<16xi32>,
            %get3A_122 = vector.shape_cast %get3A_121 : vector<16xi32> to vector<16xi32>
            %slice3A = vector.extract_strided_slice %get3A_122 {offsets = [0], sizes = [1], strides = [1]} : vector<16xi32> to vector<1xi32>
            %squeeze3A = vector.extract %slice3A[0] : i32 from vector<1xi32>
            %get3A_123 = arith.index_cast %squeeze3A : i32 to index
            %get3A_124 = arith.constant 0 : index
            %get3A_125 = tpu.vector_load %arg16[%get3A_123, %get3A_124] {strides = array<i32>} : memref<320x64xf32, #tpu.memory_space<vmem>>, vector<1x16xf32>,
            %get3A_126 = vector.shape_cast %get3A_125 : vector<1x16xf32> to vector<16xf32>
            %get3A_127 = arith.index_cast %while3A_117 : i32 to index
            %get3A_128 = arith.constant 0 : index
            %get3A_129 = tpu.vector_load %arg14[%get3A_127, %get3A_128] {strides = array<i32>} : memref<16x128xf32, #tpu.memory_space<vmem>>, vector<1x16xf32>,
            %get3A_130 = vector.shape_cast %get3A_129 : vector<1x16xf32> to vector<16xf32>
            %max3A = arith.maximumf %get3A_126, %get3A_130 : vector<16xf32>
            %swap3A_131 = arith.index_cast %squeeze3A : i32 to index
            %swap3A_132 = arith.constant 0 : index
            %swap3A_133 = tpu.vector_load %arg16[%swap3A_131, %swap3A_132] {strides = array<i32>} : memref<320x64xf32, #tpu.memory_space<vmem>>, vector<1x16xf32>,
            %swap3A_134 = vector.shape_cast %swap3A_133 : vector<1x16xf32> to vector<16xf32>
            %swap3A_135 = vector.shape_cast %max3A : vector<16xf32> to vector<1x16xf32>
            tpu.vector_store %arg16[%swap3A_131, %swap3A_132], %swap3A_135 {strides = array<i32>} : memref<320x64xf32, #tpu.memory_space<vmem>>, vector<1x16xf32>,
            %get3A_136 = arith.index_cast %squeeze3A : i32 to index
            %get3A_137 = arith.constant 16 : index
            %get3A_138 = tpu.vector_load %arg16[%get3A_136, %get3A_137] {strides = array<i32>} : memref<320x64xf32, #tpu.memory_space<vmem>>, vector<1x16xf32>,
            %get3A_139 = vector.shape_cast %get3A_138 : vector<1x16xf32> to vector<16xf32>
            %get3A_140 = arith.index_cast %while3A_117 : i32 to index
            %get3A_141 = arith.constant 16 : index
            %get3A_142 = tpu.vector_load %arg14[%get3A_140, %get3A_141] {strides = array<i32>} : memref<16x128xf32, #tpu.memory_space<vmem>>, vector<1x16xf32>,
            %get3A_143 = vector.shape_cast %get3A_142 : vector<1x16xf32> to vector<16xf32>
            %max3A_144 = arith.maximumf %get3A_139, %get3A_143 : vector<16xf32>
            %swap3A_145 = arith.index_cast %squeeze3A : i32 to index
            %swap3A_146 = arith.constant 16 : index
            %swap3A_147 = tpu.vector_load %arg16[%swap3A_145, %swap3A_146] {strides = array<i32>} : memref<320x64xf32, #tpu.memory_space<vmem>>, vector<1x16xf32>,
            %swap3A_148 = vector.shape_cast %swap3A_147 : vector<1x16xf32> to vector<16xf32>
            %swap3A_149 = vector.shape_cast %max3A_144 : vector<16xf32> to vector<1x16xf32>
            tpu.vector_store %arg16[%swap3A_145, %swap3A_146], %swap3A_149 {strides = array<i32>} : memref<320x64xf32, #tpu.memory_space<vmem>>, vector<1x16xf32>,
            %get3A_150 = arith.index_cast %squeeze3A : i32 to index
            %get3A_151 = arith.constant 32 : index
            %get3A_152 = tpu.vector_load %arg16[%get3A_150, %get3A_151] {strides = array<i32>} : memref<320x64xf32, #tpu.memory_space<vmem>>, vector<1x16xf32>,
            %get3A_153 = vector.shape_cast %get3A_152 : vector<1x16xf32> to vector<16xf32>
            %get3A_154 = arith.index_cast %while3A_117 : i32 to index
            %get3A_155 = arith.constant 32 : index
            %get3A_156 = tpu.vector_load %arg14[%get3A_154, %get3A_155] {strides = array<i32>} : memref<16x128xf32, #tpu.memory_space<vmem>>, vector<1x16xf32>,
            %get3A_157 = vector.shape_cast %get3A_156 : vector<1x16xf32> to vector<16xf32>
            %max3A_158 = arith.maximumf %get3A_153, %get3A_157 : vector<16xf32>
            %swap3A_159 = arith.index_cast %squeeze3A : i32 to index
            %swap3A_160 = arith.constant 32 : index
            %swap3A_161 = tpu.vector_load %arg16[%swap3A_159, %swap3A_160] {strides = array<i32>} : memref<320x64xf32, #tpu.memory_space<vmem>>, vector<1x16xf32>,
            %swap3A_162 = vector.shape_cast %swap3A_161 : vector<1x16xf32> to vector<16xf32>
            %swap3A_163 = vector.shape_cast %max3A_158 : vector<16xf32> to vector<1x16xf32>
            tpu.vector_store %arg16[%swap3A_159, %swap3A_160], %swap3A_163 {strides = array<i32>} : memref<320x64xf32, #tpu.memory_space<vmem>>, vector<1x16xf32>,
            %get3A_164 = arith.index_cast %squeeze3A : i32 to index
            %get3A_165 = arith.constant 48 : index
            %get3A_166 = tpu.vector_load %arg16[%get3A_164, %get3A_165] {strides = array<i32>} : memref<320x64xf32, #tpu.memory_space<vmem>>, vector<1x16xf32>,
            %get3A_167 = vector.shape_cast %get3A_166 : vector<1x16xf32> to vector<16xf32>
            %get3A_168 = arith.index_cast %while3A_117 : i32 to index
            %get3A_169 = arith.constant 48 : index
            %get3A_170 = tpu.vector_load %arg14[%get3A_168, %get3A_169] {strides = array<i32>} : memref<16x128xf32, #tpu.memory_space<vmem>>, vector<1x16xf32>,
            %get3A_171 = vector.shape_cast %get3A_170 : vector<1x16xf32> to vector<16xf32>
            %max3A_172 = arith.maximumf %get3A_167, %get3A_171 : vector<16xf32>
            %swap3A_173 = arith.index_cast %squeeze3A : i32 to index
            %swap3A_174 = arith.constant 48 : index
            %swap3A_175 = tpu.vector_load %arg16[%swap3A_173, %swap3A_174] {strides = array<i32>} : memref<320x64xf32, #tpu.memory_space<vmem>>, vector<1x16xf32>,
            %swap3A_176 = vector.shape_cast %swap3A_175 : vector<1x16xf32> to vector<16xf32>
            %swap3A_177 = vector.shape_cast %max3A_172 : vector<16xf32> to vector<1x16xf32>
            tpu.vector_store %arg16[%swap3A_173, %swap3A_174], %swap3A_177 {strides = array<i32>} : memref<320x64xf32, #tpu.memory_space<vmem>>, vector<1x16xf32>,
            %while3A_178 = arith.constant 0 : i32
            scf.yield %while3A_178 : i32
          }
          %while3A_115 = arith.constant 1 : i32
          %while3A_116 = scf.for %while3A_117 = %while3A_112 to %while3A_108 step %while3A_115 iter_args(%while3A_118 = %while3A_114) -> (i32)  : i32 {
            %add3A_119 = arith.addi %mul3A_80, %while3A_117 : i32
            %get3A_120 = arith.index_cast %add3A_119 : i32 to index
            %get3A_121 = tpu.vector_load %arg11[%get3A_120] {strides = array<i32>} : memref<2032xi32, #tpu.memory_space<vmem>>, vector<16xi32>,
            %get3A_122 = vector.shape_cast %get3A_121 : vector<16xi32> to vector<16xi32>
            %slice3A = vector.extract_strided_slice %get3A_122 {offsets = [0], sizes = [1], strides = [1]} : vector<16xi32> to vector<1xi32>
            %squeeze3A = vector.extract %slice3A[0] : i32 from vector<1xi32>
            %get3A_123 = arith.index_cast %squeeze3A : i32 to index
            %get3A_124 = arith.constant 0 : index
            %get3A_125 = tpu.vector_load %arg16[%get3A_123, %get3A_124] {strides = array<i32>} : memref<320x64xf32, #tpu.memory_space<vmem>>, vector<1x16xf32>,
            %get3A_126 = vector.shape_cast %get3A_125 : vector<1x16xf32> to vector<16xf32>
            %get3A_127 = arith.index_cast %while3A_117 : i32 to index
            %get3A_128 = arith.constant 0 : index
            %get3A_129 = tpu.vector_load %arg14[%get3A_127, %get3A_128] {strides = array<i32>} : memref<16x128xf32, #tpu.memory_space<vmem>>, vector<1x16xf32>,
            %get3A_130 = vector.shape_cast %get3A_129 : vector<1x16xf32> to vector<16xf32>
            %max3A = arith.maximumf %get3A_126, %get3A_130 : vector<16xf32>
            %swap3A_131 = arith.index_cast %squeeze3A : i32 to index
            %swap3A_132 = arith.constant 0 : index
            %swap3A_133 = tpu.vector_load %arg16[%swap3A_131, %swap3A_132] {strides = array<i32>} : memref<320x64xf32, #tpu.memory_space<vmem>>, vector<1x16xf32>,
            %swap3A_134 = vector.shape_cast %swap3A_133 : vector<1x16xf32> to vector<16xf32>
            %swap3A_135 = vector.shape_cast %max3A : vector<16xf32> to vector<1x16xf32>
            tpu.vector_store %arg16[%swap3A_131, %swap3A_132], %swap3A_135 {strides = array<i32>} : memref<320x64xf32, #tpu.memory_space<vmem>>, vector<1x16xf32>,
            %get3A_136 = arith.index_cast %squeeze3A : i32 to index
            %get3A_137 = arith.constant 16 : index
            %get3A_138 = tpu.vector_load %arg16[%get3A_136, %get3A_137] {strides = array<i32>} : memref<320x64xf32, #tpu.memory_space<vmem>>, vector<1x16xf32>,
            %get3A_139 = vector.shape_cast %get3A_138 : vector<1x16xf32> to vector<16xf32>
            %get3A_140 = arith.index_cast %while3A_117 : i32 to index
            %get3A_141 = arith.constant 16 : index
            %get3A_142 = tpu.vector_load %arg14[%get3A_140, %get3A_141] {strides = array<i32>} : memref<16x128xf32, #tpu.memory_space<vmem>>, vector<1x16xf32>,
            %get3A_143 = vector.shape_cast %get3A_142 : vector<1x16xf32> to vector<16xf32>
            %max3A_144 = arith.maximumf %get3A_139, %get3A_143 : vector<16xf32>
            %swap3A_145 = arith.index_cast %squeeze3A : i32 to index
            %swap3A_146 = arith.constant 16 : index
            %swap3A_147 = tpu.vector_load %arg16[%swap3A_145, %swap3A_146] {strides = array<i32>} : memref<320x64xf32, #tpu.memory_space<vmem>>, vector<1x16xf32>,
            %swap3A_148 = vector.shape_cast %swap3A_147 : vector<1x16xf32> to vector<16xf32>
            %swap3A_149 = vector.shape_cast %max3A_144 : vector<16xf32> to vector<1x16xf32>
            tpu.vector_store %arg16[%swap3A_145, %swap3A_146], %swap3A_149 {strides = array<i32>} : memref<320x64xf32, #tpu.memory_space<vmem>>, vector<1x16xf32>,
            %get3A_150 = arith.index_cast %squeeze3A : i32 to index
            %get3A_151 = arith.constant 32 : index
            %get3A_152 = tpu.vector_load %arg16[%get3A_150, %get3A_151] {strides = array<i32>} : memref<320x64xf32, #tpu.memory_space<vmem>>, vector<1x16xf32>,
            %get3A_153 = vector.shape_cast %get3A_152 : vector<1x16xf32> to vector<16xf32>
            %get3A_154 = arith.index_cast %while3A_117 : i32 to index
            %get3A_155 = arith.constant 32 : index
            %get3A_156 = tpu.vector_load %arg14[%get3A_154, %get3A_155] {strides = array<i32>} : memref<16x128xf32, #tpu.memory_space<vmem>>, vector<1x16xf32>,
            %get3A_157 = vector.shape_cast %get3A_156 : vector<1x16xf32> to vector<16xf32>
            %max3A_158 = arith.maximumf %get3A_153, %get3A_157 : vector<16xf32>
            %swap3A_159 = arith.index_cast %squeeze3A : i32 to index
            %swap3A_160 = arith.constant 32 : index
            %swap3A_161 = tpu.vector_load %arg16[%swap3A_159, %swap3A_160] {strides = array<i32>} : memref<320x64xf32, #tpu.memory_space<vmem>>, vector<1x16xf32>,
            %swap3A_162 = vector.shape_cast %swap3A_161 : vector<1x16xf32> to vector<16xf32>
            %swap3A_163 = vector.shape_cast %max3A_158 : vector<16xf32> to vector<1x16xf32>
            tpu.vector_store %arg16[%swap3A_159, %swap3A_160], %swap3A_163 {strides = array<i32>} : memref<320x64xf32, #tpu.memory_space<vmem>>, vector<1x16xf32>,
            %get3A_164 = arith.index_cast %squeeze3A : i32 to index
            %get3A_165 = arith.constant 48 : index
            %get3A_166 = tpu.vector_load %arg16[%get3A_164, %get3A_165] {strides = array<i32>} : memref<320x64xf32, #tpu.memory_space<vmem>>, vector<1x16xf32>,
            %get3A_167 = vector.shape_cast %get3A_166 : vector<1x16xf32> to vector<16xf32>
            %get3A_168 = arith.index_cast %while3A_117 : i32 to index
            %get3A_169 = arith.constant 48 : index
            %get3A_170 = tpu.vector_load %arg14[%get3A_168, %get3A_169] {strides = array<i32>} : memref<16x128xf32, #tpu.memory_space<vmem>>, vector<1x16xf32>,
            %get3A_171 = vector.shape_cast %get3A_170 : vector<1x16xf32> to vector<16xf32>
            %max3A_172 = arith.maximumf %get3A_167, %get3A_171 : vector<16xf32>
            %swap3A_173 = arith.index_cast %squeeze3A : i32 to index
            %swap3A_174 = arith.constant 48 : index
            %swap3A_175 = tpu.vector_load %arg16[%swap3A_173, %swap3A_174] {strides = array<i32>} : memref<320x64xf32, #tpu.memory_space<vmem>>, vector<1x16xf32>,
            %swap3A_176 = vector.shape_cast %swap3A_175 : vector<1x16xf32> to vector<16xf32>
            %swap3A_177 = vector.shape_cast %max3A_172 : vector<16xf32> to vector<1x16xf32>
            tpu.vector_store %arg16[%swap3A_173, %swap3A_174], %swap3A_177 {strides = array<i32>} : memref<320x64xf32, #tpu.memory_space<vmem>>, vector<1x16xf32>,
            %while3A_178 = arith.constant 0 : i32
            scf.yield %while3A_178 : i32
          }
        } else {
        }
        %and3A_87 = arith.constant 1 : i32
        %and3A_88 = arith.andi %while3A_77, %and3A_87 : i32
        %eq3A_89 = arith.constant 1 : i32
        %eq3A_90 = arith.cmpi eq, %and3A_88, %eq3A_89 : i32
        %convert_element_type3A_91 = arith.extui %eq3A_90 : i1 to i32
        %cond3A_92 = arith.constant 0 : i32
        %cond3A_93 = arith.cmpi ne, %convert_element_type3A_91, %cond3A_92 : i32
        scf.if %cond3A_93 {
          %add3A_95 = arith.constant 1 : i32
          %add3A_96 = arith.addi %while3A_77, %add3A_95 : i32
          %lt3A = arith.cmpi slt, %add3A_96, %shift_right_arithmetic3A_63 : i32
          %convert_element_type3A_97 = arith.extui %lt3A : i1 to i32
          %cond3A_98 = arith.constant 0 : i32
          %cond3A_99 = arith.cmpi ne, %convert_element_type3A_97, %cond3A_98 : i32
          scf.if %cond3A_99 {
            %add3A_117 = arith.constant 1 : i32
            %add3A_118 = arith.addi %while3A_77, %add3A_117 : i32
            %dma_start3A = arith.constant 0 : i32
            %dma_start3A_119 = tpu.memref_slice %arg10[%add3A_118, %dma_start3A] : memref<127x16xi32, #tpu.memory_space<vmem>> -> memref<1x16xi32, #tpu.memory_space<vmem>>
            %dma_start3A_120 = tpu.memref_squeeze %dma_start3A_119 : memref<1x16xi32, #tpu.memory_space<vmem>> -> memref<16xi32, #tpu.memory_space<vmem>>
            %dma_start3A_121 = arith.constant 0 : i32
            %dma_start3A_122 = arith.constant 0 : i32
            %dma_start3A_123 = tpu.memref_slice %arg2[%dma_start3A_121, %dma_start3A_122] : memref<320000x128xf32, #tpu.memory_space<hbm>> -> memref<320000x128xf32, #tpu.memory_space<hbm>>
            tpu.enqueue_indirect_dma source(%dma_start3A_123 : memref<320000x128xf32, #tpu.memory_space<hbm>>) target(%arg14 : memref<16x128xf32, #tpu.memory_space<vmem>>) offsets(%dma_start3A_120 : memref<16xi32, #tpu.memory_space<vmem>>) semaphore(%arg17 : memref<!tpu.dma_semaphore, #tpu.memory_space<semaphore_mem>>)
          } else {
          }
          %dma_wait3A = arith.constant 0 : i32
          %dma_wait3A_100 = tpu.memref_slice %arg10[%while3A_77, %dma_wait3A] : memref<127x16xi32, #tpu.memory_space<vmem>> -> memref<1x16xi32, #tpu.memory_space<vmem>>
          %dma_wait3A_101 = tpu.memref_squeeze %dma_wait3A_100 : memref<1x16xi32, #tpu.memory_space<vmem>> -> memref<16xi32, #tpu.memory_space<vmem>>
          %dma_wait3A_102 = arith.constant 0 : i32
          %dma_wait3A_103 = arith.constant 0 : i32
          %dma_wait3A_104 = tpu.memref_slice %arg2[%dma_wait3A_102, %dma_wait3A_103] : memref<320000x128xf32, #tpu.memory_space<hbm>> -> memref<320000x128xf32, #tpu.memory_space<hbm>>
          tpu.wait_indirect_dma semaphore(%arg18 : memref<!tpu.dma_semaphore, #tpu.memory_space<semaphore_mem>>) src(%dma_wait3A_104 : memref<320000x128xf32, #tpu.memory_space<hbm>>) dst(%arg15 : memref<16x128xf32, #tpu.memory_space<vmem>>)
          %while3A_105 = arith.constant 0 : i32
          %while3A_106 = arith.constant 0 : i32
          %while3A_107 = arith.subi %min3A_81, %while3A_105 : i32
          %while3A_108 = arith.addi %while3A_105, %while3A_107 : i32
          %while3A_109 = arith.constant 1 : i32
          %while3A_110 = arith.divsi %while3A_107, %while3A_109 : i32
          %while3A_111 = arith.muli %while3A_110, %while3A_109 : i32
          %while3A_112 = arith.addi %while3A_105, %while3A_111 : i32
          %while3A_113 = arith.constant 1 : i32
          %while3A_114 = scf.for %while3A_117 = %while3A_105 to %while3A_112 step %while3A_113 iter_args(%while3A_118 = %while3A_106) -> (i32)  : i32 {
            %add3A_119 = arith.addi %mul3A_80, %while3A_117 : i32
            %get3A_120 = arith.index_cast %add3A_119 : i32 to index
            %get3A_121 = tpu.vector_load %arg11[%get3A_120] {strides = array<i32>} : memref<2032xi32, #tpu.memory_space<vmem>>, vector<16xi32>,
            %get3A_122 = vector.shape_cast %get3A_121 : vector<16xi32> to vector<16xi32>
            %slice3A = vector.extract_strided_slice %get3A_122 {offsets = [0], sizes = [1], strides = [1]} : vector<16xi32> to vector<1xi32>
            %squeeze3A = vector.extract %slice3A[0] : i32 from vector<1xi32>
            %get3A_123 = arith.index_cast %squeeze3A : i32 to index
            %get3A_124 = arith.constant 0 : index
            %get3A_125 = tpu.vector_load %arg16[%get3A_123, %get3A_124] {strides = array<i32>} : memref<320x64xf32, #tpu.memory_space<vmem>>, vector<1x16xf32>,
            %get3A_126 = vector.shape_cast %get3A_125 : vector<1x16xf32> to vector<16xf32>
            %get3A_127 = arith.index_cast %while3A_117 : i32 to index
            %get3A_128 = arith.constant 0 : index
            %get3A_129 = tpu.vector_load %arg15[%get3A_127, %get3A_128] {strides = array<i32>} : memref<16x128xf32, #tpu.memory_space<vmem>>, vector<1x16xf32>,
            %get3A_130 = vector.shape_cast %get3A_129 : vector<1x16xf32> to vector<16xf32>
            %max3A = arith.maximumf %get3A_126, %get3A_130 : vector<16xf32>
            %swap3A_131 = arith.index_cast %squeeze3A : i32 to index
            %swap3A_132 = arith.constant 0 : index
            %swap3A_133 = tpu.vector_load %arg16[%swap3A_131, %swap3A_132] {strides = array<i32>} : memref<320x64xf32, #tpu.memory_space<vmem>>, vector<1x16xf32>,
            %swap3A_134 = vector.shape_cast %swap3A_133 : vector<1x16xf32> to vector<16xf32>
            %swap3A_135 = vector.shape_cast %max3A : vector<16xf32> to vector<1x16xf32>
            tpu.vector_store %arg16[%swap3A_131, %swap3A_132], %swap3A_135 {strides = array<i32>} : memref<320x64xf32, #tpu.memory_space<vmem>>, vector<1x16xf32>,
            %get3A_136 = arith.index_cast %squeeze3A : i32 to index
            %get3A_137 = arith.constant 16 : index
            %get3A_138 = tpu.vector_load %arg16[%get3A_136, %get3A_137] {strides = array<i32>} : memref<320x64xf32, #tpu.memory_space<vmem>>, vector<1x16xf32>,
            %get3A_139 = vector.shape_cast %get3A_138 : vector<1x16xf32> to vector<16xf32>
            %get3A_140 = arith.index_cast %while3A_117 : i32 to index
            %get3A_141 = arith.constant 16 : index
            %get3A_142 = tpu.vector_load %arg15[%get3A_140, %get3A_141] {strides = array<i32>} : memref<16x128xf32, #tpu.memory_space<vmem>>, vector<1x16xf32>,
            %get3A_143 = vector.shape_cast %get3A_142 : vector<1x16xf32> to vector<16xf32>
            %max3A_144 = arith.maximumf %get3A_139, %get3A_143 : vector<16xf32>
            %swap3A_145 = arith.index_cast %squeeze3A : i32 to index
            %swap3A_146 = arith.constant 16 : index
            %swap3A_147 = tpu.vector_load %arg16[%swap3A_145, %swap3A_146] {strides = array<i32>} : memref<320x64xf32, #tpu.memory_space<vmem>>, vector<1x16xf32>,
            %swap3A_148 = vector.shape_cast %swap3A_147 : vector<1x16xf32> to vector<16xf32>
            %swap3A_149 = vector.shape_cast %max3A_144 : vector<16xf32> to vector<1x16xf32>
            tpu.vector_store %arg16[%swap3A_145, %swap3A_146], %swap3A_149 {strides = array<i32>} : memref<320x64xf32, #tpu.memory_space<vmem>>, vector<1x16xf32>,
            %get3A_150 = arith.index_cast %squeeze3A : i32 to index
            %get3A_151 = arith.constant 32 : index
            %get3A_152 = tpu.vector_load %arg16[%get3A_150, %get3A_151] {strides = array<i32>} : memref<320x64xf32, #tpu.memory_space<vmem>>, vector<1x16xf32>,
            %get3A_153 = vector.shape_cast %get3A_152 : vector<1x16xf32> to vector<16xf32>
            %get3A_154 = arith.index_cast %while3A_117 : i32 to index
            %get3A_155 = arith.constant 32 : index
            %get3A_156 = tpu.vector_load %arg15[%get3A_154, %get3A_155] {strides = array<i32>} : memref<16x128xf32, #tpu.memory_space<vmem>>, vector<1x16xf32>,
            %get3A_157 = vector.shape_cast %get3A_156 : vector<1x16xf32> to vector<16xf32>
            %max3A_158 = arith.maximumf %get3A_153, %get3A_157 : vector<16xf32>
            %swap3A_159 = arith.index_cast %squeeze3A : i32 to index
            %swap3A_160 = arith.constant 32 : index
            %swap3A_161 = tpu.vector_load %arg16[%swap3A_159, %swap3A_160] {strides = array<i32>} : memref<320x64xf32, #tpu.memory_space<vmem>>, vector<1x16xf32>,
            %swap3A_162 = vector.shape_cast %swap3A_161 : vector<1x16xf32> to vector<16xf32>
            %swap3A_163 = vector.shape_cast %max3A_158 : vector<16xf32> to vector<1x16xf32>
            tpu.vector_store %arg16[%swap3A_159, %swap3A_160], %swap3A_163 {strides = array<i32>} : memref<320x64xf32, #tpu.memory_space<vmem>>, vector<1x16xf32>,
            %get3A_164 = arith.index_cast %squeeze3A : i32 to index
            %get3A_165 = arith.constant 48 : index
            %get3A_166 = tpu.vector_load %arg16[%get3A_164, %get3A_165] {strides = array<i32>} : memref<320x64xf32, #tpu.memory_space<vmem>>, vector<1x16xf32>,
            %get3A_167 = vector.shape_cast %get3A_166 : vector<1x16xf32> to vector<16xf32>
            %get3A_168 = arith.index_cast %while3A_117 : i32 to index
            %get3A_169 = arith.constant 48 : index
            %get3A_170 = tpu.vector_load %arg15[%get3A_168, %get3A_169] {strides = array<i32>} : memref<16x128xf32, #tpu.memory_space<vmem>>, vector<1x16xf32>,
            %get3A_171 = vector.shape_cast %get3A_170 : vector<1x16xf32> to vector<16xf32>
            %max3A_172 = arith.maximumf %get3A_167, %get3A_171 : vector<16xf32>
            %swap3A_173 = arith.index_cast %squeeze3A : i32 to index
            %swap3A_174 = arith.constant 48 : index
            %swap3A_175 = tpu.vector_load %arg16[%swap3A_173, %swap3A_174] {strides = array<i32>} : memref<320x64xf32, #tpu.memory_space<vmem>>, vector<1x16xf32>,
            %swap3A_176 = vector.shape_cast %swap3A_175 : vector<1x16xf32> to vector<16xf32>
            %swap3A_177 = vector.shape_cast %max3A_172 : vector<16xf32> to vector<1x16xf32>
            tpu.vector_store %arg16[%swap3A_173, %swap3A_174], %swap3A_177 {strides = array<i32>} : memref<320x64xf32, #tpu.memory_space<vmem>>, vector<1x16xf32>,
            %while3A_178 = arith.constant 0 : i32
            scf.yield %while3A_178 : i32
          }
          %while3A_115 = arith.constant 1 : i32
          %while3A_116 = scf.for %while3A_117 = %while3A_112 to %while3A_108 step %while3A_115 iter_args(%while3A_118 = %while3A_114) -> (i32)  : i32 {
            %add3A_119 = arith.addi %mul3A_80, %while3A_117 : i32
            %get3A_120 = arith.index_cast %add3A_119 : i32 to index
            %get3A_121 = tpu.vector_load %arg11[%get3A_120] {strides = array<i32>} : memref<2032xi32, #tpu.memory_space<vmem>>, vector<16xi32>,
            %get3A_122 = vector.shape_cast %get3A_121 : vector<16xi32> to vector<16xi32>
            %slice3A = vector.extract_strided_slice %get3A_122 {offsets = [0], sizes = [1], strides = [1]} : vector<16xi32> to vector<1xi32>
            %squeeze3A = vector.extract %slice3A[0] : i32 from vector<1xi32>
            %get3A_123 = arith.index_cast %squeeze3A : i32 to index
            %get3A_124 = arith.constant 0 : index
            %get3A_125 = tpu.vector_load %arg16[%get3A_123, %get3A_124] {strides = array<i32>} : memref<320x64xf32, #tpu.memory_space<vmem>>, vector<1x16xf32>,
            %get3A_126 = vector.shape_cast %get3A_125 : vector<1x16xf32> to vector<16xf32>
            %get3A_127 = arith.index_cast %while3A_117 : i32 to index
            %get3A_128 = arith.constant 0 : index
            %get3A_129 = tpu.vector_load %arg15[%get3A_127, %get3A_128] {strides = array<i32>} : memref<16x128xf32, #tpu.memory_space<vmem>>, vector<1x16xf32>,
            %get3A_130 = vector.shape_cast %get3A_129 : vector<1x16xf32> to vector<16xf32>
            %max3A = arith.maximumf %get3A_126, %get3A_130 : vector<16xf32>
            %swap3A_131 = arith.index_cast %squeeze3A : i32 to index
            %swap3A_132 = arith.constant 0 : index
            %swap3A_133 = tpu.vector_load %arg16[%swap3A_131, %swap3A_132] {strides = array<i32>} : memref<320x64xf32, #tpu.memory_space<vmem>>, vector<1x16xf32>,
            %swap3A_134 = vector.shape_cast %swap3A_133 : vector<1x16xf32> to vector<16xf32>
            %swap3A_135 = vector.shape_cast %max3A : vector<16xf32> to vector<1x16xf32>
            tpu.vector_store %arg16[%swap3A_131, %swap3A_132], %swap3A_135 {strides = array<i32>} : memref<320x64xf32, #tpu.memory_space<vmem>>, vector<1x16xf32>,
            %get3A_136 = arith.index_cast %squeeze3A : i32 to index
            %get3A_137 = arith.constant 16 : index
            %get3A_138 = tpu.vector_load %arg16[%get3A_136, %get3A_137] {strides = array<i32>} : memref<320x64xf32, #tpu.memory_space<vmem>>, vector<1x16xf32>,
            %get3A_139 = vector.shape_cast %get3A_138 : vector<1x16xf32> to vector<16xf32>
            %get3A_140 = arith.index_cast %while3A_117 : i32 to index
            %get3A_141 = arith.constant 16 : index
            %get3A_142 = tpu.vector_load %arg15[%get3A_140, %get3A_141] {strides = array<i32>} : memref<16x128xf32, #tpu.memory_space<vmem>>, vector<1x16xf32>,
            %get3A_143 = vector.shape_cast %get3A_142 : vector<1x16xf32> to vector<16xf32>
            %max3A_144 = arith.maximumf %get3A_139, %get3A_143 : vector<16xf32>
            %swap3A_145 = arith.index_cast %squeeze3A : i32 to index
            %swap3A_146 = arith.constant 16 : index
            %swap3A_147 = tpu.vector_load %arg16[%swap3A_145, %swap3A_146] {strides = array<i32>} : memref<320x64xf32, #tpu.memory_space<vmem>>, vector<1x16xf32>,
            %swap3A_148 = vector.shape_cast %swap3A_147 : vector<1x16xf32> to vector<16xf32>
            %swap3A_149 = vector.shape_cast %max3A_144 : vector<16xf32> to vector<1x16xf32>
            tpu.vector_store %arg16[%swap3A_145, %swap3A_146], %swap3A_149 {strides = array<i32>} : memref<320x64xf32, #tpu.memory_space<vmem>>, vector<1x16xf32>,
            %get3A_150 = arith.index_cast %squeeze3A : i32 to index
            %get3A_151 = arith.constant 32 : index
            %get3A_152 = tpu.vector_load %arg16[%get3A_150, %get3A_151] {strides = array<i32>} : memref<320x64xf32, #tpu.memory_space<vmem>>, vector<1x16xf32>,
            %get3A_153 = vector.shape_cast %get3A_152 : vector<1x16xf32> to vector<16xf32>
            %get3A_154 = arith.index_cast %while3A_117 : i32 to index
            %get3A_155 = arith.constant 32 : index
            %get3A_156 = tpu.vector_load %arg15[%get3A_154, %get3A_155] {strides = array<i32>} : memref<16x128xf32, #tpu.memory_space<vmem>>, vector<1x16xf32>,
            %get3A_157 = vector.shape_cast %get3A_156 : vector<1x16xf32> to vector<16xf32>
            %max3A_158 = arith.maximumf %get3A_153, %get3A_157 : vector<16xf32>
            %swap3A_159 = arith.index_cast %squeeze3A : i32 to index
            %swap3A_160 = arith.constant 32 : index
            %swap3A_161 = tpu.vector_load %arg16[%swap3A_159, %swap3A_160] {strides = array<i32>} : memref<320x64xf32, #tpu.memory_space<vmem>>, vector<1x16xf32>,
            %swap3A_162 = vector.shape_cast %swap3A_161 : vector<1x16xf32> to vector<16xf32>
            %swap3A_163 = vector.shape_cast %max3A_158 : vector<16xf32> to vector<1x16xf32>
            tpu.vector_store %arg16[%swap3A_159, %swap3A_160], %swap3A_163 {strides = array<i32>} : memref<320x64xf32, #tpu.memory_space<vmem>>, vector<1x16xf32>,
            %get3A_164 = arith.index_cast %squeeze3A : i32 to index
            %get3A_165 = arith.constant 48 : index
            %get3A_166 = tpu.vector_load %arg16[%get3A_164, %get3A_165] {strides = array<i32>} : memref<320x64xf32, #tpu.memory_space<vmem>>, vector<1x16xf32>,
            %get3A_167 = vector.shape_cast %get3A_166 : vector<1x16xf32> to vector<16xf32>
            %get3A_168 = arith.index_cast %while3A_117 : i32 to index
            %get3A_169 = arith.constant 48 : index
            %get3A_170 = tpu.vector_load %arg15[%get3A_168, %get3A_169] {strides = array<i32>} : memref<16x128xf32, #tpu.memory_space<vmem>>, vector<1x16xf32>,
            %get3A_171 = vector.shape_cast %get3A_170 : vector<1x16xf32> to vector<16xf32>
            %max3A_172 = arith.maximumf %get3A_167, %get3A_171 : vector<16xf32>
            %swap3A_173 = arith.index_cast %squeeze3A : i32 to index
            %swap3A_174 = arith.constant 48 : index
            %swap3A_175 = tpu.vector_load %arg16[%swap3A_173, %swap3A_174] {strides = array<i32>} : memref<320x64xf32, #tpu.memory_space<vmem>>, vector<1x16xf32>,
            %swap3A_176 = vector.shape_cast %swap3A_175 : vector<1x16xf32> to vector<16xf32>
            %swap3A_177 = vector.shape_cast %max3A_172 : vector<16xf32> to vector<1x16xf32>
            tpu.vector_store %arg16[%swap3A_173, %swap3A_174], %swap3A_177 {strides = array<i32>} : memref<320x64xf32, #tpu.memory_space<vmem>>, vector<1x16xf32>,
            %while3A_178 = arith.constant 0 : i32
            scf.yield %while3A_178 : i32
          }
        } else {
        }
        %while3A_94 = arith.constant 0 : i32
        scf.yield %while3A_94 : i32
      }
      %while3A_75 = arith.constant 1 : i32
      %while3A_76 = scf.for %while3A_77 = %while3A_72 to %while3A_68 step %while3A_75 iter_args(%while3A_78 = %while3A_74) -> (i32)  : i32 {
        %mul3A_79 = arith.constant 16 : i32
        %mul3A_80 = arith.muli %while3A_77, %mul3A_79 : i32
        %sub3A = arith.subi %scan3A_44#0, %mul3A_80 : i32
        %min3A = arith.constant 16 : i32
        %min3A_81 = arith.minsi %sub3A, %min3A : i32
        %and3A = arith.constant 1 : i32
        %and3A_82 = arith.andi %while3A_77, %and3A : i32
        %eq3A = arith.constant 0 : i32
        %eq3A_83 = arith.cmpi eq, %and3A_82, %eq3A : i32
        %convert_element_type3A_84 = arith.extui %eq3A_83 : i1 to i32
        %cond3A_85 = arith.constant 0 : i32
        %cond3A_86 = arith.cmpi ne, %convert_element_type3A_84, %cond3A_85 : i32
        scf.if %cond3A_86 {
          %add3A_95 = arith.constant 1 : i32
          %add3A_96 = arith.addi %while3A_77, %add3A_95 : i32
          %lt3A = arith.cmpi slt, %add3A_96, %shift_right_arithmetic3A_63 : i32
          %convert_element_type3A_97 = arith.extui %lt3A : i1 to i32
          %cond3A_98 = arith.constant 0 : i32
          %cond3A_99 = arith.cmpi ne, %convert_element_type3A_97, %cond3A_98 : i32
          scf.if %cond3A_99 {
            %add3A_117 = arith.constant 1 : i32
            %add3A_118 = arith.addi %while3A_77, %add3A_117 : i32
            %dma_start3A = arith.constant 0 : i32
            %dma_start3A_119 = tpu.memref_slice %arg10[%add3A_118, %dma_start3A] : memref<127x16xi32, #tpu.memory_space<vmem>> -> memref<1x16xi32, #tpu.memory_space<vmem>>
            %dma_start3A_120 = tpu.memref_squeeze %dma_start3A_119 : memref<1x16xi32, #tpu.memory_space<vmem>> -> memref<16xi32, #tpu.memory_space<vmem>>
            %dma_start3A_121 = arith.constant 0 : i32
            %dma_start3A_122 = arith.constant 0 : i32
            %dma_start3A_123 = tpu.memref_slice %arg2[%dma_start3A_121, %dma_start3A_122] : memref<320000x128xf32, #tpu.memory_space<hbm>> -> memref<320000x128xf32, #tpu.memory_space<hbm>>
            tpu.enqueue_indirect_dma source(%dma_start3A_123 : memref<320000x128xf32, #tpu.memory_space<hbm>>) target(%arg15 : memref<16x128xf32, #tpu.memory_space<vmem>>) offsets(%dma_start3A_120 : memref<16xi32, #tpu.memory_space<vmem>>) semaphore(%arg18 : memref<!tpu.dma_semaphore, #tpu.memory_space<semaphore_mem>>)
          } else {
          }
          %dma_wait3A = arith.constant 0 : i32
          %dma_wait3A_100 = tpu.memref_slice %arg10[%while3A_77, %dma_wait3A] : memref<127x16xi32, #tpu.memory_space<vmem>> -> memref<1x16xi32, #tpu.memory_space<vmem>>
          %dma_wait3A_101 = tpu.memref_squeeze %dma_wait3A_100 : memref<1x16xi32, #tpu.memory_space<vmem>> -> memref<16xi32, #tpu.memory_space<vmem>>
          %dma_wait3A_102 = arith.constant 0 : i32
          %dma_wait3A_103 = arith.constant 0 : i32
          %dma_wait3A_104 = tpu.memref_slice %arg2[%dma_wait3A_102, %dma_wait3A_103] : memref<320000x128xf32, #tpu.memory_space<hbm>> -> memref<320000x128xf32, #tpu.memory_space<hbm>>
          tpu.wait_indirect_dma semaphore(%arg17 : memref<!tpu.dma_semaphore, #tpu.memory_space<semaphore_mem>>) src(%dma_wait3A_104 : memref<320000x128xf32, #tpu.memory_space<hbm>>) dst(%arg14 : memref<16x128xf32, #tpu.memory_space<vmem>>)
          %while3A_105 = arith.constant 0 : i32
          %while3A_106 = arith.constant 0 : i32
          %while3A_107 = arith.subi %min3A_81, %while3A_105 : i32
          %while3A_108 = arith.addi %while3A_105, %while3A_107 : i32
          %while3A_109 = arith.constant 1 : i32
          %while3A_110 = arith.divsi %while3A_107, %while3A_109 : i32
          %while3A_111 = arith.muli %while3A_110, %while3A_109 : i32
          %while3A_112 = arith.addi %while3A_105, %while3A_111 : i32
          %while3A_113 = arith.constant 1 : i32
          %while3A_114 = scf.for %while3A_117 = %while3A_105 to %while3A_112 step %while3A_113 iter_args(%while3A_118 = %while3A_106) -> (i32)  : i32 {
            %add3A_119 = arith.addi %mul3A_80, %while3A_117 : i32
            %get3A_120 = arith.index_cast %add3A_119 : i32 to index
            %get3A_121 = tpu.vector_load %arg11[%get3A_120] {strides = array<i32>} : memref<2032xi32, #tpu.memory_space<vmem>>, vector<16xi32>,
            %get3A_122 = vector.shape_cast %get3A_121 : vector<16xi32> to vector<16xi32>
            %slice3A = vector.extract_strided_slice %get3A_122 {offsets = [0], sizes = [1], strides = [1]} : vector<16xi32> to vector<1xi32>
            %squeeze3A = vector.extract %slice3A[0] : i32 from vector<1xi32>
            %get3A_123 = arith.index_cast %squeeze3A : i32 to index
            %get3A_124 = arith.constant 0 : index
            %get3A_125 = tpu.vector_load %arg16[%get3A_123, %get3A_124] {strides = array<i32>} : memref<320x64xf32, #tpu.memory_space<vmem>>, vector<1x16xf32>,
            %get3A_126 = vector.shape_cast %get3A_125 : vector<1x16xf32> to vector<16xf32>
            %get3A_127 = arith.index_cast %while3A_117 : i32 to index
            %get3A_128 = arith.constant 0 : index
            %get3A_129 = tpu.vector_load %arg14[%get3A_127, %get3A_128] {strides = array<i32>} : memref<16x128xf32, #tpu.memory_space<vmem>>, vector<1x16xf32>,
            %get3A_130 = vector.shape_cast %get3A_129 : vector<1x16xf32> to vector<16xf32>
            %max3A = arith.maximumf %get3A_126, %get3A_130 : vector<16xf32>
            %swap3A_131 = arith.index_cast %squeeze3A : i32 to index
            %swap3A_132 = arith.constant 0 : index
            %swap3A_133 = tpu.vector_load %arg16[%swap3A_131, %swap3A_132] {strides = array<i32>} : memref<320x64xf32, #tpu.memory_space<vmem>>, vector<1x16xf32>,
            %swap3A_134 = vector.shape_cast %swap3A_133 : vector<1x16xf32> to vector<16xf32>
            %swap3A_135 = vector.shape_cast %max3A : vector<16xf32> to vector<1x16xf32>
            tpu.vector_store %arg16[%swap3A_131, %swap3A_132], %swap3A_135 {strides = array<i32>} : memref<320x64xf32, #tpu.memory_space<vmem>>, vector<1x16xf32>,
            %get3A_136 = arith.index_cast %squeeze3A : i32 to index
            %get3A_137 = arith.constant 16 : index
            %get3A_138 = tpu.vector_load %arg16[%get3A_136, %get3A_137] {strides = array<i32>} : memref<320x64xf32, #tpu.memory_space<vmem>>, vector<1x16xf32>,
            %get3A_139 = vector.shape_cast %get3A_138 : vector<1x16xf32> to vector<16xf32>
            %get3A_140 = arith.index_cast %while3A_117 : i32 to index
            %get3A_141 = arith.constant 16 : index
            %get3A_142 = tpu.vector_load %arg14[%get3A_140, %get3A_141] {strides = array<i32>} : memref<16x128xf32, #tpu.memory_space<vmem>>, vector<1x16xf32>,
            %get3A_143 = vector.shape_cast %get3A_142 : vector<1x16xf32> to vector<16xf32>
            %max3A_144 = arith.maximumf %get3A_139, %get3A_143 : vector<16xf32>
            %swap3A_145 = arith.index_cast %squeeze3A : i32 to index
            %swap3A_146 = arith.constant 16 : index
            %swap3A_147 = tpu.vector_load %arg16[%swap3A_145, %swap3A_146] {strides = array<i32>} : memref<320x64xf32, #tpu.memory_space<vmem>>, vector<1x16xf32>,
            %swap3A_148 = vector.shape_cast %swap3A_147 : vector<1x16xf32> to vector<16xf32>
            %swap3A_149 = vector.shape_cast %max3A_144 : vector<16xf32> to vector<1x16xf32>
            tpu.vector_store %arg16[%swap3A_145, %swap3A_146], %swap3A_149 {strides = array<i32>} : memref<320x64xf32, #tpu.memory_space<vmem>>, vector<1x16xf32>,
            %get3A_150 = arith.index_cast %squeeze3A : i32 to index
            %get3A_151 = arith.constant 32 : index
            %get3A_152 = tpu.vector_load %arg16[%get3A_150, %get3A_151] {strides = array<i32>} : memref<320x64xf32, #tpu.memory_space<vmem>>, vector<1x16xf32>,
            %get3A_153 = vector.shape_cast %get3A_152 : vector<1x16xf32> to vector<16xf32>
            %get3A_154 = arith.index_cast %while3A_117 : i32 to index
            %get3A_155 = arith.constant 32 : index
            %get3A_156 = tpu.vector_load %arg14[%get3A_154, %get3A_155] {strides = array<i32>} : memref<16x128xf32, #tpu.memory_space<vmem>>, vector<1x16xf32>,
            %get3A_157 = vector.shape_cast %get3A_156 : vector<1x16xf32> to vector<16xf32>
            %max3A_158 = arith.maximumf %get3A_153, %get3A_157 : vector<16xf32>
            %swap3A_159 = arith.index_cast %squeeze3A : i32 to index
            %swap3A_160 = arith.constant 32 : index
            %swap3A_161 = tpu.vector_load %arg16[%swap3A_159, %swap3A_160] {strides = array<i32>} : memref<320x64xf32, #tpu.memory_space<vmem>>, vector<1x16xf32>,
            %swap3A_162 = vector.shape_cast %swap3A_161 : vector<1x16xf32> to vector<16xf32>
            %swap3A_163 = vector.shape_cast %max3A_158 : vector<16xf32> to vector<1x16xf32>
            tpu.vector_store %arg16[%swap3A_159, %swap3A_160], %swap3A_163 {strides = array<i32>} : memref<320x64xf32, #tpu.memory_space<vmem>>, vector<1x16xf32>,
            %get3A_164 = arith.index_cast %squeeze3A : i32 to index
            %get3A_165 = arith.constant 48 : index
            %get3A_166 = tpu.vector_load %arg16[%get3A_164, %get3A_165] {strides = array<i32>} : memref<320x64xf32, #tpu.memory_space<vmem>>, vector<1x16xf32>,
            %get3A_167 = vector.shape_cast %get3A_166 : vector<1x16xf32> to vector<16xf32>
            %get3A_168 = arith.index_cast %while3A_117 : i32 to index
            %get3A_169 = arith.constant 48 : index
            %get3A_170 = tpu.vector_load %arg14[%get3A_168, %get3A_169] {strides = array<i32>} : memref<16x128xf32, #tpu.memory_space<vmem>>, vector<1x16xf32>,
            %get3A_171 = vector.shape_cast %get3A_170 : vector<1x16xf32> to vector<16xf32>
            %max3A_172 = arith.maximumf %get3A_167, %get3A_171 : vector<16xf32>
            %swap3A_173 = arith.index_cast %squeeze3A : i32 to index
            %swap3A_174 = arith.constant 48 : index
            %swap3A_175 = tpu.vector_load %arg16[%swap3A_173, %swap3A_174] {strides = array<i32>} : memref<320x64xf32, #tpu.memory_space<vmem>>, vector<1x16xf32>,
            %swap3A_176 = vector.shape_cast %swap3A_175 : vector<1x16xf32> to vector<16xf32>
            %swap3A_177 = vector.shape_cast %max3A_172 : vector<16xf32> to vector<1x16xf32>
            tpu.vector_store %arg16[%swap3A_173, %swap3A_174], %swap3A_177 {strides = array<i32>} : memref<320x64xf32, #tpu.memory_space<vmem>>, vector<1x16xf32>,
            %while3A_178 = arith.constant 0 : i32
            scf.yield %while3A_178 : i32
          }
          %while3A_115 = arith.constant 1 : i32
          %while3A_116 = scf.for %while3A_117 = %while3A_112 to %while3A_108 step %while3A_115 iter_args(%while3A_118 = %while3A_114) -> (i32)  : i32 {
            %add3A_119 = arith.addi %mul3A_80, %while3A_117 : i32
            %get3A_120 = arith.index_cast %add3A_119 : i32 to index
            %get3A_121 = tpu.vector_load %arg11[%get3A_120] {strides = array<i32>} : memref<2032xi32, #tpu.memory_space<vmem>>, vector<16xi32>,
            %get3A_122 = vector.shape_cast %get3A_121 : vector<16xi32> to vector<16xi32>
            %slice3A = vector.extract_strided_slice %get3A_122 {offsets = [0], sizes = [1], strides = [1]} : vector<16xi32> to vector<1xi32>
            %squeeze3A = vector.extract %slice3A[0] : i32 from vector<1xi32>
            %get3A_123 = arith.index_cast %squeeze3A : i32 to index
            %get3A_124 = arith.constant 0 : index
            %get3A_125 = tpu.vector_load %arg16[%get3A_123, %get3A_124] {strides = array<i32>} : memref<320x64xf32, #tpu.memory_space<vmem>>, vector<1x16xf32>,
            %get3A_126 = vector.shape_cast %get3A_125 : vector<1x16xf32> to vector<16xf32>
            %get3A_127 = arith.index_cast %while3A_117 : i32 to index
            %get3A_128 = arith.constant 0 : index
            %get3A_129 = tpu.vector_load %arg14[%get3A_127, %get3A_128] {strides = array<i32>} : memref<16x128xf32, #tpu.memory_space<vmem>>, vector<1x16xf32>,
            %get3A_130 = vector.shape_cast %get3A_129 : vector<1x16xf32> to vector<16xf32>
            %max3A = arith.maximumf %get3A_126, %get3A_130 : vector<16xf32>
            %swap3A_131 = arith.index_cast %squeeze3A : i32 to index
            %swap3A_132 = arith.constant 0 : index
            %swap3A_133 = tpu.vector_load %arg16[%swap3A_131, %swap3A_132] {strides = array<i32>} : memref<320x64xf32, #tpu.memory_space<vmem>>, vector<1x16xf32>,
            %swap3A_134 = vector.shape_cast %swap3A_133 : vector<1x16xf32> to vector<16xf32>
            %swap3A_135 = vector.shape_cast %max3A : vector<16xf32> to vector<1x16xf32>
            tpu.vector_store %arg16[%swap3A_131, %swap3A_132], %swap3A_135 {strides = array<i32>} : memref<320x64xf32, #tpu.memory_space<vmem>>, vector<1x16xf32>,
            %get3A_136 = arith.index_cast %squeeze3A : i32 to index
            %get3A_137 = arith.constant 16 : index
            %get3A_138 = tpu.vector_load %arg16[%get3A_136, %get3A_137] {strides = array<i32>} : memref<320x64xf32, #tpu.memory_space<vmem>>, vector<1x16xf32>,
            %get3A_139 = vector.shape_cast %get3A_138 : vector<1x16xf32> to vector<16xf32>
            %get3A_140 = arith.index_cast %while3A_117 : i32 to index
            %get3A_141 = arith.constant 16 : index
            %get3A_142 = tpu.vector_load %arg14[%get3A_140, %get3A_141] {strides = array<i32>} : memref<16x128xf32, #tpu.memory_space<vmem>>, vector<1x16xf32>,
            %get3A_143 = vector.shape_cast %get3A_142 : vector<1x16xf32> to vector<16xf32>
            %max3A_144 = arith.maximumf %get3A_139, %get3A_143 : vector<16xf32>
            %swap3A_145 = arith.index_cast %squeeze3A : i32 to index
            %swap3A_146 = arith.constant 16 : index
            %swap3A_147 = tpu.vector_load %arg16[%swap3A_145, %swap3A_146] {strides = array<i32>} : memref<320x64xf32, #tpu.memory_space<vmem>>, vector<1x16xf32>,
            %swap3A_148 = vector.shape_cast %swap3A_147 : vector<1x16xf32> to vector<16xf32>
            %swap3A_149 = vector.shape_cast %max3A_144 : vector<16xf32> to vector<1x16xf32>
            tpu.vector_store %arg16[%swap3A_145, %swap3A_146], %swap3A_149 {strides = array<i32>} : memref<320x64xf32, #tpu.memory_space<vmem>>, vector<1x16xf32>,
            %get3A_150 = arith.index_cast %squeeze3A : i32 to index
            %get3A_151 = arith.constant 32 : index
            %get3A_152 = tpu.vector_load %arg16[%get3A_150, %get3A_151] {strides = array<i32>} : memref<320x64xf32, #tpu.memory_space<vmem>>, vector<1x16xf32>,
            %get3A_153 = vector.shape_cast %get3A_152 : vector<1x16xf32> to vector<16xf32>
            %get3A_154 = arith.index_cast %while3A_117 : i32 to index
            %get3A_155 = arith.constant 32 : index
            %get3A_156 = tpu.vector_load %arg14[%get3A_154, %get3A_155] {strides = array<i32>} : memref<16x128xf32, #tpu.memory_space<vmem>>, vector<1x16xf32>,
            %get3A_157 = vector.shape_cast %get3A_156 : vector<1x16xf32> to vector<16xf32>
            %max3A_158 = arith.maximumf %get3A_153, %get3A_157 : vector<16xf32>
            %swap3A_159 = arith.index_cast %squeeze3A : i32 to index
            %swap3A_160 = arith.constant 32 : index
            %swap3A_161 = tpu.vector_load %arg16[%swap3A_159, %swap3A_160] {strides = array<i32>} : memref<320x64xf32, #tpu.memory_space<vmem>>, vector<1x16xf32>,
            %swap3A_162 = vector.shape_cast %swap3A_161 : vector<1x16xf32> to vector<16xf32>
            %swap3A_163 = vector.shape_cast %max3A_158 : vector<16xf32> to vector<1x16xf32>
            tpu.vector_store %arg16[%swap3A_159, %swap3A_160], %swap3A_163 {strides = array<i32>} : memref<320x64xf32, #tpu.memory_space<vmem>>, vector<1x16xf32>,
            %get3A_164 = arith.index_cast %squeeze3A : i32 to index
            %get3A_165 = arith.constant 48 : index
            %get3A_166 = tpu.vector_load %arg16[%get3A_164, %get3A_165] {strides = array<i32>} : memref<320x64xf32, #tpu.memory_space<vmem>>, vector<1x16xf32>,
            %get3A_167 = vector.shape_cast %get3A_166 : vector<1x16xf32> to vector<16xf32>
            %get3A_168 = arith.index_cast %while3A_117 : i32 to index
            %get3A_169 = arith.constant 48 : index
            %get3A_170 = tpu.vector_load %arg14[%get3A_168, %get3A_169] {strides = array<i32>} : memref<16x128xf32, #tpu.memory_space<vmem>>, vector<1x16xf32>,
            %get3A_171 = vector.shape_cast %get3A_170 : vector<1x16xf32> to vector<16xf32>
            %max3A_172 = arith.maximumf %get3A_167, %get3A_171 : vector<16xf32>
            %swap3A_173 = arith.index_cast %squeeze3A : i32 to index
            %swap3A_174 = arith.constant 48 : index
            %swap3A_175 = tpu.vector_load %arg16[%swap3A_173, %swap3A_174] {strides = array<i32>} : memref<320x64xf32, #tpu.memory_space<vmem>>, vector<1x16xf32>,
            %swap3A_176 = vector.shape_cast %swap3A_175 : vector<1x16xf32> to vector<16xf32>
            %swap3A_177 = vector.shape_cast %max3A_172 : vector<16xf32> to vector<1x16xf32>
            tpu.vector_store %arg16[%swap3A_173, %swap3A_174], %swap3A_177 {strides = array<i32>} : memref<320x64xf32, #tpu.memory_space<vmem>>, vector<1x16xf32>,
            %while3A_178 = arith.constant 0 : i32
            scf.yield %while3A_178 : i32
          }
        } else {
        }
        %and3A_87 = arith.constant 1 : i32
        %and3A_88 = arith.andi %while3A_77, %and3A_87 : i32
        %eq3A_89 = arith.constant 1 : i32
        %eq3A_90 = arith.cmpi eq, %and3A_88, %eq3A_89 : i32
        %convert_element_type3A_91 = arith.extui %eq3A_90 : i1 to i32
        %cond3A_92 = arith.constant 0 : i32
        %cond3A_93 = arith.cmpi ne, %convert_element_type3A_91, %cond3A_92 : i32
        scf.if %cond3A_93 {
          %add3A_95 = arith.constant 1 : i32
          %add3A_96 = arith.addi %while3A_77, %add3A_95 : i32
          %lt3A = arith.cmpi slt, %add3A_96, %shift_right_arithmetic3A_63 : i32
          %convert_element_type3A_97 = arith.extui %lt3A : i1 to i32
          %cond3A_98 = arith.constant 0 : i32
          %cond3A_99 = arith.cmpi ne, %convert_element_type3A_97, %cond3A_98 : i32
          scf.if %cond3A_99 {
            %add3A_117 = arith.constant 1 : i32
            %add3A_118 = arith.addi %while3A_77, %add3A_117 : i32
            %dma_start3A = arith.constant 0 : i32
            %dma_start3A_119 = tpu.memref_slice %arg10[%add3A_118, %dma_start3A] : memref<127x16xi32, #tpu.memory_space<vmem>> -> memref<1x16xi32, #tpu.memory_space<vmem>>
            %dma_start3A_120 = tpu.memref_squeeze %dma_start3A_119 : memref<1x16xi32, #tpu.memory_space<vmem>> -> memref<16xi32, #tpu.memory_space<vmem>>
            %dma_start3A_121 = arith.constant 0 : i32
            %dma_start3A_122 = arith.constant 0 : i32
            %dma_start3A_123 = tpu.memref_slice %arg2[%dma_start3A_121, %dma_start3A_122] : memref<320000x128xf32, #tpu.memory_space<hbm>> -> memref<320000x128xf32, #tpu.memory_space<hbm>>
            tpu.enqueue_indirect_dma source(%dma_start3A_123 : memref<320000x128xf32, #tpu.memory_space<hbm>>) target(%arg14 : memref<16x128xf32, #tpu.memory_space<vmem>>) offsets(%dma_start3A_120 : memref<16xi32, #tpu.memory_space<vmem>>) semaphore(%arg17 : memref<!tpu.dma_semaphore, #tpu.memory_space<semaphore_mem>>)
          } else {
          }
          %dma_wait3A = arith.constant 0 : i32
          %dma_wait3A_100 = tpu.memref_slice %arg10[%while3A_77, %dma_wait3A] : memref<127x16xi32, #tpu.memory_space<vmem>> -> memref<1x16xi32, #tpu.memory_space<vmem>>
          %dma_wait3A_101 = tpu.memref_squeeze %dma_wait3A_100 : memref<1x16xi32, #tpu.memory_space<vmem>> -> memref<16xi32, #tpu.memory_space<vmem>>
          %dma_wait3A_102 = arith.constant 0 : i32
          %dma_wait3A_103 = arith.constant 0 : i32
          %dma_wait3A_104 = tpu.memref_slice %arg2[%dma_wait3A_102, %dma_wait3A_103] : memref<320000x128xf32, #tpu.memory_space<hbm>> -> memref<320000x128xf32, #tpu.memory_space<hbm>>
          tpu.wait_indirect_dma semaphore(%arg18 : memref<!tpu.dma_semaphore, #tpu.memory_space<semaphore_mem>>) src(%dma_wait3A_104 : memref<320000x128xf32, #tpu.memory_space<hbm>>) dst(%arg15 : memref<16x128xf32, #tpu.memory_space<vmem>>)
          %while3A_105 = arith.constant 0 : i32
          %while3A_106 = arith.constant 0 : i32
          %while3A_107 = arith.subi %min3A_81, %while3A_105 : i32
          %while3A_108 = arith.addi %while3A_105, %while3A_107 : i32
          %while3A_109 = arith.constant 1 : i32
          %while3A_110 = arith.divsi %while3A_107, %while3A_109 : i32
          %while3A_111 = arith.muli %while3A_110, %while3A_109 : i32
          %while3A_112 = arith.addi %while3A_105, %while3A_111 : i32
          %while3A_113 = arith.constant 1 : i32
          %while3A_114 = scf.for %while3A_117 = %while3A_105 to %while3A_112 step %while3A_113 iter_args(%while3A_118 = %while3A_106) -> (i32)  : i32 {
            %add3A_119 = arith.addi %mul3A_80, %while3A_117 : i32
            %get3A_120 = arith.index_cast %add3A_119 : i32 to index
            %get3A_121 = tpu.vector_load %arg11[%get3A_120] {strides = array<i32>} : memref<2032xi32, #tpu.memory_space<vmem>>, vector<16xi32>,
            %get3A_122 = vector.shape_cast %get3A_121 : vector<16xi32> to vector<16xi32>
            %slice3A = vector.extract_strided_slice %get3A_122 {offsets = [0], sizes = [1], strides = [1]} : vector<16xi32> to vector<1xi32>
            %squeeze3A = vector.extract %slice3A[0] : i32 from vector<1xi32>
            %get3A_123 = arith.index_cast %squeeze3A : i32 to index
            %get3A_124 = arith.constant 0 : index
            %get3A_125 = tpu.vector_load %arg16[%get3A_123, %get3A_124] {strides = array<i32>} : memref<320x64xf32, #tpu.memory_space<vmem>>, vector<1x16xf32>,
            %get3A_126 = vector.shape_cast %get3A_125 : vector<1x16xf32> to vector<16xf32>
            %get3A_127 = arith.index_cast %while3A_117 : i32 to index
            %get3A_128 = arith.constant 0 : index
            %get3A_129 = tpu.vector_load %arg15[%get3A_127, %get3A_128] {strides = array<i32>} : memref<16x128xf32, #tpu.memory_space<vmem>>, vector<1x16xf32>,
            %get3A_130 = vector.shape_cast %get3A_129 : vector<1x16xf32> to vector<16xf32>
            %max3A = arith.maximumf %get3A_126, %get3A_130 : vector<16xf32>
            %swap3A_131 = arith.index_cast %squeeze3A : i32 to index
            %swap3A_132 = arith.constant 0 : index
            %swap3A_133 = tpu.vector_load %arg16[%swap3A_131, %swap3A_132] {strides = array<i32>} : memref<320x64xf32, #tpu.memory_space<vmem>>, vector<1x16xf32>,
            %swap3A_134 = vector.shape_cast %swap3A_133 : vector<1x16xf32> to vector<16xf32>
            %swap3A_135 = vector.shape_cast %max3A : vector<16xf32> to vector<1x16xf32>
            tpu.vector_store %arg16[%swap3A_131, %swap3A_132], %swap3A_135 {strides = array<i32>} : memref<320x64xf32, #tpu.memory_space<vmem>>, vector<1x16xf32>,
            %get3A_136 = arith.index_cast %squeeze3A : i32 to index
            %get3A_137 = arith.constant 16 : index
            %get3A_138 = tpu.vector_load %arg16[%get3A_136, %get3A_137] {strides = array<i32>} : memref<320x64xf32, #tpu.memory_space<vmem>>, vector<1x16xf32>,
            %get3A_139 = vector.shape_cast %get3A_138 : vector<1x16xf32> to vector<16xf32>
            %get3A_140 = arith.index_cast %while3A_117 : i32 to index
            %get3A_141 = arith.constant 16 : index
            %get3A_142 = tpu.vector_load %arg15[%get3A_140, %get3A_141] {strides = array<i32>} : memref<16x128xf32, #tpu.memory_space<vmem>>, vector<1x16xf32>,
            %get3A_143 = vector.shape_cast %get3A_142 : vector<1x16xf32> to vector<16xf32>
            %max3A_144 = arith.maximumf %get3A_139, %get3A_143 : vector<16xf32>
            %swap3A_145 = arith.index_cast %squeeze3A : i32 to index
            %swap3A_146 = arith.constant 16 : index
            %swap3A_147 = tpu.vector_load %arg16[%swap3A_145, %swap3A_146] {strides = array<i32>} : memref<320x64xf32, #tpu.memory_space<vmem>>, vector<1x16xf32>,
            %swap3A_148 = vector.shape_cast %swap3A_147 : vector<1x16xf32> to vector<16xf32>
            %swap3A_149 = vector.shape_cast %max3A_144 : vector<16xf32> to vector<1x16xf32>
            tpu.vector_store %arg16[%swap3A_145, %swap3A_146], %swap3A_149 {strides = array<i32>} : memref<320x64xf32, #tpu.memory_space<vmem>>, vector<1x16xf32>,
            %get3A_150 = arith.index_cast %squeeze3A : i32 to index
            %get3A_151 = arith.constant 32 : index
            %get3A_152 = tpu.vector_load %arg16[%get3A_150, %get3A_151] {strides = array<i32>} : memref<320x64xf32, #tpu.memory_space<vmem>>, vector<1x16xf32>,
            %get3A_153 = vector.shape_cast %get3A_152 : vector<1x16xf32> to vector<16xf32>
            %get3A_154 = arith.index_cast %while3A_117 : i32 to index
            %get3A_155 = arith.constant 32 : index
            %get3A_156 = tpu.vector_load %arg15[%get3A_154, %get3A_155] {strides = array<i32>} : memref<16x128xf32, #tpu.memory_space<vmem>>, vector<1x16xf32>,
            %get3A_157 = vector.shape_cast %get3A_156 : vector<1x16xf32> to vector<16xf32>
            %max3A_158 = arith.maximumf %get3A_153, %get3A_157 : vector<16xf32>
            %swap3A_159 = arith.index_cast %squeeze3A : i32 to index
            %swap3A_160 = arith.constant 32 : index
            %swap3A_161 = tpu.vector_load %arg16[%swap3A_159, %swap3A_160] {strides = array<i32>} : memref<320x64xf32, #tpu.memory_space<vmem>>, vector<1x16xf32>,
            %swap3A_162 = vector.shape_cast %swap3A_161 : vector<1x16xf32> to vector<16xf32>
            %swap3A_163 = vector.shape_cast %max3A_158 : vector<16xf32> to vector<1x16xf32>
            tpu.vector_store %arg16[%swap3A_159, %swap3A_160], %swap3A_163 {strides = array<i32>} : memref<320x64xf32, #tpu.memory_space<vmem>>, vector<1x16xf32>,
            %get3A_164 = arith.index_cast %squeeze3A : i32 to index
            %get3A_165 = arith.constant 48 : index
            %get3A_166 = tpu.vector_load %arg16[%get3A_164, %get3A_165] {strides = array<i32>} : memref<320x64xf32, #tpu.memory_space<vmem>>, vector<1x16xf32>,
            %get3A_167 = vector.shape_cast %get3A_166 : vector<1x16xf32> to vector<16xf32>
            %get3A_168 = arith.index_cast %while3A_117 : i32 to index
            %get3A_169 = arith.constant 48 : index
            %get3A_170 = tpu.vector_load %arg15[%get3A_168, %get3A_169] {strides = array<i32>} : memref<16x128xf32, #tpu.memory_space<vmem>>, vector<1x16xf32>,
            %get3A_171 = vector.shape_cast %get3A_170 : vector<1x16xf32> to vector<16xf32>
            %max3A_172 = arith.maximumf %get3A_167, %get3A_171 : vector<16xf32>
            %swap3A_173 = arith.index_cast %squeeze3A : i32 to index
            %swap3A_174 = arith.constant 48 : index
            %swap3A_175 = tpu.vector_load %arg16[%swap3A_173, %swap3A_174] {strides = array<i32>} : memref<320x64xf32, #tpu.memory_space<vmem>>, vector<1x16xf32>,
            %swap3A_176 = vector.shape_cast %swap3A_175 : vector<1x16xf32> to vector<16xf32>
            %swap3A_177 = vector.shape_cast %max3A_172 : vector<16xf32> to vector<1x16xf32>
            tpu.vector_store %arg16[%swap3A_173, %swap3A_174], %swap3A_177 {strides = array<i32>} : memref<320x64xf32, #tpu.memory_space<vmem>>, vector<1x16xf32>,
            %while3A_178 = arith.constant 0 : i32
            scf.yield %while3A_178 : i32
          }
          %while3A_115 = arith.constant 1 : i32
          %while3A_116 = scf.for %while3A_117 = %while3A_112 to %while3A_108 step %while3A_115 iter_args(%while3A_118 = %while3A_114) -> (i32)  : i32 {
            %add3A_119 = arith.addi %mul3A_80, %while3A_117 : i32
            %get3A_120 = arith.index_cast %add3A_119 : i32 to index
            %get3A_121 = tpu.vector_load %arg11[%get3A_120] {strides = array<i32>} : memref<2032xi32, #tpu.memory_space<vmem>>, vector<16xi32>,
            %get3A_122 = vector.shape_cast %get3A_121 : vector<16xi32> to vector<16xi32>
            %slice3A = vector.extract_strided_slice %get3A_122 {offsets = [0], sizes = [1], strides = [1]} : vector<16xi32> to vector<1xi32>
            %squeeze3A = vector.extract %slice3A[0] : i32 from vector<1xi32>
            %get3A_123 = arith.index_cast %squeeze3A : i32 to index
            %get3A_124 = arith.constant 0 : index
            %get3A_125 = tpu.vector_load %arg16[%get3A_123, %get3A_124] {strides = array<i32>} : memref<320x64xf32, #tpu.memory_space<vmem>>, vector<1x16xf32>,
            %get3A_126 = vector.shape_cast %get3A_125 : vector<1x16xf32> to vector<16xf32>
            %get3A_127 = arith.index_cast %while3A_117 : i32 to index
            %get3A_128 = arith.constant 0 : index
            %get3A_129 = tpu.vector_load %arg15[%get3A_127, %get3A_128] {strides = array<i32>} : memref<16x128xf32, #tpu.memory_space<vmem>>, vector<1x16xf32>,
            %get3A_130 = vector.shape_cast %get3A_129 : vector<1x16xf32> to vector<16xf32>
            %max3A = arith.maximumf %get3A_126, %get3A_130 : vector<16xf32>
            %swap3A_131 = arith.index_cast %squeeze3A : i32 to index
            %swap3A_132 = arith.constant 0 : index
            %swap3A_133 = tpu.vector_load %arg16[%swap3A_131, %swap3A_132] {strides = array<i32>} : memref<320x64xf32, #tpu.memory_space<vmem>>, vector<1x16xf32>,
            %swap3A_134 = vector.shape_cast %swap3A_133 : vector<1x16xf32> to vector<16xf32>
            %swap3A_135 = vector.shape_cast %max3A : vector<16xf32> to vector<1x16xf32>
            tpu.vector_store %arg16[%swap3A_131, %swap3A_132], %swap3A_135 {strides = array<i32>} : memref<320x64xf32, #tpu.memory_space<vmem>>, vector<1x16xf32>,
            %get3A_136 = arith.index_cast %squeeze3A : i32 to index
            %get3A_137 = arith.constant 16 : index
            %get3A_138 = tpu.vector_load %arg16[%get3A_136, %get3A_137] {strides = array<i32>} : memref<320x64xf32, #tpu.memory_space<vmem>>, vector<1x16xf32>,
            %get3A_139 = vector.shape_cast %get3A_138 : vector<1x16xf32> to vector<16xf32>
            %get3A_140 = arith.index_cast %while3A_117 : i32 to index
            %get3A_141 = arith.constant 16 : index
            %get3A_142 = tpu.vector_load %arg15[%get3A_140, %get3A_141] {strides = array<i32>} : memref<16x128xf32, #tpu.memory_space<vmem>>, vector<1x16xf32>,
            %get3A_143 = vector.shape_cast %get3A_142 : vector<1x16xf32> to vector<16xf32>
            %max3A_144 = arith.maximumf %get3A_139, %get3A_143 : vector<16xf32>
            %swap3A_145 = arith.index_cast %squeeze3A : i32 to index
            %swap3A_146 = arith.constant 16 : index
            %swap3A_147 = tpu.vector_load %arg16[%swap3A_145, %swap3A_146] {strides = array<i32>} : memref<320x64xf32, #tpu.memory_space<vmem>>, vector<1x16xf32>,
            %swap3A_148 = vector.shape_cast %swap3A_147 : vector<1x16xf32> to vector<16xf32>
            %swap3A_149 = vector.shape_cast %max3A_144 : vector<16xf32> to vector<1x16xf32>
            tpu.vector_store %arg16[%swap3A_145, %swap3A_146], %swap3A_149 {strides = array<i32>} : memref<320x64xf32, #tpu.memory_space<vmem>>, vector<1x16xf32>,
            %get3A_150 = arith.index_cast %squeeze3A : i32 to index
            %get3A_151 = arith.constant 32 : index
            %get3A_152 = tpu.vector_load %arg16[%get3A_150, %get3A_151] {strides = array<i32>} : memref<320x64xf32, #tpu.memory_space<vmem>>, vector<1x16xf32>,
            %get3A_153 = vector.shape_cast %get3A_152 : vector<1x16xf32> to vector<16xf32>
            %get3A_154 = arith.index_cast %while3A_117 : i32 to index
            %get3A_155 = arith.constant 32 : index
            %get3A_156 = tpu.vector_load %arg15[%get3A_154, %get3A_155] {strides = array<i32>} : memref<16x128xf32, #tpu.memory_space<vmem>>, vector<1x16xf32>,
            %get3A_157 = vector.shape_cast %get3A_156 : vector<1x16xf32> to vector<16xf32>
            %max3A_158 = arith.maximumf %get3A_153, %get3A_157 : vector<16xf32>
            %swap3A_159 = arith.index_cast %squeeze3A : i32 to index
            %swap3A_160 = arith.constant 32 : index
            %swap3A_161 = tpu.vector_load %arg16[%swap3A_159, %swap3A_160] {strides = array<i32>} : memref<320x64xf32, #tpu.memory_space<vmem>>, vector<1x16xf32>,
            %swap3A_162 = vector.shape_cast %swap3A_161 : vector<1x16xf32> to vector<16xf32>
            %swap3A_163 = vector.shape_cast %max3A_158 : vector<16xf32> to vector<1x16xf32>
            tpu.vector_store %arg16[%swap3A_159, %swap3A_160], %swap3A_163 {strides = array<i32>} : memref<320x64xf32, #tpu.memory_space<vmem>>, vector<1x16xf32>,
            %get3A_164 = arith.index_cast %squeeze3A : i32 to index
            %get3A_165 = arith.constant 48 : index
            %get3A_166 = tpu.vector_load %arg16[%get3A_164, %get3A_165] {strides = array<i32>} : memref<320x64xf32, #tpu.memory_space<vmem>>, vector<1x16xf32>,
            %get3A_167 = vector.shape_cast %get3A_166 : vector<1x16xf32> to vector<16xf32>
            %get3A_168 = arith.index_cast %while3A_117 : i32 to index
            %get3A_169 = arith.constant 48 : index
            %get3A_170 = tpu.vector_load %arg15[%get3A_168, %get3A_169] {strides = array<i32>} : memref<16x128xf32, #tpu.memory_space<vmem>>, vector<1x16xf32>,
            %get3A_171 = vector.shape_cast %get3A_170 : vector<1x16xf32> to vector<16xf32>
            %max3A_172 = arith.maximumf %get3A_167, %get3A_171 : vector<16xf32>
            %swap3A_173 = arith.index_cast %squeeze3A : i32 to index
            %swap3A_174 = arith.constant 48 : index
            %swap3A_175 = tpu.vector_load %arg16[%swap3A_173, %swap3A_174] {strides = array<i32>} : memref<320x64xf32, #tpu.memory_space<vmem>>, vector<1x16xf32>,
            %swap3A_176 = vector.shape_cast %swap3A_175 : vector<1x16xf32> to vector<16xf32>
            %swap3A_177 = vector.shape_cast %max3A_172 : vector<16xf32> to vector<1x16xf32>
            tpu.vector_store %arg16[%swap3A_173, %swap3A_174], %swap3A_177 {strides = array<i32>} : memref<320x64xf32, #tpu.memory_space<vmem>>, vector<1x16xf32>,
            %while3A_178 = arith.constant 0 : i32
            scf.yield %while3A_178 : i32
          }
        } else {
        }
        %while3A_94 = arith.constant 0 : i32
        scf.yield %while3A_94 : i32
      }
      scf.yield %scan3A_44#1 : vector<16xi32>
    }
    %scan3A_34 = arith.constant 160 : i32
    "tpu.region"() ({
      %run_scoped3A = tpu.sem_alloc : memref<!tpu.dma_semaphore, #tpu.memory_space<semaphore_mem>>
      %dma_start3A = arith.constant 0 : i32
      %dma_start3A_35 = tpu.memref_slice %arg5[%mul3A_2, %dma_start3A] : memref<10240x64xf32, #tpu.memory_space<hbm>> -> memref<320x64xf32, #tpu.memory_space<hbm>>
      %dma_start3A_36 = arith.constant 0 : i32
      %dma_start3A_37 = tpu.memref_slice %arg5[%mul3A_2, %dma_start3A_36] : memref<10240x64xf32, #tpu.memory_space<hbm>> -> memref<320x64xf32, #tpu.memory_space<hbm>>
      tpu.enqueue_dma source(%arg16 : memref<320x64xf32, #tpu.memory_space<vmem>>) target(%dma_start3A_37 : memref<320x64xf32, #tpu.memory_space<hbm>>) target_semaphore(%run_scoped3A : memref<!tpu.dma_semaphore, #tpu.memory_space<semaphore_mem>>)
      %dma_wait3A = arith.constant 0 : i32
      %dma_wait3A_38 = tpu.memref_slice %arg5[%mul3A_2, %dma_wait3A] : memref<10240x64xf32, #tpu.memory_space<hbm>> -> memref<320x64xf32, #tpu.memory_space<hbm>>
      %dma_wait3A_39 = arith.constant 0 : i32
      %dma_wait3A_40 = tpu.memref_slice %arg5[%mul3A_2, %dma_wait3A_39] : memref<10240x64xf32, #tpu.memory_space<hbm>> -> memref<320x64xf32, #tpu.memory_space<hbm>>
      tpu.wait_dma2 semaphore(%run_scoped3A : memref<!tpu.dma_semaphore, #tpu.memory_space<semaphore_mem>>) src(%arg16 : memref<320x64xf32, #tpu.memory_space<vmem>>) dst(%dma_wait3A_40 : memref<320x64xf32, #tpu.memory_space<hbm>>)
      tpu.yield
    }) : () -> ()
    return
  }
}

#map = affine_map<(d0, d1) -> (0, 0)>
#map1 = affine_map<(d0, d1) -> (0)>
#map2 = affine_map<(d0, d1) -> (0, 0, 0)>
module attributes {stable_mosaic.version = 14 : i64} {
  func.func @k(%arg0: i32, %arg1: i32, %arg2: memref<10000x128xf32, #tpu.memory_space<hbm>>, %arg3: memref<10000x128xf32, #tpu.memory_space<hbm>>, %arg4: memref<320000xi32, #tpu.memory_space<hbm>>, %arg5: memref<320000xi32, #tpu.memory_space<hbm>>, %arg6: memref<320000x128xf32, #tpu.memory_space<hbm>>, %arg7: memref<32x2x128xf32, #tpu.memory_space<hbm>>, %arg8: memref<80xi32, #tpu.memory_space<vmem>>, %arg9: memref<80xi32, #tpu.memory_space<vmem>>, %arg10: memref<80x128xf32, #tpu.memory_space<vmem>>, %arg11: memref<80x128xf32, #tpu.memory_space<vmem>>, %arg12: memref<2x128xf32, #tpu.memory_space<vmem>>, %arg13: memref<!tpu.dma_semaphore, #tpu.memory_space<semaphore_mem>>, %arg14: memref<!tpu.dma_semaphore, #tpu.memory_space<semaphore_mem>>) attributes {dimension_semantics = [#tpu.dimension_semantics<core_parallel>, #tpu.dimension_semantics<subcore_parallel>], iteration_bounds = array<i64: 2, 16>, scalar_prefetch = 0 : i64, scratch_operands = 7 : i64, tpu.core_type = #tpu.core_type<sc_vector_subcore>, window_params = [{transform_indices = #map}, {transform_indices = #map}, {transform_indices = #map1}, {transform_indices = #map1}, {transform_indices = #map}, {transform_indices = #map2}]} {
    %mul3A = arith.constant 2 : i32
    %mul3A_0 = arith.muli %arg1, %mul3A : i32
    %add3A = arith.addi %mul3A_0, %arg0 : i32
    %mul3A_1 = arith.constant 10000 : i32
    %mul3A_2 = arith.muli %add3A, %mul3A_1 : i32
    %broadcast_in_dim3A = arith.constant 0.000000e+00 : f32
    %broadcast_in_dim3A_3 = vector.broadcast %broadcast_in_dim3A : f32 to vector<16xf32>
    %scan3A = arith.constant 0 : i32
    %scan3A_4 = arith.constant 125 : i32
    %scan3A_5 = arith.addi %scan3A, %scan3A_4 : i32
    %scan3A_6 = arith.constant 1 : i32
    %scan3A_7:16 = scf.for %scan3A_107 = %scan3A to %scan3A_5 step %scan3A_6 iter_args(%scan3A_108 = %broadcast_in_dim3A_3, %scan3A_109 = %broadcast_in_dim3A_3, %scan3A_110 = %broadcast_in_dim3A_3, %scan3A_111 = %broadcast_in_dim3A_3, %scan3A_112 = %broadcast_in_dim3A_3, %scan3A_113 = %broadcast_in_dim3A_3, %scan3A_114 = %broadcast_in_dim3A_3, %scan3A_115 = %broadcast_in_dim3A_3, %scan3A_116 = %broadcast_in_dim3A_3, %scan3A_117 = %broadcast_in_dim3A_3, %scan3A_118 = %broadcast_in_dim3A_3, %scan3A_119 = %broadcast_in_dim3A_3, %scan3A_120 = %broadcast_in_dim3A_3, %scan3A_121 = %broadcast_in_dim3A_3, %scan3A_122 = %broadcast_in_dim3A_3, %scan3A_123 = %broadcast_in_dim3A_3) -> (vector<16xf32>, vector<16xf32>, vector<16xf32>, vector<16xf32>, vector<16xf32>, vector<16xf32>, vector<16xf32>, vector<16xf32>, vector<16xf32>, vector<16xf32>, vector<16xf32>, vector<16xf32>, vector<16xf32>, vector<16xf32>, vector<16xf32>, vector<16xf32>)  : i32 {
      %mul3A_124 = arith.constant 80 : i32
      %mul3A_125 = arith.muli %scan3A_107, %mul3A_124 : i32
      %add3A_126 = arith.addi %mul3A_2, %mul3A_125 : i32
      "tpu.region"() ({
        %run_scoped3A = tpu.sem_alloc : memref<!tpu.dma_semaphore, #tpu.memory_space<semaphore_mem>>
        %dma_start3A_143 = tpu.memref_slice %arg4[%add3A_126] : memref<320000xi32, #tpu.memory_space<hbm>> -> memref<80xi32, #tpu.memory_space<hbm>>
        %dma_start3A_144 = tpu.memref_slice %arg4[%add3A_126] : memref<320000xi32, #tpu.memory_space<hbm>> -> memref<80xi32, #tpu.memory_space<hbm>>
        tpu.enqueue_dma source(%dma_start3A_144 : memref<80xi32, #tpu.memory_space<hbm>>) target(%arg8 : memref<80xi32, #tpu.memory_space<vmem>>) target_semaphore(%run_scoped3A : memref<!tpu.dma_semaphore, #tpu.memory_space<semaphore_mem>>)
        %dma_wait3A_145 = tpu.memref_slice %arg4[%add3A_126] : memref<320000xi32, #tpu.memory_space<hbm>> -> memref<80xi32, #tpu.memory_space<hbm>>
        %dma_wait3A_146 = tpu.memref_slice %arg4[%add3A_126] : memref<320000xi32, #tpu.memory_space<hbm>> -> memref<80xi32, #tpu.memory_space<hbm>>
        tpu.wait_dma2 semaphore(%run_scoped3A : memref<!tpu.dma_semaphore, #tpu.memory_space<semaphore_mem>>) src(%dma_wait3A_146 : memref<80xi32, #tpu.memory_space<hbm>>) dst(%arg8 : memref<80xi32, #tpu.memory_space<vmem>>)
        tpu.yield
      }) : () -> ()
      "tpu.region"() ({
        %run_scoped3A = tpu.sem_alloc : memref<!tpu.dma_semaphore, #tpu.memory_space<semaphore_mem>>
        %dma_start3A_143 = tpu.memref_slice %arg5[%add3A_126] : memref<320000xi32, #tpu.memory_space<hbm>> -> memref<80xi32, #tpu.memory_space<hbm>>
        %dma_start3A_144 = tpu.memref_slice %arg5[%add3A_126] : memref<320000xi32, #tpu.memory_space<hbm>> -> memref<80xi32, #tpu.memory_space<hbm>>
        tpu.enqueue_dma source(%dma_start3A_144 : memref<80xi32, #tpu.memory_space<hbm>>) target(%arg9 : memref<80xi32, #tpu.memory_space<vmem>>) target_semaphore(%run_scoped3A : memref<!tpu.dma_semaphore, #tpu.memory_space<semaphore_mem>>)
        %dma_wait3A_145 = tpu.memref_slice %arg5[%add3A_126] : memref<320000xi32, #tpu.memory_space<hbm>> -> memref<80xi32, #tpu.memory_space<hbm>>
        %dma_wait3A_146 = tpu.memref_slice %arg5[%add3A_126] : memref<320000xi32, #tpu.memory_space<hbm>> -> memref<80xi32, #tpu.memory_space<hbm>>
        tpu.wait_dma2 semaphore(%run_scoped3A : memref<!tpu.dma_semaphore, #tpu.memory_space<semaphore_mem>>) src(%dma_wait3A_146 : memref<80xi32, #tpu.memory_space<hbm>>) dst(%arg9 : memref<80xi32, #tpu.memory_space<vmem>>)
        tpu.yield
      }) : () -> ()
      %dma_start3A = arith.constant 0 : i32
      %dma_start3A_127 = arith.constant 0 : i32
      %dma_start3A_128 = tpu.memref_slice %arg2[%dma_start3A, %dma_start3A_127] : memref<10000x128xf32, #tpu.memory_space<hbm>> -> memref<10000x128xf32, #tpu.memory_space<hbm>>
      tpu.enqueue_indirect_dma source(%dma_start3A_128 : memref<10000x128xf32, #tpu.memory_space<hbm>>) target(%arg10 : memref<80x128xf32, #tpu.memory_space<vmem>>) offsets(%arg8 : memref<80xi32, #tpu.memory_space<vmem>>) semaphore(%arg13 : memref<!tpu.dma_semaphore, #tpu.memory_space<semaphore_mem>>)
      %dma_start3A_129 = arith.constant 0 : i32
      %dma_start3A_130 = arith.constant 0 : i32
      %dma_start3A_131 = tpu.memref_slice %arg3[%dma_start3A_129, %dma_start3A_130] : memref<10000x128xf32, #tpu.memory_space<hbm>> -> memref<10000x128xf32, #tpu.memory_space<hbm>>
      tpu.enqueue_indirect_dma source(%dma_start3A_131 : memref<10000x128xf32, #tpu.memory_space<hbm>>) target(%arg11 : memref<80x128xf32, #tpu.memory_space<vmem>>) offsets(%arg9 : memref<80xi32, #tpu.memory_space<vmem>>) semaphore(%arg14 : memref<!tpu.dma_semaphore, #tpu.memory_space<semaphore_mem>>)
      %dma_wait3A = arith.constant 0 : i32
      %dma_wait3A_132 = arith.constant 0 : i32
      %dma_wait3A_133 = tpu.memref_slice %arg2[%dma_wait3A, %dma_wait3A_132] : memref<10000x128xf32, #tpu.memory_space<hbm>> -> memref<10000x128xf32, #tpu.memory_space<hbm>>
      tpu.wait_indirect_dma semaphore(%arg13 : memref<!tpu.dma_semaphore, #tpu.memory_space<semaphore_mem>>) src(%dma_wait3A_133 : memref<10000x128xf32, #tpu.memory_space<hbm>>) dst(%arg10 : memref<80x128xf32, #tpu.memory_space<vmem>>)
      %dma_wait3A_134 = arith.constant 0 : i32
      %dma_wait3A_135 = arith.constant 0 : i32
      %dma_wait3A_136 = tpu.memref_slice %arg3[%dma_wait3A_134, %dma_wait3A_135] : memref<10000x128xf32, #tpu.memory_space<hbm>> -> memref<10000x128xf32, #tpu.memory_space<hbm>>
      tpu.wait_indirect_dma semaphore(%arg14 : memref<!tpu.dma_semaphore, #tpu.memory_space<semaphore_mem>>) src(%dma_wait3A_136 : memref<10000x128xf32, #tpu.memory_space<hbm>>) dst(%arg11 : memref<80x128xf32, #tpu.memory_space<vmem>>)
      %scan3A_137 = arith.constant 0 : i32
      %scan3A_138 = arith.constant 80 : i32
      %scan3A_139 = arith.addi %scan3A_137, %scan3A_138 : i32
      %scan3A_140 = arith.constant 1 : i32
      %scan3A_141:16 = scf.for %scan3A_143 = %scan3A_137 to %scan3A_139 step %scan3A_140 iter_args(%scan3A_144 = %scan3A_108, %scan3A_145 = %scan3A_109, %scan3A_146 = %scan3A_110, %scan3A_147 = %scan3A_111, %scan3A_148 = %scan3A_112, %scan3A_149 = %scan3A_113, %scan3A_150 = %scan3A_114, %scan3A_151 = %scan3A_115, %scan3A_152 = %scan3A_116, %scan3A_153 = %scan3A_117, %scan3A_154 = %scan3A_118, %scan3A_155 = %scan3A_119, %scan3A_156 = %scan3A_120, %scan3A_157 = %scan3A_121, %scan3A_158 = %scan3A_122, %scan3A_159 = %scan3A_123) -> (vector<16xf32>, vector<16xf32>, vector<16xf32>, vector<16xf32>, vector<16xf32>, vector<16xf32>, vector<16xf32>, vector<16xf32>, vector<16xf32>, vector<16xf32>, vector<16xf32>, vector<16xf32>, vector<16xf32>, vector<16xf32>, vector<16xf32>, vector<16xf32>)  : i32 {
        %get3A = arith.index_cast %scan3A_143 : i32 to index
        %get3A_160 = arith.constant 0 : index
        %get3A_161 = tpu.vector_load %arg10[%get3A, %get3A_160] {strides = array<i32>} : memref<80x128xf32, #tpu.memory_space<vmem>>, vector<1x16xf32>,
        %get3A_162 = vector.shape_cast %get3A_161 : vector<1x16xf32> to vector<16xf32>
        %get3A_163 = arith.index_cast %scan3A_143 : i32 to index
        %get3A_164 = arith.constant 0 : index
        %get3A_165 = tpu.vector_load %arg11[%get3A_163, %get3A_164] {strides = array<i32>} : memref<80x128xf32, #tpu.memory_space<vmem>>, vector<1x16xf32>,
        %get3A_166 = vector.shape_cast %get3A_165 : vector<1x16xf32> to vector<16xf32>
        %add3A_167 = arith.addf %get3A_162, %get3A_166 : vector<16xf32>
        %max3A = arith.constant 0.000000e+00 : f32
        %max3A_168 = vector.broadcast %max3A : f32 to vector<16xf32>
        %max3A_169 = arith.maximumf %add3A_167, %max3A_168 : vector<16xf32>
        %swap3A_170 = arith.index_cast %scan3A_143 : i32 to index
        %swap3A_171 = arith.constant 0 : index
        %swap3A_172 = tpu.vector_load %arg10[%swap3A_170, %swap3A_171] {strides = array<i32>} : memref<80x128xf32, #tpu.memory_space<vmem>>, vector<1x16xf32>,
        %swap3A_173 = vector.shape_cast %swap3A_172 : vector<1x16xf32> to vector<16xf32>
        %swap3A_174 = vector.shape_cast %max3A_169 : vector<16xf32> to vector<1x16xf32>
        tpu.vector_store %arg10[%swap3A_170, %swap3A_171], %swap3A_174 {strides = array<i32>} : memref<80x128xf32, #tpu.memory_space<vmem>>, vector<1x16xf32>,
        %add3A_175 = arith.addf %scan3A_144, %max3A_169 : vector<16xf32>
        %mul3A_176 = arith.mulf %max3A_169, %max3A_169 : vector<16xf32>
        %add3A_177 = arith.addf %scan3A_145, %mul3A_176 : vector<16xf32>
        %get3A_178 = arith.index_cast %scan3A_143 : i32 to index
        %get3A_179 = arith.constant 16 : index
        %get3A_180 = tpu.vector_load %arg10[%get3A_178, %get3A_179] {strides = array<i32>} : memref<80x128xf32, #tpu.memory_space<vmem>>, vector<1x16xf32>,
        %get3A_181 = vector.shape_cast %get3A_180 : vector<1x16xf32> to vector<16xf32>
        %get3A_182 = arith.index_cast %scan3A_143 : i32 to index
        %get3A_183 = arith.constant 16 : index
        %get3A_184 = tpu.vector_load %arg11[%get3A_182, %get3A_183] {strides = array<i32>} : memref<80x128xf32, #tpu.memory_space<vmem>>, vector<1x16xf32>,
        %get3A_185 = vector.shape_cast %get3A_184 : vector<1x16xf32> to vector<16xf32>
        %add3A_186 = arith.addf %get3A_181, %get3A_185 : vector<16xf32>
        %max3A_187 = arith.constant 0.000000e+00 : f32
        %max3A_188 = vector.broadcast %max3A_187 : f32 to vector<16xf32>
        %max3A_189 = arith.maximumf %add3A_186, %max3A_188 : vector<16xf32>
        %swap3A_190 = arith.index_cast %scan3A_143 : i32 to index
        %swap3A_191 = arith.constant 16 : index
        %swap3A_192 = tpu.vector_load %arg10[%swap3A_190, %swap3A_191] {strides = array<i32>} : memref<80x128xf32, #tpu.memory_space<vmem>>, vector<1x16xf32>,
        %swap3A_193 = vector.shape_cast %swap3A_192 : vector<1x16xf32> to vector<16xf32>
        %swap3A_194 = vector.shape_cast %max3A_189 : vector<16xf32> to vector<1x16xf32>
        tpu.vector_store %arg10[%swap3A_190, %swap3A_191], %swap3A_194 {strides = array<i32>} : memref<80x128xf32, #tpu.memory_space<vmem>>, vector<1x16xf32>,
        %add3A_195 = arith.addf %scan3A_146, %max3A_189 : vector<16xf32>
        %mul3A_196 = arith.mulf %max3A_189, %max3A_189 : vector<16xf32>
        %add3A_197 = arith.addf %scan3A_147, %mul3A_196 : vector<16xf32>
        %get3A_198 = arith.index_cast %scan3A_143 : i32 to index
        %get3A_199 = arith.constant 32 : index
        %get3A_200 = tpu.vector_load %arg10[%get3A_198, %get3A_199] {strides = array<i32>} : memref<80x128xf32, #tpu.memory_space<vmem>>, vector<1x16xf32>,
        %get3A_201 = vector.shape_cast %get3A_200 : vector<1x16xf32> to vector<16xf32>
        %get3A_202 = arith.index_cast %scan3A_143 : i32 to index
        %get3A_203 = arith.constant 32 : index
        %get3A_204 = tpu.vector_load %arg11[%get3A_202, %get3A_203] {strides = array<i32>} : memref<80x128xf32, #tpu.memory_space<vmem>>, vector<1x16xf32>,
        %get3A_205 = vector.shape_cast %get3A_204 : vector<1x16xf32> to vector<16xf32>
        %add3A_206 = arith.addf %get3A_201, %get3A_205 : vector<16xf32>
        %max3A_207 = arith.constant 0.000000e+00 : f32
        %max3A_208 = vector.broadcast %max3A_207 : f32 to vector<16xf32>
        %max3A_209 = arith.maximumf %add3A_206, %max3A_208 : vector<16xf32>
        %swap3A_210 = arith.index_cast %scan3A_143 : i32 to index
        %swap3A_211 = arith.constant 32 : index
        %swap3A_212 = tpu.vector_load %arg10[%swap3A_210, %swap3A_211] {strides = array<i32>} : memref<80x128xf32, #tpu.memory_space<vmem>>, vector<1x16xf32>,
        %swap3A_213 = vector.shape_cast %swap3A_212 : vector<1x16xf32> to vector<16xf32>
        %swap3A_214 = vector.shape_cast %max3A_209 : vector<16xf32> to vector<1x16xf32>
        tpu.vector_store %arg10[%swap3A_210, %swap3A_211], %swap3A_214 {strides = array<i32>} : memref<80x128xf32, #tpu.memory_space<vmem>>, vector<1x16xf32>,
        %add3A_215 = arith.addf %scan3A_148, %max3A_209 : vector<16xf32>
        %mul3A_216 = arith.mulf %max3A_209, %max3A_209 : vector<16xf32>
        %add3A_217 = arith.addf %scan3A_149, %mul3A_216 : vector<16xf32>
        %get3A_218 = arith.index_cast %scan3A_143 : i32 to index
        %get3A_219 = arith.constant 48 : index
        %get3A_220 = tpu.vector_load %arg10[%get3A_218, %get3A_219] {strides = array<i32>} : memref<80x128xf32, #tpu.memory_space<vmem>>, vector<1x16xf32>,
        %get3A_221 = vector.shape_cast %get3A_220 : vector<1x16xf32> to vector<16xf32>
        %get3A_222 = arith.index_cast %scan3A_143 : i32 to index
        %get3A_223 = arith.constant 48 : index
        %get3A_224 = tpu.vector_load %arg11[%get3A_222, %get3A_223] {strides = array<i32>} : memref<80x128xf32, #tpu.memory_space<vmem>>, vector<1x16xf32>,
        %get3A_225 = vector.shape_cast %get3A_224 : vector<1x16xf32> to vector<16xf32>
        %add3A_226 = arith.addf %get3A_221, %get3A_225 : vector<16xf32>
        %max3A_227 = arith.constant 0.000000e+00 : f32
        %max3A_228 = vector.broadcast %max3A_227 : f32 to vector<16xf32>
        %max3A_229 = arith.maximumf %add3A_226, %max3A_228 : vector<16xf32>
        %swap3A_230 = arith.index_cast %scan3A_143 : i32 to index
        %swap3A_231 = arith.constant 48 : index
        %swap3A_232 = tpu.vector_load %arg10[%swap3A_230, %swap3A_231] {strides = array<i32>} : memref<80x128xf32, #tpu.memory_space<vmem>>, vector<1x16xf32>,
        %swap3A_233 = vector.shape_cast %swap3A_232 : vector<1x16xf32> to vector<16xf32>
        %swap3A_234 = vector.shape_cast %max3A_229 : vector<16xf32> to vector<1x16xf32>
        tpu.vector_store %arg10[%swap3A_230, %swap3A_231], %swap3A_234 {strides = array<i32>} : memref<80x128xf32, #tpu.memory_space<vmem>>, vector<1x16xf32>,
        %add3A_235 = arith.addf %scan3A_150, %max3A_229 : vector<16xf32>
        %mul3A_236 = arith.mulf %max3A_229, %max3A_229 : vector<16xf32>
        %add3A_237 = arith.addf %scan3A_151, %mul3A_236 : vector<16xf32>
        %get3A_238 = arith.index_cast %scan3A_143 : i32 to index
        %get3A_239 = arith.constant 64 : index
        %get3A_240 = tpu.vector_load %arg10[%get3A_238, %get3A_239] {strides = array<i32>} : memref<80x128xf32, #tpu.memory_space<vmem>>, vector<1x16xf32>,
        %get3A_241 = vector.shape_cast %get3A_240 : vector<1x16xf32> to vector<16xf32>
        %get3A_242 = arith.index_cast %scan3A_143 : i32 to index
        %get3A_243 = arith.constant 64 : index
        %get3A_244 = tpu.vector_load %arg11[%get3A_242, %get3A_243] {strides = array<i32>} : memref<80x128xf32, #tpu.memory_space<vmem>>, vector<1x16xf32>,
        %get3A_245 = vector.shape_cast %get3A_244 : vector<1x16xf32> to vector<16xf32>
        %add3A_246 = arith.addf %get3A_241, %get3A_245 : vector<16xf32>
        %max3A_247 = arith.constant 0.000000e+00 : f32
        %max3A_248 = vector.broadcast %max3A_247 : f32 to vector<16xf32>
        %max3A_249 = arith.maximumf %add3A_246, %max3A_248 : vector<16xf32>
        %swap3A_250 = arith.index_cast %scan3A_143 : i32 to index
        %swap3A_251 = arith.constant 64 : index
        %swap3A_252 = tpu.vector_load %arg10[%swap3A_250, %swap3A_251] {strides = array<i32>} : memref<80x128xf32, #tpu.memory_space<vmem>>, vector<1x16xf32>,
        %swap3A_253 = vector.shape_cast %swap3A_252 : vector<1x16xf32> to vector<16xf32>
        %swap3A_254 = vector.shape_cast %max3A_249 : vector<16xf32> to vector<1x16xf32>
        tpu.vector_store %arg10[%swap3A_250, %swap3A_251], %swap3A_254 {strides = array<i32>} : memref<80x128xf32, #tpu.memory_space<vmem>>, vector<1x16xf32>,
        %add3A_255 = arith.addf %scan3A_152, %max3A_249 : vector<16xf32>
        %mul3A_256 = arith.mulf %max3A_249, %max3A_249 : vector<16xf32>
        %add3A_257 = arith.addf %scan3A_153, %mul3A_256 : vector<16xf32>
        %get3A_258 = arith.index_cast %scan3A_143 : i32 to index
        %get3A_259 = arith.constant 80 : index
        %get3A_260 = tpu.vector_load %arg10[%get3A_258, %get3A_259] {strides = array<i32>} : memref<80x128xf32, #tpu.memory_space<vmem>>, vector<1x16xf32>,
        %get3A_261 = vector.shape_cast %get3A_260 : vector<1x16xf32> to vector<16xf32>
        %get3A_262 = arith.index_cast %scan3A_143 : i32 to index
        %get3A_263 = arith.constant 80 : index
        %get3A_264 = tpu.vector_load %arg11[%get3A_262, %get3A_263] {strides = array<i32>} : memref<80x128xf32, #tpu.memory_space<vmem>>, vector<1x16xf32>,
        %get3A_265 = vector.shape_cast %get3A_264 : vector<1x16xf32> to vector<16xf32>
        %add3A_266 = arith.addf %get3A_261, %get3A_265 : vector<16xf32>
        %max3A_267 = arith.constant 0.000000e+00 : f32
        %max3A_268 = vector.broadcast %max3A_267 : f32 to vector<16xf32>
        %max3A_269 = arith.maximumf %add3A_266, %max3A_268 : vector<16xf32>
        %swap3A_270 = arith.index_cast %scan3A_143 : i32 to index
        %swap3A_271 = arith.constant 80 : index
        %swap3A_272 = tpu.vector_load %arg10[%swap3A_270, %swap3A_271] {strides = array<i32>} : memref<80x128xf32, #tpu.memory_space<vmem>>, vector<1x16xf32>,
        %swap3A_273 = vector.shape_cast %swap3A_272 : vector<1x16xf32> to vector<16xf32>
        %swap3A_274 = vector.shape_cast %max3A_269 : vector<16xf32> to vector<1x16xf32>
        tpu.vector_store %arg10[%swap3A_270, %swap3A_271], %swap3A_274 {strides = array<i32>} : memref<80x128xf32, #tpu.memory_space<vmem>>, vector<1x16xf32>,
        %add3A_275 = arith.addf %scan3A_154, %max3A_269 : vector<16xf32>
        %mul3A_276 = arith.mulf %max3A_269, %max3A_269 : vector<16xf32>
        %add3A_277 = arith.addf %scan3A_155, %mul3A_276 : vector<16xf32>
        %get3A_278 = arith.index_cast %scan3A_143 : i32 to index
        %get3A_279 = arith.constant 96 : index
        %get3A_280 = tpu.vector_load %arg10[%get3A_278, %get3A_279] {strides = array<i32>} : memref<80x128xf32, #tpu.memory_space<vmem>>, vector<1x16xf32>,
        %get3A_281 = vector.shape_cast %get3A_280 : vector<1x16xf32> to vector<16xf32>
        %get3A_282 = arith.index_cast %scan3A_143 : i32 to index
        %get3A_283 = arith.constant 96 : index
        %get3A_284 = tpu.vector_load %arg11[%get3A_282, %get3A_283] {strides = array<i32>} : memref<80x128xf32, #tpu.memory_space<vmem>>, vector<1x16xf32>,
        %get3A_285 = vector.shape_cast %get3A_284 : vector<1x16xf32> to vector<16xf32>
        %add3A_286 = arith.addf %get3A_281, %get3A_285 : vector<16xf32>
        %max3A_287 = arith.constant 0.000000e+00 : f32
        %max3A_288 = vector.broadcast %max3A_287 : f32 to vector<16xf32>
        %max3A_289 = arith.maximumf %add3A_286, %max3A_288 : vector<16xf32>
        %swap3A_290 = arith.index_cast %scan3A_143 : i32 to index
        %swap3A_291 = arith.constant 96 : index
        %swap3A_292 = tpu.vector_load %arg10[%swap3A_290, %swap3A_291] {strides = array<i32>} : memref<80x128xf32, #tpu.memory_space<vmem>>, vector<1x16xf32>,
        %swap3A_293 = vector.shape_cast %swap3A_292 : vector<1x16xf32> to vector<16xf32>
        %swap3A_294 = vector.shape_cast %max3A_289 : vector<16xf32> to vector<1x16xf32>
        tpu.vector_store %arg10[%swap3A_290, %swap3A_291], %swap3A_294 {strides = array<i32>} : memref<80x128xf32, #tpu.memory_space<vmem>>, vector<1x16xf32>,
        %add3A_295 = arith.addf %scan3A_156, %max3A_289 : vector<16xf32>
        %mul3A_296 = arith.mulf %max3A_289, %max3A_289 : vector<16xf32>
        %add3A_297 = arith.addf %scan3A_157, %mul3A_296 : vector<16xf32>
        %get3A_298 = arith.index_cast %scan3A_143 : i32 to index
        %get3A_299 = arith.constant 112 : index
        %get3A_300 = tpu.vector_load %arg10[%get3A_298, %get3A_299] {strides = array<i32>} : memref<80x128xf32, #tpu.memory_space<vmem>>, vector<1x16xf32>,
        %get3A_301 = vector.shape_cast %get3A_300 : vector<1x16xf32> to vector<16xf32>
        %get3A_302 = arith.index_cast %scan3A_143 : i32 to index
        %get3A_303 = arith.constant 112 : index
        %get3A_304 = tpu.vector_load %arg11[%get3A_302, %get3A_303] {strides = array<i32>} : memref<80x128xf32, #tpu.memory_space<vmem>>, vector<1x16xf32>,
        %get3A_305 = vector.shape_cast %get3A_304 : vector<1x16xf32> to vector<16xf32>
        %add3A_306 = arith.addf %get3A_301, %get3A_305 : vector<16xf32>
        %max3A_307 = arith.constant 0.000000e+00 : f32
        %max3A_308 = vector.broadcast %max3A_307 : f32 to vector<16xf32>
        %max3A_309 = arith.maximumf %add3A_306, %max3A_308 : vector<16xf32>
        %swap3A_310 = arith.index_cast %scan3A_143 : i32 to index
        %swap3A_311 = arith.constant 112 : index
        %swap3A_312 = tpu.vector_load %arg10[%swap3A_310, %swap3A_311] {strides = array<i32>} : memref<80x128xf32, #tpu.memory_space<vmem>>, vector<1x16xf32>,
        %swap3A_313 = vector.shape_cast %swap3A_312 : vector<1x16xf32> to vector<16xf32>
        %swap3A_314 = vector.shape_cast %max3A_309 : vector<16xf32> to vector<1x16xf32>
        tpu.vector_store %arg10[%swap3A_310, %swap3A_311], %swap3A_314 {strides = array<i32>} : memref<80x128xf32, #tpu.memory_space<vmem>>, vector<1x16xf32>,
        %add3A_315 = arith.addf %scan3A_158, %max3A_309 : vector<16xf32>
        %mul3A_316 = arith.mulf %max3A_309, %max3A_309 : vector<16xf32>
        %add3A_317 = arith.addf %scan3A_159, %mul3A_316 : vector<16xf32>
        scf.yield %add3A_175, %add3A_177, %add3A_195, %add3A_197, %add3A_215, %add3A_217, %add3A_235, %add3A_237, %add3A_255, %add3A_257, %add3A_275, %add3A_277, %add3A_295, %add3A_297, %add3A_315, %add3A_317 : vector<16xf32>, vector<16xf32>, vector<16xf32>, vector<16xf32>, vector<16xf32>, vector<16xf32>, vector<16xf32>, vector<16xf32>, vector<16xf32>, vector<16xf32>, vector<16xf32>, vector<16xf32>, vector<16xf32>, vector<16xf32>, vector<16xf32>, vector<16xf32>
      }
      %scan3A_142 = arith.constant 80 : i32
      "tpu.region"() ({
        %run_scoped3A = tpu.sem_alloc : memref<!tpu.dma_semaphore, #tpu.memory_space<semaphore_mem>>
        %dma_start3A_143 = arith.constant 0 : i32
        %dma_start3A_144 = tpu.memref_slice %arg6[%add3A_126, %dma_start3A_143] : memref<320000x128xf32, #tpu.memory_space<hbm>> -> memref<80x128xf32, #tpu.memory_space<hbm>>
        %dma_start3A_145 = arith.constant 0 : i32
        %dma_start3A_146 = tpu.memref_slice %arg6[%add3A_126, %dma_start3A_145] : memref<320000x128xf32, #tpu.memory_space<hbm>> -> memref<80x128xf32, #tpu.memory_space<hbm>>
        tpu.enqueue_dma source(%arg10 : memref<80x128xf32, #tpu.memory_space<vmem>>) target(%dma_start3A_146 : memref<80x128xf32, #tpu.memory_space<hbm>>) target_semaphore(%run_scoped3A : memref<!tpu.dma_semaphore, #tpu.memory_space<semaphore_mem>>)
        %dma_wait3A_147 = arith.constant 0 : i32
        %dma_wait3A_148 = tpu.memref_slice %arg6[%add3A_126, %dma_wait3A_147] : memref<320000x128xf32, #tpu.memory_space<hbm>> -> memref<80x128xf32, #tpu.memory_space<hbm>>
        %dma_wait3A_149 = arith.constant 0 : i32
        %dma_wait3A_150 = tpu.memref_slice %arg6[%add3A_126, %dma_wait3A_149] : memref<320000x128xf32, #tpu.memory_space<hbm>> -> memref<80x128xf32, #tpu.memory_space<hbm>>
        tpu.wait_dma2 semaphore(%run_scoped3A : memref<!tpu.dma_semaphore, #tpu.memory_space<semaphore_mem>>) src(%arg10 : memref<80x128xf32, #tpu.memory_space<vmem>>) dst(%dma_wait3A_150 : memref<80x128xf32, #tpu.memory_space<hbm>>)
        tpu.yield
      }) : () -> ()
      scf.yield %scan3A_141#0, %scan3A_141#1, %scan3A_141#2, %scan3A_141#3, %scan3A_141#4, %scan3A_141#5, %scan3A_141#6, %scan3A_141#7, %scan3A_141#8, %scan3A_141#9, %scan3A_141#10, %scan3A_141#11, %scan3A_141#12, %scan3A_141#13, %scan3A_141#14, %scan3A_141#15 : vector<16xf32>, vector<16xf32>, vector<16xf32>, vector<16xf32>, vector<16xf32>, vector<16xf32>, vector<16xf32>, vector<16xf32>, vector<16xf32>, vector<16xf32>, vector<16xf32>, vector<16xf32>, vector<16xf32>, vector<16xf32>, vector<16xf32>, vector<16xf32>
    }
    %scan3A_8 = arith.constant 125 : i32
    %swap3A = arith.constant 0 : i32
    %swap3A_9 = arith.index_cast %swap3A : i32 to index
    %swap3A_10 = arith.constant 0 : index
    %swap3A_11 = tpu.vector_load %arg12[%swap3A_9, %swap3A_10] {strides = array<i32>} : memref<2x128xf32, #tpu.memory_space<vmem>>, vector<1x16xf32>,
    %swap3A_12 = vector.shape_cast %swap3A_11 : vector<1x16xf32> to vector<16xf32>
    %swap3A_13 = vector.shape_cast %scan3A_7#0 : vector<16xf32> to vector<1x16xf32>
    tpu.vector_store %arg12[%swap3A_9, %swap3A_10], %swap3A_13 {strides = array<i32>} : memref<2x128xf32, #tpu.memory_space<vmem>>, vector<1x16xf32>,
    %swap3A_14 = arith.constant 1 : i32
    %swap3A_15 = arith.index_cast %swap3A_14 : i32 to index
    %swap3A_16 = arith.constant 0 : index
    %swap3A_17 = tpu.vector_load %arg12[%swap3A_15, %swap3A_16] {strides = array<i32>} : memref<2x128xf32, #tpu.memory_space<vmem>>, vector<1x16xf32>,
    %swap3A_18 = vector.shape_cast %swap3A_17 : vector<1x16xf32> to vector<16xf32>
    %swap3A_19 = vector.shape_cast %scan3A_7#1 : vector<16xf32> to vector<1x16xf32>
    tpu.vector_store %arg12[%swap3A_15, %swap3A_16], %swap3A_19 {strides = array<i32>} : memref<2x128xf32, #tpu.memory_space<vmem>>, vector<1x16xf32>,
    %swap3A_20 = arith.constant 0 : i32
    %swap3A_21 = arith.index_cast %swap3A_20 : i32 to index
    %swap3A_22 = arith.constant 16 : index
    %swap3A_23 = tpu.vector_load %arg12[%swap3A_21, %swap3A_22] {strides = array<i32>} : memref<2x128xf32, #tpu.memory_space<vmem>>, vector<1x16xf32>,
    %swap3A_24 = vector.shape_cast %swap3A_23 : vector<1x16xf32> to vector<16xf32>
    %swap3A_25 = vector.shape_cast %scan3A_7#2 : vector<16xf32> to vector<1x16xf32>
    tpu.vector_store %arg12[%swap3A_21, %swap3A_22], %swap3A_25 {strides = array<i32>} : memref<2x128xf32, #tpu.memory_space<vmem>>, vector<1x16xf32>,
    %swap3A_26 = arith.constant 1 : i32
    %swap3A_27 = arith.index_cast %swap3A_26 : i32 to index
    %swap3A_28 = arith.constant 16 : index
    %swap3A_29 = tpu.vector_load %arg12[%swap3A_27, %swap3A_28] {strides = array<i32>} : memref<2x128xf32, #tpu.memory_space<vmem>>, vector<1x16xf32>,
    %swap3A_30 = vector.shape_cast %swap3A_29 : vector<1x16xf32> to vector<16xf32>
    %swap3A_31 = vector.shape_cast %scan3A_7#3 : vector<16xf32> to vector<1x16xf32>
    tpu.vector_store %arg12[%swap3A_27, %swap3A_28], %swap3A_31 {strides = array<i32>} : memref<2x128xf32, #tpu.memory_space<vmem>>, vector<1x16xf32>,
    %swap3A_32 = arith.constant 0 : i32
    %swap3A_33 = arith.index_cast %swap3A_32 : i32 to index
    %swap3A_34 = arith.constant 32 : index
    %swap3A_35 = tpu.vector_load %arg12[%swap3A_33, %swap3A_34] {strides = array<i32>} : memref<2x128xf32, #tpu.memory_space<vmem>>, vector<1x16xf32>,
    %swap3A_36 = vector.shape_cast %swap3A_35 : vector<1x16xf32> to vector<16xf32>
    %swap3A_37 = vector.shape_cast %scan3A_7#4 : vector<16xf32> to vector<1x16xf32>
    tpu.vector_store %arg12[%swap3A_33, %swap3A_34], %swap3A_37 {strides = array<i32>} : memref<2x128xf32, #tpu.memory_space<vmem>>, vector<1x16xf32>,
    %swap3A_38 = arith.constant 1 : i32
    %swap3A_39 = arith.index_cast %swap3A_38 : i32 to index
    %swap3A_40 = arith.constant 32 : index
    %swap3A_41 = tpu.vector_load %arg12[%swap3A_39, %swap3A_40] {strides = array<i32>} : memref<2x128xf32, #tpu.memory_space<vmem>>, vector<1x16xf32>,
    %swap3A_42 = vector.shape_cast %swap3A_41 : vector<1x16xf32> to vector<16xf32>
    %swap3A_43 = vector.shape_cast %scan3A_7#5 : vector<16xf32> to vector<1x16xf32>
    tpu.vector_store %arg12[%swap3A_39, %swap3A_40], %swap3A_43 {strides = array<i32>} : memref<2x128xf32, #tpu.memory_space<vmem>>, vector<1x16xf32>,
    %swap3A_44 = arith.constant 0 : i32
    %swap3A_45 = arith.index_cast %swap3A_44 : i32 to index
    %swap3A_46 = arith.constant 48 : index
    %swap3A_47 = tpu.vector_load %arg12[%swap3A_45, %swap3A_46] {strides = array<i32>} : memref<2x128xf32, #tpu.memory_space<vmem>>, vector<1x16xf32>,
    %swap3A_48 = vector.shape_cast %swap3A_47 : vector<1x16xf32> to vector<16xf32>
    %swap3A_49 = vector.shape_cast %scan3A_7#6 : vector<16xf32> to vector<1x16xf32>
    tpu.vector_store %arg12[%swap3A_45, %swap3A_46], %swap3A_49 {strides = array<i32>} : memref<2x128xf32, #tpu.memory_space<vmem>>, vector<1x16xf32>,
    %swap3A_50 = arith.constant 1 : i32
    %swap3A_51 = arith.index_cast %swap3A_50 : i32 to index
    %swap3A_52 = arith.constant 48 : index
    %swap3A_53 = tpu.vector_load %arg12[%swap3A_51, %swap3A_52] {strides = array<i32>} : memref<2x128xf32, #tpu.memory_space<vmem>>, vector<1x16xf32>,
    %swap3A_54 = vector.shape_cast %swap3A_53 : vector<1x16xf32> to vector<16xf32>
    %swap3A_55 = vector.shape_cast %scan3A_7#7 : vector<16xf32> to vector<1x16xf32>
    tpu.vector_store %arg12[%swap3A_51, %swap3A_52], %swap3A_55 {strides = array<i32>} : memref<2x128xf32, #tpu.memory_space<vmem>>, vector<1x16xf32>,
    %swap3A_56 = arith.constant 0 : i32
    %swap3A_57 = arith.index_cast %swap3A_56 : i32 to index
    %swap3A_58 = arith.constant 64 : index
    %swap3A_59 = tpu.vector_load %arg12[%swap3A_57, %swap3A_58] {strides = array<i32>} : memref<2x128xf32, #tpu.memory_space<vmem>>, vector<1x16xf32>,
    %swap3A_60 = vector.shape_cast %swap3A_59 : vector<1x16xf32> to vector<16xf32>
    %swap3A_61 = vector.shape_cast %scan3A_7#8 : vector<16xf32> to vector<1x16xf32>
    tpu.vector_store %arg12[%swap3A_57, %swap3A_58], %swap3A_61 {strides = array<i32>} : memref<2x128xf32, #tpu.memory_space<vmem>>, vector<1x16xf32>,
    %swap3A_62 = arith.constant 1 : i32
    %swap3A_63 = arith.index_cast %swap3A_62 : i32 to index
    %swap3A_64 = arith.constant 64 : index
    %swap3A_65 = tpu.vector_load %arg12[%swap3A_63, %swap3A_64] {strides = array<i32>} : memref<2x128xf32, #tpu.memory_space<vmem>>, vector<1x16xf32>,
    %swap3A_66 = vector.shape_cast %swap3A_65 : vector<1x16xf32> to vector<16xf32>
    %swap3A_67 = vector.shape_cast %scan3A_7#9 : vector<16xf32> to vector<1x16xf32>
    tpu.vector_store %arg12[%swap3A_63, %swap3A_64], %swap3A_67 {strides = array<i32>} : memref<2x128xf32, #tpu.memory_space<vmem>>, vector<1x16xf32>,
    %swap3A_68 = arith.constant 0 : i32
    %swap3A_69 = arith.index_cast %swap3A_68 : i32 to index
    %swap3A_70 = arith.constant 80 : index
    %swap3A_71 = tpu.vector_load %arg12[%swap3A_69, %swap3A_70] {strides = array<i32>} : memref<2x128xf32, #tpu.memory_space<vmem>>, vector<1x16xf32>,
    %swap3A_72 = vector.shape_cast %swap3A_71 : vector<1x16xf32> to vector<16xf32>
    %swap3A_73 = vector.shape_cast %scan3A_7#10 : vector<16xf32> to vector<1x16xf32>
    tpu.vector_store %arg12[%swap3A_69, %swap3A_70], %swap3A_73 {strides = array<i32>} : memref<2x128xf32, #tpu.memory_space<vmem>>, vector<1x16xf32>,
    %swap3A_74 = arith.constant 1 : i32
    %swap3A_75 = arith.index_cast %swap3A_74 : i32 to index
    %swap3A_76 = arith.constant 80 : index
    %swap3A_77 = tpu.vector_load %arg12[%swap3A_75, %swap3A_76] {strides = array<i32>} : memref<2x128xf32, #tpu.memory_space<vmem>>, vector<1x16xf32>,
    %swap3A_78 = vector.shape_cast %swap3A_77 : vector<1x16xf32> to vector<16xf32>
    %swap3A_79 = vector.shape_cast %scan3A_7#11 : vector<16xf32> to vector<1x16xf32>
    tpu.vector_store %arg12[%swap3A_75, %swap3A_76], %swap3A_79 {strides = array<i32>} : memref<2x128xf32, #tpu.memory_space<vmem>>, vector<1x16xf32>,
    %swap3A_80 = arith.constant 0 : i32
    %swap3A_81 = arith.index_cast %swap3A_80 : i32 to index
    %swap3A_82 = arith.constant 96 : index
    %swap3A_83 = tpu.vector_load %arg12[%swap3A_81, %swap3A_82] {strides = array<i32>} : memref<2x128xf32, #tpu.memory_space<vmem>>, vector<1x16xf32>,
    %swap3A_84 = vector.shape_cast %swap3A_83 : vector<1x16xf32> to vector<16xf32>
    %swap3A_85 = vector.shape_cast %scan3A_7#12 : vector<16xf32> to vector<1x16xf32>
    tpu.vector_store %arg12[%swap3A_81, %swap3A_82], %swap3A_85 {strides = array<i32>} : memref<2x128xf32, #tpu.memory_space<vmem>>, vector<1x16xf32>,
    %swap3A_86 = arith.constant 1 : i32
    %swap3A_87 = arith.index_cast %swap3A_86 : i32 to index
    %swap3A_88 = arith.constant 96 : index
    %swap3A_89 = tpu.vector_load %arg12[%swap3A_87, %swap3A_88] {strides = array<i32>} : memref<2x128xf32, #tpu.memory_space<vmem>>, vector<1x16xf32>,
    %swap3A_90 = vector.shape_cast %swap3A_89 : vector<1x16xf32> to vector<16xf32>
    %swap3A_91 = vector.shape_cast %scan3A_7#13 : vector<16xf32> to vector<1x16xf32>
    tpu.vector_store %arg12[%swap3A_87, %swap3A_88], %swap3A_91 {strides = array<i32>} : memref<2x128xf32, #tpu.memory_space<vmem>>, vector<1x16xf32>,
    %swap3A_92 = arith.constant 0 : i32
    %swap3A_93 = arith.index_cast %swap3A_92 : i32 to index
    %swap3A_94 = arith.constant 112 : index
    %swap3A_95 = tpu.vector_load %arg12[%swap3A_93, %swap3A_94] {strides = array<i32>} : memref<2x128xf32, #tpu.memory_space<vmem>>, vector<1x16xf32>,
    %swap3A_96 = vector.shape_cast %swap3A_95 : vector<1x16xf32> to vector<16xf32>
    %swap3A_97 = vector.shape_cast %scan3A_7#14 : vector<16xf32> to vector<1x16xf32>
    tpu.vector_store %arg12[%swap3A_93, %swap3A_94], %swap3A_97 {strides = array<i32>} : memref<2x128xf32, #tpu.memory_space<vmem>>, vector<1x16xf32>,
    %swap3A_98 = arith.constant 1 : i32
    %swap3A_99 = arith.index_cast %swap3A_98 : i32 to index
    %swap3A_100 = arith.constant 112 : index
    %swap3A_101 = tpu.vector_load %arg12[%swap3A_99, %swap3A_100] {strides = array<i32>} : memref<2x128xf32, #tpu.memory_space<vmem>>, vector<1x16xf32>,
    %swap3A_102 = vector.shape_cast %swap3A_101 : vector<1x16xf32> to vector<16xf32>
    %swap3A_103 = vector.shape_cast %scan3A_7#15 : vector<16xf32> to vector<1x16xf32>
    tpu.vector_store %arg12[%swap3A_99, %swap3A_100], %swap3A_103 {strides = array<i32>} : memref<2x128xf32, #tpu.memory_space<vmem>>, vector<1x16xf32>,
    %mul3A_104 = arith.constant 2 : i32
    %mul3A_105 = arith.muli %arg1, %mul3A_104 : i32
    %add3A_106 = arith.addi %mul3A_105, %arg0 : i32
    "tpu.region"() ({
      %run_scoped3A = tpu.sem_alloc : memref<!tpu.dma_semaphore, #tpu.memory_space<semaphore_mem>>
      %dma_start3A = arith.constant 0 : i32
      %dma_start3A_107 = arith.constant 0 : i32
      %dma_start3A_108 = tpu.memref_slice %arg7[%add3A_106, %dma_start3A, %dma_start3A_107] : memref<32x2x128xf32, #tpu.memory_space<hbm>> -> memref<1x2x128xf32, #tpu.memory_space<hbm>>
      %dma_start3A_109 = tpu.memref_squeeze %dma_start3A_108 : memref<1x2x128xf32, #tpu.memory_space<hbm>> -> memref<2x128xf32, #tpu.memory_space<hbm>>
      %dma_start3A_110 = arith.constant 0 : i32
      %dma_start3A_111 = arith.constant 0 : i32
      %dma_start3A_112 = tpu.memref_slice %arg7[%add3A_106, %dma_start3A_110, %dma_start3A_111] : memref<32x2x128xf32, #tpu.memory_space<hbm>> -> memref<1x2x128xf32, #tpu.memory_space<hbm>>
      %dma_start3A_113 = tpu.memref_squeeze %dma_start3A_112 : memref<1x2x128xf32, #tpu.memory_space<hbm>> -> memref<2x128xf32, #tpu.memory_space<hbm>>
      tpu.enqueue_dma source(%arg12 : memref<2x128xf32, #tpu.memory_space<vmem>>) target(%dma_start3A_113 : memref<2x128xf32, #tpu.memory_space<hbm>>) target_semaphore(%run_scoped3A : memref<!tpu.dma_semaphore, #tpu.memory_space<semaphore_mem>>)
      %dma_wait3A = arith.constant 0 : i32
      %dma_wait3A_114 = arith.constant 0 : i32
      %dma_wait3A_115 = tpu.memref_slice %arg7[%add3A_106, %dma_wait3A, %dma_wait3A_114] : memref<32x2x128xf32, #tpu.memory_space<hbm>> -> memref<1x2x128xf32, #tpu.memory_space<hbm>>
      %dma_wait3A_116 = tpu.memref_squeeze %dma_wait3A_115 : memref<1x2x128xf32, #tpu.memory_space<hbm>> -> memref<2x128xf32, #tpu.memory_space<hbm>>
      %dma_wait3A_117 = arith.constant 0 : i32
      %dma_wait3A_118 = arith.constant 0 : i32
      %dma_wait3A_119 = tpu.memref_slice %arg7[%add3A_106, %dma_wait3A_117, %dma_wait3A_118] : memref<32x2x128xf32, #tpu.memory_space<hbm>> -> memref<1x2x128xf32, #tpu.memory_space<hbm>>
      %dma_wait3A_120 = tpu.memref_squeeze %dma_wait3A_119 : memref<1x2x128xf32, #tpu.memory_space<hbm>> -> memref<2x128xf32, #tpu.memory_space<hbm>>
      tpu.wait_dma2 semaphore(%run_scoped3A : memref<!tpu.dma_semaphore, #tpu.memory_space<semaphore_mem>>) src(%arg12 : memref<2x128xf32, #tpu.memory_space<vmem>>) dst(%dma_wait3A_120 : memref<2x128xf32, #tpu.memory_space<hbm>>)
      tpu.yield
    }) : () -> ()
    return
  }
}

module attributes {stable_mosaic.version = 14 : i64} {
  func.func @_uv_body(%arg0: i32, %arg1: memref<1000x128xf32, #tpu.memory_space<vmem>>, %arg2: memref<128x128xf32, #tpu.memory_space<vmem>>, %arg3: memref<128x128xf32, #tpu.memory_space<vmem>>, %arg4: memref<1x128xf32, #tpu.memory_space<vmem>>, %arg5: memref<1000x128xf32, #tpu.memory_space<vmem>>, %arg6: memref<1000x128xf32, #tpu.memory_space<vmem>>) attributes {dimension_semantics = [#tpu.dimension_semantics<arbitrary>], iteration_bounds = array<i64: 10>, scalar_prefetch = 0 : i64, scratch_operands = 0 : i64, tpu.core_type = #tpu.core_type<tc>, window_params = [{transform_indices = @transform_0, window_bounds = array<i64: 1000, 128>}, {pipeline_mode = #tpu.pipeline_mode<synchronous>, transform_indices = @transform_1, window_bounds = array<i64: 128, 128>}, {pipeline_mode = #tpu.pipeline_mode<synchronous>, transform_indices = @transform_2, window_bounds = array<i64: 128, 128>}, {pipeline_mode = #tpu.pipeline_mode<synchronous>, transform_indices = @transform_3, window_bounds = array<i64: 1, 128>}, {transform_indices = @transform_4, window_bounds = array<i64: 1000, 128>}, {transform_indices = @transform_5, window_bounds = array<i64: 1000, 128>}]} {
    %get3A = arith.constant 0 : index
    %get3A_0 = arith.constant 0 : index
    %get3A_1 = vector.load %arg1[%get3A, %get3A_0] : memref<1000x128xf32, #tpu.memory_space<vmem>>, vector<1000x128xf32>
    %get3A_2 = arith.constant 0 : index
    %get3A_3 = arith.constant 0 : index
    %get3A_4 = vector.load %arg2[%get3A_2, %get3A_3] : memref<128x128xf32, #tpu.memory_space<vmem>>, vector<128x128xf32>
    %dot_general3A = arith.constant dense<0.000000e+00> : vector<1000x128xf32>
    %dot_general3A_5 = tpu.matmul %get3A_1, %get3A_4, %dot_general3A {dimension_numbers = #tpu.dot_dimension_numbers<[1], [0], [0], [1], [0, 0, 1, 1], [], []>, transpose_lhs_hint = false} : vector<1000x128xf32>, vector<128x128xf32>, vector<1000x128xf32> -> vector<1000x128xf32>
    %get3A_6 = arith.constant 0 : index
    %get3A_7 = arith.constant 0 : index
    %get3A_8 = vector.load %arg4[%get3A_6, %get3A_7] : memref<1x128xf32, #tpu.memory_space<vmem>>, vector<1x128xf32>
    %add3A = vector.broadcast %get3A_8 : vector<1x128xf32> to vector<1000x128xf32>
    %add3A_9 = arith.addf %dot_general3A_5, %add3A : vector<1000x128xf32>
    %swap3A = arith.constant 0 : index
    %swap3A_10 = arith.constant 0 : index
    %swap3A_11 = vector.load %arg5[%swap3A, %swap3A_10] : memref<1000x128xf32, #tpu.memory_space<vmem>>, vector<1000x128xf32>
    tpu.vector_store %arg5[%swap3A, %swap3A_10], %add3A_9 {strides = array<i32>} : memref<1000x128xf32, #tpu.memory_space<vmem>>, vector<1000x128xf32>,
    %get3A_12 = arith.constant 0 : index
    %get3A_13 = arith.constant 0 : index
    %get3A_14 = vector.load %arg3[%get3A_12, %get3A_13] : memref<128x128xf32, #tpu.memory_space<vmem>>, vector<128x128xf32>
    %dot_general3A_15 = arith.constant dense<0.000000e+00> : vector<1000x128xf32>
    %dot_general3A_16 = tpu.matmul %get3A_1, %get3A_14, %dot_general3A_15 {dimension_numbers = #tpu.dot_dimension_numbers<[1], [0], [0], [1], [0, 0, 1, 1], [], []>, transpose_lhs_hint = false} : vector<1000x128xf32>, vector<128x128xf32>, vector<1000x128xf32> -> vector<1000x128xf32>
    %swap3A_17 = arith.constant 0 : index
    %swap3A_18 = arith.constant 0 : index
    %swap3A_19 = vector.load %arg6[%swap3A_17, %swap3A_18] : memref<1000x128xf32, #tpu.memory_space<vmem>>, vector<1000x128xf32>
    tpu.vector_store %arg6[%swap3A_17, %swap3A_18], %dot_general3A_16 {strides = array<i32>} : memref<1000x128xf32, #tpu.memory_space<vmem>>, vector<1000x128xf32>,
    return
  }
  func.func @transform_0(%arg0: i32) -> (i32, i32) {
    %c0_i32 = arith.constant 0 : i32
    %c0_i32_0 = arith.constant 0 : i32
    return %arg0, %c0_i32 : i32, i32
  }
  func.func @transform_1(%arg0: i32) -> (i32, i32) {
    %c0_i32 = arith.constant 0 : i32
    %c0_i32_0 = arith.constant 0 : i32
    %c0_i32_1 = arith.constant 0 : i32
    return %c0_i32, %c0_i32_0 : i32, i32
  }
  func.func @transform_2(%arg0: i32) -> (i32, i32) {
    %c0_i32 = arith.constant 0 : i32
    %c0_i32_0 = arith.constant 0 : i32
    %c0_i32_1 = arith.constant 0 : i32
    return %c0_i32, %c0_i32_0 : i32, i32
  }
  func.func @transform_3(%arg0: i32) -> (i32, i32) {
    %c0_i32 = arith.constant 0 : i32
    %c0_i32_0 = arith.constant 0 : i32
    %c0_i32_1 = arith.constant 0 : i32
    return %c0_i32, %c0_i32_0 : i32, i32
  }
  func.func @transform_4(%arg0: i32) -> (i32, i32) {
    %c0_i32 = arith.constant 0 : i32
    %c0_i32_0 = arith.constant 0 : i32
    return %arg0, %c0_i32 : i32, i32
  }
  func.func @transform_5(%arg0: i32) -> (i32, i32) {
    %c0_i32 = arith.constant 0 : i32
    %c0_i32_0 = arith.constant 0 : i32
    return %arg0, %c0_i32 : i32, i32
  }
}

module attributes {stable_mosaic.version = 14 : i64} {
  func.func @_l2_body(%arg0: i32, %arg1: memref<1600x128xf32, #tpu.memory_space<vmem>>, %arg2: memref<128x64xf32, #tpu.memory_space<vmem>>, %arg3: memref<1x64xf32, #tpu.memory_space<vmem>>, %arg4: memref<1600x128xf32, #tpu.memory_space<vmem>>, %arg5: memref<1x2x64xf32, #tpu.memory_space<vmem>>) attributes {dimension_semantics = [#tpu.dimension_semantics<arbitrary>], iteration_bounds = array<i64: 200>, scalar_prefetch = 0 : i64, scratch_operands = 0 : i64, tpu.core_type = #tpu.core_type<tc>, window_params = [{transform_indices = @transform_0, window_bounds = array<i64: 1600, 128>}, {pipeline_mode = #tpu.pipeline_mode<synchronous>, transform_indices = @transform_1, window_bounds = array<i64: 128, 64>}, {pipeline_mode = #tpu.pipeline_mode<synchronous>, transform_indices = @transform_2, window_bounds = array<i64: 1, 64>}, {transform_indices = @transform_3, window_bounds = array<i64: 1600, 128>}, {transform_indices = @transform_4, window_bounds = array<i64: 1, 2, 64>}]} {
    %get3A = arith.constant 0 : index
    %get3A_0 = arith.constant 0 : index
    %get3A_1 = vector.load %arg1[%get3A, %get3A_0] : memref<1600x128xf32, #tpu.memory_space<vmem>>, vector<1600x128xf32>
    %get3A_2 = arith.constant 0 : index
    %get3A_3 = arith.constant 0 : index
    %get3A_4 = vector.load %arg2[%get3A_2, %get3A_3] : memref<128x64xf32, #tpu.memory_space<vmem>>, vector<128x64xf32>
    %dot_general3A = arith.constant dense<0.000000e+00> : vector<1600x64xf32>
    %dot_general3A_5 = tpu.matmul %get3A_1, %get3A_4, %dot_general3A {dimension_numbers = #tpu.dot_dimension_numbers<[1], [0], [0], [1], [0, 0, 1, 1], [], []>, transpose_lhs_hint = false} : vector<1600x128xf32>, vector<128x64xf32>, vector<1600x64xf32> -> vector<1600x64xf32>
    %get3A_6 = arith.constant 0 : index
    %get3A_7 = arith.constant 0 : index
    %get3A_8 = vector.load %arg3[%get3A_6, %get3A_7] : memref<1x64xf32, #tpu.memory_space<vmem>>, vector<1x64xf32>
    %add3A = vector.broadcast %get3A_8 : vector<1x64xf32> to vector<1600x64xf32>
    %add3A_9 = arith.addf %dot_general3A_5, %add3A : vector<1600x64xf32>
    %max3A = arith.constant 0.000000e+00 : f32
    %max3A_10 = vector.broadcast %max3A : f32 to vector<1600x64xf32>
    %max3A_11 = arith.maximumf %add3A_9, %max3A_10 : vector<1600x64xf32>
    %broadcast_in_dim3A = arith.constant 0.000000e+00 : f32
    %broadcast_in_dim3A_12 = vector.broadcast %broadcast_in_dim3A : f32 to vector<1600x64xf32>
    %concatenate3A = tpu.concatenate %max3A_11, %broadcast_in_dim3A_12 in 1 : vector<1600x64xf32>, vector<1600x64xf32> -> vector<1600x128xf32>
    %swap3A = arith.constant 0 : index
    %swap3A_13 = arith.constant 0 : index
    %swap3A_14 = vector.load %arg4[%swap3A, %swap3A_13] : memref<1600x128xf32, #tpu.memory_space<vmem>>, vector<1600x128xf32>
    tpu.vector_store %arg4[%swap3A, %swap3A_13], %concatenate3A {strides = array<i32>} : memref<1600x128xf32, #tpu.memory_space<vmem>>, vector<1600x128xf32>,
    %reduce_sum3A = arith.constant dense<0.000000e+00> : vector<64xf32>
    %reduce_sum3A_15 = vector.multi_reduction <add>, %max3A_11, %reduce_sum3A [0] : vector<1600x64xf32> to vector<64xf32>
    %mul3A = arith.mulf %max3A_11, %max3A_11 : vector<1600x64xf32>
    %reduce_sum3A_16 = arith.constant dense<0.000000e+00> : vector<64xf32>
    %reduce_sum3A_17 = vector.multi_reduction <add>, %mul3A, %reduce_sum3A_16 [0] : vector<1600x64xf32> to vector<64xf32>
    %stack3A = vector.shape_cast %reduce_sum3A_15 : vector<64xf32> to vector<1x64xf32>
    %stack3A_18 = vector.shape_cast %reduce_sum3A_17 : vector<64xf32> to vector<1x64xf32>
    %stack3A_19 = tpu.concatenate %stack3A, %stack3A_18 in 0 : vector<1x64xf32>, vector<1x64xf32> -> vector<2x64xf32>
    %broadcast_in_dim3A_20 = vector.shape_cast %stack3A_19 : vector<2x64xf32> to vector<1x2x64xf32>
    %swap3A_21 = arith.constant 0 : index
    %swap3A_22 = arith.constant 0 : index
    %swap3A_23 = arith.constant 0 : index
    %swap3A_24 = vector.load %arg5[%swap3A_21, %swap3A_22, %swap3A_23] : memref<1x2x64xf32, #tpu.memory_space<vmem>>, vector<1x2x64xf32>
    tpu.vector_store %arg5[%swap3A_21, %swap3A_22, %swap3A_23], %broadcast_in_dim3A_20 {strides = array<i32>} : memref<1x2x64xf32, #tpu.memory_space<vmem>>, vector<1x2x64xf32>,
    return
  }
  func.func @transform_0(%arg0: i32) -> (i32, i32) {
    %c0_i32 = arith.constant 0 : i32
    %c0_i32_0 = arith.constant 0 : i32
    return %arg0, %c0_i32 : i32, i32
  }
  func.func @transform_1(%arg0: i32) -> (i32, i32) {
    %c0_i32 = arith.constant 0 : i32
    %c0_i32_0 = arith.constant 0 : i32
    %c0_i32_1 = arith.constant 0 : i32
    return %c0_i32, %c0_i32_0 : i32, i32
  }
  func.func @transform_2(%arg0: i32) -> (i32, i32) {
    %c0_i32 = arith.constant 0 : i32
    %c0_i32_0 = arith.constant 0 : i32
    %c0_i32_1 = arith.constant 0 : i32
    return %c0_i32, %c0_i32_0 : i32, i32
  }
  func.func @transform_3(%arg0: i32) -> (i32, i32) {
    %c0_i32 = arith.constant 0 : i32
    %c0_i32_0 = arith.constant 0 : i32
    return %arg0, %c0_i32 : i32, i32
  }
  func.func @transform_4(%arg0: i32) -> (i32, i32, i32) {
    %c0_i32 = arith.constant 0 : i32
    %c0_i32_0 = arith.constant 0 : i32
    %c0_i32_1 = arith.constant 0 : i32
    return %arg0, %c0_i32, %c0_i32_0 : i32, i32, i32
  }
}

module attributes {stable_mosaic.version = 14 : i64} {
  func.func @_mid_body(%arg0: i32, %arg1: memref<1000x64xf32, #tpu.memory_space<vmem>>, %arg2: memref<1x64xf32, #tpu.memory_space<vmem>>, %arg3: memref<1x64xf32, #tpu.memory_space<vmem>>, %arg4: memref<64x64xf32, #tpu.memory_space<vmem>>, %arg5: memref<64x64xf32, #tpu.memory_space<vmem>>, %arg6: memref<1x64xf32, #tpu.memory_space<vmem>>, %arg7: memref<1000x64xf32, #tpu.memory_space<vmem>>, %arg8: memref<1000x128xf32, #tpu.memory_space<vmem>>) attributes {dimension_semantics = [#tpu.dimension_semantics<arbitrary>], iteration_bounds = array<i64: 10>, scalar_prefetch = 0 : i64, scratch_operands = 0 : i64, tpu.core_type = #tpu.core_type<tc>, window_params = [{transform_indices = @transform_0, window_bounds = array<i64: 1000, 64>}, {pipeline_mode = #tpu.pipeline_mode<synchronous>, transform_indices = @transform_1, window_bounds = array<i64: 1, 64>}, {pipeline_mode = #tpu.pipeline_mode<synchronous>, transform_indices = @transform_2, window_bounds = array<i64: 1, 64>}, {pipeline_mode = #tpu.pipeline_mode<synchronous>, transform_indices = @transform_3, window_bounds = array<i64: 64, 64>}, {pipeline_mode = #tpu.pipeline_mode<synchronous>, transform_indices = @transform_4, window_bounds = array<i64: 64, 64>}, {pipeline_mode = #tpu.pipeline_mode<synchronous>, transform_indices = @transform_5, window_bounds = array<i64: 1, 64>}, {transform_indices = @transform_6, window_bounds = array<i64: 1000, 64>}, {transform_indices = @transform_7, window_bounds = array<i64: 1000, 128>}]} {
    %get3A = arith.constant 0 : index
    %get3A_0 = arith.constant 0 : index
    %get3A_1 = vector.load %arg1[%get3A, %get3A_0] : memref<1000x64xf32, #tpu.memory_space<vmem>>, vector<1000x64xf32>
    %lt3A = arith.constant 0.000000e+00 : f32
    %lt3A_2 = vector.broadcast %lt3A : f32 to vector<1000x64xf32>
    %lt3A_3 = arith.cmpf olt, %get3A_1, %lt3A_2 : vector<1000x64xf32>
    %get3A_4 = arith.constant 0 : index
    %get3A_5 = arith.constant 0 : index
    %get3A_6 = vector.load %arg2[%get3A_4, %get3A_5] : memref<1x64xf32, #tpu.memory_space<vmem>>, vector<1x64xf32>
    %mul3A = vector.broadcast %get3A_6 : vector<1x64xf32> to vector<1000x64xf32>
    %mul3A_7 = arith.mulf %get3A_1, %mul3A : vector<1000x64xf32>
    %get3A_8 = arith.constant 0 : index
    %get3A_9 = arith.constant 0 : index
    %get3A_10 = vector.load %arg3[%get3A_8, %get3A_9] : memref<1x64xf32, #tpu.memory_space<vmem>>, vector<1x64xf32>
    %add3A = vector.broadcast %get3A_10 : vector<1x64xf32> to vector<1000x64xf32>
    %add3A_11 = arith.addf %mul3A_7, %add3A : vector<1000x64xf32>
    %max3A = arith.constant 0.000000e+00 : f32
    %max3A_12 = vector.broadcast %max3A : f32 to vector<1000x64xf32>
    %max3A_13 = arith.maximumf %add3A_11, %max3A_12 : vector<1000x64xf32>
    %jit3A = arith.constant 0.000000e+00 : f32
    %broadcast_in_dim3A = vector.broadcast %jit3A : f32 to vector<1000x64xf32>
    %select_n3A = arith.select %lt3A_3, %broadcast_in_dim3A, %max3A_13 : vector<1000x64xi1>, vector<1000x64xf32>
    %swap3A = arith.constant 0 : index
    %swap3A_14 = arith.constant 0 : index
    %swap3A_15 = vector.load %arg7[%swap3A, %swap3A_14] : memref<1000x64xf32, #tpu.memory_space<vmem>>, vector<1000x64xf32>
    tpu.vector_store %arg7[%swap3A, %swap3A_14], %select_n3A {strides = array<i32>} : memref<1000x64xf32, #tpu.memory_space<vmem>>, vector<1000x64xf32>,
    %get3A_16 = arith.constant 0 : index
    %get3A_17 = arith.constant 0 : index
    %get3A_18 = vector.load %arg4[%get3A_16, %get3A_17] : memref<64x64xf32, #tpu.memory_space<vmem>>, vector<64x64xf32>
    %dot_general3A = arith.constant dense<0.000000e+00> : vector<1000x64xf32>
    %dot_general3A_19 = tpu.matmul %select_n3A, %get3A_18, %dot_general3A {dimension_numbers = #tpu.dot_dimension_numbers<[1], [0], [0], [1], [0, 0, 1, 1], [], []>, transpose_lhs_hint = false} : vector<1000x64xf32>, vector<64x64xf32>, vector<1000x64xf32> -> vector<1000x64xf32>
    %get3A_20 = arith.constant 0 : index
    %get3A_21 = arith.constant 0 : index
    %get3A_22 = vector.load %arg6[%get3A_20, %get3A_21] : memref<1x64xf32, #tpu.memory_space<vmem>>, vector<1x64xf32>
    %add3A_23 = vector.broadcast %get3A_22 : vector<1x64xf32> to vector<1000x64xf32>
    %add3A_24 = arith.addf %dot_general3A_19, %add3A_23 : vector<1000x64xf32>
    %get3A_25 = arith.constant 0 : index
    %get3A_26 = arith.constant 0 : index
    %get3A_27 = vector.load %arg5[%get3A_25, %get3A_26] : memref<64x64xf32, #tpu.memory_space<vmem>>, vector<64x64xf32>
    %dot_general3A_28 = arith.constant dense<0.000000e+00> : vector<1000x64xf32>
    %dot_general3A_29 = tpu.matmul %select_n3A, %get3A_27, %dot_general3A_28 {dimension_numbers = #tpu.dot_dimension_numbers<[1], [0], [0], [1], [0, 0, 1, 1], [], []>, transpose_lhs_hint = false} : vector<1000x64xf32>, vector<64x64xf32>, vector<1000x64xf32> -> vector<1000x64xf32>
    %concatenate3A = tpu.concatenate %add3A_24, %dot_general3A_29 in 1 : vector<1000x64xf32>, vector<1000x64xf32> -> vector<1000x128xf32>
    %swap3A_30 = arith.constant 0 : index
    %swap3A_31 = arith.constant 0 : index
    %swap3A_32 = vector.load %arg8[%swap3A_30, %swap3A_31] : memref<1000x128xf32, #tpu.memory_space<vmem>>, vector<1000x128xf32>
    tpu.vector_store %arg8[%swap3A_30, %swap3A_31], %concatenate3A {strides = array<i32>} : memref<1000x128xf32, #tpu.memory_space<vmem>>, vector<1000x128xf32>,
    return
  }
  func.func @transform_0(%arg0: i32) -> (i32, i32) {
    %c0_i32 = arith.constant 0 : i32
    %c0_i32_0 = arith.constant 0 : i32
    return %arg0, %c0_i32 : i32, i32
  }
  func.func @transform_1(%arg0: i32) -> (i32, i32) {
    %c0_i32 = arith.constant 0 : i32
    %c0_i32_0 = arith.constant 0 : i32
    %c0_i32_1 = arith.constant 0 : i32
    return %c0_i32, %c0_i32_0 : i32, i32
  }
  func.func @transform_2(%arg0: i32) -> (i32, i32) {
    %c0_i32 = arith.constant 0 : i32
    %c0_i32_0 = arith.constant 0 : i32
    %c0_i32_1 = arith.constant 0 : i32
    return %c0_i32, %c0_i32_0 : i32, i32
  }
  func.func @transform_3(%arg0: i32) -> (i32, i32) {
    %c0_i32 = arith.constant 0 : i32
    %c0_i32_0 = arith.constant 0 : i32
    %c0_i32_1 = arith.constant 0 : i32
    return %c0_i32, %c0_i32_0 : i32, i32
  }
  func.func @transform_4(%arg0: i32) -> (i32, i32) {
    %c0_i32 = arith.constant 0 : i32
    %c0_i32_0 = arith.constant 0 : i32
    %c0_i32_1 = arith.constant 0 : i32
    return %c0_i32, %c0_i32_0 : i32, i32
  }
  func.func @transform_5(%arg0: i32) -> (i32, i32) {
    %c0_i32 = arith.constant 0 : i32
    %c0_i32_0 = arith.constant 0 : i32
    %c0_i32_1 = arith.constant 0 : i32
    return %c0_i32, %c0_i32_0 : i32, i32
  }
  func.func @transform_6(%arg0: i32) -> (i32, i32) {
    %c0_i32 = arith.constant 0 : i32
    %c0_i32_0 = arith.constant 0 : i32
    return %arg0, %c0_i32 : i32, i32
  }
  func.func @transform_7(%arg0: i32) -> (i32, i32) {
    %c0_i32 = arith.constant 0 : i32
    %c0_i32_0 = arith.constant 0 : i32
    return %arg0, %c0_i32 : i32, i32
  }
}

module attributes {stable_mosaic.version = 14 : i64} {
  func.func @_final_body(%arg0: i32, %arg1: memref<10000x64xf32, #tpu.memory_space<vmem>>, %arg2: memref<10000x64xf32, #tpu.memory_space<vmem>>, %arg3: memref<1x64xf32, #tpu.memory_space<vmem>>, %arg4: memref<1x64xf32, #tpu.memory_space<vmem>>, %arg5: memref<10000x1xf32, #tpu.memory_space<vmem>>, %arg6: memref<8x128xf32, #tpu.memory_space<vmem>>) attributes {dimension_semantics = [#tpu.dimension_semantics<arbitrary>], iteration_bounds = array<i64: 8>, scalar_prefetch = 0 : i64, scratch_operands = 0 : i64, tpu.core_type = #tpu.core_type<tc>, window_params = [{pipeline_mode = #tpu.pipeline_mode<synchronous>, transform_indices = @transform_0, window_bounds = array<i64: 10000, 64>}, {pipeline_mode = #tpu.pipeline_mode<synchronous>, transform_indices = @transform_1, window_bounds = array<i64: 10000, 64>}, {pipeline_mode = #tpu.pipeline_mode<synchronous>, transform_indices = @transform_2, window_bounds = array<i64: 1, 64>}, {pipeline_mode = #tpu.pipeline_mode<synchronous>, transform_indices = @transform_3, window_bounds = array<i64: 1, 64>}, {pipeline_mode = #tpu.pipeline_mode<synchronous>, transform_indices = @transform_4, window_bounds = array<i64: 10000, 1>}, {transform_indices = @transform_5, window_bounds = array<i64: 8, 128>}]} {
    %get3A = arith.constant 0 : index
    %get3A_0 = arith.constant 0 : index
    %get3A_1 = vector.load %arg2[%get3A, %get3A_0] : memref<10000x64xf32, #tpu.memory_space<vmem>>, vector<10000x64xf32>
    %lt3A = arith.constant 0.000000e+00 : f32
    %lt3A_2 = vector.broadcast %lt3A : f32 to vector<10000x64xf32>
    %lt3A_3 = arith.cmpf olt, %get3A_1, %lt3A_2 : vector<10000x64xf32>
    %get3A_4 = arith.constant 0 : index
    %get3A_5 = arith.constant 0 : index
    %get3A_6 = vector.load %arg3[%get3A_4, %get3A_5] : memref<1x64xf32, #tpu.memory_space<vmem>>, vector<1x64xf32>
    %mul3A = vector.broadcast %get3A_6 : vector<1x64xf32> to vector<10000x64xf32>
    %mul3A_7 = arith.mulf %get3A_1, %mul3A : vector<10000x64xf32>
    %get3A_8 = arith.constant 0 : index
    %get3A_9 = arith.constant 0 : index
    %get3A_10 = vector.load %arg4[%get3A_8, %get3A_9] : memref<1x64xf32, #tpu.memory_space<vmem>>, vector<1x64xf32>
    %add3A = vector.broadcast %get3A_10 : vector<1x64xf32> to vector<10000x64xf32>
    %add3A_11 = arith.addf %mul3A_7, %add3A : vector<10000x64xf32>
    %max3A = arith.constant 0.000000e+00 : f32
    %max3A_12 = vector.broadcast %max3A : f32 to vector<10000x64xf32>
    %max3A_13 = arith.maximumf %add3A_11, %max3A_12 : vector<10000x64xf32>
    %jit3A = arith.constant 0.000000e+00 : f32
    %broadcast_in_dim3A = vector.broadcast %jit3A : f32 to vector<10000x64xf32>
    %select_n3A = arith.select %lt3A_3, %broadcast_in_dim3A, %max3A_13 : vector<10000x64xi1>, vector<10000x64xf32>
    %get3A_14 = arith.constant 0 : index
    %get3A_15 = arith.constant 0 : index
    %get3A_16 = vector.load %arg1[%get3A_14, %get3A_15] : memref<10000x64xf32, #tpu.memory_space<vmem>>, vector<10000x64xf32>
    %add3A_17 = arith.addf %get3A_16, %select_n3A : vector<10000x64xf32>
    %get3A_18 = arith.constant 0 : index
    %get3A_19 = arith.constant 0 : index
    %get3A_20 = vector.load %arg5[%get3A_18, %get3A_19] : memref<10000x1xf32, #tpu.memory_space<vmem>>, vector<10000x1xf32>
    %mul3A_21 = arith.constant 8 : i32
    %mul3A_22 = arith.muli %arg0, %mul3A_21 : i32
    %add3A_23 = arith.constant 0 : i32
    %add3A_24 = arith.addi %mul3A_22, %add3A_23 : i32
    %convert_element_type3A = arith.sitofp %add3A_24 : i32 to f32
    %eq3A = vector.broadcast %convert_element_type3A : f32 to vector<10000x1xf32>
    %eq3A_25 = arith.cmpf oeq, %get3A_20, %eq3A : vector<10000x1xf32>
    %jit3A_26 = arith.constant -3.000000e+38 : f32
    %broadcast_in_dim3A_27 = vector.shape_cast %eq3A_25 : vector<10000x1xi1> to vector<10000x1xi1>
    %broadcast_in_dim3A_28 = vector.broadcast %broadcast_in_dim3A_27 : vector<10000x1xi1> to vector<10000x64xi1>
    %broadcast_in_dim3A_29 = vector.broadcast %jit3A_26 : f32 to vector<10000x64xf32>
    %select_n3A_30 = arith.select %broadcast_in_dim3A_28, %add3A_17, %broadcast_in_dim3A_29 : vector<10000x64xi1>, vector<10000x64xf32>
    %reduce_max3A = arith.constant dense<0xFF800000> : vector<64xf32>
    %reduce_max3A_31 = vector.multi_reduction <maximumf>, %select_n3A_30, %reduce_max3A [0] : vector<10000x64xf32> to vector<64xf32>
    %jit3A_32 = arith.constant 0.000000e+00 : f32
    %broadcast_in_dim3A_33 = vector.shape_cast %eq3A_25 : vector<10000x1xi1> to vector<10000x1xi1>
    %broadcast_in_dim3A_34 = vector.broadcast %broadcast_in_dim3A_33 : vector<10000x1xi1> to vector<10000x64xi1>
    %broadcast_in_dim3A_35 = vector.broadcast %jit3A_32 : f32 to vector<10000x64xf32>
    %select_n3A_36 = arith.select %broadcast_in_dim3A_34, %add3A_17, %broadcast_in_dim3A_35 : vector<10000x64xi1>, vector<10000x64xf32>
    %reduce_sum3A = arith.constant dense<0.000000e+00> : vector<64xf32>
    %reduce_sum3A_37 = vector.multi_reduction <add>, %select_n3A_36, %reduce_sum3A [0] : vector<10000x64xf32> to vector<64xf32>
    %convert_element_type3A_38 = arith.extui %eq3A_25 : vector<10000x1xi1> to vector<10000x1xi32>
    %convert_element_type3A_39 = arith.sitofp %convert_element_type3A_38 : vector<10000x1xi32> to vector<10000x1xf32>
    %reduce_sum3A_40 = vector.shape_cast %convert_element_type3A_39 : vector<10000x1xf32> to vector<1x10000x1xf32>
    %reduce_sum3A_41 = arith.constant dense<0.000000e+00> : vector<1xf32>
    %reduce_sum3A_42 = vector.multi_reduction <add>, %reduce_sum3A_40, %reduce_sum3A_41 [1, 2] : vector<1x10000x1xf32> to vector<1xf32>
    %reduce_sum3A_43 = vector.shape_cast %reduce_sum3A_42 : vector<1xf32> to vector<1x1x1xf32>
    %reduce_sum3A_44 = vector.extract %reduce_sum3A_43[0, 0, 0] : f32 from vector<1x1x1xf32>
    %gt3A = arith.constant 0.000000e+00 : f32
    %gt3A_45 = arith.cmpf ogt, %reduce_sum3A_44, %gt3A : f32
    %jit3A_46 = arith.constant 0.000000e+00 : f32
    %broadcast_in_dim3A_47 = vector.broadcast %jit3A_46 : f32 to vector<64xf32>
    %select_n3A_48 = arith.select %gt3A_45, %reduce_max3A_31, %broadcast_in_dim3A_47 : vector<64xf32>
    %max3A_49 = arith.constant 1.000000e+00 : f32
    %max3A_50 = arith.maximumf %reduce_sum3A_44, %max3A_49 : f32
    %div3A = vector.broadcast %max3A_50 : f32 to vector<64xf32>
    %div3A_51 = arith.divf %reduce_sum3A_37, %div3A : vector<64xf32>
    %concatenate3A = tpu.concatenate %select_n3A_48, %div3A_51 in 0 : vector<64xf32>, vector<64xf32> -> vector<128xf32>
    %mul3A_52 = arith.constant 8 : i32
    %mul3A_53 = arith.muli %arg0, %mul3A_52 : i32
    %add3A_54 = arith.constant 1 : i32
    %add3A_55 = arith.addi %mul3A_53, %add3A_54 : i32
    %convert_element_type3A_56 = arith.sitofp %add3A_55 : i32 to f32
    %eq3A_57 = vector.broadcast %convert_element_type3A_56 : f32 to vector<10000x1xf32>
    %eq3A_58 = arith.cmpf oeq, %get3A_20, %eq3A_57 : vector<10000x1xf32>
    %jit3A_59 = arith.constant -3.000000e+38 : f32
    %broadcast_in_dim3A_60 = vector.shape_cast %eq3A_58 : vector<10000x1xi1> to vector<10000x1xi1>
    %broadcast_in_dim3A_61 = vector.broadcast %broadcast_in_dim3A_60 : vector<10000x1xi1> to vector<10000x64xi1>
    %broadcast_in_dim3A_62 = vector.broadcast %jit3A_59 : f32 to vector<10000x64xf32>
    %select_n3A_63 = arith.select %broadcast_in_dim3A_61, %add3A_17, %broadcast_in_dim3A_62 : vector<10000x64xi1>, vector<10000x64xf32>
    %reduce_max3A_64 = arith.constant dense<0xFF800000> : vector<64xf32>
    %reduce_max3A_65 = vector.multi_reduction <maximumf>, %select_n3A_63, %reduce_max3A_64 [0] : vector<10000x64xf32> to vector<64xf32>
    %jit3A_66 = arith.constant 0.000000e+00 : f32
    %broadcast_in_dim3A_67 = vector.shape_cast %eq3A_58 : vector<10000x1xi1> to vector<10000x1xi1>
    %broadcast_in_dim3A_68 = vector.broadcast %broadcast_in_dim3A_67 : vector<10000x1xi1> to vector<10000x64xi1>
    %broadcast_in_dim3A_69 = vector.broadcast %jit3A_66 : f32 to vector<10000x64xf32>
    %select_n3A_70 = arith.select %broadcast_in_dim3A_68, %add3A_17, %broadcast_in_dim3A_69 : vector<10000x64xi1>, vector<10000x64xf32>
    %reduce_sum3A_71 = arith.constant dense<0.000000e+00> : vector<64xf32>
    %reduce_sum3A_72 = vector.multi_reduction <add>, %select_n3A_70, %reduce_sum3A_71 [0] : vector<10000x64xf32> to vector<64xf32>
    %convert_element_type3A_73 = arith.extui %eq3A_58 : vector<10000x1xi1> to vector<10000x1xi32>
    %convert_element_type3A_74 = arith.sitofp %convert_element_type3A_73 : vector<10000x1xi32> to vector<10000x1xf32>
    %reduce_sum3A_75 = vector.shape_cast %convert_element_type3A_74 : vector<10000x1xf32> to vector<1x10000x1xf32>
    %reduce_sum3A_76 = arith.constant dense<0.000000e+00> : vector<1xf32>
    %reduce_sum3A_77 = vector.multi_reduction <add>, %reduce_sum3A_75, %reduce_sum3A_76 [1, 2] : vector<1x10000x1xf32> to vector<1xf32>
    %reduce_sum3A_78 = vector.shape_cast %reduce_sum3A_77 : vector<1xf32> to vector<1x1x1xf32>
    %reduce_sum3A_79 = vector.extract %reduce_sum3A_78[0, 0, 0] : f32 from vector<1x1x1xf32>
    %gt3A_80 = arith.constant 0.000000e+00 : f32
    %gt3A_81 = arith.cmpf ogt, %reduce_sum3A_79, %gt3A_80 : f32
    %jit3A_82 = arith.constant 0.000000e+00 : f32
    %broadcast_in_dim3A_83 = vector.broadcast %jit3A_82 : f32 to vector<64xf32>
    %select_n3A_84 = arith.select %gt3A_81, %reduce_max3A_65, %broadcast_in_dim3A_83 : vector<64xf32>
    %max3A_85 = arith.constant 1.000000e+00 : f32
    %max3A_86 = arith.maximumf %reduce_sum3A_79, %max3A_85 : f32
    %div3A_87 = vector.broadcast %max3A_86 : f32 to vector<64xf32>
    %div3A_88 = arith.divf %reduce_sum3A_72, %div3A_87 : vector<64xf32>
    %concatenate3A_89 = tpu.concatenate %select_n3A_84, %div3A_88 in 0 : vector<64xf32>, vector<64xf32> -> vector<128xf32>
    %mul3A_90 = arith.constant 8 : i32
    %mul3A_91 = arith.muli %arg0, %mul3A_90 : i32
    %add3A_92 = arith.constant 2 : i32
    %add3A_93 = arith.addi %mul3A_91, %add3A_92 : i32
    %convert_element_type3A_94 = arith.sitofp %add3A_93 : i32 to f32
    %eq3A_95 = vector.broadcast %convert_element_type3A_94 : f32 to vector<10000x1xf32>
    %eq3A_96 = arith.cmpf oeq, %get3A_20, %eq3A_95 : vector<10000x1xf32>
    %jit3A_97 = arith.constant -3.000000e+38 : f32
    %broadcast_in_dim3A_98 = vector.shape_cast %eq3A_96 : vector<10000x1xi1> to vector<10000x1xi1>
    %broadcast_in_dim3A_99 = vector.broadcast %broadcast_in_dim3A_98 : vector<10000x1xi1> to vector<10000x64xi1>
    %broadcast_in_dim3A_100 = vector.broadcast %jit3A_97 : f32 to vector<10000x64xf32>
    %select_n3A_101 = arith.select %broadcast_in_dim3A_99, %add3A_17, %broadcast_in_dim3A_100 : vector<10000x64xi1>, vector<10000x64xf32>
    %reduce_max3A_102 = arith.constant dense<0xFF800000> : vector<64xf32>
    %reduce_max3A_103 = vector.multi_reduction <maximumf>, %select_n3A_101, %reduce_max3A_102 [0] : vector<10000x64xf32> to vector<64xf32>
    %jit3A_104 = arith.constant 0.000000e+00 : f32
    %broadcast_in_dim3A_105 = vector.shape_cast %eq3A_96 : vector<10000x1xi1> to vector<10000x1xi1>
    %broadcast_in_dim3A_106 = vector.broadcast %broadcast_in_dim3A_105 : vector<10000x1xi1> to vector<10000x64xi1>
    %broadcast_in_dim3A_107 = vector.broadcast %jit3A_104 : f32 to vector<10000x64xf32>
    %select_n3A_108 = arith.select %broadcast_in_dim3A_106, %add3A_17, %broadcast_in_dim3A_107 : vector<10000x64xi1>, vector<10000x64xf32>
    %reduce_sum3A_109 = arith.constant dense<0.000000e+00> : vector<64xf32>
    %reduce_sum3A_110 = vector.multi_reduction <add>, %select_n3A_108, %reduce_sum3A_109 [0] : vector<10000x64xf32> to vector<64xf32>
    %convert_element_type3A_111 = arith.extui %eq3A_96 : vector<10000x1xi1> to vector<10000x1xi32>
    %convert_element_type3A_112 = arith.sitofp %convert_element_type3A_111 : vector<10000x1xi32> to vector<10000x1xf32>
    %reduce_sum3A_113 = vector.shape_cast %convert_element_type3A_112 : vector<10000x1xf32> to vector<1x10000x1xf32>
    %reduce_sum3A_114 = arith.constant dense<0.000000e+00> : vector<1xf32>
    %reduce_sum3A_115 = vector.multi_reduction <add>, %reduce_sum3A_113, %reduce_sum3A_114 [1, 2] : vector<1x10000x1xf32> to vector<1xf32>
    %reduce_sum3A_116 = vector.shape_cast %reduce_sum3A_115 : vector<1xf32> to vector<1x1x1xf32>
    %reduce_sum3A_117 = vector.extract %reduce_sum3A_116[0, 0, 0] : f32 from vector<1x1x1xf32>
    %gt3A_118 = arith.constant 0.000000e+00 : f32
    %gt3A_119 = arith.cmpf ogt, %reduce_sum3A_117, %gt3A_118 : f32
    %jit3A_120 = arith.constant 0.000000e+00 : f32
    %broadcast_in_dim3A_121 = vector.broadcast %jit3A_120 : f32 to vector<64xf32>
    %select_n3A_122 = arith.select %gt3A_119, %reduce_max3A_103, %broadcast_in_dim3A_121 : vector<64xf32>
    %max3A_123 = arith.constant 1.000000e+00 : f32
    %max3A_124 = arith.maximumf %reduce_sum3A_117, %max3A_123 : f32
    %div3A_125 = vector.broadcast %max3A_124 : f32 to vector<64xf32>
    %div3A_126 = arith.divf %reduce_sum3A_110, %div3A_125 : vector<64xf32>
    %concatenate3A_127 = tpu.concatenate %select_n3A_122, %div3A_126 in 0 : vector<64xf32>, vector<64xf32> -> vector<128xf32>
    %mul3A_128 = arith.constant 8 : i32
    %mul3A_129 = arith.muli %arg0, %mul3A_128 : i32
    %add3A_130 = arith.constant 3 : i32
    %add3A_131 = arith.addi %mul3A_129, %add3A_130 : i32
    %convert_element_type3A_132 = arith.sitofp %add3A_131 : i32 to f32
    %eq3A_133 = vector.broadcast %convert_element_type3A_132 : f32 to vector<10000x1xf32>
    %eq3A_134 = arith.cmpf oeq, %get3A_20, %eq3A_133 : vector<10000x1xf32>
    %jit3A_135 = arith.constant -3.000000e+38 : f32
    %broadcast_in_dim3A_136 = vector.shape_cast %eq3A_134 : vector<10000x1xi1> to vector<10000x1xi1>
    %broadcast_in_dim3A_137 = vector.broadcast %broadcast_in_dim3A_136 : vector<10000x1xi1> to vector<10000x64xi1>
    %broadcast_in_dim3A_138 = vector.broadcast %jit3A_135 : f32 to vector<10000x64xf32>
    %select_n3A_139 = arith.select %broadcast_in_dim3A_137, %add3A_17, %broadcast_in_dim3A_138 : vector<10000x64xi1>, vector<10000x64xf32>
    %reduce_max3A_140 = arith.constant dense<0xFF800000> : vector<64xf32>
    %reduce_max3A_141 = vector.multi_reduction <maximumf>, %select_n3A_139, %reduce_max3A_140 [0] : vector<10000x64xf32> to vector<64xf32>
    %jit3A_142 = arith.constant 0.000000e+00 : f32
    %broadcast_in_dim3A_143 = vector.shape_cast %eq3A_134 : vector<10000x1xi1> to vector<10000x1xi1>
    %broadcast_in_dim3A_144 = vector.broadcast %broadcast_in_dim3A_143 : vector<10000x1xi1> to vector<10000x64xi1>
    %broadcast_in_dim3A_145 = vector.broadcast %jit3A_142 : f32 to vector<10000x64xf32>
    %select_n3A_146 = arith.select %broadcast_in_dim3A_144, %add3A_17, %broadcast_in_dim3A_145 : vector<10000x64xi1>, vector<10000x64xf32>
    %reduce_sum3A_147 = arith.constant dense<0.000000e+00> : vector<64xf32>
    %reduce_sum3A_148 = vector.multi_reduction <add>, %select_n3A_146, %reduce_sum3A_147 [0] : vector<10000x64xf32> to vector<64xf32>
    %convert_element_type3A_149 = arith.extui %eq3A_134 : vector<10000x1xi1> to vector<10000x1xi32>
    %convert_element_type3A_150 = arith.sitofp %convert_element_type3A_149 : vector<10000x1xi32> to vector<10000x1xf32>
    %reduce_sum3A_151 = vector.shape_cast %convert_element_type3A_150 : vector<10000x1xf32> to vector<1x10000x1xf32>
    %reduce_sum3A_152 = arith.constant dense<0.000000e+00> : vector<1xf32>
    %reduce_sum3A_153 = vector.multi_reduction <add>, %reduce_sum3A_151, %reduce_sum3A_152 [1, 2] : vector<1x10000x1xf32> to vector<1xf32>
    %reduce_sum3A_154 = vector.shape_cast %reduce_sum3A_153 : vector<1xf32> to vector<1x1x1xf32>
    %reduce_sum3A_155 = vector.extract %reduce_sum3A_154[0, 0, 0] : f32 from vector<1x1x1xf32>
    %gt3A_156 = arith.constant 0.000000e+00 : f32
    %gt3A_157 = arith.cmpf ogt, %reduce_sum3A_155, %gt3A_156 : f32
    %jit3A_158 = arith.constant 0.000000e+00 : f32
    %broadcast_in_dim3A_159 = vector.broadcast %jit3A_158 : f32 to vector<64xf32>
    %select_n3A_160 = arith.select %gt3A_157, %reduce_max3A_141, %broadcast_in_dim3A_159 : vector<64xf32>
    %max3A_161 = arith.constant 1.000000e+00 : f32
    %max3A_162 = arith.maximumf %reduce_sum3A_155, %max3A_161 : f32
    %div3A_163 = vector.broadcast %max3A_162 : f32 to vector<64xf32>
    %div3A_164 = arith.divf %reduce_sum3A_148, %div3A_163 : vector<64xf32>
    %concatenate3A_165 = tpu.concatenate %select_n3A_160, %div3A_164 in 0 : vector<64xf32>, vector<64xf32> -> vector<128xf32>
    %mul3A_166 = arith.constant 8 : i32
    %mul3A_167 = arith.muli %arg0, %mul3A_166 : i32
    %add3A_168 = arith.constant 4 : i32
    %add3A_169 = arith.addi %mul3A_167, %add3A_168 : i32
    %convert_element_type3A_170 = arith.sitofp %add3A_169 : i32 to f32
    %eq3A_171 = vector.broadcast %convert_element_type3A_170 : f32 to vector<10000x1xf32>
    %eq3A_172 = arith.cmpf oeq, %get3A_20, %eq3A_171 : vector<10000x1xf32>
    %jit3A_173 = arith.constant -3.000000e+38 : f32
    %broadcast_in_dim3A_174 = vector.shape_cast %eq3A_172 : vector<10000x1xi1> to vector<10000x1xi1>
    %broadcast_in_dim3A_175 = vector.broadcast %broadcast_in_dim3A_174 : vector<10000x1xi1> to vector<10000x64xi1>
    %broadcast_in_dim3A_176 = vector.broadcast %jit3A_173 : f32 to vector<10000x64xf32>
    %select_n3A_177 = arith.select %broadcast_in_dim3A_175, %add3A_17, %broadcast_in_dim3A_176 : vector<10000x64xi1>, vector<10000x64xf32>
    %reduce_max3A_178 = arith.constant dense<0xFF800000> : vector<64xf32>
    %reduce_max3A_179 = vector.multi_reduction <maximumf>, %select_n3A_177, %reduce_max3A_178 [0] : vector<10000x64xf32> to vector<64xf32>
    %jit3A_180 = arith.constant 0.000000e+00 : f32
    %broadcast_in_dim3A_181 = vector.shape_cast %eq3A_172 : vector<10000x1xi1> to vector<10000x1xi1>
    %broadcast_in_dim3A_182 = vector.broadcast %broadcast_in_dim3A_181 : vector<10000x1xi1> to vector<10000x64xi1>
    %broadcast_in_dim3A_183 = vector.broadcast %jit3A_180 : f32 to vector<10000x64xf32>
    %select_n3A_184 = arith.select %broadcast_in_dim3A_182, %add3A_17, %broadcast_in_dim3A_183 : vector<10000x64xi1>, vector<10000x64xf32>
    %reduce_sum3A_185 = arith.constant dense<0.000000e+00> : vector<64xf32>
    %reduce_sum3A_186 = vector.multi_reduction <add>, %select_n3A_184, %reduce_sum3A_185 [0] : vector<10000x64xf32> to vector<64xf32>
    %convert_element_type3A_187 = arith.extui %eq3A_172 : vector<10000x1xi1> to vector<10000x1xi32>
    %convert_element_type3A_188 = arith.sitofp %convert_element_type3A_187 : vector<10000x1xi32> to vector<10000x1xf32>
    %reduce_sum3A_189 = vector.shape_cast %convert_element_type3A_188 : vector<10000x1xf32> to vector<1x10000x1xf32>
    %reduce_sum3A_190 = arith.constant dense<0.000000e+00> : vector<1xf32>
    %reduce_sum3A_191 = vector.multi_reduction <add>, %reduce_sum3A_189, %reduce_sum3A_190 [1, 2] : vector<1x10000x1xf32> to vector<1xf32>
    %reduce_sum3A_192 = vector.shape_cast %reduce_sum3A_191 : vector<1xf32> to vector<1x1x1xf32>
    %reduce_sum3A_193 = vector.extract %reduce_sum3A_192[0, 0, 0] : f32 from vector<1x1x1xf32>
    %gt3A_194 = arith.constant 0.000000e+00 : f32
    %gt3A_195 = arith.cmpf ogt, %reduce_sum3A_193, %gt3A_194 : f32
    %jit3A_196 = arith.constant 0.000000e+00 : f32
    %broadcast_in_dim3A_197 = vector.broadcast %jit3A_196 : f32 to vector<64xf32>
    %select_n3A_198 = arith.select %gt3A_195, %reduce_max3A_179, %broadcast_in_dim3A_197 : vector<64xf32>
    %max3A_199 = arith.constant 1.000000e+00 : f32
    %max3A_200 = arith.maximumf %reduce_sum3A_193, %max3A_199 : f32
    %div3A_201 = vector.broadcast %max3A_200 : f32 to vector<64xf32>
    %div3A_202 = arith.divf %reduce_sum3A_186, %div3A_201 : vector<64xf32>
    %concatenate3A_203 = tpu.concatenate %select_n3A_198, %div3A_202 in 0 : vector<64xf32>, vector<64xf32> -> vector<128xf32>
    %mul3A_204 = arith.constant 8 : i32
    %mul3A_205 = arith.muli %arg0, %mul3A_204 : i32
    %add3A_206 = arith.constant 5 : i32
    %add3A_207 = arith.addi %mul3A_205, %add3A_206 : i32
    %convert_element_type3A_208 = arith.sitofp %add3A_207 : i32 to f32
    %eq3A_209 = vector.broadcast %convert_element_type3A_208 : f32 to vector<10000x1xf32>
    %eq3A_210 = arith.cmpf oeq, %get3A_20, %eq3A_209 : vector<10000x1xf32>
    %jit3A_211 = arith.constant -3.000000e+38 : f32
    %broadcast_in_dim3A_212 = vector.shape_cast %eq3A_210 : vector<10000x1xi1> to vector<10000x1xi1>
    %broadcast_in_dim3A_213 = vector.broadcast %broadcast_in_dim3A_212 : vector<10000x1xi1> to vector<10000x64xi1>
    %broadcast_in_dim3A_214 = vector.broadcast %jit3A_211 : f32 to vector<10000x64xf32>
    %select_n3A_215 = arith.select %broadcast_in_dim3A_213, %add3A_17, %broadcast_in_dim3A_214 : vector<10000x64xi1>, vector<10000x64xf32>
    %reduce_max3A_216 = arith.constant dense<0xFF800000> : vector<64xf32>
    %reduce_max3A_217 = vector.multi_reduction <maximumf>, %select_n3A_215, %reduce_max3A_216 [0] : vector<10000x64xf32> to vector<64xf32>
    %jit3A_218 = arith.constant 0.000000e+00 : f32
    %broadcast_in_dim3A_219 = vector.shape_cast %eq3A_210 : vector<10000x1xi1> to vector<10000x1xi1>
    %broadcast_in_dim3A_220 = vector.broadcast %broadcast_in_dim3A_219 : vector<10000x1xi1> to vector<10000x64xi1>
    %broadcast_in_dim3A_221 = vector.broadcast %jit3A_218 : f32 to vector<10000x64xf32>
    %select_n3A_222 = arith.select %broadcast_in_dim3A_220, %add3A_17, %broadcast_in_dim3A_221 : vector<10000x64xi1>, vector<10000x64xf32>
    %reduce_sum3A_223 = arith.constant dense<0.000000e+00> : vector<64xf32>
    %reduce_sum3A_224 = vector.multi_reduction <add>, %select_n3A_222, %reduce_sum3A_223 [0] : vector<10000x64xf32> to vector<64xf32>
    %convert_element_type3A_225 = arith.extui %eq3A_210 : vector<10000x1xi1> to vector<10000x1xi32>
    %convert_element_type3A_226 = arith.sitofp %convert_element_type3A_225 : vector<10000x1xi32> to vector<10000x1xf32>
    %reduce_sum3A_227 = vector.shape_cast %convert_element_type3A_226 : vector<10000x1xf32> to vector<1x10000x1xf32>
    %reduce_sum3A_228 = arith.constant dense<0.000000e+00> : vector<1xf32>
    %reduce_sum3A_229 = vector.multi_reduction <add>, %reduce_sum3A_227, %reduce_sum3A_228 [1, 2] : vector<1x10000x1xf32> to vector<1xf32>
    %reduce_sum3A_230 = vector.shape_cast %reduce_sum3A_229 : vector<1xf32> to vector<1x1x1xf32>
    %reduce_sum3A_231 = vector.extract %reduce_sum3A_230[0, 0, 0] : f32 from vector<1x1x1xf32>
    %gt3A_232 = arith.constant 0.000000e+00 : f32
    %gt3A_233 = arith.cmpf ogt, %reduce_sum3A_231, %gt3A_232 : f32
    %jit3A_234 = arith.constant 0.000000e+00 : f32
    %broadcast_in_dim3A_235 = vector.broadcast %jit3A_234 : f32 to vector<64xf32>
    %select_n3A_236 = arith.select %gt3A_233, %reduce_max3A_217, %broadcast_in_dim3A_235 : vector<64xf32>
    %max3A_237 = arith.constant 1.000000e+00 : f32
    %max3A_238 = arith.maximumf %reduce_sum3A_231, %max3A_237 : f32
    %div3A_239 = vector.broadcast %max3A_238 : f32 to vector<64xf32>
    %div3A_240 = arith.divf %reduce_sum3A_224, %div3A_239 : vector<64xf32>
    %concatenate3A_241 = tpu.concatenate %select_n3A_236, %div3A_240 in 0 : vector<64xf32>, vector<64xf32> -> vector<128xf32>
    %mul3A_242 = arith.constant 8 : i32
    %mul3A_243 = arith.muli %arg0, %mul3A_242 : i32
    %add3A_244 = arith.constant 6 : i32
    %add3A_245 = arith.addi %mul3A_243, %add3A_244 : i32
    %convert_element_type3A_246 = arith.sitofp %add3A_245 : i32 to f32
    %eq3A_247 = vector.broadcast %convert_element_type3A_246 : f32 to vector<10000x1xf32>
    %eq3A_248 = arith.cmpf oeq, %get3A_20, %eq3A_247 : vector<10000x1xf32>
    %jit3A_249 = arith.constant -3.000000e+38 : f32
    %broadcast_in_dim3A_250 = vector.shape_cast %eq3A_248 : vector<10000x1xi1> to vector<10000x1xi1>
    %broadcast_in_dim3A_251 = vector.broadcast %broadcast_in_dim3A_250 : vector<10000x1xi1> to vector<10000x64xi1>
    %broadcast_in_dim3A_252 = vector.broadcast %jit3A_249 : f32 to vector<10000x64xf32>
    %select_n3A_253 = arith.select %broadcast_in_dim3A_251, %add3A_17, %broadcast_in_dim3A_252 : vector<10000x64xi1>, vector<10000x64xf32>
    %reduce_max3A_254 = arith.constant dense<0xFF800000> : vector<64xf32>
    %reduce_max3A_255 = vector.multi_reduction <maximumf>, %select_n3A_253, %reduce_max3A_254 [0] : vector<10000x64xf32> to vector<64xf32>
    %jit3A_256 = arith.constant 0.000000e+00 : f32
    %broadcast_in_dim3A_257 = vector.shape_cast %eq3A_248 : vector<10000x1xi1> to vector<10000x1xi1>
    %broadcast_in_dim3A_258 = vector.broadcast %broadcast_in_dim3A_257 : vector<10000x1xi1> to vector<10000x64xi1>
    %broadcast_in_dim3A_259 = vector.broadcast %jit3A_256 : f32 to vector<10000x64xf32>
    %select_n3A_260 = arith.select %broadcast_in_dim3A_258, %add3A_17, %broadcast_in_dim3A_259 : vector<10000x64xi1>, vector<10000x64xf32>
    %reduce_sum3A_261 = arith.constant dense<0.000000e+00> : vector<64xf32>
    %reduce_sum3A_262 = vector.multi_reduction <add>, %select_n3A_260, %reduce_sum3A_261 [0] : vector<10000x64xf32> to vector<64xf32>
    %convert_element_type3A_263 = arith.extui %eq3A_248 : vector<10000x1xi1> to vector<10000x1xi32>
    %convert_element_type3A_264 = arith.sitofp %convert_element_type3A_263 : vector<10000x1xi32> to vector<10000x1xf32>
    %reduce_sum3A_265 = vector.shape_cast %convert_element_type3A_264 : vector<10000x1xf32> to vector<1x10000x1xf32>
    %reduce_sum3A_266 = arith.constant dense<0.000000e+00> : vector<1xf32>
    %reduce_sum3A_267 = vector.multi_reduction <add>, %reduce_sum3A_265, %reduce_sum3A_266 [1, 2] : vector<1x10000x1xf32> to vector<1xf32>
    %reduce_sum3A_268 = vector.shape_cast %reduce_sum3A_267 : vector<1xf32> to vector<1x1x1xf32>
    %reduce_sum3A_269 = vector.extract %reduce_sum3A_268[0, 0, 0] : f32 from vector<1x1x1xf32>
    %gt3A_270 = arith.constant 0.000000e+00 : f32
    %gt3A_271 = arith.cmpf ogt, %reduce_sum3A_269, %gt3A_270 : f32
    %jit3A_272 = arith.constant 0.000000e+00 : f32
    %broadcast_in_dim3A_273 = vector.broadcast %jit3A_272 : f32 to vector<64xf32>
    %select_n3A_274 = arith.select %gt3A_271, %reduce_max3A_255, %broadcast_in_dim3A_273 : vector<64xf32>
    %max3A_275 = arith.constant 1.000000e+00 : f32
    %max3A_276 = arith.maximumf %reduce_sum3A_269, %max3A_275 : f32
    %div3A_277 = vector.broadcast %max3A_276 : f32 to vector<64xf32>
    %div3A_278 = arith.divf %reduce_sum3A_262, %div3A_277 : vector<64xf32>
    %concatenate3A_279 = tpu.concatenate %select_n3A_274, %div3A_278 in 0 : vector<64xf32>, vector<64xf32> -> vector<128xf32>
    %mul3A_280 = arith.constant 8 : i32
    %mul3A_281 = arith.muli %arg0, %mul3A_280 : i32
    %add3A_282 = arith.constant 7 : i32
    %add3A_283 = arith.addi %mul3A_281, %add3A_282 : i32
    %convert_element_type3A_284 = arith.sitofp %add3A_283 : i32 to f32
    %eq3A_285 = vector.broadcast %convert_element_type3A_284 : f32 to vector<10000x1xf32>
    %eq3A_286 = arith.cmpf oeq, %get3A_20, %eq3A_285 : vector<10000x1xf32>
    %jit3A_287 = arith.constant -3.000000e+38 : f32
    %broadcast_in_dim3A_288 = vector.shape_cast %eq3A_286 : vector<10000x1xi1> to vector<10000x1xi1>
    %broadcast_in_dim3A_289 = vector.broadcast %broadcast_in_dim3A_288 : vector<10000x1xi1> to vector<10000x64xi1>
    %broadcast_in_dim3A_290 = vector.broadcast %jit3A_287 : f32 to vector<10000x64xf32>
    %select_n3A_291 = arith.select %broadcast_in_dim3A_289, %add3A_17, %broadcast_in_dim3A_290 : vector<10000x64xi1>, vector<10000x64xf32>
    %reduce_max3A_292 = arith.constant dense<0xFF800000> : vector<64xf32>
    %reduce_max3A_293 = vector.multi_reduction <maximumf>, %select_n3A_291, %reduce_max3A_292 [0] : vector<10000x64xf32> to vector<64xf32>
    %jit3A_294 = arith.constant 0.000000e+00 : f32
    %broadcast_in_dim3A_295 = vector.shape_cast %eq3A_286 : vector<10000x1xi1> to vector<10000x1xi1>
    %broadcast_in_dim3A_296 = vector.broadcast %broadcast_in_dim3A_295 : vector<10000x1xi1> to vector<10000x64xi1>
    %broadcast_in_dim3A_297 = vector.broadcast %jit3A_294 : f32 to vector<10000x64xf32>
    %select_n3A_298 = arith.select %broadcast_in_dim3A_296, %add3A_17, %broadcast_in_dim3A_297 : vector<10000x64xi1>, vector<10000x64xf32>
    %reduce_sum3A_299 = arith.constant dense<0.000000e+00> : vector<64xf32>
    %reduce_sum3A_300 = vector.multi_reduction <add>, %select_n3A_298, %reduce_sum3A_299 [0] : vector<10000x64xf32> to vector<64xf32>
    %convert_element_type3A_301 = arith.extui %eq3A_286 : vector<10000x1xi1> to vector<10000x1xi32>
    %convert_element_type3A_302 = arith.sitofp %convert_element_type3A_301 : vector<10000x1xi32> to vector<10000x1xf32>
    %reduce_sum3A_303 = vector.shape_cast %convert_element_type3A_302 : vector<10000x1xf32> to vector<1x10000x1xf32>
    %reduce_sum3A_304 = arith.constant dense<0.000000e+00> : vector<1xf32>
    %reduce_sum3A_305 = vector.multi_reduction <add>, %reduce_sum3A_303, %reduce_sum3A_304 [1, 2] : vector<1x10000x1xf32> to vector<1xf32>
    %reduce_sum3A_306 = vector.shape_cast %reduce_sum3A_305 : vector<1xf32> to vector<1x1x1xf32>
    %reduce_sum3A_307 = vector.extract %reduce_sum3A_306[0, 0, 0] : f32 from vector<1x1x1xf32>
    %gt3A_308 = arith.constant 0.000000e+00 : f32
    %gt3A_309 = arith.cmpf ogt, %reduce_sum3A_307, %gt3A_308 : f32
    %jit3A_310 = arith.constant 0.000000e+00 : f32
    %broadcast_in_dim3A_311 = vector.broadcast %jit3A_310 : f32 to vector<64xf32>
    %select_n3A_312 = arith.select %gt3A_309, %reduce_max3A_293, %broadcast_in_dim3A_311 : vector<64xf32>
    %max3A_313 = arith.constant 1.000000e+00 : f32
    %max3A_314 = arith.maximumf %reduce_sum3A_307, %max3A_313 : f32
    %div3A_315 = vector.broadcast %max3A_314 : f32 to vector<64xf32>
    %div3A_316 = arith.divf %reduce_sum3A_300, %div3A_315 : vector<64xf32>
    %concatenate3A_317 = tpu.concatenate %select_n3A_312, %div3A_316 in 0 : vector<64xf32>, vector<64xf32> -> vector<128xf32>
    %stack3A = vector.shape_cast %concatenate3A : vector<128xf32> to vector<1x128xf32>
    %stack3A_318 = vector.shape_cast %concatenate3A_89 : vector<128xf32> to vector<1x128xf32>
    %stack3A_319 = vector.shape_cast %concatenate3A_127 : vector<128xf32> to vector<1x128xf32>
    %stack3A_320 = vector.shape_cast %concatenate3A_165 : vector<128xf32> to vector<1x128xf32>
    %stack3A_321 = vector.shape_cast %concatenate3A_203 : vector<128xf32> to vector<1x128xf32>
    %stack3A_322 = vector.shape_cast %concatenate3A_241 : vector<128xf32> to vector<1x128xf32>
    %stack3A_323 = vector.shape_cast %concatenate3A_279 : vector<128xf32> to vector<1x128xf32>
    %stack3A_324 = vector.shape_cast %concatenate3A_317 : vector<128xf32> to vector<1x128xf32>
    %stack3A_325 = tpu.concatenate %stack3A, %stack3A_318, %stack3A_319, %stack3A_320, %stack3A_321, %stack3A_322, %stack3A_323, %stack3A_324 in 0 : vector<1x128xf32>, vector<1x128xf32>, vector<1x128xf32>, vector<1x128xf32>, vector<1x128xf32>, vector<1x128xf32>, vector<1x128xf32>, vector<1x128xf32> -> vector<8x128xf32>
    %swap3A = arith.constant 0 : index
    %swap3A_326 = arith.constant 0 : index
    %swap3A_327 = vector.load %arg6[%swap3A, %swap3A_326] : memref<8x128xf32, #tpu.memory_space<vmem>>, vector<8x128xf32>
    tpu.vector_store %arg6[%swap3A, %swap3A_326], %stack3A_325 {strides = array<i32>} : memref<8x128xf32, #tpu.memory_space<vmem>>, vector<8x128xf32>,
    return
  }
  func.func @transform_0(%arg0: i32) -> (i32, i32) {
    %c0_i32 = arith.constant 0 : i32
    %c0_i32_0 = arith.constant 0 : i32
    %c0_i32_1 = arith.constant 0 : i32
    return %c0_i32, %c0_i32_0 : i32, i32
  }
  func.func @transform_1(%arg0: i32) -> (i32, i32) {
    %c0_i32 = arith.constant 0 : i32
    %c0_i32_0 = arith.constant 0 : i32
    %c0_i32_1 = arith.constant 0 : i32
    return %c0_i32, %c0_i32_0 : i32, i32
  }
  func.func @transform_2(%arg0: i32) -> (i32, i32) {
    %c0_i32 = arith.constant 0 : i32
    %c0_i32_0 = arith.constant 0 : i32
    %c0_i32_1 = arith.constant 0 : i32
    return %c0_i32, %c0_i32_0 : i32, i32
  }
  func.func @transform_3(%arg0: i32) -> (i32, i32) {
    %c0_i32 = arith.constant 0 : i32
    %c0_i32_0 = arith.constant 0 : i32
    %c0_i32_1 = arith.constant 0 : i32
    return %c0_i32, %c0_i32_0 : i32, i32
  }
  func.func @transform_4(%arg0: i32) -> (i32, i32) {
    %c0_i32 = arith.constant 0 : i32
    %c0_i32_0 = arith.constant 0 : i32
    %c0_i32_1 = arith.constant 0 : i32
    return %c0_i32, %c0_i32_0 : i32, i32
  }
  func.func @transform_5(%arg0: i32) -> (i32, i32) {
    %c0_i32 = arith.constant 0 : i32
    %c0_i32_0 = arith.constant 0 : i32
    return %arg0, %c0_i32 : i32, i32
  }
}

</mosaic_0001>

<sc_bundles>
// kernel: kernel.10.cloned.1.call-start
scs
__scs_entry_jumppad:
0x0: {  	(pc) =	sbr.rel $0x88, $3  }
0x1: {  	(tag) =	ssettag $0x0;
	lr =	simm.s32 $0x1  }
0x2: {  	[smem:$0x3F92] =	sst lr;
	_ =	strace $0xD0000000  }
0x3: {  	_ = 	snop  }
0x4: {  	_ = 	snop  }
0x5: {  	_ = 	snop  }
0x6: {  	_ = 	snop  }
0x7: {  	_ = 	snop  }
__scs_overlays_trampoline_lowered:
0x8: {  	[smem:$0x3FA1] =	sst s0  }
0x9: {  	[smem:$0x3FA2] =	sst s1  }
0xa: {  	[smem:$0x3FA3] =	sst s2  }
0xb: {  	[smem:$0x3FA4] =	sst s3  }
0xc: {  	[smem:$0x3FA5] =	sst s4  }
0xd: {  	[smem:$0x3FA6] =	sst s5  }
0xe: {  	[smem:$0x3FA7] =	sst s6  }
0xf: {  	[smem:$0x3FA8] =	sst s7  }
0x10: {  	[smem:$0x3FA9] =	sst s8  }
0x11: {  	[smem:$0x3FAA] =	sst s9;
	s0 =	simm.s32 @!p0 $0x0  }
0x12: {  	s1 =	sld [smem:$0x3F90];
	s0 =	simm.s32 @p0 $0x1  }
0x13: {  	[smem:$0x3FAB] =	sst s0;
	s0 =	simm.s32 @!p1 $0x0  }
0x14: {  	s2 =	sld [smem:$0x3F8F];
	s0 =	simm.s32 @p1 $0x1  }
0x15: {  	[smem:$0x3FAC] =	sst s0;
	s0 =	simm.s32 @!p2 $0x0  }
0x16: {  	s3 =	sld [smem:$0x3FDB];
	s0 =	simm.s32 @p2 $0x1  }
0x17: {  	s4 =	simm.s32 $0x1BF5;
	[smem:$0x3FAE] =	sst s0  }
0x18: {  	s0 =	sld [smem:$0x3F91];
	_ =	swait.ge [sflag:s4], $0x0  }
0x19: {  	s7 =	sld [smem:$0x3F92]  }
0x1a: {  	s8 =	sadd.s32 $0xFFFFE003, lr  }
0x1b: {  	s9 =	sadd.s32 $0xFFFFFEF7, lr;
	s5 =	simm.s32 $0xFFFFFFFF;
	p2 =	slt.u32 s8, $0xFFFFF086  }
0x1c: {  	p1 =	slt.u32 s9, $0xF7A;
	s5 =	simm.s32 @!p2 $0x0  }
0x1d: {  	s5 =	simm.s32 @p1 $0x1;
	p0 =	seq.s32 s7, s2  }
0x1e: {  	s7 =	smul.u32 @!p0 $0xF7A, s2;
	p2 =	seq.s32 @!p0 s5, $0x0  }
0x1f: {  	s9 =	smul.u32 $0xF7A, s1;
	s8 =	simm.s32 @!p0 $0x1BF5;
	p2 =	por !p2, p0  }
0x20: {  	[sflag:s8] =	ssyncset.s32 @!p0 $0xFFFFF086;
	s6 =	sadd.s32 @!p0 s3, s7;
	s7 =	simm.s32 @!p0 $0x108  }
0x21: {  	s3 =	sadd.s32 s3, s9;
	s6 =	sadd.s32 @!p0 $0x88, s6;
	s7 =	simm.s32 @p2 $0x1082  }
0x22: {  	[simem:s7], [sflag:s8] =	dma.local @!p0 [hbm:s6], $0xF7A  }
0x23: {  	s9 =	sor.u32 $0xD0000000, s2;
	s6 =	simm.s32 $0x108;
	_ =	swait.ge @!p0 [sflag:s8], $0x0  }
0x24: {  	s3 =	sadd.s32 $0x88, s3;
	s6 =	simm.s32 @!p1 $0x1082;
	[sflag:s4] =	ssyncset.s32 $0xFFFFF086  }
0x25: {  	[simem:s6], [sflag:s4] =	dma.local [hbm:s3], $0xF7A  }
0x26: {  	[smem:$0x3F92] =	sst s1;
	(tag) =	ssettag s2;
	_ =	strace s9  }
0x27: {  	s1 =	sld [smem:$0x3FA2]  }
0x28: {  	s2 =	sld [smem:$0x3FA3]  }
0x29: {  	s4 =	sld [smem:$0x3FA5]  }
0x2a: {  	p0 =	seq.s32 s5, $0x0;
	s5 =	sld [smem:$0x3FA6]  }
0x2b: {  	s6 =	sld [smem:$0x3FA7]  }
0x2c: {  	s7 =	sld [smem:$0x3FA8]  }
0x2d: {  	s3 =	simm.s32 $0x108;
	s8 =	sld [smem:$0x3FA9]  }
0x2e: {  	s3 =	simm.s32 @!p0 $0x1082;
	s9 =	sld [smem:$0x3FAA]  }
0x2f: {  	lr =	sadd.s32 s0, s3;
	s0 =	sld [smem:$0x3FA1]  }
0x30: {  	s3 =	sld [smem:$0x3FA4]  }
0x31: {  	[smem:$0x3FAD] =	sst s10  }
0x32: {  	s10 =	sld [smem:$0x3FAB];
	_ =	sdelay $0x3  }
0x33: {  	p0 =	seq.s32 s10, $0x1;
	s10 =	sld [smem:$0x3FAD];
	_ =	sdelay $0x3  }
0x34: {  	[smem:$0x3FAD] =	sst s10  }
0x35: {  	s10 =	sld [smem:$0x3FAC];
	_ =	sdelay $0x3  }
0x36: {  	p1 =	seq.s32 s10, $0x1;
	s10 =	sld [smem:$0x3FAD];
	_ =	sdelay $0x3  }
0x37: {  	[smem:$0x3FAD] =	sst s10  }
0x38: {  	s10 =	sld [smem:$0x3FAE]  }
0x39: {  	_ = 	snop;
	(pc) =	sbr.ind lr, $3  }
0x3a: {  	_ = 	snop  }
0x3b: {  	_ = 	snop  }
0x3c: {  	p2 =	seq.s32 s10, $0x1;
	s10 =	sld [smem:$0x3FAD]  }
0x3d: {  	_ =	shalt  }
0x3e: {  	_ =	shalt  }
0x3f: {  	_ =	shalt  }
0x40: {  	_ =	shalt  }
0x41: {  	_ =	shalt  }
0x42: {  	_ =	shalt  }
0x43: {  	_ =	shalt  }
0x44: {  	_ =	shalt  }
0x45: {  	_ =	shalt  }
0x46: {  	_ =	shalt  }
0x47: {  	_ =	shalt  }
0x48: {  	_ =	shalt  }
0x49: {  	_ =	shalt  }
0x4a: {  	_ =	shalt  }
0x4b: {  	_ =	shalt  }
0x4c: {  	_ =	shalt  }
0x4d: {  	_ =	shalt  }
0x4e: {  	_ =	shalt  }
0x4f: {  	_ =	shalt  }
0x50: {  	_ =	shalt  }
0x51: {  	_ =	shalt  }
0x52: {  	_ =	shalt  }
0x53: {  	_ =	shalt  }
0x54: {  	_ =	shalt  }
0x55: {  	_ =	shalt  }
0x56: {  	_ =	shalt  }
0x57: {  	_ =	shalt  }
0x58: {  	_ =	shalt  }
0x59: {  	_ =	shalt  }
0x5a: {  	_ =	shalt  }
0x5b: {  	_ =	shalt  }
0x5c: {  	_ =	shalt  }
0x5d: {  	_ =	shalt  }
0x5e: {  	_ =	shalt  }
0x5f: {  	_ =	shalt  }
0x60: {  	_ =	shalt  }
0x61: {  	_ =	shalt  }
0x62: {  	_ =	shalt  }
0x63: {  	_ =	shalt  }
0x64: {  	_ =	shalt  }
0x65: {  	_ =	shalt  }
0x66: {  	_ =	shalt  }
0x67: {  	_ =	shalt  }
0x68: {  	_ =	shalt  }
0x69: {  	_ =	shalt  }
0x6a: {  	_ =	shalt  }
0x6b: {  	_ =	shalt  }
0x6c: {  	_ =	shalt  }
0x6d: {  	_ =	shalt  }
0x6e: {  	_ =	shalt  }
0x6f: {  	_ =	shalt  }
0x70: {  	_ =	shalt  }
0x71: {  	_ =	shalt  }
0x72: {  	_ =	shalt  }
0x73: {  	_ =	shalt  }
0x74: {  	_ =	shalt  }
0x75: {  	_ =	shalt  }
0x76: {  	_ =	shalt  }
0x77: {  	_ =	shalt  }
0x78: {  	_ =	shalt  }
0x79: {  	_ =	shalt  }
0x7a: {  	_ =	shalt  }
0x7b: {  	_ =	shalt  }
0x7c: {  	_ =	shalt  }
0x7d: {  	_ =	shalt  }
0x7e: {  	_ =	shalt  }
0x7f: {  	_ =	shalt  }
0x80: {  	_ =	shalt  }
0x81: {  	_ =	shalt  }
0x82: {  	_ =	shalt  }
0x83: {  	_ =	shalt  }
0x84: {  	_ =	shalt  }
0x85: {  	_ =	shalt  }
0x86: {  	_ =	shalt  }
0x87: {  	_ =	shalt  }
.Lfunc_end0:
.L_simem_size_0:
called_computation_lowered:
.L_overlay_start_0:
0x88: {  	s2 =	sld [smem:$0x3FD9]  }
0x89: {  	s3 =	sld [smem:$0x3FFE];
	_ =	sdelay $0x1  }
0x8a: {  	s1 =	srdreg.scid  }
0x8b: {  	s0 =	sand.u32 $0x1, s1  }
0x8c: {  	s17 =	sshll.u32 s0, $0xA;
	s2 =	sadd.s32 s3, s2  }
0x8d: {  	s2 =	sadd.s32 s2, s17  }
0x8e: {  	[smem:$0x3FB9] =	sst s2  }
0x8f: {  	_ = 	snop  }
0x90: {  	s2 =	sld [smem:$0x3FD0];
	(tm) =	ssettm $0x1  }
0x91: {  	s18 =	sld [smem:$0x3FFB];
	_ =	sdelay $0x3  }
0x92: {  	_ =	strace s18  }
0x93: {  	s3 =	sld [smem:$0x3FFC];
	_ =	sdelay $0x3  }
0x94: {  	_ =	strace s3  }
0x95: {  	s3 =	sld [smem:$0x3FFD];
	_ =	sdelay $0x3  }
0x96: {  	_ =	strace s3  }
0x97: {  	_ =	strace $0x8FFFFFFF  }
0x98: {  	s19 =	sld [smem:$0x3FDB];
	_ =	sdelay $0x1  }
0x99: {  	s4 =	simm.s32 $_scs_section_size  }
0x9a: {  	s5 =	simm.s32 $_size__tile_overlayer_lowered;
	s6 =	simm.s32 $_tile_overlayer_lowered  }
0x9b: {  	s22 =	simm.s32 $0x1BFF;
	s21 =	sshll.u32 s6, $0x1;
	s3 =	sadd.s32 s4, s19  }
0x9c: {  	s7 =	simm.s32 $0x0;
	s20 =	sshll.u32 s5, $0x1;
	s5 =	sadd.s32 s21, s3  }
0x9d: {  	[timem:s7], [sflag:s22] =	dma.local [hbm:s5], s20  }
0x9e: {  	_ =	swait.ge [sflag:s22], s20  }
0x9f: {  	s4 =	ssub.s32 $0x0, s20;
	[sflag:s22] =	ssyncset.done $0x0  }
0xa0: {  	[sflag:s22] =	ssyncadd.s32 s4;
	_ =	sdelay $0x1  }
0xa1: {  	s23 =	simm.s32 $0x1B8B  }
0xa2: {  	_ =	swait.ge [sflag:s23], $0x1  }
0xa3: {  	[sflag:s23] =	ssyncset.done $0x0  }
0xa4: {  	s25 =	simm.s32 $0x1B8E;
	s24 =	sld [smem:$0x3FFE];
	[sflag:s23] =	ssyncadd.s32 $0xFFFFFFFF  }
0xa5: {  	s26 =	simm.s32 $execute0_lowered;
	[smem:$0x3FD2] =	sst s25  }
0xa6: {  	s5 =	sshll.u32 s26, $0x1;
	_ =	strace $0x80000046;
	[dreg:$0x1] =	wrdreg $0xFFFFFFFF  }
0xa7: {  	s28 =	simm.s32 $_size_execute0_lowered;
	s3 =	sadd.s32 s3, s5;
	[dreg:$0x0] =	wrdreg $0x0  }
0xa8: {  	s5 =	sshll.u32 s28, $0x1;
	[dreg:$0x2] =	wrdreg s3  }
0xa9: {  	[dreg:$0x3] =	wrdreg s5  }
0xaa: {  	[dreg:$0x4] =	wrdreg $0xC0  }
0xab: {  	_ =	task [dreg:s7], $0x5FFFF  }
0xac: {  	[dreg:$0x1] =	wrdreg $0xFFFFFFFF  }
0xad: {  	[dreg:$0x0] =	wrdreg $0x60  }
0xae: {  	[dreg:$0x2] =	wrdreg s24  }
0xaf: {  	[dreg:$0x3] =	wrdreg s2  }
0xb0: {  	[dreg:$0x4] =	wrdreg $0x9  }
0xb1: {  	_ =	task.clear_ibuf [dreg:s7], $0x5FFFF;
	_ =	strace $0x90000046  }
0xb2: {  	s29 =	simm.s32 $0x9;
	_ =	strace $0x80000048  }
0xb3: {  	_ =	swait.ge [sflag:s29], $0x1  }
0xb4: {  	[sflag:s29] =	ssyncadd.s32 $0xFFFFFFFF  }
0xb5: {  	_ =	strace $0x90000048  }
0xb6: {  	_ =	sfence  }
0xb7: {  	s30 =	sld [smem:$0x0];
	_ =	sdelay $0x2  }
0xb8: {  	s31 =	sshll.u32 s1, $0xD;
	s1 =	sshrl.u32 s1, $0x2  }
0xb9: {  	s3 =	sand.u32 $0x4000, s31;
	s1 =	sadd.s32 s1, s30  }
0xba: {  	s0 =	sor.u32 s3, s0;
	s1 =	sshll.u32 s1, $0x11  }
0xbb: {  	s0 =	sor.u32 s1, s0  }
0xbc: {  	s0 =	sadd.s32 $0x8F2B, s0  }
0xbd: {  	[sflag:s0] =	ssyncadd.remote.s32 $0x1  }
0xbe: {  	_ =	sfence.sel $0xFFFF  }
0xbf: {  	[dreg:$0x0] =	wrdreg $0xFFFFFFFF;
	(pc) =	sbr.abs _section_cstart, $3  }
0xc0: {  	[dreg:$0x1] =	wrdreg $0xFFFFFFFF  }
0xc1: {  	_ =	task.clear_ibuf [dreg:s7], $0x2FFFF;
	_ =	strace $0x9FFFFFFF  }
0xc2: {  	(tm) =	ssettm $0x7FFFFFFF  }
0xc3: {  	_ =	shalt  }
tec
execute0_lowered:
.L_overlay_start_1:
0x0: {  	(tag) =	ssettag $0x1  }
0x1: {  	s7 =	rddreg [dreg:$0x0]  }
0x2: {  	s9 =	rddreg [dreg:$0x1]  }
0x3: {  	s0 =	rddreg [dreg:$0x2];
	s1 =	simm.s32 $0x0;
	s5 =	srdreg.scid  }
0x4: {  	s2 =	stileid.u32;
	s13 =	simm.s32 $0x50;
	s14 =	simm.s32 $0x100  }
0x5: {  	s15 =	simm.s32 $0x2900;
	s16 =	simm.s32 $0x1;
	s17 =	simm.s32 $0x2  }
0x6: {  	s18 =	simm.s32 $0x5100;
	s19 =	simm.s32 $0x0;
	[smem:$0x7FF] =	sst s1  }
0x7: {  	s3 =	sadd.s32 $0x17800, s7;
	s4 =	sadd.s32 $0x3EA00, s7;
	s8 =	sand.u32 $0x1, s5  }
0x8: {  	s5 =	sadd.s32 $0xDA00, s7;
	s11 =	sshll.u32 s2, $0x1;
	s6 =	sadd.s32 $0x3C00, s7  }
0x9: {  	s7 =	sadd.s32 $0x65C00, s7;
	s10 =	ssub.s32 $0x2, s8;
	s8 =	sor.u32 s8, s11  }
0xa: {  	_ =	strace $0x80000047;
	s12 =	sshrl.u32 s10, $0x1;
	s11 =	sshll.u32 s8, $0x5  }
0xb: {  	s8 =	smul.u32 $0x2710, s8;
	s10 =	ssub.s32 s10, s12;
	s9 =	sadd.s32 s9, s11  }
0xc: {  	s11 =	simm.s32 $0x3;
	s12 =	simm.s32 $0x80;
	s10 =	smax.u32 s10, $0x1  }
.LBB2_1:
0xd: {  	v6 =	vimm.f32 $0.0e+00  }
0xe: {  	v0 =	vimm.f32 $0.0e+00;
	v5 =	vimm.f32 $0.0e+00;
	v1 =	vimm.f32 $0.0e+00  }
0xf: {  	v15 =	vimm.f32 $0.0e+00;
	v12 =	vimm.f32 $0.0e+00;
	v14 =	vimm.f32 $0.0e+00  }
0x10: {  	v11 =	vimm.f32 $0.0e+00;
	v4 =	vimm.f32 $0.0e+00;
	v10 =	vimm.f32 $0.0e+00  }
0x11: {  	v3 =	vimm.f32 $0.0e+00;
	v9 =	vimm.f32 $0.0e+00;
	v2 =	vimm.f32 $0.0e+00  }
0x12: {  	v8 =	vimm.f32 $0.0e+00;
	v13 =	vimm.f32 $0.0e+00;
	v7 =	vimm.f32 $0.0e+00;
	s20 =	simm.s32 $0x0  }
.LBB2_2:
0x13: {  	s21 =	smul.u32 $0x50, s20;
	_ =	sdelay $0x1  }
0x14: {  	s21 =	sadd.s32 s8, s21  }
0x15: {  	s22 =	sshrl.u32 s21, $0x3  }
0x16: {  	s24 =	simm.s32 $0x0;
	s23 =	sadd.s32 s5, s22  }
0x17: {  	[tilespmem:s24], [sflag:$0x3] =	stream.linear.gather [hbm4b:s23+s24], $0x50, $0x38;
	[tilespmem:$0x5200] =	vst v63  }
0x18: {  	_ =	swait.ge [sflag:s11], $0x50  }
0x19: {  	[sflag:s11] =	ssyncset.done $0x0  }
0x1a: {  	s22 =	sadd.s32 s6, s22;
	[sflag:s11] =	ssyncadd.s32 $0xFFFFFFB0  }
0x1b: {  	[tilespmem:s12], [sflag:$0x3] =	stream.linear.gather [hbm4b:s22+s24], $0x50, $0x38;
	[tilespmem:$0x5200] =	vst v63  }
0x1c: {  	_ =	swait.ge [sflag:s11], $0x50  }
0x1d: {  	[sflag:s11] =	ssyncset.done $0x0  }
0x1e: {  	[sflag:s11] =	ssyncadd.s32 $0xFFFFFFB0  }
0x1f: {  	[tilespmem:s14], [sflag:$0x1] =	stream.indirect.gather [hbm4b:s3+s13], $0x80, s24, s13, $0xb8;
	[tilespmem:$0x5200] =	vst v63  }
0x20: {  	_ = 	snop  }
0x21: {  	[tilespmem:s15], [sflag:$0x2] =	stream.indirect.gather [hbm4b:s4+s13], $0x80, s12, s13, $0xb8;
	[tilespmem:$0x5200] =	vst v63  }
0x22: {  	_ =	swait.ge [sflag:s16], $0x2800  }
0x23: {  	[sflag:s16] =	ssyncset.done $0x0  }
0x24: {  	[sflag:s16] =	ssyncadd.s32 $0xFFFFD800  }
0x25: {  	_ =	swait.ge [sflag:s17], $0x2800  }
0x26: {  	[sflag:s17] =	ssyncset.done $0x0  }
0x27: {  	s31 =	simm.s32 $0x0;
	[sflag:s17] =	ssyncadd.s32 $0xFFFFD800  }
0x28: {  	v16 =	vld [tilespmem:s31+$0x2900]  }
0x29: {  	v17 =	vld [tilespmem:s31+$0x2910]  }
0x2a: {  	v18 =	vld [tilespmem:s31+$0x2920]  }
0x2b: {  	v19 =	vld [tilespmem:s31+$0x2930]  }
0x2c: {  	v21 =	vld [tilespmem:s31+$0x100]  }
0x2d: {  	v23 =	vld [tilespmem:s31+$0x110]  }
0x2e: {  	v20 =	vld [tilespmem:s31+$0x2940]  }
0x2f: {  	v22 =	vld [tilespmem:s31+$0x2950]  }
0x30: {  	v25 =	vld [tilespmem:s31+$0x120]  }
0x31: {  	v16 =	vadd.f32 v16, v21;
	v21 =	vld [tilespmem:s31+$0x130]  }
0x32: {  	v17 =	vadd.f32 v17, v23;
	v23 =	vld [tilespmem:s31+$0x140]  }
0x33: {  	v24 =	vld [tilespmem:s31+$0x2960]  }
0x34: {  	v26 =	vld [tilespmem:s31+$0x2970]  }
0x35: {  	v18 =	vadd.f32 v18, v25;
	v25 =	vld [tilespmem:s31+$0x150]  }
0x36: {  	v19 =	vadd.f32 v19, v21;
	v21 =	vld [tilespmem:s31+$0x160]  }
0x37: {  	s22 =	simm.s32 $0x80;
	v27 =	vmax.f32 v16, $0.0e+00;
	v20 =	vadd.f32 v20, v23;
	v23 =	vld [tilespmem:s31+$0x170]  }
0x38: {  	v16 =	vld [tilespmem:s22+$0x2900];
	v31 =	vmax.f32 v17, $0.0e+00;
	[tilespmem:s31+$0x100] =	vst v27  }
0x39: {  	v32 =	vmax.f32 v18, $0.0e+00;
	v17 =	vld [tilespmem:s22+$0x2910];
	[tilespmem:s31+$0x110] =	vst v31  }
0x3a: {  	v18 =	vld [tilespmem:s22+$0x2920];
	[tilespmem:s31+$0x120] =	vst v32;
	v22 =	vadd.f32 v22, v25;
	v33 =	vmax.f32 v19, $0.0e+00  }
0x3b: {  	v28 =	vmul.f32 v31, v31;
	v19 =	vld [tilespmem:s22+$0x2930];
	v34 =	vmax.f32 v20, $0.0e+00;
	[tilespmem:s31+$0x130] =	vst v33;
	v24 =	vadd.f32 v24, v21  }
0x3c: {  	v25 =	vmul.f32 v27, v27;
	v35 =	vmax.f32 v22, $0.0e+00;
	v20 =	vld [tilespmem:s22+$0x2940];
	[tilespmem:s31+$0x140] =	vst v34;
	v23 =	vadd.f32 v26, v23  }
0x3d: {  	v29 =	vmul.f32 v32, v32;
	v7 =	vadd.f32 v27, v7;
	v21 =	vld [tilespmem:s22+$0x2950];
	[tilespmem:s31+$0x150] =	vst v35;
	v24 =	vmax.f32 v24, $0.0e+00  }
0x3e: {  	v8 =	vadd.f32 v31, v8;
	v13 =	vadd.f32 v25, v13;
	v22 =	vld [tilespmem:s22+$0x2960];
	v25 =	vmax.f32 v23, $0.0e+00;
	[tilespmem:s31+$0x160] =	vst v24  }
0x3f: {  	v9 =	vadd.f32 v32, v9;
	v2 =	vadd.f32 v28, v2;
	v30 =	vmul.f32 v33, v33;
	v23 =	vld [tilespmem:s22+$0x2970];
	[tilespmem:s31+$0x170] =	vst v25  }
0x40: {  	v3 =	vadd.f32 v29, v3;
	v10 =	vadd.f32 v33, v10;
	v28 =	vmul.f32 v24, v24;
	v29 =	vld [tilespmem:s22+$0x100]  }
0x41: {  	v36 =	vmul.f32 v35, v35;
	v11 =	vadd.f32 v34, v11;
	v4 =	vadd.f32 v30, v4;
	v30 =	vld [tilespmem:s22+$0x110]  }
0x42: {  	v26 =	vmul.f32 v34, v34;
	v37 =	vmul.f32 v25, v25;
	v5 =	vadd.f32 v28, v5;
	v28 =	vld [tilespmem:s22+$0x120]  }
0x43: {  	v12 =	vadd.f32 v35, v12;
	v15 =	vadd.f32 v36, v15;
	v27 =	vld [tilespmem:s22+$0x130]  }
0x44: {  	s23 =	simm.s32 $0x400;
	v14 =	vadd.f32 v26, v14;
	v6 =	vadd.f32 v37, v6;
	v26 =	vld [tilespmem:s22+$0x140]  }
.LBB2_3:
0x45: {  	p0 =	sne.s32 s23, $0x9E00;
	v16 =	vadd.f32 v16, v29;
	v29 =	vld [tilespmem:s22+$0x150];
	v1 =	vadd.f32 v24, v1  }
0x46: {  	v0 =	vadd.f32 v25, v0;
	v17 =	vadd.f32 v17, v30;
	v24 =	vld [tilespmem:s22+$0x160]  }
0x47: {  	s24 =	sshra.s32 s23, $0x2;
	v31 =	vmax.f32 v16, $0.0e+00;
	v18 =	vadd.f32 v18, v28;
	v25 =	vld [tilespmem:s22+$0x170]  }
0x48: {  	v16 =	vld [tilespmem:s24+$0x2900];
	[tilespmem:s22+$0x100] =	vst v31;
	v28 =	vmul.f32 v31, v31;
	v32 =	vmax.f32 v17, $0.0e+00;
	v19 =	vadd.f32 v19, v27  }
0x49: {  	v17 =	vld [tilespmem:s24+$0x2910];
	[tilespmem:s22+$0x110] =	vst v32;
	v27 =	vmul.f32 v32, v32;
	v33 =	vmax.f32 v18, $0.0e+00;
	v20 =	vadd.f32 v20, v26  }
0x4a: {  	v18 =	vld [tilespmem:s24+$0x2920];
	[tilespmem:s22+$0x120] =	vst v33;
	v26 =	vmul.f32 v33, v33;
	v34 =	vmax.f32 v19, $0.0e+00;
	v21 =	vadd.f32 v21, v29  }
0x4b: {  	v19 =	vld [tilespmem:s24+$0x2930];
	[tilespmem:s22+$0x130] =	vst v34;
	v29 =	vmul.f32 v34, v34;
	v35 =	vmax.f32 v20, $0.0e+00;
	v22 =	vadd.f32 v22, v24  }
0x4c: {  	v20 =	vld [tilespmem:s24+$0x2940];
	[tilespmem:s22+$0x140] =	vst v35;
	v30 =	vmul.f32 v35, v35;
	v36 =	vmax.f32 v21, $0.0e+00;
	v23 =	vadd.f32 v23, v25  }
0x4d: {  	v13 =	vadd.f32 v28, v13;
	v21 =	vld [tilespmem:s24+$0x2950];
	[tilespmem:s22+$0x150] =	vst v36;
	v28 =	vmul.f32 v36, v36;
	v24 =	vmax.f32 v22, $0.0e+00  }
0x4e: {  	v2 =	vadd.f32 v27, v2;
	v22 =	vld [tilespmem:s24+$0x2960];
	[tilespmem:s22+$0x160] =	vst v24;
	v27 =	vmul.f32 v24, v24;
	v25 =	vmax.f32 v23, $0.0e+00  }
0x4f: {  	v3 =	vadd.f32 v26, v3;
	v4 =	vadd.f32 v29, v4;
	v23 =	vld [tilespmem:s24+$0x2970];
	[tilespmem:s22+$0x170] =	vst v25;
	v26 =	vmul.f32 v25, v25;
	s22 =	smov.u32 s24  }
.Ltmp0:
0x50: {  	v14 =	vadd.f32 v30, v14;
	v15 =	vadd.f32 v28, v15;
	v29 =	vld [tilespmem:s22+$0x100];
	(pc) =	sbr.rel @p0 .LBB2_3-.Ltmp0, $4  }
0x51: {  	v5 =	vadd.f32 v27, v5;
	v30 =	vld [tilespmem:s22+$0x110];
	v6 =	vadd.f32 v26, v6  }
0x52: {  	v7 =	vadd.f32 v31, v7;
	v8 =	vadd.f32 v32, v8;
	v28 =	vld [tilespmem:s22+$0x120]  }
0x53: {  	v9 =	vadd.f32 v33, v9;
	v10 =	vadd.f32 v34, v10;
	v27 =	vld [tilespmem:s22+$0x130]  }
0x54: {  	s23 =	sadd.s32 $0x200, s23;
	v11 =	vadd.f32 v35, v11;
	v12 =	vadd.f32 v36, v12;
	v26 =	vld [tilespmem:s22+$0x140]  }
0x55: {  	v16 =	vadd.f32 v16, v29;
	v53 =	vld [tilespmem:s22+$0x150]  }
0x56: {  	v54 =	vld [tilespmem:s22+$0x160];
	v17 =	vadd.f32 v17, v30  }
0x57: {  	v1 =	vadd.f32 v24, v1;
	v0 =	vadd.f32 v25, v0;
	v55 =	vld [tilespmem:s22+$0x170];
	v16 =	vmax.f32 v16, $0.0e+00  }
0x58: {  	v18 =	vadd.f32 v18, v28;
	v56 =	vmul.f32 v16, v16;
	v17 =	vmax.f32 v17, $0.0e+00  }
0x59: {  	v19 =	vadd.f32 v19, v27;
	[tilespmem:s22+$0x100] =	vst v16;
	v7 =	vadd.f32 v16, v7;
	v57 =	vmul.f32 v17, v17  }
0x5a: {  	v18 =	vmax.f32 v18, $0.0e+00;
	v20 =	vadd.f32 v20, v26;
	[tilespmem:s22+$0x110] =	vst v17;
	v8 =	vadd.f32 v17, v8  }
0x5b: {  	v58 =	vmul.f32 v18, v18;
	v19 =	vmax.f32 v19, $0.0e+00;
	v21 =	vadd.f32 v21, v53;
	[tilespmem:s22+$0x120] =	vst v18  }
0x5c: {  	v22 =	vadd.f32 v22, v54;
	v23 =	vadd.f32 v23, v55;
	v20 =	vmax.f32 v20, $0.0e+00;
	[tilespmem:s22+$0x130] =	vst v19  }
0x5d: {  	v13 =	vadd.f32 v56, v13;
	v9 =	vadd.f32 v18, v9;
	v21 =	vmax.f32 v21, $0.0e+00;
	[tilespmem:s22+$0x140] =	vst v20  }
0x5e: {  	s20 =	sadd.s32 $0x1, s20;
	v59 =	vmul.f32 v19, v19;
	v2 =	vadd.f32 v57, v2;
	v22 =	vmax.f32 v22, $0.0e+00;
	[tilespmem:s22+$0x150] =	vst v21  }
0x5f: {  	s21 =	sshll.u32 s21, $0x4;
	p0 =	sne.s32 s20, $0x7D;
	v10 =	vadd.f32 v19, v10;
	v60 =	vmul.f32 v20, v20;
	v23 =	vmax.f32 v23, $0.0e+00;
	[tilespmem:s22+$0x160] =	vst v22  }
.Ltmp1:
0x60: {  	s21 =	sadd.s32 s7, s21;
	v3 =	vadd.f32 v58, v3;
	v11 =	vadd.f32 v20, v11;
	v61 =	vmul.f32 v21, v21;
	[tilespmem:s22+$0x170] =	vst v23;
	(pc) =	sbr.rel @p0 .LBB2_2-.Ltmp1, $4  }
0x61: {  	v62 =	vmul.f32 v22, v22;
	v4 =	vadd.f32 v59, v4;
	v12 =	vadd.f32 v21, v12;
	[hbm4b:s21+s1] =	stream.linear.scatter [tilespmem:s14], [sflag:$0x3], $0x2800, $0x38;
	[tilespmem:$0x5200] =	vst v63  }
0x62: {  	v63 =	vmul.f32 v23, v23;
	v1 =	vadd.f32 v22, v1;
	v0 =	vadd.f32 v23, v0;
	_ =	swait.ge [sflag:s11], $0x2800  }
0x63: {  	v14 =	vadd.f32 v60, v14;
	v15 =	vadd.f32 v61, v15;
	[sflag:s11] =	ssyncset.done $0x0  }
0x64: {  	v5 =	vadd.f32 v62, v5;
	v6 =	vadd.f32 v63, v6;
	[sflag:s11] =	ssyncadd.s32 $0xFFFFD800  }
0x65: {  	[tilespmem:$0x5100] =	vst v7  }
0x66: {  	[tilespmem:$0x5180] =	vst v13  }
0x67: {  	[tilespmem:$0x5110] =	vst v8  }
0x68: {  	[tilespmem:$0x5190] =	vst v2  }
0x69: {  	[tilespmem:$0x5120] =	vst v9  }
0x6a: {  	[tilespmem:$0x51A0] =	vst v3  }
0x6b: {  	[tilespmem:$0x5130] =	vst v10  }
0x6c: {  	[tilespmem:$0x51B0] =	vst v4  }
0x6d: {  	[tilespmem:$0x5140] =	vst v11  }
0x6e: {  	[tilespmem:$0x51C0] =	vst v14  }
0x6f: {  	[tilespmem:$0x5150] =	vst v12  }
0x70: {  	[tilespmem:$0x51D0] =	vst v15  }
0x71: {  	[tilespmem:$0x5160] =	vst v1  }
0x72: {  	[tilespmem:$0x5170] =	vst v0;
	s19 =	sadd.s32 $0x1, s19  }
0x73: {  	[tilespmem:$0x51E0] =	vst v5;
	p0 =	sne.s32 s19, s10  }
.Ltmp2:
0x74: {  	[tilespmem:$0x51F0] =	vst v6;
	(pc) =	sbr.rel @p0 .LBB2_1-.Ltmp2, $4  }
0x75: {  	[hbm4b:s9+s1] =	stream.linear.scatter [tilespmem:s18], [sflag:$0x3], $0x100, $0x38;
	[tilespmem:$0x5200] =	vst v63  }
0x76: {  	_ =	swait.ge [sflag:s11], $0x100  }
0x77: {  	[sflag:s11] =	ssyncset.done $0x0  }
0x78: {  	[sflag:s11] =	ssyncadd.s32 $0xFFFFFF00  }
0x79: {  	_ =	sfence.sel $0x180000  }
0x7a: {  	[bflag:$0x0] =	sbarrier.arrive $0xFFFF  }
0x7b: {  	p0 =	sne.s32 s2, $0x0;
	_ =	strace $0x90000047  }
0x7c: {  	s0 =	sadd.s32 @!p0 $0x100000, s0;
	[bflag:$0x2] =	sbarrier.arrive $0xFFFF  }
0x7d: {  	[sflag:s0] =	ssyncadd.tile.s32 @!p0 $0x1;
	_ =	shalt  }
.Lfunc_end2:
_tile_overlayer_lowered:
.L_overlay_start_2:
0x7e: {  	(tag) =	ssettag $0x2  }
0x7f: {  	s0 =	rddreg [dreg:$0x0];
	s2 =	stileid.u32  }
0x80: {  	s1 =	rddreg [dreg:$0x1];
	p0 =	sne.s32 s2, $0x0  }
0x81: {  	s3 =	rddreg [dreg:$0x2];
	[bflag:$0x3] =	sbarrier.arrive $0xFFFF;
	s2 =	simm.s32 @!p0 $0x1C03  }
0x82: {  	[timem:s3], [sflag:s2] =	dma.local @!p0 [hbm:s0], s1  }
0x83: {  	s0 =	simm.s32 @!p0 $0x3  }
0x84: {  	_ =	swait.ge @!p0 [sflag:s0], s1  }
0x85: {  	s1 =	ssub.s32 @!p0 $0x0, s1;
	[sflag:s0] =	ssyncset.done @!p0 $0x0  }
0x86: {  	[sflag:s0] =	ssyncadd.s32 @!p0 s1  }
0x87: {  	[bflag:$0x3] =	sbarrier.arrive $0xFFFF  }
0x88: {  	_ =	shalt  }

// kernel: kernel.13.cloned.1.call-start
scs
__scs_entry_jumppad:
0x0: {  	(pc) =	sbr.rel $0x88, $3  }
0x1: {  	(tag) =	ssettag $0x0;
	lr =	simm.s32 $0x1  }
0x2: {  	[smem:$0x3F92] =	sst lr;
	_ =	strace $0xD0000000  }
0x3: {  	_ = 	snop  }
0x4: {  	_ = 	snop  }
0x5: {  	_ = 	snop  }
0x6: {  	_ = 	snop  }
0x7: {  	_ = 	snop  }
__scs_overlays_trampoline_lowered:
0x8: {  	[smem:$0x3FA1] =	sst s0  }
0x9: {  	[smem:$0x3FA2] =	sst s1  }
0xa: {  	[smem:$0x3FA3] =	sst s2  }
0xb: {  	[smem:$0x3FA4] =	sst s3  }
0xc: {  	[smem:$0x3FA5] =	sst s4  }
0xd: {  	[smem:$0x3FA6] =	sst s5  }
0xe: {  	[smem:$0x3FA7] =	sst s6  }
0xf: {  	[smem:$0x3FA8] =	sst s7  }
0x10: {  	[smem:$0x3FA9] =	sst s8  }
0x11: {  	[smem:$0x3FAA] =	sst s9;
	s0 =	simm.s32 @!p0 $0x0  }
0x12: {  	s1 =	sld [smem:$0x3F90];
	s0 =	simm.s32 @p0 $0x1  }
0x13: {  	[smem:$0x3FAB] =	sst s0;
	s0 =	simm.s32 @!p1 $0x0  }
0x14: {  	s2 =	sld [smem:$0x3F8F];
	s0 =	simm.s32 @p1 $0x1  }
0x15: {  	[smem:$0x3FAC] =	sst s0;
	s0 =	simm.s32 @!p2 $0x0  }
0x16: {  	s3 =	sld [smem:$0x3FDB];
	s0 =	simm.s32 @p2 $0x1  }
0x17: {  	s4 =	simm.s32 $0x1BF5;
	[smem:$0x3FAE] =	sst s0  }
0x18: {  	s0 =	sld [smem:$0x3F91];
	_ =	swait.ge [sflag:s4], $0x0  }
0x19: {  	s7 =	sld [smem:$0x3F92]  }
0x1a: {  	s8 =	sadd.s32 $0xFFFFE003, lr  }
0x1b: {  	s9 =	sadd.s32 $0xFFFFFEF7, lr;
	s5 =	simm.s32 $0xFFFFFFFF;
	p2 =	slt.u32 s8, $0xFFFFF086  }
0x1c: {  	p1 =	slt.u32 s9, $0xF7A;
	s5 =	simm.s32 @!p2 $0x0  }
0x1d: {  	s5 =	simm.s32 @p1 $0x1;
	p0 =	seq.s32 s7, s2  }
0x1e: {  	s7 =	smul.u32 @!p0 $0xF7A, s2;
	p2 =	seq.s32 @!p0 s5, $0x0  }
0x1f: {  	s9 =	smul.u32 $0xF7A, s1;
	s8 =	simm.s32 @!p0 $0x1BF5;
	p2 =	por !p2, p0  }
0x20: {  	[sflag:s8] =	ssyncset.s32 @!p0 $0xFFFFF086;
	s6 =	sadd.s32 @!p0 s3, s7;
	s7 =	simm.s32 @!p0 $0x108  }
0x21: {  	s3 =	sadd.s32 s3, s9;
	s6 =	sadd.s32 @!p0 $0x88, s6;
	s7 =	simm.s32 @p2 $0x1082  }
0x22: {  	[simem:s7], [sflag:s8] =	dma.local @!p0 [hbm:s6], $0xF7A  }
0x23: {  	s9 =	sor.u32 $0xD0000000, s2;
	s6 =	simm.s32 $0x108;
	_ =	swait.ge @!p0 [sflag:s8], $0x0  }
0x24: {  	s3 =	sadd.s32 $0x88, s3;
	s6 =	simm.s32 @!p1 $0x1082;
	[sflag:s4] =	ssyncset.s32 $0xFFFFF086  }
0x25: {  	[simem:s6], [sflag:s4] =	dma.local [hbm:s3], $0xF7A  }
0x26: {  	[smem:$0x3F92] =	sst s1;
	(tag) =	ssettag s2;
	_ =	strace s9  }
0x27: {  	s1 =	sld [smem:$0x3FA2]  }
0x28: {  	s2 =	sld [smem:$0x3FA3]  }
0x29: {  	s4 =	sld [smem:$0x3FA5]  }
0x2a: {  	p0 =	seq.s32 s5, $0x0;
	s5 =	sld [smem:$0x3FA6]  }
0x2b: {  	s6 =	sld [smem:$0x3FA7]  }
0x2c: {  	s7 =	sld [smem:$0x3FA8]  }
0x2d: {  	s3 =	simm.s32 $0x108;
	s8 =	sld [smem:$0x3FA9]  }
0x2e: {  	s3 =	simm.s32 @!p0 $0x1082;
	s9 =	sld [smem:$0x3FAA]  }
0x2f: {  	lr =	sadd.s32 s0, s3;
	s0 =	sld [smem:$0x3FA1]  }
0x30: {  	s3 =	sld [smem:$0x3FA4]  }
0x31: {  	[smem:$0x3FAD] =	sst s10  }
0x32: {  	s10 =	sld [smem:$0x3FAB];
	_ =	sdelay $0x3  }
0x33: {  	p0 =	seq.s32 s10, $0x1;
	s10 =	sld [smem:$0x3FAD];
	_ =	sdelay $0x3  }
0x34: {  	[smem:$0x3FAD] =	sst s10  }
0x35: {  	s10 =	sld [smem:$0x3FAC];
	_ =	sdelay $0x3  }
0x36: {  	p1 =	seq.s32 s10, $0x1;
	s10 =	sld [smem:$0x3FAD];
	_ =	sdelay $0x3  }
0x37: {  	[smem:$0x3FAD] =	sst s10  }
0x38: {  	s10 =	sld [smem:$0x3FAE]  }
0x39: {  	_ = 	snop;
	(pc) =	sbr.ind lr, $3  }
0x3a: {  	_ = 	snop  }
0x3b: {  	_ = 	snop  }
0x3c: {  	p2 =	seq.s32 s10, $0x1;
	s10 =	sld [smem:$0x3FAD]  }
0x3d: {  	_ =	shalt  }
0x3e: {  	_ =	shalt  }
0x3f: {  	_ =	shalt  }
0x40: {  	_ =	shalt  }
0x41: {  	_ =	shalt  }
0x42: {  	_ =	shalt  }
0x43: {  	_ =	shalt  }
0x44: {  	_ =	shalt  }
0x45: {  	_ =	shalt  }
0x46: {  	_ =	shalt  }
0x47: {  	_ =	shalt  }
0x48: {  	_ =	shalt  }
0x49: {  	_ =	shalt  }
0x4a: {  	_ =	shalt  }
0x4b: {  	_ =	shalt  }
0x4c: {  	_ =	shalt  }
0x4d: {  	_ =	shalt  }
0x4e: {  	_ =	shalt  }
0x4f: {  	_ =	shalt  }
0x50: {  	_ =	shalt  }
0x51: {  	_ =	shalt  }
0x52: {  	_ =	shalt  }
0x53: {  	_ =	shalt  }
0x54: {  	_ =	shalt  }
0x55: {  	_ =	shalt  }
0x56: {  	_ =	shalt  }
0x57: {  	_ =	shalt  }
0x58: {  	_ =	shalt  }
0x59: {  	_ =	shalt  }
0x5a: {  	_ =	shalt  }
0x5b: {  	_ =	shalt  }
0x5c: {  	_ =	shalt  }
0x5d: {  	_ =	shalt  }
0x5e: {  	_ =	shalt  }
0x5f: {  	_ =	shalt  }
0x60: {  	_ =	shalt  }
0x61: {  	_ =	shalt  }
0x62: {  	_ =	shalt  }
0x63: {  	_ =	shalt  }
0x64: {  	_ =	shalt  }
0x65: {  	_ =	shalt  }
0x66: {  	_ =	shalt  }
0x67: {  	_ =	shalt  }
0x68: {  	_ =	shalt  }
0x69: {  	_ =	shalt  }
0x6a: {  	_ =	shalt  }
0x6b: {  	_ =	shalt  }
0x6c: {  	_ =	shalt  }
0x6d: {  	_ =	shalt  }
0x6e: {  	_ =	shalt  }
0x6f: {  	_ =	shalt  }
0x70: {  	_ =	shalt  }
0x71: {  	_ =	shalt  }
0x72: {  	_ =	shalt  }
0x73: {  	_ =	shalt  }
0x74: {  	_ =	shalt  }
0x75: {  	_ =	shalt  }
0x76: {  	_ =	shalt  }
0x77: {  	_ =	shalt  }
0x78: {  	_ =	shalt  }
0x79: {  	_ =	shalt  }
0x7a: {  	_ =	shalt  }
0x7b: {  	_ =	shalt  }
0x7c: {  	_ =	shalt  }
0x7d: {  	_ =	shalt  }
0x7e: {  	_ =	shalt  }
0x7f: {  	_ =	shalt  }
0x80: {  	_ =	shalt  }
0x81: {  	_ =	shalt  }
0x82: {  	_ =	shalt  }
0x83: {  	_ =	shalt  }
0x84: {  	_ =	shalt  }
0x85: {  	_ =	shalt  }
0x86: {  	_ =	shalt  }
0x87: {  	_ =	shalt  }
.Lfunc_end0:
.L_simem_size_0:
called_computation.1_lowered:
.L_overlay_start_0:
0x88: {  	s2 =	sld [smem:$0x3FD9]  }
0x89: {  	s3 =	sld [smem:$0x3FFE];
	_ =	sdelay $0x1  }
0x8a: {  	s1 =	srdreg.scid  }
0x8b: {  	s0 =	sand.u32 $0x1, s1  }
0x8c: {  	s16 =	sshll.u32 s0, $0xA;
	s2 =	sadd.s32 s3, s2  }
0x8d: {  	s2 =	sadd.s32 s2, s16  }
0x8e: {  	[smem:$0x3FB9] =	sst s2  }
0x8f: {  	_ = 	snop  }
0x90: {  	(tm) =	ssettm $0x1  }
0x91: {  	s17 =	sld [smem:$0x3FFB];
	_ =	sdelay $0x3  }
0x92: {  	_ =	strace s17  }
0x93: {  	s2 =	sld [smem:$0x3FFC];
	_ =	sdelay $0x3  }
0x94: {  	_ =	strace s2  }
0x95: {  	s2 =	sld [smem:$0x3FFD];
	_ =	sdelay $0x3  }
0x96: {  	_ =	strace s2  }
0x97: {  	_ =	strace $0x8FFFFFFF  }
0x98: {  	s18 =	sld [smem:$0x3FDB];
	_ =	sdelay $0x1  }
0x99: {  	s19 =	simm.s32 $_scs_section_size  }
0x9a: {  	s4 =	simm.s32 $_size__tile_overlayer_lowered;
	s5 =	simm.s32 $_tile_overlayer_lowered  }
0x9b: {  	s22 =	simm.s32 $0x1BFF;
	s21 =	sshll.u32 s5, $0x1;
	s2 =	sadd.s32 s19, s18  }
0x9c: {  	s6 =	simm.s32 $0x0;
	s20 =	sshll.u32 s4, $0x1;
	s4 =	sadd.s32 s21, s2  }
0x9d: {  	[timem:s6], [sflag:s22] =	dma.local [hbm:s4], s20  }
0x9e: {  	_ =	swait.ge [sflag:s22], s20  }
0x9f: {  	s3 =	ssub.s32 $0x0, s20;
	[sflag:s22] =	ssyncset.done $0x0  }
0xa0: {  	[sflag:s22] =	ssyncadd.s32 s3;
	_ =	sdelay $0x1  }
0xa1: {  	s23 =	simm.s32 $0x1B8B  }
0xa2: {  	_ =	swait.ge [sflag:s23], $0x1  }
0xa3: {  	[sflag:s23] =	ssyncset.done $0x0  }
0xa4: {  	s25 =	simm.s32 $0x1B8E;
	s24 =	sld [smem:$0x3FFE];
	[sflag:s23] =	ssyncadd.s32 $0xFFFFFFFF  }
0xa5: {  	s26 =	simm.s32 $execute0_lowered;
	[smem:$0x3FD2] =	sst s25  }
0xa6: {  	s4 =	sshll.u32 s26, $0x1;
	_ =	strace $0x80000049;
	[dreg:$0x1] =	wrdreg $0xFFFFFFFF  }
0xa7: {  	s28 =	simm.s32 $_size_execute0_lowered;
	s2 =	sadd.s32 s2, s4;
	[dreg:$0x0] =	wrdreg $0x0  }
0xa8: {  	s4 =	sshll.u32 s28, $0x1;
	[dreg:$0x2] =	wrdreg s2  }
0xa9: {  	[dreg:$0x3] =	wrdreg s4  }
0xaa: {  	[dreg:$0x4] =	wrdreg $0xC0  }
0xab: {  	_ =	task [dreg:s6], $0x5FFFF  }
0xac: {  	[dreg:$0x1] =	wrdreg $0xFFFFFFFF  }
0xad: {  	[dreg:$0x0] =	wrdreg $0x60  }
0xae: {  	[dreg:$0x2] =	wrdreg s24  }
0xaf: {  	[dreg:$0x3] =	wrdreg $0x9  }
0xb0: {  	_ =	task.clear_ibuf [dreg:s6], $0x4FFFF;
	_ =	strace $0x90000049  }
0xb1: {  	s29 =	simm.s32 $0x9;
	_ =	strace $0x8000004B  }
0xb2: {  	_ =	swait.ge [sflag:s29], $0x1  }
0xb3: {  	[sflag:s29] =	ssyncadd.s32 $0xFFFFFFFF  }
0xb4: {  	_ =	strace $0x9000004B  }
0xb5: {  	_ =	sfence  }
0xb6: {  	s30 =	sld [smem:$0x0];
	_ =	sdelay $0x2  }
0xb7: {  	s31 =	sshll.u32 s1, $0xD;
	s1 =	sshrl.u32 s1, $0x2  }
0xb8: {  	s3 =	sand.u32 $0x4000, s31;
	s1 =	sadd.s32 s1, s30  }
0xb9: {  	s0 =	sor.u32 s3, s0;
	s1 =	sshll.u32 s1, $0x11  }
0xba: {  	s0 =	sor.u32 s1, s0  }
0xbb: {  	s0 =	sadd.s32 $0x8F2B, s0  }
0xbc: {  	[sflag:s0] =	ssyncadd.remote.s32 $0x1  }
0xbd: {  	_ =	sfence.sel $0xFFFF  }
0xbe: {  	[dreg:$0x0] =	wrdreg $0xFFFFFFFF;
	(pc) =	sbr.abs _section_cstart, $3  }
0xbf: {  	[dreg:$0x1] =	wrdreg $0xFFFFFFFF  }
0xc0: {  	_ =	task.clear_ibuf [dreg:s6], $0x2FFFF;
	_ =	strace $0x9FFFFFFF  }
0xc1: {  	(tm) =	ssettm $0x7FFFFFFF  }
tec
execute0_lowered:
.L_overlay_start_1:
0x0: {  	(tag) =	ssettag $0x1  }
0x1: {  	s0 =	rddreg [dreg:$0x0];
	s2 =	simm.s32 $0x0;
	s1 =	srdreg.scid  }
0x2: {  	s3 =	stileid.u32;
	s13 =	simm.s32 $0x3;
	s14 =	simm.s32 $0x5000  }
0x3: {  	s15 =	simm.s32 $0x800;
	s16 =	simm.s32 $0x4800;
	s17 =	simm.s32 $0x10  }
0x4: {  	s18 =	simm.s32 $0x5100;
	s19 =	simm.s32 $0x2;
	s20 =	simm.s32 $0x1  }
0x5: {  	[smem:$0x7FF] =	sst s2;
	s1 =	sand.u32 $0x1, s1;
	s3 =	sshll.u32 s3, $0x1  }
0x6: {  	s4 =	sadd.s32 $0xDA00, s0;
	s7 =	sadd.s32 $0x17D000, s0;
	_ =	strace $0x8000004A  }
0x7: {  	s8 =	sor.u32 s1, s3;
	s3 =	sadd.s32 $0x547E00, s0;
	s1 =	ssub.s32 $0x2, s1  }
0x8: {  	s5 =	sshll.u32 s8, $0x1;
	s6 =	smul.u32 $0x1400, s8;
	s11 =	sshrl.u32 s1, $0x1  }
.Ltmp0:
0x9: {  	s9 =	sadd.s32 s5, s0;
	s5 =	sadd.s32 $0xA29E00, s0;
	(pc) =	sbr.rel .LBB2_1-.Ltmp0, $4  }
0xa: {  	s29 =	ssub.s32 s1, s11;
	s10 =	sadd.s32 s6, s0;
	s30 =	sadd.s32 $0x547C00, s9  }
0xb: {  	s6 =	sadd.s32 $0x3F800, s0;
	s0 =	smax.u32 s29, $0x1;
	[dreg:$0x2] =	wrdreg s30  }
0xc: {  	s22 =	simm.s32 $0x0;
	s31 =	sadd.s32 $0x17800, s10;
	[dreg:$0x4] =	wrdreg s0  }
0xd: {  	v0 =	vimm.f32 $-1.000000000e+00;
	v1 =	vimm.s32 $0x0;
	s23 =	simm.s32 $0x0;
	s9 =	smul.u32 $0xA0, s8;
	[dreg:$0x3] =	wrdreg s31  }
.LBB2_24:
0xe: {  	s0 =	rddreg [dreg:$0x3];
	s1 =	simm.s32 $0x6100  }
0xf: {  	[hbm4b:s0+s2] =	stream.linear.scatter [tilespmem:s1], [sflag:$0x3], $0xA000, $0x38;
	[tilespmem:$0x10100] =	vst v63  }
0x10: {  	_ =	swait.ge [sflag:s13], $0xA000  }
0x11: {  	s22 =	sadd.s32 $0x1, s22;
	s31 =	rddreg [dreg:$0x4]  }
0x12: {  	p0 =	sne.s32 s22, s31  }
.Ltmp1:
0x13: {  	_ = 	snop;
	(pc) =	sbr.rel @!p0 .LBB2_25-.Ltmp1, $3  }
0x14: {  	_ =	sdelay $0x1  }
0x15: {  	[sflag:s13] =	ssyncset.done $0x0  }
0x16: {  	[sflag:s13] =	ssyncadd.s32 $0xFFFF6000  }
.LBB2_1:
0x17: {  	s0 =	rddreg [dreg:$0x2];
	s1 =	simm.s32 $0x5080  }
0x18: {  	[tilespmem:s1], [sflag:$0x3] =	stream.linear.gather [hbm4b:s0+s2], $0x10, $0x38;
	[tilespmem:$0x10100] =	vst v63  }
0x19: {  	_ =	swait.ge [sflag:s13], $0x10  }
0x1a: {  	[sflag:s13] =	ssyncset.done $0x0  }
0x1b: {  	[sflag:s13] =	ssyncadd.s32 $0xFFFFFFF0  }
0x1c: {  	s0 =	simm.s32 $0x0;
	v2 =	vld [tilespmem:$0x5080]  }
.LBB2_2:
0x1d: {  	p0 =	sne.s32 s0, $0x27E00  }
.Ltmp2:
0x1e: {  	s1 =	sshra.s32 s0, $0x2;
	(pc) =	sbr.rel @p0 .LBB2_2-.Ltmp2, $4  }
0x1f: {  	[tilespmem:s1+$0x6100] =	vst v0  }
0x20: {  	[tilespmem:s1+$0x6110] =	vst v0  }
0x21: {  	[tilespmem:s1+$0x6120] =	vst v0  }
0x22: {  	s0 =	sadd.s32 $0x200, s0;
	[tilespmem:s1+$0x6130] =	vst v0  }
0x23: {  	s0 =	simm.s32 $0x200;
	s1 =	simm.s32 $0x0  }
.LBB2_4:
0x24: {  	p0 =	sne.s32 s0, $0xFC00;
	[tilespmem:s1+$0x800] =	vst v1;
	s1 =	smov.u32 s0;
	s0 =	sadd.s32 $0x200, s0  }
.Ltmp3:
0x25: {  	(pc) =	sbr.rel @p0 .LBB2_4-.Ltmp3, $2  }
0x26: {  	_ =	sdelay $0x2  }
0x27: {  	s1 =	sshra.s32 s1, $0x2  }
.Ltmp4:
0x28: {  	(pc) =	sbr.rel .LBB2_6-.Ltmp4, $3  }
0x29: {  	_ =	sdelay $0x1  }
0x2a: {  	[tilespmem:s1+$0x800] =	vst v1  }
0x2b: {  	v3 =	vadd.s32 $0x140, v2;
	v4 =	vlaneseq.u32;
	s24 =	simm.s32 $0x0;
	[tilespmem:$0x5000] =	vst v1  }
.LBB2_23:
0x2c: {  	s24 =	sadd.s32 $0x1, s24  }
0x2d: {  	p0 =	sne.s32 s24, $0xA0  }
.Ltmp5:
0x2e: {  	_ = 	snop;
	(pc) =	sbr.rel @!p0 .LBB2_24-.Ltmp5, $1  }
0x2f: {  	_ =	sdelay $0x3  }
.LBB2_6:
0x30: {  	s0 =	smul.u32 $0xFA, s24;
	_ =	sdelay $0x1  }
.Ltmp6:
0x31: {  	s0 =	sadd.s32 s4, s0;
	(pc) =	sbr.rel .LBB2_7-.Ltmp6, $4  }
0x32: {  	[tilespmem:s23], [sflag:$0x3] =	stream.linear.gather [hbm4b:s0+s23], $0x7D0, $0x38;
	[tilespmem:$0x10100] =	vst v63  }
0x33: {  	_ =	swait.ge [sflag:s13], $0x7D0  }
0x34: {  	[sflag:s13] =	ssyncset.done $0x0  }
0x35: {  	v5 =	vimm.s32 $0x0;
	s26 =	simm.s32 $0x0;
	s25 =	simm.s32 $0x0;
	[sflag:s13] =	ssyncadd.s32 $0xFFFFF830  }
.LBB2_9:
0x36: {  	s26 =	sadd.s32 $0x40, s26  }
0x37: {  	p0 =	sne.s32 s26, $0x1F40  }
.Ltmp7:
0x38: {  	_ = 	snop;
	(pc) =	sbr.rel @!p0 .LBB2_10-.Ltmp7, $2  }
0x39: {  	_ =	sdelay $0x2  }
0x3a: {  	s25 =	sadd.s32 s25, s28;
	v4 =	vadd.s32 $0x10, v4;
	v5 =	vadd.s32 v5, v6  }
.LBB2_7:
0x3b: {  	s0 =	sshra.s32 s26, $0x2  }
0x3c: {  	v7 =	vld [tilespmem:s0+$0x0];
	_ =	sdelay $0x4  }
0x3d: {  	vm0 =	vge.s32 v7, v2;
	vm1 =	vlt.s32 v7, v3  }
0x3e: {  	vm0 =	vmand vm0, vm1  }
0x3f: {  	v6 =	vsel vm0, $0x1, v1  }
0x40: {  	[tilespmem:$0x5010] =	vst v6  }
0x41: {  	v8 =	vld [tilespmem:$0x500F];
	_ =	sdelay $0x4  }
0x42: {  	v6 =	vadd.s32 v6, v8  }
0x43: {  	[tilespmem:$0x5010] =	vst v6  }
0x44: {  	v8 =	vld [tilespmem:$0x500E];
	_ =	sdelay $0x4  }
0x45: {  	v6 =	vadd.s32 v8, v6  }
0x46: {  	[tilespmem:$0x5010] =	vst v6  }
0x47: {  	v8 =	vld [tilespmem:$0x500C];
	_ =	sdelay $0x4  }
0x48: {  	v6 =	vadd.s32 v6, v8  }
0x49: {  	[tilespmem:$0x5010] =	vst v6  }
0x4a: {  	v8 =	vld [tilespmem:$0x5008];
	_ =	sdelay $0x4  }
0x4b: {  	v6 =	vadd.s32 v6, v8  }
0x4c: {  	(v2sf) =	vpush v6, $0xF;
	_ =	sdelay $0xe  }
0x4d: {  	s28 =	spop (v2sf)  }
0x4e: {  	p0 =	slt.s32 s28, $0x1  }
.Ltmp8:
0x4f: {  	_ = 	snop;
	(pc) =	sbr.rel @p0 .LBB2_9-.Ltmp8, $1  }
0x50: {  	_ =	sdelay $0x3  }
0x51: {  	(v2sf) =	vpush v6, $0x0;
	_ =	sdelay $0x9  }
0x52: {  	(v2sf) =	vpush v6, $0x1;
	_ =	sdelay $0x4  }
0x53: {  	s0 =	spop (v2sf)  }
0x54: {  	[tilespmem:$0x5020] =	vst v4;
	p0 =	slt.s32 s0, $0x1  }
0x55: {  	v7 =	vsub.s32 v7, v2;
	[tilespmem:$0x5030] =	vst v4;
	s1 =	sadd.s32 @!p0 s25, s0  }
0x56: {  	[tilespmem:$0x5040] =	vst v7;
	s8 =	ssub.s32 @!p0 $0x1, s1  }
0x57: {  	[tilespmem:$0x5050] =	vst v7;
	s1 =	sadd.s32 @!p0 $0xFFFFFFFF, s1;
	s8 =	sand.u32 @!p0 $0xF, s8  }
0x58: {  	(v2sf) =	vpush v6, $0x2;
	s10 =	sshll.u32 @!p0 s1, $0x3;
	v7 =	vld @!p0 [tilespmem:s8+$0x5020]  }
0x59: {  	v8 =	vld @!p0 [tilespmem:s8+$0x5040];
	s8 =	sand.u32 @!p0 $0xFFFFFF80, s10  }
0x5a: {  	s10 =	sand.u32 @!p0 $0xFFFFFFF0, s1;
	v9 =	vld @!p0 [tilespmem:s8+$0x800]  }
0x5b: {  	v10 =	vld @!p0 [tilespmem:s10+$0x4800]  }
0x5c: {  	s1 =	sand.u32 @!p0 $0xF, s1  }
0x5d: {  	v12 =	vlaneseq.u32 @!p0;
	v11 =	vmov @!p0 s1;
	s1 =	spop (v2sf)  }
0x5e: {  	vm0 =	veq.s32 @!p0 v11, v12;
	p1 =	sle.s32 s1, s0  }
0x5f: {  	s0 =	sadd.s32 @!p1 s25, s1;
	v7 =	vsel @!p0 vm0, v7, v9  }
0x60: {  	[tilespmem:s8+$0x800] =	vst @!p0 v7;
	v7 =	vsel @!p0 vm0, v8, v10;
	s8 =	ssub.s32 @!p1 $0x2, s0  }
0x61: {  	s0 =	sadd.s32 @!p1 $0xFFFFFFFF, s0;
	[tilespmem:s10+$0x4800] =	vst @!p0 v7;
	s8 =	sand.u32 @!p1 $0xF, s8  }
0x62: {  	(v2sf) =	vpush v6, $0x3;
	s10 =	sshll.u32 @!p1 s0, $0x3;
	v7 =	vld @!p1 [tilespmem:s8+$0x5020]  }
0x63: {  	v8 =	vld @!p1 [tilespmem:s8+$0x5040];
	s8 =	sand.u32 @!p1 $0xFFFFFF80, s10  }
0x64: {  	s10 =	sand.u32 @!p1 $0xFFFFFFF0, s0;
	v9 =	vld @!p1 [tilespmem:s8+$0x800]  }
0x65: {  	v10 =	vld @!p1 [tilespmem:s10+$0x4800]  }
0x66: {  	s0 =	sand.u32 @!p1 $0xF, s0  }
0x67: {  	v12 =	vlaneseq.u32 @!p1;
	v11 =	vmov @!p1 s0;
	s0 =	spop (v2sf)  }
0x68: {  	vm0 =	veq.s32 @!p1 v11, v12;
	p0 =	sle.s32 s0, s1  }
0x69: {  	s1 =	sadd.s32 @!p0 s25, s0;
	v7 =	vsel @!p1 vm0, v7, v9  }
0x6a: {  	[tilespmem:s8+$0x800] =	vst @!p1 v7;
	v7 =	vsel @!p1 vm0, v8, v10;
	s8 =	ssub.s32 @!p0 $0x3, s1  }
0x6b: {  	s1 =	sadd.s32 @!p0 $0xFFFFFFFF, s1;
	[tilespmem:s10+$0x4800] =	vst @!p1 v7;
	s8 =	sand.u32 @!p0 $0xF, s8  }
0x6c: {  	(v2sf) =	vpush v6, $0x4;
	s10 =	sshll.u32 @!p0 s1, $0x3;
	v7 =	vld @!p0 [tilespmem:s8+$0x5020]  }
0x6d: {  	v8 =	vld @!p0 [tilespmem:s8+$0x5040];
	s8 =	sand.u32 @!p0 $0xFFFFFF80, s10  }
0x6e: {  	s10 =	sand.u32 @!p0 $0xFFFFFFF0, s1;
	v9 =	vld @!p0 [tilespmem:s8+$0x800]  }
0x6f: {  	v10 =	vld @!p0 [tilespmem:s10+$0x4800]  }
0x70: {  	s1 =	sand.u32 @!p0 $0xF, s1  }
0x71: {  	v12 =	vlaneseq.u32 @!p0;
	v11 =	vmov @!p0 s1;
	s1 =	spop (v2sf)  }
0x72: {  	vm0 =	veq.s32 @!p0 v11, v12;
	p1 =	sle.s32 s1, s0  }
0x73: {  	s0 =	sadd.s32 @!p1 s25, s1;
	v7 =	vsel @!p0 vm0, v7, v9  }
0x74: {  	[tilespmem:s8+$0x800] =	vst @!p0 v7;
	v7 =	vsel @!p0 vm0, v8, v10;
	s8 =	ssub.s32 @!p1 $0x4, s0  }
0x75: {  	s0 =	sadd.s32 @!p1 $0xFFFFFFFF, s0;
	[tilespmem:s10+$0x4800] =	vst @!p0 v7;
	s8 =	sand.u32 @!p1 $0xF, s8  }
0x76: {  	(v2sf) =	vpush v6, $0x5;
	s10 =	sshll.u32 @!p1 s0, $0x3;
	v7 =	vld @!p1 [tilespmem:s8+$0x5020]  }
0x77: {  	v8 =	vld @!p1 [tilespmem:s8+$0x5040];
	s8 =	sand.u32 @!p1 $0xFFFFFF80, s10  }
0x78: {  	s10 =	sand.u32 @!p1 $0xFFFFFFF0, s0;
	v9 =	vld @!p1 [tilespmem:s8+$0x800]  }
0x79: {  	v10 =	vld @!p1 [tilespmem:s10+$0x4800]  }
0x7a: {  	s0 =	sand.u32 @!p1 $0xF, s0  }
0x7b: {  	v12 =	vlaneseq.u32 @!p1;
	v11 =	vmov @!p1 s0;
	s0 =	spop (v2sf)  }
0x7c: {  	vm0 =	veq.s32 @!p1 v11, v12;
	p0 =	sle.s32 s0, s1  }
0x7d: {  	s1 =	sadd.s32 @!p0 s25, s0;
	v7 =	vsel @!p1 vm0, v7, v9  }
0x7e: {  	[tilespmem:s8+$0x800] =	vst @!p1 v7;
	v7 =	vsel @!p1 vm0, v8, v10;
	s8 =	ssub.s32 @!p0 $0x5, s1  }
0x7f: {  	s1 =	sadd.s32 @!p0 $0xFFFFFFFF, s1;
	[tilespmem:s10+$0x4800] =	vst @!p1 v7;
	s8 =	sand.u32 @!p0 $0xF, s8  }
0x80: {  	(v2sf) =	vpush v6, $0x6;
	s10 =	sshll.u32 @!p0 s1, $0x3;
	v7 =	vld @!p0 [tilespmem:s8+$0x5020]  }
0x81: {  	v8 =	vld @!p0 [tilespmem:s8+$0x5040];
	s8 =	sand.u32 @!p0 $0xFFFFFF80, s10  }
0x82: {  	s10 =	sand.u32 @!p0 $0xFFFFFFF0, s1;
	v9 =	vld @!p0 [tilespmem:s8+$0x800]  }
0x83: {  	v10 =	vld @!p0 [tilespmem:s10+$0x4800]  }
0x84: {  	s1 =	sand.u32 @!p0 $0xF, s1  }
0x85: {  	v12 =	vlaneseq.u32 @!p0;
	v11 =	vmov @!p0 s1;
	s1 =	spop (v2sf)  }
0x86: {  	vm0 =	veq.s32 @!p0 v11, v12;
	p1 =	sle.s32 s1, s0  }
0x87: {  	s0 =	sadd.s32 @!p1 s25, s1;
	v7 =	vsel @!p0 vm0, v7, v9  }
0x88: {  	[tilespmem:s8+$0x800] =	vst @!p0 v7;
	v7 =	vsel @!p0 vm0, v8, v10;
	s8 =	ssub.s32 @!p1 $0x6, s0  }
0x89: {  	s0 =	sadd.s32 @!p1 $0xFFFFFFFF, s0;
	[tilespmem:s10+$0x4800] =	vst @!p0 v7;
	s8 =	sand.u32 @!p1 $0xF, s8  }
0x8a: {  	(v2sf) =	vpush v6, $0x7;
	s10 =	sshll.u32 @!p1 s0, $0x3;
	v7 =	vld @!p1 [tilespmem:s8+$0x5020]  }
0x8b: {  	v8 =	vld @!p1 [tilespmem:s8+$0x5040];
	s8 =	sand.u32 @!p1 $0xFFFFFF80, s10  }
0x8c: {  	s10 =	sand.u32 @!p1 $0xFFFFFFF0, s0;
	v9 =	vld @!p1 [tilespmem:s8+$0x800]  }
0x8d: {  	v10 =	vld @!p1 [tilespmem:s10+$0x4800]  }
0x8e: {  	s0 =	sand.u32 @!p1 $0xF, s0  }
0x8f: {  	v12 =	vlaneseq.u32 @!p1;
	v11 =	vmov @!p1 s0;
	s0 =	spop (v2sf)  }
0x90: {  	vm0 =	veq.s32 @!p1 v11, v12;
	p0 =	sle.s32 s0, s1  }
0x91: {  	s1 =	sadd.s32 @!p0 s25, s0;
	v7 =	vsel @!p1 vm0, v7, v9  }
0x92: {  	[tilespmem:s8+$0x800] =	vst @!p1 v7;
	v7 =	vsel @!p1 vm0, v8, v10;
	s8 =	ssub.s32 @!p0 $0x7, s1  }
0x93: {  	s1 =	sadd.s32 @!p0 $0xFFFFFFFF, s1;
	[tilespmem:s10+$0x4800] =	vst @!p1 v7;
	s8 =	sand.u32 @!p0 $0xF, s8  }
0x94: {  	(v2sf) =	vpush v6, $0x8;
	s10 =	sshll.u32 @!p0 s1, $0x3;
	v7 =	vld @!p0 [tilespmem:s8+$0x5020]  }
0x95: {  	v8 =	vld @!p0 [tilespmem:s8+$0x5040];
	s8 =	sand.u32 @!p0 $0xFFFFFF80, s10  }
0x96: {  	s10 =	sand.u32 @!p0 $0xFFFFFFF0, s1;
	v9 =	vld @!p0 [tilespmem:s8+$0x800]  }
0x97: {  	v10 =	vld @!p0 [tilespmem:s10+$0x4800]  }
0x98: {  	s1 =	sand.u32 @!p0 $0xF, s1  }
0x99: {  	v12 =	vlaneseq.u32 @!p0;
	v11 =	vmov @!p0 s1;
	s1 =	spop (v2sf)  }
0x9a: {  	vm0 =	veq.s32 @!p0 v11, v12;
	p1 =	sle.s32 s1, s0  }
0x9b: {  	s0 =	sadd.s32 @!p1 s25, s1;
	v7 =	vsel @!p0 vm0, v7, v9  }
0x9c: {  	[tilespmem:s8+$0x800] =	vst @!p0 v7;
	v7 =	vsel @!p0 vm0, v8, v10;
	s8 =	ssub.s32 @!p1 $0x8, s0  }
0x9d: {  	s0 =	sadd.s32 @!p1 $0xFFFFFFFF, s0;
	[tilespmem:s10+$0x4800] =	vst @!p0 v7;
	s8 =	sand.u32 @!p1 $0xF, s8  }
0x9e: {  	(v2sf) =	vpush v6, $0x9;
	s10 =	sshll.u32 @!p1 s0, $0x3;
	v7 =	vld @!p1 [tilespmem:s8+$0x5020]  }
0x9f: {  	v8 =	vld @!p1 [tilespmem:s8+$0x5040];
	s8 =	sand.u32 @!p1 $0xFFFFFF80, s10  }
0xa0: {  	s10 =	sand.u32 @!p1 $0xFFFFFFF0, s0;
	v9 =	vld @!p1 [tilespmem:s8+$0x800]  }
0xa1: {  	v10 =	vld @!p1 [tilespmem:s10+$0x4800]  }
0xa2: {  	s0 =	sand.u32 @!p1 $0xF, s0  }
0xa3: {  	v12 =	vlaneseq.u32 @!p1;
	v11 =	vmov @!p1 s0;
	s0 =	spop (v2sf)  }
0xa4: {  	vm0 =	veq.s32 @!p1 v11, v12;
	p0 =	sle.s32 s0, s1  }
0xa5: {  	s1 =	sadd.s32 @!p0 s25, s0;
	v7 =	vsel @!p1 vm0, v7, v9  }
0xa6: {  	[tilespmem:s8+$0x800] =	vst @!p1 v7;
	v7 =	vsel @!p1 vm0, v8, v10;
	s8 =	ssub.s32 @!p0 $0x9, s1  }
0xa7: {  	s1 =	sadd.s32 @!p0 $0xFFFFFFFF, s1;
	[tilespmem:s10+$0x4800] =	vst @!p1 v7;
	s8 =	sand.u32 @!p0 $0xF, s8  }
0xa8: {  	(v2sf) =	vpush v6, $0xA;
	s10 =	sshll.u32 @!p0 s1, $0x3;
	v7 =	vld @!p0 [tilespmem:s8+$0x5020]  }
0xa9: {  	v8 =	vld @!p0 [tilespmem:s8+$0x5040];
	s8 =	sand.u32 @!p0 $0xFFFFFF80, s10  }
0xaa: {  	s10 =	sand.u32 @!p0 $0xFFFFFFF0, s1;
	v9 =	vld @!p0 [tilespmem:s8+$0x800]  }
0xab: {  	v10 =	vld @!p0 [tilespmem:s10+$0x4800]  }
0xac: {  	s1 =	sand.u32 @!p0 $0xF, s1  }
0xad: {  	v12 =	vlaneseq.u32 @!p0;
	v11 =	vmov @!p0 s1;
	s1 =	spop (v2sf)  }
0xae: {  	vm0 =	veq.s32 @!p0 v11, v12;
	p1 =	sle.s32 s1, s0  }
0xaf: {  	s0 =	sadd.s32 @!p1 s25, s1;
	v7 =	vsel @!p0 vm0, v7, v9  }
0xb0: {  	[tilespmem:s8+$0x800] =	vst @!p0 v7;
	v7 =	vsel @!p0 vm0, v8, v10;
	s8 =	ssub.s32 @!p1 $0xA, s0  }
0xb1: {  	s0 =	sadd.s32 @!p1 $0xFFFFFFFF, s0;
	[tilespmem:s10+$0x4800] =	vst @!p0 v7;
	s8 =	sand.u32 @!p1 $0xF, s8  }
0xb2: {  	(v2sf) =	vpush v6, $0xB;
	s10 =	sshll.u32 @!p1 s0, $0x3;
	v7 =	vld @!p1 [tilespmem:s8+$0x5020]  }
0xb3: {  	v8 =	vld @!p1 [tilespmem:s8+$0x5040];
	s8 =	sand.u32 @!p1 $0xFFFFFF80, s10  }
0xb4: {  	s10 =	sand.u32 @!p1 $0xFFFFFFF0, s0;
	v9 =	vld @!p1 [tilespmem:s8+$0x800]  }
0xb5: {  	v10 =	vld @!p1 [tilespmem:s10+$0x4800]  }
0xb6: {  	s0 =	sand.u32 @!p1 $0xF, s0  }
0xb7: {  	v12 =	vlaneseq.u32 @!p1;
	v11 =	vmov @!p1 s0;
	s0 =	spop (v2sf)  }
0xb8: {  	vm0 =	veq.s32 @!p1 v11, v12;
	p0 =	sle.s32 s0, s1  }
0xb9: {  	s1 =	sadd.s32 @!p0 s25, s0;
	v7 =	vsel @!p1 vm0, v7, v9  }
0xba: {  	[tilespmem:s8+$0x800] =	vst @!p1 v7;
	v7 =	vsel @!p1 vm0, v8, v10;
	s8 =	ssub.s32 @!p0 $0xB, s1  }
0xbb: {  	s1 =	sadd.s32 @!p0 $0xFFFFFFFF, s1;
	[tilespmem:s10+$0x4800] =	vst @!p1 v7;
	s8 =	sand.u32 @!p0 $0xF, s8  }
0xbc: {  	(v2sf) =	vpush v6, $0xC;
	s10 =	sshll.u32 @!p0 s1, $0x3;
	v7 =	vld @!p0 [tilespmem:s8+$0x5020]  }
0xbd: {  	v8 =	vld @!p0 [tilespmem:s8+$0x5040];
	s8 =	sand.u32 @!p0 $0xFFFFFF80, s10  }
0xbe: {  	s10 =	sand.u32 @!p0 $0xFFFFFFF0, s1;
	v9 =	vld @!p0 [tilespmem:s8+$0x800]  }
0xbf: {  	v10 =	vld @!p0 [tilespmem:s10+$0x4800]  }
0xc0: {  	s1 =	sand.u32 @!p0 $0xF, s1  }
0xc1: {  	v12 =	vlaneseq.u32 @!p0;
	v11 =	vmov @!p0 s1;
	s1 =	spop (v2sf)  }
0xc2: {  	vm0 =	veq.s32 @!p0 v11, v12;
	p1 =	sle.s32 s1, s0  }
0xc3: {  	s0 =	sadd.s32 @!p1 s25, s1;
	v7 =	vsel @!p0 vm0, v7, v9  }
0xc4: {  	[tilespmem:s8+$0x800] =	vst @!p0 v7;
	v7 =	vsel @!p0 vm0, v8, v10;
	s8 =	ssub.s32 @!p1 $0xC, s0  }
0xc5: {  	s0 =	sadd.s32 @!p1 $0xFFFFFFFF, s0;
	[tilespmem:s10+$0x4800] =	vst @!p0 v7;
	s8 =	sand.u32 @!p1 $0xF, s8  }
0xc6: {  	(v2sf) =	vpush v6, $0xD;
	s10 =	sshll.u32 @!p1 s0, $0x3;
	v7 =	vld @!p1 [tilespmem:s8+$0x5020]  }
0xc7: {  	v8 =	vld @!p1 [tilespmem:s8+$0x5040];
	s8 =	sand.u32 @!p1 $0xFFFFFF80, s10  }
0xc8: {  	s10 =	sand.u32 @!p1 $0xFFFFFFF0, s0;
	v9 =	vld @!p1 [tilespmem:s8+$0x800]  }
0xc9: {  	v10 =	vld @!p1 [tilespmem:s10+$0x4800]  }
0xca: {  	s0 =	sand.u32 @!p1 $0xF, s0  }
0xcb: {  	v12 =	vlaneseq.u32 @!p1;
	v11 =	vmov @!p1 s0;
	s0 =	spop (v2sf)  }
0xcc: {  	vm0 =	veq.s32 @!p1 v11, v12;
	p0 =	sle.s32 s0, s1  }
0xcd: {  	s1 =	sadd.s32 @!p0 s25, s0;
	v7 =	vsel @!p1 vm0, v7, v9  }
0xce: {  	[tilespmem:s8+$0x800] =	vst @!p1 v7;
	v7 =	vsel @!p1 vm0, v8, v10;
	s8 =	ssub.s32 @!p0 $0xD, s1  }
0xcf: {  	s1 =	sadd.s32 @!p0 $0xFFFFFFFF, s1;
	[tilespmem:s10+$0x4800] =	vst @!p1 v7;
	s8 =	sand.u32 @!p0 $0xF, s8  }
0xd0: {  	(v2sf) =	vpush v6, $0xE;
	s10 =	sshll.u32 @!p0 s1, $0x3;
	v7 =	vld @!p0 [tilespmem:s8+$0x5020]  }
0xd1: {  	v8 =	vld @!p0 [tilespmem:s8+$0x5040];
	s8 =	sand.u32 @!p0 $0xFFFFFF80, s10  }
0xd2: {  	s10 =	sand.u32 @!p0 $0xFFFFFFF0, s1;
	v9 =	vld @!p0 [tilespmem:s8+$0x800]  }
0xd3: {  	v10 =	vld @!p0 [tilespmem:s10+$0x4800]  }
0xd4: {  	s1 =	sand.u32 @!p0 $0xF, s1  }
0xd5: {  	v12 =	vlaneseq.u32 @!p0;
	s11 =	spop (v2sf);
	v11 =	vmov @!p0 s1  }
0xd6: {  	p1 =	sle.s32 s11, s0;
	vm0 =	veq.s32 @!p0 v11, v12  }
0xd7: {  	s0 =	sadd.s32 @!p1 s25, s11;
	v7 =	vsel @!p0 vm0, v7, v9  }
0xd8: {  	s1 =	ssub.s32 @!p1 $0xE, s0;
	[tilespmem:s8+$0x800] =	vst @!p0 v7;
	v7 =	vsel @!p0 vm0, v8, v10  }
0xd9: {  	s0 =	sadd.s32 @!p1 $0xFFFFFFFF, s0;
	s1 =	sand.u32 @!p1 $0xF, s1;
	[tilespmem:s10+$0x4800] =	vst @!p0 v7  }
0xda: {  	s8 =	sshll.u32 @!p1 s0, $0x3;
	v7 =	vld @!p1 [tilespmem:s1+$0x5020]  }
0xdb: {  	v8 =	vld @!p1 [tilespmem:s1+$0x5040];
	s1 =	sand.u32 @!p1 $0xFFFFFF80, s8  }
0xdc: {  	s8 =	sand.u32 @!p1 $0xFFFFFFF0, s0;
	v9 =	vld @!p1 [tilespmem:s1+$0x800]  }
0xdd: {  	v10 =	vld @!p1 [tilespmem:s8+$0x4800]  }
0xde: {  	s0 =	sand.u32 @!p1 $0xF, s0  }
0xdf: {  	v12 =	vlaneseq.u32 @!p1;
	v11 =	vmov @!p1 s0;
	s0 =	spop (v2sf)  }
0xe0: {  	vm0 =	veq.s32 @!p1 v11, v12;
	p0 =	sle.s32 s0, s11  }
0xe1: {  	s10 =	sadd.s32 @!p0 s25, s0;
	v7 =	vsel @!p1 vm0, v7, v9  }
0xe2: {  	[tilespmem:s1+$0x800] =	vst @!p1 v7;
	v7 =	vsel @!p1 vm0, v8, v10;
	s1 =	sand.u32 @!p0 $0xF, s10  }
0xe3: {  	[tilespmem:s8+$0x4800] =	vst @!p1 v7;
	s8 =	sadd.s32 @!p0 $0xFFFFFFFF, s10;
	s10 =	sxor.u32 @!p0 $0x502F, s1  }
0xe4: {  	s1 =	sxor.u32 @!p0 $0x504F, s1;
	v7 =	vld @!p0 [tilespmem:s10+$0x0];
	s10 =	sshll.u32 @!p0 s8, $0x3  }
0xe5: {  	v8 =	vld @!p0 [tilespmem:s1+$0x0];
	s1 =	sand.u32 @!p0 $0xFFFFFF80, s10  }
0xe6: {  	s10 =	sand.u32 @!p0 $0xFFFFFFF0, s8;
	v9 =	vld @!p0 [tilespmem:s1+$0x800]  }
0xe7: {  	v10 =	vld @!p0 [tilespmem:s10+$0x4800]  }
0xe8: {  	s8 =	sand.u32 @!p0 $0xF, s8  }
0xe9: {  	v12 =	vlaneseq.u32 @!p0;
	p1 =	sle.s32 s28, s0;
	v11 =	vmov @!p0 s8  }
0xea: {  	s0 =	sadd.s32 @!p1 s28, s25;
	vm0 =	veq.s32 @!p0 v11, v12  }
0xeb: {  	s0 =	sadd.s32 @!p1 $0xFFFFFFFF, s0;
	v7 =	vsel @!p0 vm0, v7, v9  }
0xec: {  	[tilespmem:s1+$0x800] =	vst @!p0 v7;
	v7 =	vsel @!p0 vm0, v8, v10;
	s1 =	sand.u32 @!p1 $0xF, s0  }
0xed: {  	[tilespmem:s10+$0x4800] =	vst @!p0 v7;
	s8 =	sxor.u32 @!p1 $0x502F, s1  }
0xee: {  	s10 =	sshll.u32 @!p1 s0, $0x3;
	v7 =	vld @!p1 [tilespmem:s8+$0x0];
	s8 =	sxor.u32 @!p1 $0x504F, s1  }
0xef: {  	v8 =	vld @!p1 [tilespmem:s8+$0x0];
	s8 =	sand.u32 @!p1 $0xFFFFFF80, s10  }
0xf0: {  	s0 =	sand.u32 @!p1 $0xFFFFFFF0, s0;
	v9 =	vld @!p1 [tilespmem:s8+$0x800]  }
0xf1: {  	v10 =	vld @!p1 [tilespmem:s0+$0x4800];
	_ =	sdelay $0x1  }
.Ltmp9:
0xf2: {  	v12 =	vlaneseq.u32 @!p1;
	v11 =	vmov @!p1 s1;
	(pc) =	sbr.rel .LBB2_9-.Ltmp9, $4  }
0xf3: {  	vm0 =	veq.s32 @!p1 v11, v12  }
0xf4: {  	v7 =	vsel @!p1 vm0, v7, v9  }
0xf5: {  	[tilespmem:s8+$0x800] =	vst @!p1 v7;
	v7 =	vsel @!p1 vm0, v8, v10  }
0xf6: {  	[tilespmem:s0+$0x4800] =	vst @!p1 v7  }
.LBB2_10:
0xf7: {  	s0 =	sadd.s32 s9, s24  }
0xf8: {  	s1 =	sshll.u32 s0, $0x1  }
0xf9: {  	[tilespmem:$0x5000] =	vst v5;
	s1 =	sadd.s32 s7, s1  }
0xfa: {  	[hbm4b:s1+s2] =	stream.linear.scatter [tilespmem:s14], [sflag:$0x3], $0x10, $0x38;
	[tilespmem:$0x10100] =	vst v63  }
0xfb: {  	_ =	swait.ge [sflag:s13], $0x10  }
0xfc: {  	[sflag:s13] =	ssyncset.done $0x0  }
0xfd: {  	s30 =	sshll.u32 s0, $0xB;
	[sflag:s13] =	ssyncadd.s32 $0xFFFFFFF0  }
0xfe: {  	s31 =	sadd.s32 $0xF, s25;
	s1 =	sadd.s32 s5, s30;
	[tilespmem:$0x5000] =	vst v1  }
0xff: {  	[hbm4b:s1+s2] =	stream.linear.scatter [tilespmem:s15], [sflag:$0x3], $0x3F80, $0x38;
	[tilespmem:$0x10100] =	vst v63  }
0x100: {  	s0 =	smul.u32 $0xFE, s0;
	s26 =	sshra.s32 s31, $0x4;
	_ =	swait.ge [sflag:s13], $0x3F80  }
0x101: {  	p0 =	slt.s32 s26, $0x1;
	[sflag:s13] =	ssyncset.done $0x0  }
.Ltmp10:
0x102: {  	s0 =	sadd.s32 s6, s0;
	[sflag:s13] =	ssyncadd.s32 $0xFFFFC080;
	(pc) =	sbr.rel @p0 .LBB2_23-.Ltmp10, $4  }
0x103: {  	[hbm4b:s0+s2] =	stream.linear.scatter [tilespmem:s16], [sflag:$0x3], $0x7F0, $0x38;
	[tilespmem:$0x10100] =	vst v63  }
0x104: {  	_ =	swait.ge [sflag:s13], $0x7F0  }
0x105: {  	[sflag:s13] =	ssyncset.done $0x0  }
0x106: {  	[sflag:s13] =	ssyncadd.s32 $0xFFFFF810  }
.Ltmp11:
0x107: {  	(pc) =	sbr.rel .LBB2_12-.Ltmp11, $3  }
0x108: {  	_ =	sdelay $0x1  }
0x109: {  	[tilespmem:s18], [sflag:$0x1] =	stream.indirect.gather [hbm4b:s3+s17], $0x80, s15, s17, $0xb8;
	[tilespmem:$0x10100] =	vst v63  }
0x10a: {  	s29 =	simm.s32 $0x0;
	s28 =	smov.u32 s25  }
.LBB2_21:
0x10b: {  	[tilespmem:s11+$0x6130] =	vst v5  }
.LBB2_22:
0x10c: {  	p0 =	sne.s32 s0, s26  }
.Ltmp12:
0x10d: {  	_ = 	snop;
	(pc) =	sbr.rel @!p0 .LBB2_23-.Ltmp12, $2  }
0x10e: {  	_ =	sdelay $0x2  }
0x10f: {  	s28 =	sadd.s32 $0xFFFFFFF0, s28;
	s29 =	smov.u32 s0  }
.LBB2_12:
0x110: {  	p0 =	sgt.s32 s28, $0x1;
	s0 =	smov.u32 s28;
	s12 =	sand.u32 $0x1, s29  }
0x111: {  	s0 =	simm.s32 @!p0 $0x1;
	p0 =	seq.s32 s12, $0x1  }
.Ltmp13:
0x112: {  	_ = 	snop;
	(pc) =	sbr.rel @p0 .LBB2_18-.Ltmp13, $3  }
0x113: {  	_ =	sdelay $0x1  }
0x114: {  	s31 =	sshll.u32 s29, $0x4  }
0x115: {  	s1 =	ssub.s32 s25, s31;
	s30 =	smin.u32 s0, $0x10  }
0x116: {  	s0 =	sor.u32 $0x1, s29  }
0x117: {  	p0 =	sge.s32 s0, s26  }
0x118: {  	s8 =	sshll.u32 @!p0 s0, $0x9  }
0x119: {  	s8 =	sshra.s32 @!p0 s8, $0x2  }
0x11a: {  	s10 =	simm.s32 @!p0 $0x10;
	s11 =	simm.s32 @!p0 $0x5900;
	s8 =	sadd.s32 @!p0 $0x800, s8  }
0x11b: {  	[tilespmem:s11], [sflag:$0x2] =	stream.indirect.gather @!p0 [hbm4b:s3+s10], $0x80, s8, s10, $0xb8;
	[tilespmem:$0x10100] =	vst v63  }
0x11c: {  	p0 =	slt.s32 s1, $0x1  }
.Ltmp14:
0x11d: {  	_ = 	snop;
	(pc) =	sbr.rel @p0 .LBB2_17-.Ltmp14, $4  }
0x11e: {  	_ = 	snop  }
0x11f: {  	_ =	swait.ge [sflag:s20], $0x800  }
0x120: {  	[sflag:s20] =	ssyncset.done $0x0  }
0x121: {  	[sflag:s20] =	ssyncadd.s32 $0xFFFFF800  }
0x122: {  	s21 =	sadd.s32 $0x4800, s31  }
0x123: {  	v5 =	vld [tilespmem:s21+$0x0];
	_ =	sdelay $0x4  }
0x124: {  	(v2sf) =	vpush v5, $0x0;
	_ =	sdelay $0xe  }
0x125: {  	s10 =	spop (v2sf)  }
0x126: {  	s8 =	simm.s32 $0x5120;
	s10 =	sshll.u32 s10, $0x9  }
0x127: {  	v5 =	vld [tilespmem:s8+$0xFFFFFFE0];
	s11 =	sshra.s32 s10, $0x2  }
0x128: {  	v6 =	vld [tilespmem:s11+$0x6100];
	_ =	sdelay $0x4  }
0x129: {  	v5 =	vmax.f32 v6, v5  }
0x12a: {  	[tilespmem:s11+$0x6100] =	vst v5;
	v5 =	vld [tilespmem:s11+$0x6110]  }
0x12b: {  	v6 =	vld [tilespmem:s8+$0xFFFFFFF0];
	_ =	sdelay $0x4  }
0x12c: {  	v5 =	vmax.f32 v5, v6  }
0x12d: {  	[tilespmem:s11+$0x6110] =	vst v5;
	v5 =	vld [tilespmem:s11+$0x6120]  }
0x12e: {  	v6 =	vld [tilespmem:s8+$0x0];
	_ =	sdelay $0x4  }
0x12f: {  	v5 =	vmax.f32 v5, v6  }
0x130: {  	[tilespmem:s11+$0x6120] =	vst v5;
	v5 =	vld [tilespmem:s11+$0x6130]  }
0x131: {  	p0 =	sne.s32 s30, $0x1;
	v6 =	vld [tilespmem:s8+$0x10]  }
.Ltmp15:
0x132: {  	_ = 	snop;
	(pc) =	sbr.rel @!p0 .LBB2_16-.Ltmp15, $2  }
0x133: {  	_ =	sdelay $0x2  }
0x134: {  	s10 =	sadd.s32 $0xFFFFFFFF, s30;
	v5 =	vmax.f32 v5, v6  }
.LBB2_15:
0x135: {  	p0 =	sne.s32 s10, $0x1;
	[tilespmem:s11+$0x6130] =	vst v5;
	s21 =	sadd.s32 $0x1, s21;
	s8 =	sadd.s32 $0x80, s8  }
0x136: {  	s10 =	sadd.s32 $0xFFFFFFFF, s10;
	v5 =	vld [tilespmem:s21+$0x0];
	_ =	sdelay $0x4  }
0x137: {  	(v2sf) =	vpush v5, $0x0;
	_ =	sdelay $0xe  }
0x138: {  	s11 =	spop (v2sf)  }
0x139: {  	s11 =	sshll.u32 s11, $0x9  }
0x13a: {  	s11 =	sshra.s32 s11, $0x2;
	v5 =	vld [tilespmem:s8+$0xFFFFFFE0]  }
0x13b: {  	v6 =	vld [tilespmem:s11+$0x6100];
	_ =	sdelay $0x4  }
0x13c: {  	v5 =	vmax.f32 v6, v5  }
0x13d: {  	[tilespmem:s11+$0x6100] =	vst v5;
	v5 =	vld [tilespmem:s11+$0x6110]  }
0x13e: {  	v6 =	vld [tilespmem:s8+$0xFFFFFFF0];
	_ =	sdelay $0x4  }
0x13f: {  	v5 =	vmax.f32 v5, v6  }
0x140: {  	[tilespmem:s11+$0x6110] =	vst v5;
	v5 =	vld [tilespmem:s11+$0x6120]  }
0x141: {  	v6 =	vld [tilespmem:s8+$0x0];
	_ =	sdelay $0x4  }
0x142: {  	v5 =	vmax.f32 v5, v6  }
0x143: {  	[tilespmem:s11+$0x6120] =	vst v5;
	v5 =	vld [tilespmem:s11+$0x6130]  }
0x144: {  	v6 =	vld [tilespmem:s8+$0x10]  }
.Ltmp16:
0x145: {  	(pc) =	sbr.rel @p0 .LBB2_15-.Ltmp16, $2  }
0x146: {  	_ =	sdelay $0x2  }
0x147: {  	v5 =	vmax.f32 v5, v6  }
.LBB2_16:
0x148: {  	[tilespmem:s11+$0x6130] =	vst v5  }
.LBB2_17:
0x149: {  	p0 =	seq.s32 s12, $0x0  }
.Ltmp17:
0x14a: {  	_ = 	snop;
	(pc) =	sbr.rel @p0 .LBB2_22-.Ltmp17, $1  }
0x14b: {  	_ =	sdelay $0x3  }
.LBB2_18:
0x14c: {  	s0 =	sadd.s32 $0x1, s29  }
0x14d: {  	p0 =	sge.s32 s0, s26  }
0x14e: {  	s8 =	sshll.u32 @!p0 s0, $0x9  }
0x14f: {  	s8 =	sshra.s32 @!p0 s8, $0x2  }
0x150: {  	s10 =	simm.s32 @!p0 $0x10;
	s11 =	simm.s32 @!p0 $0x5100;
	s8 =	sadd.s32 @!p0 $0x800, s8  }
0x151: {  	[tilespmem:s11], [sflag:$0x1] =	stream.indirect.gather @!p0 [hbm4b:s3+s10], $0x80, s8, s10, $0xb8;
	[tilespmem:$0x10100] =	vst v63  }
0x152: {  	p0 =	slt.s32 s1, $0x1  }
.Ltmp18:
0x153: {  	_ = 	snop;
	(pc) =	sbr.rel @p0 .LBB2_22-.Ltmp18, $4  }
0x154: {  	_ = 	snop  }
0x155: {  	_ =	swait.ge [sflag:s19], $0x800  }
0x156: {  	[sflag:s19] =	ssyncset.done $0x0  }
0x157: {  	[sflag:s19] =	ssyncadd.s32 $0xFFFFF800  }
0x158: {  	s1 =	sadd.s32 $0x4800, s31  }
0x159: {  	v5 =	vld [tilespmem:s1+$0x0];
	_ =	sdelay $0x4  }
0x15a: {  	(v2sf) =	vpush v5, $0x0;
	_ =	sdelay $0xe  }
0x15b: {  	s10 =	spop (v2sf)  }
0x15c: {  	s8 =	simm.s32 $0x5920;
	s10 =	sshll.u32 s10, $0x9  }
0x15d: {  	v5 =	vld [tilespmem:s8+$0xFFFFFFE0];
	s11 =	sshra.s32 s10, $0x2  }
0x15e: {  	v6 =	vld [tilespmem:s11+$0x6100];
	_ =	sdelay $0x4  }
0x15f: {  	v5 =	vmax.f32 v6, v5  }
0x160: {  	[tilespmem:s11+$0x6100] =	vst v5;
	v5 =	vld [tilespmem:s11+$0x6110]  }
0x161: {  	v6 =	vld [tilespmem:s8+$0xFFFFFFF0];
	_ =	sdelay $0x4  }
0x162: {  	v5 =	vmax.f32 v5, v6  }
0x163: {  	[tilespmem:s11+$0x6110] =	vst v5;
	v5 =	vld [tilespmem:s11+$0x6120]  }
0x164: {  	v6 =	vld [tilespmem:s8+$0x0];
	_ =	sdelay $0x4  }
0x165: {  	v5 =	vmax.f32 v5, v6  }
0x166: {  	[tilespmem:s11+$0x6120] =	vst v5;
	v5 =	vld [tilespmem:s11+$0x6130]  }
0x167: {  	p0 =	sne.s32 s30, $0x1;
	v6 =	vld [tilespmem:s8+$0x10]  }
.Ltmp19:
0x168: {  	_ = 	snop;
	(pc) =	sbr.rel @!p0 .LBB2_21-.Ltmp19, $2  }
0x169: {  	_ =	sdelay $0x2  }
0x16a: {  	s10 =	sadd.s32 $0xFFFFFFFF, s30;
	v5 =	vmax.f32 v5, v6  }
.LBB2_20:
0x16b: {  	p0 =	sne.s32 s10, $0x1;
	[tilespmem:s11+$0x6130] =	vst v5;
	s1 =	sadd.s32 $0x1, s1;
	s8 =	sadd.s32 $0x80, s8  }
0x16c: {  	s10 =	sadd.s32 $0xFFFFFFFF, s10;
	v5 =	vld [tilespmem:s1+$0x0];
	_ =	sdelay $0x4  }
0x16d: {  	(v2sf) =	vpush v5, $0x0;
	_ =	sdelay $0xe  }
0x16e: {  	s11 =	spop (v2sf)  }
0x16f: {  	s11 =	sshll.u32 s11, $0x9  }
0x170: {  	s11 =	sshra.s32 s11, $0x2;
	v5 =	vld [tilespmem:s8+$0xFFFFFFE0]  }
0x171: {  	v6 =	vld [tilespmem:s11+$0x6100];
	_ =	sdelay $0x4  }
0x172: {  	v5 =	vmax.f32 v6, v5  }
0x173: {  	[tilespmem:s11+$0x6100] =	vst v5;
	v5 =	vld [tilespmem:s11+$0x6110]  }
0x174: {  	v6 =	vld [tilespmem:s8+$0xFFFFFFF0];
	_ =	sdelay $0x4  }
0x175: {  	v5 =	vmax.f32 v5, v6  }
0x176: {  	[tilespmem:s11+$0x6110] =	vst v5;
	v5 =	vld [tilespmem:s11+$0x6120]  }
0x177: {  	v6 =	vld [tilespmem:s8+$0x0];
	_ =	sdelay $0x4  }
0x178: {  	v5 =	vmax.f32 v5, v6  }
0x179: {  	[tilespmem:s11+$0x6120] =	vst v5;
	v5 =	vld [tilespmem:s11+$0x6130]  }
0x17a: {  	v6 =	vld [tilespmem:s8+$0x10]  }
.Ltmp20:
0x17b: {  	(pc) =	sbr.rel @p0 .LBB2_20-.Ltmp20, $2  }
0x17c: {  	_ =	sdelay $0x2  }
0x17d: {  	v5 =	vmax.f32 v5, v6  }
.Ltmp21:
0x17e: {  	_ = 	snop;
	(pc) =	sbr.rel .LBB2_21-.Ltmp21, $1  }
0x17f: {  	_ =	sdelay $0x3  }
.LBB2_25:
0x180: {  	_ =	sfence.sel $0x180000  }
0x181: {  	[bflag:$0x0] =	sbarrier.arrive $0xFFFF  }
0x182: {  	_ =	strace $0x9000004A  }
0x183: {  	s0 =	stileid.u32;
	[bflag:$0x2] =	sbarrier.arrive $0xFFFF  }
0x184: {  	p0 =	sne.s32 s0, $0x0;
	s0 =	rddreg [dreg:$0x1]  }
0x185: {  	s0 =	sadd.s32 @!p0 $0x100000, s0  }
0x186: {  	[sflag:s0] =	ssyncadd.tile.s32 @!p0 $0x1;
	_ =	shalt  }
.Lfunc_end2:
_tile_overlayer_lowered:
.L_overlay_start_2:
0x187: {  	(tag) =	ssettag $0x2  }
0x188: {  	s0 =	rddreg [dreg:$0x0];
	s2 =	stileid.u32  }
0x189: {  	s1 =	rddreg [dreg:$0x1];
	p0 =	sne.s32 s2, $0x0  }
0x18a: {  	s3 =	rddreg [dreg:$0x2];
	[bflag:$0x3] =	sbarrier.arrive $0xFFFF;
	s2 =	simm.s32 @!p0 $0x1C03  }
0x18b: {  	[timem:s3], [sflag:s2] =	dma.local @!p0 [hbm:s0], s1  }
0x18c: {  	s0 =	simm.s32 @!p0 $0x3  }
0x18d: {  	_ =	swait.ge @!p0 [sflag:s0], s1  }
0x18e: {  	s1 =	ssub.s32 @!p0 $0x0, s1;
	[sflag:s0] =	ssyncset.done @!p0 $0x0  }
0x18f: {  	[sflag:s0] =	ssyncadd.s32 @!p0 s1  }
0x190: {  	[bflag:$0x3] =	sbarrier.arrive $0xFFFF  }
0x191: {  	_ =	shalt  }

// kernel: kernel.16.cloned.1.call-start
scs
__scs_entry_jumppad:
0x0: {  	(pc) =	sbr.rel $0x88, $3  }
0x1: {  	(tag) =	ssettag $0x0;
	lr =	simm.s32 $0x1  }
0x2: {  	[smem:$0x3F92] =	sst lr;
	_ =	strace $0xD0000000  }
0x3: {  	_ = 	snop  }
0x4: {  	_ = 	snop  }
0x5: {  	_ = 	snop  }
0x6: {  	_ = 	snop  }
0x7: {  	_ = 	snop  }
__scs_overlays_trampoline_lowered:
0x8: {  	[smem:$0x3FA1] =	sst s0  }
0x9: {  	[smem:$0x3FA2] =	sst s1  }
0xa: {  	[smem:$0x3FA3] =	sst s2  }
0xb: {  	[smem:$0x3FA4] =	sst s3  }
0xc: {  	[smem:$0x3FA5] =	sst s4  }
0xd: {  	[smem:$0x3FA6] =	sst s5  }
0xe: {  	[smem:$0x3FA7] =	sst s6  }
0xf: {  	[smem:$0x3FA8] =	sst s7  }
0x10: {  	[smem:$0x3FA9] =	sst s8  }
0x11: {  	[smem:$0x3FAA] =	sst s9;
	s0 =	simm.s32 @!p0 $0x0  }
0x12: {  	s1 =	sld [smem:$0x3F90];
	s0 =	simm.s32 @p0 $0x1  }
0x13: {  	[smem:$0x3FAB] =	sst s0;
	s0 =	simm.s32 @!p1 $0x0  }
0x14: {  	s2 =	sld [smem:$0x3F8F];
	s0 =	simm.s32 @p1 $0x1  }
0x15: {  	[smem:$0x3FAC] =	sst s0;
	s0 =	simm.s32 @!p2 $0x0  }
0x16: {  	s3 =	sld [smem:$0x3FDB];
	s0 =	simm.s32 @p2 $0x1  }
0x17: {  	s4 =	simm.s32 $0x1BF5;
	[smem:$0x3FAE] =	sst s0  }
0x18: {  	s0 =	sld [smem:$0x3F91];
	_ =	swait.ge [sflag:s4], $0x0  }
0x19: {  	s7 =	sld [smem:$0x3F92]  }
0x1a: {  	s8 =	sadd.s32 $0xFFFFE003, lr  }
0x1b: {  	s9 =	sadd.s32 $0xFFFFFEF7, lr;
	s5 =	simm.s32 $0xFFFFFFFF;
	p2 =	slt.u32 s8, $0xFFFFF086  }
0x1c: {  	p1 =	slt.u32 s9, $0xF7A;
	s5 =	simm.s32 @!p2 $0x0  }
0x1d: {  	s5 =	simm.s32 @p1 $0x1;
	p0 =	seq.s32 s7, s2  }
0x1e: {  	s7 =	smul.u32 @!p0 $0xF7A, s2;
	p2 =	seq.s32 @!p0 s5, $0x0  }
0x1f: {  	s9 =	smul.u32 $0xF7A, s1;
	s8 =	simm.s32 @!p0 $0x1BF5;
	p2 =	por !p2, p0  }
0x20: {  	[sflag:s8] =	ssyncset.s32 @!p0 $0xFFFFF086;
	s6 =	sadd.s32 @!p0 s3, s7;
	s7 =	simm.s32 @!p0 $0x108  }
0x21: {  	s3 =	sadd.s32 s3, s9;
	s6 =	sadd.s32 @!p0 $0x88, s6;
	s7 =	simm.s32 @p2 $0x1082  }
0x22: {  	[simem:s7], [sflag:s8] =	dma.local @!p0 [hbm:s6], $0xF7A  }
0x23: {  	s9 =	sor.u32 $0xD0000000, s2;
	s6 =	simm.s32 $0x108;
	_ =	swait.ge @!p0 [sflag:s8], $0x0  }
0x24: {  	s3 =	sadd.s32 $0x88, s3;
	s6 =	simm.s32 @!p1 $0x1082;
	[sflag:s4] =	ssyncset.s32 $0xFFFFF086  }
0x25: {  	[simem:s6], [sflag:s4] =	dma.local [hbm:s3], $0xF7A  }
0x26: {  	[smem:$0x3F92] =	sst s1;
	(tag) =	ssettag s2;
	_ =	strace s9  }
0x27: {  	s1 =	sld [smem:$0x3FA2]  }
0x28: {  	s2 =	sld [smem:$0x3FA3]  }
0x29: {  	s4 =	sld [smem:$0x3FA5]  }
0x2a: {  	p0 =	seq.s32 s5, $0x0;
	s5 =	sld [smem:$0x3FA6]  }
0x2b: {  	s6 =	sld [smem:$0x3FA7]  }
0x2c: {  	s7 =	sld [smem:$0x3FA8]  }
0x2d: {  	s3 =	simm.s32 $0x108;
	s8 =	sld [smem:$0x3FA9]  }
0x2e: {  	s3 =	simm.s32 @!p0 $0x1082;
	s9 =	sld [smem:$0x3FAA]  }
0x2f: {  	lr =	sadd.s32 s0, s3;
	s0 =	sld [smem:$0x3FA1]  }
0x30: {  	s3 =	sld [smem:$0x3FA4]  }
0x31: {  	[smem:$0x3FAD] =	sst s10  }
0x32: {  	s10 =	sld [smem:$0x3FAB];
	_ =	sdelay $0x3  }
0x33: {  	p0 =	seq.s32 s10, $0x1;
	s10 =	sld [smem:$0x3FAD];
	_ =	sdelay $0x3  }
0x34: {  	[smem:$0x3FAD] =	sst s10  }
0x35: {  	s10 =	sld [smem:$0x3FAC];
	_ =	sdelay $0x3  }
0x36: {  	p1 =	seq.s32 s10, $0x1;
	s10 =	sld [smem:$0x3FAD];
	_ =	sdelay $0x3  }
0x37: {  	[smem:$0x3FAD] =	sst s10  }
0x38: {  	s10 =	sld [smem:$0x3FAE]  }
0x39: {  	_ = 	snop;
	(pc) =	sbr.ind lr, $3  }
0x3a: {  	_ = 	snop  }
0x3b: {  	_ = 	snop  }
0x3c: {  	p2 =	seq.s32 s10, $0x1;
	s10 =	sld [smem:$0x3FAD]  }
0x3d: {  	_ =	shalt  }
0x3e: {  	_ =	shalt  }
0x3f: {  	_ =	shalt  }
0x40: {  	_ =	shalt  }
0x41: {  	_ =	shalt  }
0x42: {  	_ =	shalt  }
0x43: {  	_ =	shalt  }
0x44: {  	_ =	shalt  }
0x45: {  	_ =	shalt  }
0x46: {  	_ =	shalt  }
0x47: {  	_ =	shalt  }
0x48: {  	_ =	shalt  }
0x49: {  	_ =	shalt  }
0x4a: {  	_ =	shalt  }
0x4b: {  	_ =	shalt  }
0x4c: {  	_ =	shalt  }
0x4d: {  	_ =	shalt  }
0x4e: {  	_ =	shalt  }
0x4f: {  	_ =	shalt  }
0x50: {  	_ =	shalt  }
0x51: {  	_ =	shalt  }
0x52: {  	_ =	shalt  }
0x53: {  	_ =	shalt  }
0x54: {  	_ =	shalt  }
0x55: {  	_ =	shalt  }
0x56: {  	_ =	shalt  }
0x57: {  	_ =	shalt  }
0x58: {  	_ =	shalt  }
0x59: {  	_ =	shalt  }
0x5a: {  	_ =	shalt  }
0x5b: {  	_ =	shalt  }
0x5c: {  	_ =	shalt  }
0x5d: {  	_ =	shalt  }
0x5e: {  	_ =	shalt  }
0x5f: {  	_ =	shalt  }
0x60: {  	_ =	shalt  }
0x61: {  	_ =	shalt  }
0x62: {  	_ =	shalt  }
0x63: {  	_ =	shalt  }
0x64: {  	_ =	shalt  }
0x65: {  	_ =	shalt  }
0x66: {  	_ =	shalt  }
0x67: {  	_ =	shalt  }
0x68: {  	_ =	shalt  }
0x69: {  	_ =	shalt  }
0x6a: {  	_ =	shalt  }
0x6b: {  	_ =	shalt  }
0x6c: {  	_ =	shalt  }
0x6d: {  	_ =	shalt  }
0x6e: {  	_ =	shalt  }
0x6f: {  	_ =	shalt  }
0x70: {  	_ =	shalt  }
0x71: {  	_ =	shalt  }
0x72: {  	_ =	shalt  }
0x73: {  	_ =	shalt  }
0x74: {  	_ =	shalt  }
0x75: {  	_ =	shalt  }
0x76: {  	_ =	shalt  }
0x77: {  	_ =	shalt  }
0x78: {  	_ =	shalt  }
0x79: {  	_ =	shalt  }
0x7a: {  	_ =	shalt  }
0x7b: {  	_ =	shalt  }
0x7c: {  	_ =	shalt  }
0x7d: {  	_ =	shalt  }
0x7e: {  	_ =	shalt  }
0x7f: {  	_ =	shalt  }
0x80: {  	_ =	shalt  }
0x81: {  	_ =	shalt  }
0x82: {  	_ =	shalt  }
0x83: {  	_ =	shalt  }
0x84: {  	_ =	shalt  }
0x85: {  	_ =	shalt  }
0x86: {  	_ =	shalt  }
0x87: {  	_ =	shalt  }
.Lfunc_end0:
.L_simem_size_0:
called_computation.2_lowered:
.L_overlay_start_0:
0x88: {  	s2 =	sld [smem:$0x3FD9]  }
0x89: {  	s3 =	sld [smem:$0x3FFE];
	_ =	sdelay $0x1  }
0x8a: {  	s1 =	srdreg.scid  }
0x8b: {  	s0 =	sand.u32 $0x1, s1  }
0x8c: {  	s17 =	sshll.u32 s0, $0xA;
	s2 =	sadd.s32 s3, s2  }
0x8d: {  	s2 =	sadd.s32 s2, s17  }
0x8e: {  	[smem:$0x3FB9] =	sst s2  }
0x8f: {  	_ = 	snop  }
0x90: {  	s2 =	sld [smem:$0x3FD0];
	(tm) =	ssettm $0x1  }
0x91: {  	s18 =	sld [smem:$0x3FFB];
	_ =	sdelay $0x3  }
0x92: {  	_ =	strace s18  }
0x93: {  	s3 =	sld [smem:$0x3FFC];
	_ =	sdelay $0x3  }
0x94: {  	_ =	strace s3  }
0x95: {  	s3 =	sld [smem:$0x3FFD];
	_ =	sdelay $0x3  }
0x96: {  	_ =	strace s3  }
0x97: {  	_ =	strace $0x8FFFFFFF  }
0x98: {  	s19 =	sld [smem:$0x3FDB];
	_ =	sdelay $0x1  }
0x99: {  	s4 =	simm.s32 $_scs_section_size  }
0x9a: {  	s5 =	simm.s32 $_size__tile_overlayer_lowered;
	s6 =	simm.s32 $_tile_overlayer_lowered  }
0x9b: {  	s22 =	simm.s32 $0x1BFF;
	s21 =	sshll.u32 s6, $0x1;
	s3 =	sadd.s32 s4, s19  }
0x9c: {  	s7 =	simm.s32 $0x0;
	s20 =	sshll.u32 s5, $0x1;
	s5 =	sadd.s32 s21, s3  }
0x9d: {  	[timem:s7], [sflag:s22] =	dma.local [hbm:s5], s20  }
0x9e: {  	_ =	swait.ge [sflag:s22], s20  }
0x9f: {  	s4 =	ssub.s32 $0x0, s20;
	[sflag:s22] =	ssyncset.done $0x0  }
0xa0: {  	[sflag:s22] =	ssyncadd.s32 s4;
	_ =	sdelay $0x1  }
0xa1: {  	s23 =	simm.s32 $0x1B8B  }
0xa2: {  	_ =	swait.ge [sflag:s23], $0x1  }
0xa3: {  	[sflag:s23] =	ssyncset.done $0x0  }
0xa4: {  	s25 =	simm.s32 $0x1B8E;
	s24 =	sld [smem:$0x3FFE];
	[sflag:s23] =	ssyncadd.s32 $0xFFFFFFFF  }
0xa5: {  	s26 =	simm.s32 $execute0_lowered;
	[smem:$0x3FD2] =	sst s25  }
0xa6: {  	s5 =	sshll.u32 s26, $0x1;
	_ =	strace $0x8000004C;
	[dreg:$0x1] =	wrdreg $0xFFFFFFFF  }
0xa7: {  	s28 =	simm.s32 $_size_execute0_lowered;
	s3 =	sadd.s32 s3, s5;
	[dreg:$0x0] =	wrdreg $0x0  }
0xa8: {  	s5 =	sshll.u32 s28, $0x1;
	[dreg:$0x2] =	wrdreg s3  }
0xa9: {  	[dreg:$0x3] =	wrdreg s5  }
0xaa: {  	[dreg:$0x4] =	wrdreg $0xC0  }
0xab: {  	_ =	task [dreg:s7], $0x5FFFF  }
0xac: {  	[dreg:$0x1] =	wrdreg $0xFFFFFFFF  }
0xad: {  	[dreg:$0x0] =	wrdreg $0x60  }
0xae: {  	[dreg:$0x2] =	wrdreg s24  }
0xaf: {  	[dreg:$0x3] =	wrdreg s2  }
0xb0: {  	[dreg:$0x4] =	wrdreg $0x9  }
0xb1: {  	_ =	task.clear_ibuf [dreg:s7], $0x5FFFF;
	_ =	strace $0x9000004C  }
0xb2: {  	s29 =	simm.s32 $0x9;
	_ =	strace $0x8000004E  }
0xb3: {  	_ =	swait.ge [sflag:s29], $0x1  }
0xb4: {  	[sflag:s29] =	ssyncadd.s32 $0xFFFFFFFF  }
0xb5: {  	_ =	strace $0x9000004E  }
0xb6: {  	_ =	sfence  }
0xb7: {  	s30 =	sld [smem:$0x0];
	_ =	sdelay $0x2  }
0xb8: {  	s31 =	sshll.u32 s1, $0xD;
	s1 =	sshrl.u32 s1, $0x2  }
0xb9: {  	s3 =	sand.u32 $0x4000, s31;
	s1 =	sadd.s32 s1, s30  }
0xba: {  	s0 =	sor.u32 s3, s0;
	s1 =	sshll.u32 s1, $0x11  }
0xbb: {  	s0 =	sor.u32 s1, s0  }
0xbc: {  	s0 =	sadd.s32 $0x8F2B, s0  }
0xbd: {  	[sflag:s0] =	ssyncadd.remote.s32 $0x1  }
0xbe: {  	_ =	sfence.sel $0xFFFF  }
0xbf: {  	[dreg:$0x0] =	wrdreg $0xFFFFFFFF;
	(pc) =	sbr.abs _section_cstart, $3  }
0xc0: {  	[dreg:$0x1] =	wrdreg $0xFFFFFFFF  }
0xc1: {  	_ =	task.clear_ibuf [dreg:s7], $0x2FFFF;
	_ =	strace $0x9FFFFFFF  }
0xc2: {  	(tm) =	ssettm $0x7FFFFFFF  }
0xc3: {  	_ =	shalt  }
tec
execute0_lowered:
.L_overlay_start_1:
0x0: {  	(tag) =	ssettag $0x1  }
0x1: {  	s6 =	rddreg [dreg:$0x0]  }
0x2: {  	s8 =	rddreg [dreg:$0x1]  }
0x3: {  	s0 =	rddreg [dreg:$0x2];
	s1 =	simm.s32 $0x0;
	s5 =	srdreg.scid  }
0x4: {  	s2 =	stileid.u32;
	s12 =	simm.s32 $0x50;
	s13 =	simm.s32 $0x100  }
0x5: {  	s14 =	simm.s32 $0x2900;
	s15 =	simm.s32 $0x1;
	s16 =	simm.s32 $0x2  }
0x6: {  	s17 =	simm.s32 $0x5100;
	s18 =	simm.s32 $0x7900;
	s19 =	simm.s32 $0x0  }
0x7: {  	[smem:$0x7FF] =	sst s1;
	s3 =	sadd.s32 $0x17800, s6;
	s4 =	sadd.s32 $0xDA00, s6  }
0x8: {  	s7 =	sand.u32 $0x1, s5;
	s5 =	sadd.s32 $0x3C00, s6;
	s10 =	sshll.u32 s2, $0x1  }
0x9: {  	s6 =	sadd.s32 $0x1A6A00, s6;
	s9 =	ssub.s32 $0x2, s7;
	s10 =	sor.u32 s7, s10  }
0xa: {  	s11 =	sshrl.u32 s9, $0x1;
	s7 =	smul.u32 $0x2710, s10;
	s10 =	sshll.u32 s10, $0x5  }
0xb: {  	_ =	strace $0x8000004D;
	s9 =	ssub.s32 s9, s11;
	s8 =	sadd.s32 s8, s10  }
0xc: {  	s10 =	simm.s32 $0x3;
	s11 =	simm.s32 $0x80;
	s9 =	smax.u32 s9, $0x1  }
.LBB2_1:
0xd: {  	v1 =	vimm.f32 $0.0e+00;
	v2 =	vimm.f32 $0.0e+00  }
0xe: {  	v0 =	vimm.f32 $0.0e+00;
	v3 =	vimm.f32 $0.0e+00;
	v5 =	vimm.f32 $0.0e+00  }
0xf: {  	v8 =	vimm.f32 $0.0e+00;
	v9 =	vimm.f32 $0.0e+00;
	v4 =	vimm.f32 $0.0e+00;
	s20 =	simm.s32 $0x0  }
.LBB2_2:
0x10: {  	s21 =	smul.u32 $0x50, s20;
	_ =	sdelay $0x1  }
0x11: {  	s21 =	sadd.s32 s7, s21  }
0x12: {  	s22 =	sshrl.u32 s21, $0x3  }
0x13: {  	s24 =	simm.s32 $0x0;
	s23 =	sadd.s32 s4, s22  }
0x14: {  	[tilespmem:s24], [sflag:$0x3] =	stream.linear.gather [hbm4b:s23+s24], $0x50, $0x38;
	[tilespmem:$0x7A00] =	vst v63  }
0x15: {  	_ =	swait.ge [sflag:s10], $0x50  }
0x16: {  	[sflag:s10] =	ssyncset.done $0x0  }
0x17: {  	s22 =	sadd.s32 s5, s22;
	[sflag:s10] =	ssyncadd.s32 $0xFFFFFFB0  }
0x18: {  	[tilespmem:s11], [sflag:$0x3] =	stream.linear.gather [hbm4b:s22+s24], $0x50, $0x38;
	[tilespmem:$0x7A00] =	vst v63  }
0x19: {  	_ =	swait.ge [sflag:s10], $0x50  }
0x1a: {  	[sflag:s10] =	ssyncset.done $0x0  }
0x1b: {  	[sflag:s10] =	ssyncadd.s32 $0xFFFFFFB0  }
0x1c: {  	[tilespmem:s13], [sflag:$0x1] =	stream.indirect.gather [hbm4b:s3+s12], $0x80, s24, s12, $0xb8;
	[tilespmem:$0x7A00] =	vst v63  }
0x1d: {  	_ = 	snop  }
0x1e: {  	[tilespmem:s14], [sflag:$0x2] =	stream.indirect.gather [hbm4b:s3+s12], $0x80, s11, s12, $0xb8;
	[tilespmem:$0x7A00] =	vst v63  }
0x1f: {  	_ =	swait.ge [sflag:s15], $0x2800  }
0x20: {  	[sflag:s15] =	ssyncset.done $0x0  }
0x21: {  	[sflag:s15] =	ssyncadd.s32 $0xFFFFD800  }
0x22: {  	_ =	swait.ge [sflag:s16], $0x2800  }
0x23: {  	[sflag:s16] =	ssyncset.done $0x0  }
0x24: {  	s31 =	simm.s32 $0x0;
	[sflag:s16] =	ssyncadd.s32 $0xFFFFD800  }
0x25: {  	v6 =	vld [tilespmem:s31+$0x130]  }
0x26: {  	v7 =	vld [tilespmem:s31+$0x2970]  }
0x27: {  	v10 =	vld [tilespmem:s31+$0x100]  }
0x28: {  	v11 =	vld [tilespmem:s31+$0x2940]  }
0x29: {  	v12 =	vld [tilespmem:s31+$0x110]  }
0x2a: {  	v13 =	vld [tilespmem:s31+$0x2950]  }
0x2b: {  	s22 =	simm.s32 $0x80;
	v14 =	vld [tilespmem:s31+$0x120]  }
0x2c: {  	v15 =	vld [tilespmem:s22+$0x130]  }
0x2d: {  	v17 =	vld [tilespmem:s31+$0x2960];
	v6 =	vadd.f32 v7, v6  }
0x2e: {  	v16 =	vld [tilespmem:s22+$0x2970]  }
0x2f: {  	v7 =	vmax.f32 v6, $0.0e+00;
	v6 =	vadd.f32 v11, v10  }
0x30: {  	[tilespmem:s31+$0x5130] =	vst v7  }
0x31: {  	v11 =	vadd.f32 v13, v12;
	v18 =	vld [tilespmem:s22+$0x100];
	v19 =	vmax.f32 v6, $0.0e+00  }
0x32: {  	v14 =	vadd.f32 v17, v14;
	v20 =	vld [tilespmem:s22+$0x2940];
	v6 =	vadd.f32 v7, v2;
	v2 =	vmul.f32 v7, v7;
	[tilespmem:s31+$0x5100] =	vst v19  }
0x33: {  	v16 =	vadd.f32 v16, v15;
	v13 =	vmax.f32 v11, $0.0e+00;
	v12 =	vmul.f32 v19, v19;
	v10 =	vld [tilespmem:s22+$0x110]  }
0x34: {  	v11 =	vld [tilespmem:s22+$0x2950];
	[tilespmem:s31+$0x5110] =	vst v13;
	v7 =	vadd.f32 v2, v1;
	v1 =	vadd.f32 v13, v8  }
0x35: {  	v2 =	vadd.f32 v12, v9;
	v12 =	vmul.f32 v13, v13;
	v9 =	vld [tilespmem:s22+$0x120];
	v13 =	vmax.f32 v14, $0.0e+00  }
0x36: {  	s23 =	simm.s32 $0x100;
	v4 =	vadd.f32 v19, v4;
	v8 =	vld [tilespmem:s22+$0x2960];
	[tilespmem:s31+$0x5120] =	vst v13;
	v3 =	vadd.f32 v13, v3;
	v13 =	vmul.f32 v13, v13  }
0x37: {  	s24 =	simm.s32 $0x600;
	v14 =	vmax.f32 v16, $0.0e+00;
	v5 =	vadd.f32 v12, v5;
	v12 =	vld [tilespmem:s23+$0x130];
	v15 =	vadd.f32 v20, v18  }
.LBB2_3:
0x38: {  	p0 =	sne.s32 s24, $0x9E00;
	v16 =	vld [tilespmem:s23+$0x2970];
	[tilespmem:s22+$0x5130] =	vst v14;
	v6 =	vadd.f32 v14, v6;
	v14 =	vmul.f32 v14, v14;
	v0 =	vadd.f32 v13, v0  }
0x39: {  	v17 =	vld [tilespmem:s23+$0x100];
	v13 =	vmax.f32 v15, $0.0e+00;
	v11 =	vadd.f32 v11, v10  }
0x3a: {  	v15 =	vld [tilespmem:s23+$0x2940];
	[tilespmem:s22+$0x5100] =	vst v13;
	v4 =	vadd.f32 v13, v4;
	v13 =	vmul.f32 v13, v13;
	v7 =	vadd.f32 v14, v7  }
.Ltmp0:
0x3b: {  	v10 =	vld [tilespmem:s23+$0x110];
	v14 =	vmax.f32 v11, $0.0e+00;
	v8 =	vadd.f32 v8, v9;
	(pc) =	sbr.rel @p0 .LBB2_3-.Ltmp0, $4  }
0x3c: {  	v11 =	vld [tilespmem:s23+$0x2950];
	v2 =	vadd.f32 v13, v2;
	[tilespmem:s22+$0x5110] =	vst v14;
	v1 =	vadd.f32 v14, v1;
	v13 =	vmul.f32 v14, v14  }
0x3d: {  	v9 =	vld [tilespmem:s23+$0x120];
	v14 =	vadd.f32 v16, v12;
	v12 =	vmax.f32 v8, $0.0e+00  }
0x3e: {  	v8 =	vld [tilespmem:s23+$0x2960];
	v5 =	vadd.f32 v13, v5;
	[tilespmem:s22+$0x5120] =	vst v12;
	v3 =	vadd.f32 v12, v3;
	v13 =	vmul.f32 v12, v12;
	s22 =	smov.u32 s23;
	s23 =	sshra.s32 s24, $0x2  }
0x3f: {  	s24 =	sadd.s32 $0x200, s24;
	v12 =	vld [tilespmem:s23+$0x130];
	v15 =	vadd.f32 v15, v17;
	v14 =	vmax.f32 v14, $0.0e+00  }
0x40: {  	v16 =	vld [tilespmem:s23+$0x2970];
	[tilespmem:s22+$0x5130] =	vst v14  }
0x41: {  	v17 =	vld [tilespmem:s23+$0x100];
	v15 =	vmax.f32 v15, $0.0e+00;
	v10 =	vadd.f32 v11, v10  }
0x42: {  	v18 =	vld [tilespmem:s23+$0x2940];
	[tilespmem:s22+$0x5100] =	vst v15  }
0x43: {  	v11 =	vld [tilespmem:s23+$0x110];
	v10 =	vmax.f32 v10, $0.0e+00  }
0x44: {  	v19 =	vld [tilespmem:s23+$0x2950];
	[tilespmem:s22+$0x5110] =	vst v10  }
0x45: {  	v20 =	vmul.f32 v14, v14;
	v21 =	vld [tilespmem:s23+$0x120]  }
0x46: {  	v6 =	vadd.f32 v14, v6;
	v0 =	vadd.f32 v13, v0;
	v59 =	vld [tilespmem:s23+$0x2960]  }
0x47: {  	v7 =	vadd.f32 v20, v7;
	v8 =	vadd.f32 v8, v9  }
0x48: {  	v4 =	vadd.f32 v15, v4;
	v9 =	vadd.f32 v16, v12  }
0x49: {  	v61 =	vmul.f32 v15, v15;
	v8 =	vmax.f32 v8, $0.0e+00;
	v60 =	vadd.f32 v18, v17  }
0x4a: {  	v62 =	vmul.f32 v10, v10;
	[tilespmem:s22+$0x5120] =	vst v8;
	v9 =	vmax.f32 v9, $0.0e+00;
	v11 =	vadd.f32 v19, v11  }
0x4b: {  	v14 =	vadd.f32 v61, v2;
	[tilespmem:s23+$0x5130] =	vst v9;
	v12 =	vmax.f32 v60, $0.0e+00;
	v2 =	vadd.f32 v59, v21  }
0x4c: {  	s20 =	sadd.s32 $0x1, s20;
	v10 =	vadd.f32 v10, v1;
	v1 =	vmul.f32 v8, v8;
	[tilespmem:s23+$0x5100] =	vst v12;
	v11 =	vmax.f32 v11, $0.0e+00  }
0x4d: {  	s21 =	sshll.u32 s21, $0x4;
	p0 =	sne.s32 s20, $0x7D;
	[tilespmem:s23+$0x5110] =	vst v11;
	v13 =	vmax.f32 v2, $0.0e+00;
	v2 =	vadd.f32 v9, v6;
	v6 =	vmul.f32 v9, v9  }
.Ltmp1:
0x4e: {  	s21 =	sadd.s32 s6, s21;
	v5 =	vadd.f32 v62, v5;
	v3 =	vadd.f32 v8, v3;
	v8 =	vmul.f32 v12, v12;
	[tilespmem:s23+$0x5120] =	vst v13;
	(pc) =	sbr.rel @p0 .LBB2_2-.Ltmp1, $4  }
0x4f: {  	v0 =	vadd.f32 v1, v0;
	[hbm4b:s21+s1] =	stream.linear.scatter [tilespmem:s17], [sflag:$0x3], $0x2800, $0x38;
	v1 =	vadd.f32 v6, v7;
	v6 =	vmul.f32 v13, v13;
	[tilespmem:$0x7A00] =	vst v63  }
0x50: {  	v4 =	vadd.f32 v12, v4;
	v63 =	vmul.f32 v11, v11;
	v9 =	vadd.f32 v8, v14;
	_ =	swait.ge [sflag:s10], $0x2800  }
0x51: {  	v8 =	vadd.f32 v11, v10;
	[sflag:s10] =	ssyncset.done $0x0;
	v0 =	vadd.f32 v6, v0  }
0x52: {  	v5 =	vadd.f32 v63, v5;
	v3 =	vadd.f32 v13, v3;
	[sflag:s10] =	ssyncadd.s32 $0xFFFFD800  }
0x53: {  	[tilespmem:$0x7900] =	vst v4  }
0x54: {  	[tilespmem:$0x7980] =	vst v9  }
0x55: {  	[tilespmem:$0x7910] =	vst v8  }
0x56: {  	[tilespmem:$0x79A0] =	vst v0  }
0x57: {  	[tilespmem:$0x7930] =	vst v2  }
0x58: {  	[tilespmem:$0x79B0] =	vst v1;
	s19 =	sadd.s32 $0x1, s19  }
0x59: {  	[tilespmem:$0x7990] =	vst v5;
	p0 =	sne.s32 s19, s9  }
.Ltmp2:
0x5a: {  	[tilespmem:$0x7920] =	vst v3;
	(pc) =	sbr.rel @p0 .LBB2_1-.Ltmp2, $4  }
0x5b: {  	[hbm4b:s8+s1] =	stream.linear.scatter [tilespmem:s18], [sflag:$0x3], $0x100, $0x38;
	[tilespmem:$0x7A00] =	vst v63  }
0x5c: {  	_ =	swait.ge [sflag:s10], $0x100  }
0x5d: {  	[sflag:s10] =	ssyncset.done $0x0  }
0x5e: {  	[sflag:s10] =	ssyncadd.s32 $0xFFFFFF00  }
0x5f: {  	_ =	sfence.sel $0x180000  }
0x60: {  	[bflag:$0x0] =	sbarrier.arrive $0xFFFF  }
0x61: {  	p0 =	sne.s32 s2, $0x0;
	_ =	strace $0x9000004D  }
0x62: {  	s0 =	sadd.s32 @!p0 $0x100000, s0;
	[bflag:$0x2] =	sbarrier.arrive $0xFFFF  }
0x63: {  	[sflag:s0] =	ssyncadd.tile.s32 @!p0 $0x1;
	_ =	shalt  }
.Lfunc_end2:
_tile_overlayer_lowered:
.L_overlay_start_2:
0x64: {  	(tag) =	ssettag $0x2  }
0x65: {  	s0 =	rddreg [dreg:$0x0];
	s2 =	stileid.u32  }
0x66: {  	s1 =	rddreg [dreg:$0x1];
	p0 =	sne.s32 s2, $0x0  }
0x67: {  	s3 =	rddreg [dreg:$0x2];
	[bflag:$0x3] =	sbarrier.arrive $0xFFFF;
	s2 =	simm.s32 @!p0 $0x1C03  }
0x68: {  	[timem:s3], [sflag:s2] =	dma.local @!p0 [hbm:s0], s1  }
0x69: {  	s0 =	simm.s32 @!p0 $0x3  }
0x6a: {  	_ =	swait.ge @!p0 [sflag:s0], s1  }
0x6b: {  	s1 =	ssub.s32 @!p0 $0x0, s1;
	[sflag:s0] =	ssyncset.done @!p0 $0x0  }
0x6c: {  	[sflag:s0] =	ssyncadd.s32 @!p0 s1  }
0x6d: {  	[bflag:$0x3] =	sbarrier.arrive $0xFFFF  }
0x6e: {  	_ =	shalt  }

// kernel: kernel.19.cloned.1.call-start
scs
__scs_entry_jumppad:
0x0: {  	(pc) =	sbr.rel $0x88, $3  }
0x1: {  	(tag) =	ssettag $0x0;
	lr =	simm.s32 $0x1  }
0x2: {  	[smem:$0x3F92] =	sst lr;
	_ =	strace $0xD0000000  }
0x3: {  	_ = 	snop  }
0x4: {  	_ = 	snop  }
0x5: {  	_ = 	snop  }
0x6: {  	_ = 	snop  }
0x7: {  	_ = 	snop  }
__scs_overlays_trampoline_lowered:
0x8: {  	[smem:$0x3FA1] =	sst s0  }
0x9: {  	[smem:$0x3FA2] =	sst s1  }
0xa: {  	[smem:$0x3FA3] =	sst s2  }
0xb: {  	[smem:$0x3FA4] =	sst s3  }
0xc: {  	[smem:$0x3FA5] =	sst s4  }
0xd: {  	[smem:$0x3FA6] =	sst s5  }
0xe: {  	[smem:$0x3FA7] =	sst s6  }
0xf: {  	[smem:$0x3FA8] =	sst s7  }
0x10: {  	[smem:$0x3FA9] =	sst s8  }
0x11: {  	[smem:$0x3FAA] =	sst s9;
	s0 =	simm.s32 @!p0 $0x0  }
0x12: {  	s1 =	sld [smem:$0x3F90];
	s0 =	simm.s32 @p0 $0x1  }
0x13: {  	[smem:$0x3FAB] =	sst s0;
	s0 =	simm.s32 @!p1 $0x0  }
0x14: {  	s2 =	sld [smem:$0x3F8F];
	s0 =	simm.s32 @p1 $0x1  }
0x15: {  	[smem:$0x3FAC] =	sst s0;
	s0 =	simm.s32 @!p2 $0x0  }
0x16: {  	s3 =	sld [smem:$0x3FDB];
	s0 =	simm.s32 @p2 $0x1  }
0x17: {  	s4 =	simm.s32 $0x1BF5;
	[smem:$0x3FAE] =	sst s0  }
0x18: {  	s0 =	sld [smem:$0x3F91];
	_ =	swait.ge [sflag:s4], $0x0  }
0x19: {  	s7 =	sld [smem:$0x3F92]  }
0x1a: {  	s8 =	sadd.s32 $0xFFFFE003, lr  }
0x1b: {  	s9 =	sadd.s32 $0xFFFFFEF7, lr;
	s5 =	simm.s32 $0xFFFFFFFF;
	p2 =	slt.u32 s8, $0xFFFFF086  }
0x1c: {  	p1 =	slt.u32 s9, $0xF7A;
	s5 =	simm.s32 @!p2 $0x0  }
0x1d: {  	s5 =	simm.s32 @p1 $0x1;
	p0 =	seq.s32 s7, s2  }
0x1e: {  	s7 =	smul.u32 @!p0 $0xF7A, s2;
	p2 =	seq.s32 @!p0 s5, $0x0  }
0x1f: {  	s9 =	smul.u32 $0xF7A, s1;
	s8 =	simm.s32 @!p0 $0x1BF5;
	p2 =	por !p2, p0  }
0x20: {  	[sflag:s8] =	ssyncset.s32 @!p0 $0xFFFFF086;
	s6 =	sadd.s32 @!p0 s3, s7;
	s7 =	simm.s32 @!p0 $0x108  }
0x21: {  	s3 =	sadd.s32 s3, s9;
	s6 =	sadd.s32 @!p0 $0x88, s6;
	s7 =	simm.s32 @p2 $0x1082  }
0x22: {  	[simem:s7], [sflag:s8] =	dma.local @!p0 [hbm:s6], $0xF7A  }
0x23: {  	s9 =	sor.u32 $0xD0000000, s2;
	s6 =	simm.s32 $0x108;
	_ =	swait.ge @!p0 [sflag:s8], $0x0  }
0x24: {  	s3 =	sadd.s32 $0x88, s3;
	s6 =	simm.s32 @!p1 $0x1082;
	[sflag:s4] =	ssyncset.s32 $0xFFFFF086  }
0x25: {  	[simem:s6], [sflag:s4] =	dma.local [hbm:s3], $0xF7A  }
0x26: {  	[smem:$0x3F92] =	sst s1;
	(tag) =	ssettag s2;
	_ =	strace s9  }
0x27: {  	s1 =	sld [smem:$0x3FA2]  }
0x28: {  	s2 =	sld [smem:$0x3FA3]  }
0x29: {  	s4 =	sld [smem:$0x3FA5]  }
0x2a: {  	p0 =	seq.s32 s5, $0x0;
	s5 =	sld [smem:$0x3FA6]  }
0x2b: {  	s6 =	sld [smem:$0x3FA7]  }
0x2c: {  	s7 =	sld [smem:$0x3FA8]  }
0x2d: {  	s3 =	simm.s32 $0x108;
	s8 =	sld [smem:$0x3FA9]  }
0x2e: {  	s3 =	simm.s32 @!p0 $0x1082;
	s9 =	sld [smem:$0x3FAA]  }
0x2f: {  	lr =	sadd.s32 s0, s3;
	s0 =	sld [smem:$0x3FA1]  }
0x30: {  	s3 =	sld [smem:$0x3FA4]  }
0x31: {  	[smem:$0x3FAD] =	sst s10  }
0x32: {  	s10 =	sld [smem:$0x3FAB];
	_ =	sdelay $0x3  }
0x33: {  	p0 =	seq.s32 s10, $0x1;
	s10 =	sld [smem:$0x3FAD];
	_ =	sdelay $0x3  }
0x34: {  	[smem:$0x3FAD] =	sst s10  }
0x35: {  	s10 =	sld [smem:$0x3FAC];
	_ =	sdelay $0x3  }
0x36: {  	p1 =	seq.s32 s10, $0x1;
	s10 =	sld [smem:$0x3FAD];
	_ =	sdelay $0x3  }
0x37: {  	[smem:$0x3FAD] =	sst s10  }
0x38: {  	s10 =	sld [smem:$0x3FAE]  }
0x39: {  	_ = 	snop;
	(pc) =	sbr.ind lr, $3  }
0x3a: {  	_ = 	snop  }
0x3b: {  	_ = 	snop  }
0x3c: {  	p2 =	seq.s32 s10, $0x1;
	s10 =	sld [smem:$0x3FAD]  }
0x3d: {  	_ =	shalt  }
0x3e: {  	_ =	shalt  }
0x3f: {  	_ =	shalt  }
0x40: {  	_ =	shalt  }
0x41: {  	_ =	shalt  }
0x42: {  	_ =	shalt  }
0x43: {  	_ =	shalt  }
0x44: {  	_ =	shalt  }
0x45: {  	_ =	shalt  }
0x46: {  	_ =	shalt  }
0x47: {  	_ =	shalt  }
0x48: {  	_ =	shalt  }
0x49: {  	_ =	shalt  }
0x4a: {  	_ =	shalt  }
0x4b: {  	_ =	shalt  }
0x4c: {  	_ =	shalt  }
0x4d: {  	_ =	shalt  }
0x4e: {  	_ =	shalt  }
0x4f: {  	_ =	shalt  }
0x50: {  	_ =	shalt  }
0x51: {  	_ =	shalt  }
0x52: {  	_ =	shalt  }
0x53: {  	_ =	shalt  }
0x54: {  	_ =	shalt  }
0x55: {  	_ =	shalt  }
0x56: {  	_ =	shalt  }
0x57: {  	_ =	shalt  }
0x58: {  	_ =	shalt  }
0x59: {  	_ =	shalt  }
0x5a: {  	_ =	shalt  }
0x5b: {  	_ =	shalt  }
0x5c: {  	_ =	shalt  }
0x5d: {  	_ =	shalt  }
0x5e: {  	_ =	shalt  }
0x5f: {  	_ =	shalt  }
0x60: {  	_ =	shalt  }
0x61: {  	_ =	shalt  }
0x62: {  	_ =	shalt  }
0x63: {  	_ =	shalt  }
0x64: {  	_ =	shalt  }
0x65: {  	_ =	shalt  }
0x66: {  	_ =	shalt  }
0x67: {  	_ =	shalt  }
0x68: {  	_ =	shalt  }
0x69: {  	_ =	shalt  }
0x6a: {  	_ =	shalt  }
0x6b: {  	_ =	shalt  }
0x6c: {  	_ =	shalt  }
0x6d: {  	_ =	shalt  }
0x6e: {  	_ =	shalt  }
0x6f: {  	_ =	shalt  }
0x70: {  	_ =	shalt  }
0x71: {  	_ =	shalt  }
0x72: {  	_ =	shalt  }
0x73: {  	_ =	shalt  }
0x74: {  	_ =	shalt  }
0x75: {  	_ =	shalt  }
0x76: {  	_ =	shalt  }
0x77: {  	_ =	shalt  }
0x78: {  	_ =	shalt  }
0x79: {  	_ =	shalt  }
0x7a: {  	_ =	shalt  }
0x7b: {  	_ =	shalt  }
0x7c: {  	_ =	shalt  }
0x7d: {  	_ =	shalt  }
0x7e: {  	_ =	shalt  }
0x7f: {  	_ =	shalt  }
0x80: {  	_ =	shalt  }
0x81: {  	_ =	shalt  }
0x82: {  	_ =	shalt  }
0x83: {  	_ =	shalt  }
0x84: {  	_ =	shalt  }
0x85: {  	_ =	shalt  }
0x86: {  	_ =	shalt  }
0x87: {  	_ =	shalt  }
.Lfunc_end0:
.L_simem_size_0:
called_computation.3_lowered:
.L_overlay_start_0:
0x88: {  	s2 =	sld [smem:$0x3FD9]  }
0x89: {  	s3 =	sld [smem:$0x3FFE];
	_ =	sdelay $0x1  }
0x8a: {  	s1 =	srdreg.scid  }
0x8b: {  	s0 =	sand.u32 $0x1, s1  }
0x8c: {  	s16 =	sshll.u32 s0, $0xA;
	s2 =	sadd.s32 s3, s2  }
0x8d: {  	s2 =	sadd.s32 s2, s16  }
0x8e: {  	[smem:$0x3FB9] =	sst s2  }
0x8f: {  	_ = 	snop  }
0x90: {  	(tm) =	ssettm $0x1  }
0x91: {  	s17 =	sld [smem:$0x3FFB];
	_ =	sdelay $0x3  }
0x92: {  	_ =	strace s17  }
0x93: {  	s2 =	sld [smem:$0x3FFC];
	_ =	sdelay $0x3  }
0x94: {  	_ =	strace s2  }
0x95: {  	s2 =	sld [smem:$0x3FFD];
	_ =	sdelay $0x3  }
0x96: {  	_ =	strace s2  }
0x97: {  	_ =	strace $0x8FFFFFFF  }
0x98: {  	s18 =	sld [smem:$0x3FDB];
	_ =	sdelay $0x1  }
0x99: {  	s19 =	simm.s32 $_scs_section_size  }
0x9a: {  	s4 =	simm.s32 $_size__tile_overlayer_lowered;
	s5 =	simm.s32 $_tile_overlayer_lowered  }
0x9b: {  	s22 =	simm.s32 $0x1BFF;
	s21 =	sshll.u32 s5, $0x1;
	s2 =	sadd.s32 s19, s18  }
0x9c: {  	s6 =	simm.s32 $0x0;
	s20 =	sshll.u32 s4, $0x1;
	s4 =	sadd.s32 s21, s2  }
0x9d: {  	[timem:s6], [sflag:s22] =	dma.local [hbm:s4], s20  }
0x9e: {  	_ =	swait.ge [sflag:s22], s20  }
0x9f: {  	s3 =	ssub.s32 $0x0, s20;
	[sflag:s22] =	ssyncset.done $0x0  }
0xa0: {  	[sflag:s22] =	ssyncadd.s32 s3;
	_ =	sdelay $0x1  }
0xa1: {  	s23 =	simm.s32 $0x1B8B  }
0xa2: {  	_ =	swait.ge [sflag:s23], $0x1  }
0xa3: {  	[sflag:s23] =	ssyncset.done $0x0  }
0xa4: {  	s25 =	simm.s32 $0x1B8E;
	s24 =	sld [smem:$0x3FFE];
	[sflag:s23] =	ssyncadd.s32 $0xFFFFFFFF  }
0xa5: {  	s26 =	simm.s32 $execute0_lowered;
	[smem:$0x3FD2] =	sst s25  }
0xa6: {  	s4 =	sshll.u32 s26, $0x1;
	_ =	strace $0x8000004F;
	[dreg:$0x1] =	wrdreg $0xFFFFFFFF  }
0xa7: {  	s28 =	simm.s32 $_size_execute0_lowered;
	s2 =	sadd.s32 s2, s4;
	[dreg:$0x0] =	wrdreg $0x0  }
0xa8: {  	s4 =	sshll.u32 s28, $0x1;
	[dreg:$0x2] =	wrdreg s2  }
0xa9: {  	[dreg:$0x3] =	wrdreg s4  }
0xaa: {  	[dreg:$0x4] =	wrdreg $0xC0  }
0xab: {  	_ =	task [dreg:s6], $0x5FFFF  }
0xac: {  	[dreg:$0x1] =	wrdreg $0xFFFFFFFF  }
0xad: {  	[dreg:$0x0] =	wrdreg $0x60  }
0xae: {  	[dreg:$0x2] =	wrdreg s24  }
0xaf: {  	[dreg:$0x3] =	wrdreg $0x9  }
0xb0: {  	_ =	task.clear_ibuf [dreg:s6], $0x4FFFF;
	_ =	strace $0x9000004F  }
0xb1: {  	s29 =	simm.s32 $0x9;
	_ =	strace $0x80000051  }
0xb2: {  	_ =	swait.ge [sflag:s29], $0x1  }
0xb3: {  	[sflag:s29] =	ssyncadd.s32 $0xFFFFFFFF  }
0xb4: {  	_ =	strace $0x90000051  }
0xb5: {  	_ =	sfence  }
0xb6: {  	s30 =	sld [smem:$0x0];
	_ =	sdelay $0x2  }
0xb7: {  	s31 =	sshll.u32 s1, $0xD;
	s1 =	sshrl.u32 s1, $0x2  }
0xb8: {  	s3 =	sand.u32 $0x4000, s31;
	s1 =	sadd.s32 s1, s30  }
0xb9: {  	s0 =	sor.u32 s3, s0;
	s1 =	sshll.u32 s1, $0x11  }
0xba: {  	s0 =	sor.u32 s1, s0  }
0xbb: {  	s0 =	sadd.s32 $0x8F2B, s0  }
0xbc: {  	[sflag:s0] =	ssyncadd.remote.s32 $0x1  }
0xbd: {  	_ =	sfence.sel $0xFFFF  }
0xbe: {  	[dreg:$0x0] =	wrdreg $0xFFFFFFFF;
	(pc) =	sbr.abs _section_cstart, $3  }
0xbf: {  	[dreg:$0x1] =	wrdreg $0xFFFFFFFF  }
0xc0: {  	_ =	task.clear_ibuf [dreg:s6], $0x2FFFF;
	_ =	strace $0x9FFFFFFF  }
0xc1: {  	(tm) =	ssettm $0x7FFFFFFF  }
tec
execute0_lowered:
.L_overlay_start_1:
0x0: {  	(tag) =	ssettag $0x1  }
0x1: {  	s0 =	rddreg [dreg:$0x0]  }
0x2: {  	s2 =	simm.s32 $0x0;
	s1 =	srdreg.scid;
	s3 =	stileid.u32  }
0x3: {  	s10 =	simm.s32 $0x3;
	s11 =	simm.s32 $0x4000;
	s12 =	simm.s32 $0x4800  }
0x4: {  	s13 =	simm.s32 $0x10;
	s14 =	simm.s32 $0x4880;
	s15 =	simm.s32 $0x2  }
0x5: {  	s16 =	simm.s32 $0x1;
	s17 =	simm.s32 $0x5880;
	s18 =	simm.s32 $0x0  }
0x6: {  	[smem:$0x7FF] =	sst s2;
	s1 =	sand.u32 $0x1, s1;
	s3 =	sshll.u32 s3, $0x1  }
.Ltmp0:
0x7: {  	s4 =	sadd.s32 $0xA29E00, s0;
	s7 =	sor.u32 s1, s3;
	(pc) =	sbr.rel .LBB2_1-.Ltmp0, $4  }
0x8: {  	s5 =	sadd.s32 $0x3F800, s0;
	s1 =	ssub.s32 $0x2, s1;
	s8 =	smul.u32 $0x1400, s7  }
0x9: {  	s6 =	sadd.s32 $0x17D000, s0;
	_ =	strace $0x80000050;
	s9 =	sshrl.u32 s1, $0x1  }
0xa: {  	s3 =	sadd.s32 $0x1A6A00, s0;
	s1 =	ssub.s32 s1, s9;
	s0 =	sadd.s32 s8, s0  }
0xb: {  	v0 =	vimm.f32 $-1.000000000e+00;
	s7 =	smul.u32 $0xA0, s7;
	s9 =	smax.u32 s1, $0x1;
	s8 =	sadd.s32 $0x3C00, s0  }
.LBB2_18:
0xc: {  	s18 =	sadd.s32 $0x1, s18  }
0xd: {  	p0 =	sne.s32 s18, s9  }
.Ltmp1:
0xe: {  	_ = 	snop;
	(pc) =	sbr.rel @!p0 .LBB2_19-.Ltmp1, $4  }
0xf: {  	[hbm4b:s8+s2] =	stream.linear.scatter [tilespmem:s17], [sflag:$0x3], $0xA000, $0x38;
	[tilespmem:$0xF880] =	vst v63  }
0x10: {  	_ =	swait.ge [sflag:s10], $0xA000  }
0x11: {  	[sflag:s10] =	ssyncset.done $0x0  }
0x12: {  	[sflag:s10] =	ssyncadd.s32 $0xFFFF6000  }
.LBB2_1:
0x13: {  	s0 =	simm.s32 $0x0  }
.LBB2_2:
0x14: {  	p0 =	sne.s32 s0, $0x27E00  }
.Ltmp2:
0x15: {  	s1 =	sshra.s32 s0, $0x2;
	(pc) =	sbr.rel @p0 .LBB2_2-.Ltmp2, $4  }
0x16: {  	[tilespmem:s1+$0x5880] =	vst v0  }
0x17: {  	[tilespmem:s1+$0x5890] =	vst v0  }
0x18: {  	[tilespmem:s1+$0x58A0] =	vst v0  }
0x19: {  	s0 =	sadd.s32 $0x200, s0;
	[tilespmem:s1+$0x58B0] =	vst v0  }
.Ltmp3:
0x1a: {  	(pc) =	sbr.rel .LBB2_4-.Ltmp3, $2  }
0x1b: {  	_ =	sdelay $0x2  }
0x1c: {  	s19 =	simm.s32 $0x0  }
.LBB2_17:
0x1d: {  	s19 =	sadd.s32 $0x1, s19  }
0x1e: {  	p0 =	sne.s32 s19, $0xA0  }
.Ltmp4:
0x1f: {  	_ = 	snop;
	(pc) =	sbr.rel @!p0 .LBB2_18-.Ltmp4, $1  }
0x20: {  	_ =	sdelay $0x3  }
.LBB2_4:
0x21: {  	s0 =	sadd.s32 s7, s19  }
0x22: {  	s1 =	sshll.u32 s0, $0xB  }
0x23: {  	s1 =	sadd.s32 s4, s1  }
0x24: {  	[tilespmem:s2], [sflag:$0x3] =	stream.linear.gather [hbm4b:s1+s2], $0x3F80, $0x38;
	[tilespmem:$0xF880] =	vst v63  }
0x25: {  	s30 =	smul.u32 $0xFE, s0;
	_ =	swait.ge [sflag:s10], $0x3F80  }
0x26: {  	[sflag:s10] =	ssyncset.done $0x0  }
0x27: {  	s1 =	sadd.s32 s5, s30;
	[sflag:s10] =	ssyncadd.s32 $0xFFFFC080  }
0x28: {  	[tilespmem:s11], [sflag:$0x3] =	stream.linear.gather [hbm4b:s1+s2], $0x7F0, $0x38;
	[tilespmem:$0xF880] =	vst v63  }
0x29: {  	_ =	swait.ge [sflag:s10], $0x7F0  }
0x2a: {  	s0 =	sshll.u32 s0, $0x1;
	[sflag:s10] =	ssyncset.done $0x0  }
0x2b: {  	s0 =	sadd.s32 s6, s0;
	[sflag:s10] =	ssyncadd.s32 $0xFFFFF810  }
0x2c: {  	[tilespmem:s12], [sflag:$0x3] =	stream.linear.gather [hbm4b:s0+s2], $0x10, $0x38;
	[tilespmem:$0xF880] =	vst v63  }
0x2d: {  	_ =	swait.ge [sflag:s10], $0x10  }
0x2e: {  	[sflag:s10] =	ssyncset.done $0x0  }
0x2f: {  	[sflag:s10] =	ssyncadd.s32 $0xFFFFFFF0  }
0x30: {  	v1 =	vld [tilespmem:$0x4800];
	_ =	sdelay $0x4  }
0x31: {  	(v2sf) =	vpush v1, $0xF;
	_ =	sdelay $0xe  }
0x32: {  	s20 =	spop (v2sf)  }
0x33: {  	s31 =	sadd.s32 $0xF, s20  }
0x34: {  	s21 =	sshra.s32 s31, $0x4  }
0x35: {  	p0 =	slt.s32 s21, $0x1  }
.Ltmp5:
0x36: {  	_ = 	snop;
	(pc) =	sbr.rel @p0 .LBB2_17-.Ltmp5, $1  }
0x37: {  	_ =	sdelay $0x3  }
.Ltmp6:
0x38: {  	(pc) =	sbr.rel .LBB2_6-.Ltmp6, $3  }
0x39: {  	_ =	sdelay $0x1  }
0x3a: {  	s26 =	simm.s32 $0x0;
	s22 =	smov.u32 s20  }
0x3b: {  	[tilespmem:s14], [sflag:$0x1] =	stream.indirect.gather [hbm4b:s3+s13], $0x80, s26, s13, $0xb8;
	[tilespmem:$0xF880] =	vst v63  }
.LBB2_15:
0x3c: {  	[tilespmem:s1+$0x58B0] =	vst v1  }
.LBB2_16:
0x3d: {  	p0 =	sne.s32 s23, s21  }
.Ltmp7:
0x3e: {  	_ = 	snop;
	(pc) =	sbr.rel @!p0 .LBB2_17-.Ltmp7, $2  }
0x3f: {  	_ =	sdelay $0x2  }
0x40: {  	s22 =	sadd.s32 $0xFFFFFFF0, s22;
	s26 =	smov.u32 s23  }
.LBB2_6:
0x41: {  	p0 =	sgt.s32 s22, $0x1;
	s0 =	smov.u32 s22;
	s29 =	sand.u32 $0x1, s26  }
0x42: {  	s0 =	simm.s32 @!p0 $0x1;
	p0 =	seq.s32 s29, $0x1  }
.Ltmp8:
0x43: {  	_ = 	snop;
	(pc) =	sbr.rel @p0 .LBB2_12-.Ltmp8, $3  }
0x44: {  	_ =	sdelay $0x1  }
0x45: {  	s25 =	sshll.u32 s26, $0x4  }
0x46: {  	s28 =	ssub.s32 s20, s25;
	s24 =	smin.u32 s0, $0x10  }
0x47: {  	s23 =	sor.u32 $0x1, s26  }
0x48: {  	p0 =	sge.s32 s23, s21  }
0x49: {  	s0 =	sshll.u32 @!p0 s23, $0x9  }
0x4a: {  	s1 =	simm.s32 @!p0 $0x10;
	s30 =	simm.s32 @!p0 $0x5080;
	s0 =	sshra.s32 @!p0 s0, $0x2  }
0x4b: {  	[tilespmem:s30], [sflag:$0x2] =	stream.indirect.gather @!p0 [hbm4b:s3+s1], $0x80, s0, s1, $0xb8;
	[tilespmem:$0xF880] =	vst v63  }
0x4c: {  	p0 =	slt.s32 s28, $0x1  }
.Ltmp9:
0x4d: {  	_ = 	snop;
	(pc) =	sbr.rel @p0 .LBB2_11-.Ltmp9, $4  }
0x4e: {  	_ = 	snop  }
0x4f: {  	_ =	swait.ge [sflag:s16], $0x800  }
0x50: {  	[sflag:s16] =	ssyncset.done $0x0  }
0x51: {  	[sflag:s16] =	ssyncadd.s32 $0xFFFFF800  }
0x52: {  	s30 =	sadd.s32 $0x4000, s25  }
0x53: {  	v1 =	vld [tilespmem:s30+$0x0];
	_ =	sdelay $0x4  }
0x54: {  	(v2sf) =	vpush v1, $0x0;
	_ =	sdelay $0xe  }
0x55: {  	s0 =	spop (v2sf)  }
0x56: {  	s31 =	simm.s32 $0x48A0;
	s0 =	sshll.u32 s0, $0x9  }
0x57: {  	v1 =	vld [tilespmem:s31+$0xFFFFFFE0];
	s1 =	sshra.s32 s0, $0x2  }
0x58: {  	v2 =	vld [tilespmem:s1+$0x5880];
	_ =	sdelay $0x4  }
0x59: {  	v1 =	vmax.f32 v2, v1  }
0x5a: {  	[tilespmem:s1+$0x5880] =	vst v1;
	v1 =	vld [tilespmem:s1+$0x5890]  }
0x5b: {  	v2 =	vld [tilespmem:s31+$0xFFFFFFF0];
	_ =	sdelay $0x4  }
0x5c: {  	v1 =	vmax.f32 v1, v2  }
0x5d: {  	[tilespmem:s1+$0x5890] =	vst v1;
	v1 =	vld [tilespmem:s1+$0x58A0]  }
0x5e: {  	v2 =	vld [tilespmem:s31+$0x0];
	_ =	sdelay $0x4  }
0x5f: {  	v1 =	vmax.f32 v1, v2  }
0x60: {  	[tilespmem:s1+$0x58A0] =	vst v1;
	v1 =	vld [tilespmem:s1+$0x58B0]  }
0x61: {  	p0 =	sne.s32 s24, $0x1;
	v2 =	vld [tilespmem:s31+$0x10]  }
.Ltmp10:
0x62: {  	_ = 	snop;
	(pc) =	sbr.rel @!p0 .LBB2_10-.Ltmp10, $2  }
0x63: {  	_ =	sdelay $0x2  }
0x64: {  	s0 =	sadd.s32 $0xFFFFFFFF, s24;
	v1 =	vmax.f32 v1, v2  }
.LBB2_9:
0x65: {  	p0 =	sne.s32 s0, $0x1;
	[tilespmem:s1+$0x58B0] =	vst v1;
	s30 =	sadd.s32 $0x1, s30;
	s31 =	sadd.s32 $0x80, s31  }
0x66: {  	s0 =	sadd.s32 $0xFFFFFFFF, s0;
	v1 =	vld [tilespmem:s30+$0x0];
	_ =	sdelay $0x4  }
0x67: {  	(v2sf) =	vpush v1, $0x0;
	_ =	sdelay $0xe  }
0x68: {  	s1 =	spop (v2sf)  }
0x69: {  	s1 =	sshll.u32 s1, $0x9  }
0x6a: {  	s1 =	sshra.s32 s1, $0x2;
	v1 =	vld [tilespmem:s31+$0xFFFFFFE0]  }
0x6b: {  	v2 =	vld [tilespmem:s1+$0x5880];
	_ =	sdelay $0x4  }
0x6c: {  	v1 =	vmax.f32 v2, v1  }
0x6d: {  	[tilespmem:s1+$0x5880] =	vst v1;
	v1 =	vld [tilespmem:s1+$0x5890]  }
0x6e: {  	v2 =	vld [tilespmem:s31+$0xFFFFFFF0];
	_ =	sdelay $0x4  }
0x6f: {  	v1 =	vmax.f32 v1, v2  }
0x70: {  	[tilespmem:s1+$0x5890] =	vst v1;
	v1 =	vld [tilespmem:s1+$0x58A0]  }
0x71: {  	v2 =	vld [tilespmem:s31+$0x0];
	_ =	sdelay $0x4  }
0x72: {  	v1 =	vmax.f32 v1, v2  }
0x73: {  	[tilespmem:s1+$0x58A0] =	vst v1;
	v1 =	vld [tilespmem:s1+$0x58B0]  }
0x74: {  	v2 =	vld [tilespmem:s31+$0x10]  }
.Ltmp11:
0x75: {  	(pc) =	sbr.rel @p0 .LBB2_9-.Ltmp11, $2  }
0x76: {  	_ =	sdelay $0x2  }
0x77: {  	v1 =	vmax.f32 v1, v2  }
.LBB2_10:
0x78: {  	[tilespmem:s1+$0x58B0] =	vst v1  }
.LBB2_11:
0x79: {  	p0 =	seq.s32 s29, $0x0  }
.Ltmp12:
0x7a: {  	_ = 	snop;
	(pc) =	sbr.rel @p0 .LBB2_16-.Ltmp12, $1  }
0x7b: {  	_ =	sdelay $0x3  }
.LBB2_12:
0x7c: {  	s23 =	sadd.s32 $0x1, s26  }
0x7d: {  	p0 =	sge.s32 s23, s21  }
0x7e: {  	s0 =	sshll.u32 @!p0 s23, $0x9  }
0x7f: {  	s1 =	simm.s32 @!p0 $0x10;
	s26 =	simm.s32 @!p0 $0x4880;
	s0 =	sshra.s32 @!p0 s0, $0x2  }
0x80: {  	[tilespmem:s26], [sflag:$0x1] =	stream.indirect.gather @!p0 [hbm4b:s3+s1], $0x80, s0, s1, $0xb8;
	[tilespmem:$0xF880] =	vst v63  }
0x81: {  	p0 =	slt.s32 s28, $0x1  }
.Ltmp13:
0x82: {  	_ = 	snop;
	(pc) =	sbr.rel @p0 .LBB2_16-.Ltmp13, $4  }
0x83: {  	_ = 	snop  }
0x84: {  	_ =	swait.ge [sflag:s15], $0x800  }
0x85: {  	[sflag:s15] =	ssyncset.done $0x0  }
0x86: {  	[sflag:s15] =	ssyncadd.s32 $0xFFFFF800  }
0x87: {  	s25 =	sadd.s32 $0x4000, s25  }
0x88: {  	v1 =	vld [tilespmem:s25+$0x0];
	_ =	sdelay $0x4  }
0x89: {  	(v2sf) =	vpush v1, $0x0;
	_ =	sdelay $0xe  }
0x8a: {  	s0 =	spop (v2sf)  }
0x8b: {  	s26 =	simm.s32 $0x50A0;
	s0 =	sshll.u32 s0, $0x9  }
0x8c: {  	v1 =	vld [tilespmem:s26+$0xFFFFFFE0];
	s1 =	sshra.s32 s0, $0x2  }
0x8d: {  	v2 =	vld [tilespmem:s1+$0x5880];
	_ =	sdelay $0x4  }
0x8e: {  	v1 =	vmax.f32 v2, v1  }
0x8f: {  	[tilespmem:s1+$0x5880] =	vst v1;
	v1 =	vld [tilespmem:s1+$0x5890]  }
0x90: {  	v2 =	vld [tilespmem:s26+$0xFFFFFFF0];
	_ =	sdelay $0x4  }
0x91: {  	v1 =	vmax.f32 v1, v2  }
0x92: {  	[tilespmem:s1+$0x5890] =	vst v1;
	v1 =	vld [tilespmem:s1+$0x58A0]  }
0x93: {  	v2 =	vld [tilespmem:s26+$0x0];
	_ =	sdelay $0x4  }
0x94: {  	v1 =	vmax.f32 v1, v2  }
0x95: {  	[tilespmem:s1+$0x58A0] =	vst v1;
	v1 =	vld [tilespmem:s1+$0x58B0]  }
0x96: {  	p0 =	sne.s32 s24, $0x1;
	v2 =	vld [tilespmem:s26+$0x10]  }
.Ltmp14:
0x97: {  	_ = 	snop;
	(pc) =	sbr.rel @!p0 .LBB2_15-.Ltmp14, $2  }
0x98: {  	_ =	sdelay $0x2  }
0x99: {  	s0 =	sadd.s32 $0xFFFFFFFF, s24;
	v1 =	vmax.f32 v1, v2  }
.LBB2_14:
0x9a: {  	p0 =	sne.s32 s0, $0x1;
	[tilespmem:s1+$0x58B0] =	vst v1;
	s25 =	sadd.s32 $0x1, s25;
	s26 =	sadd.s32 $0x80, s26  }
0x9b: {  	s0 =	sadd.s32 $0xFFFFFFFF, s0;
	v1 =	vld [tilespmem:s25+$0x0];
	_ =	sdelay $0x4  }
0x9c: {  	(v2sf) =	vpush v1, $0x0;
	_ =	sdelay $0xe  }
0x9d: {  	s1 =	spop (v2sf)  }
0x9e: {  	s1 =	sshll.u32 s1, $0x9  }
0x9f: {  	s1 =	sshra.s32 s1, $0x2;
	v1 =	vld [tilespmem:s26+$0xFFFFFFE0]  }
0xa0: {  	v2 =	vld [tilespmem:s1+$0x5880];
	_ =	sdelay $0x4  }
0xa1: {  	v1 =	vmax.f32 v2, v1  }
0xa2: {  	[tilespmem:s1+$0x5880] =	vst v1;
	v1 =	vld [tilespmem:s1+$0x5890]  }
0xa3: {  	v2 =	vld [tilespmem:s26+$0xFFFFFFF0];
	_ =	sdelay $0x4  }
0xa4: {  	v1 =	vmax.f32 v1, v2  }
0xa5: {  	[tilespmem:s1+$0x5890] =	vst v1;
	v1 =	vld [tilespmem:s1+$0x58A0]  }
0xa6: {  	v2 =	vld [tilespmem:s26+$0x0];
	_ =	sdelay $0x4  }
0xa7: {  	v1 =	vmax.f32 v1, v2  }
0xa8: {  	[tilespmem:s1+$0x58A0] =	vst v1;
	v1 =	vld [tilespmem:s1+$0x58B0]  }
0xa9: {  	v2 =	vld [tilespmem:s26+$0x10]  }
.Ltmp15:
0xaa: {  	(pc) =	sbr.rel @p0 .LBB2_14-.Ltmp15, $2  }
0xab: {  	_ =	sdelay $0x2  }
0xac: {  	v1 =	vmax.f32 v1, v2  }
.Ltmp16:
0xad: {  	_ = 	snop;
	(pc) =	sbr.rel .LBB2_15-.Ltmp16, $1  }
0xae: {  	_ =	sdelay $0x3  }
.LBB2_19:
0xaf: {  	_ =	sfence.sel $0x180000  }
0xb0: {  	[bflag:$0x0] =	sbarrier.arrive $0xFFFF  }
0xb1: {  	_ =	strace $0x90000050  }
0xb2: {  	s0 =	stileid.u32;
	[bflag:$0x2] =	sbarrier.arrive $0xFFFF  }
0xb3: {  	p0 =	sne.s32 s0, $0x0;
	s0 =	rddreg [dreg:$0x1]  }
0xb4: {  	s0 =	sadd.s32 @!p0 $0x100000, s0  }
0xb5: {  	[sflag:s0] =	ssyncadd.tile.s32 @!p0 $0x1;
	_ =	shalt  }
.Lfunc_end2:
_tile_overlayer_lowered:
.L_overlay_start_2:
0xb6: {  	(tag) =	ssettag $0x2  }
0xb7: {  	s0 =	rddreg [dreg:$0x0];
	s2 =	stileid.u32  }
0xb8: {  	s1 =	rddreg [dreg:$0x1];
	p0 =	sne.s32 s2, $0x0  }
0xb9: {  	s3 =	rddreg [dreg:$0x2];
	[bflag:$0x3] =	sbarrier.arrive $0xFFFF;
	s2 =	simm.s32 @!p0 $0x1C03  }
0xba: {  	[timem:s3], [sflag:s2] =	dma.local @!p0 [hbm:s0], s1  }
0xbb: {  	s0 =	simm.s32 @!p0 $0x3  }
0xbc: {  	_ =	swait.ge @!p0 [sflag:s0], s1  }
0xbd: {  	s1 =	ssub.s32 @!p0 $0x0, s1;
	[sflag:s0] =	ssyncset.done @!p0 $0x0  }
0xbe: {  	[sflag:s0] =	ssyncadd.s32 @!p0 s1  }
0xbf: {  	[bflag:$0x3] =	sbarrier.arrive $0xFFFF  }
0xc0: {  	_ =	shalt  }

</sc_bundles>
